<compile_context>
chip_gen: v7x
topology: tpu7x:2x2x1
jax: 0.10.2.dev20260603
libtpu: 0.0.44.dev20260713+nightly
codegen_flags: <defaults>
</compile_context>

<pallas_src>
import functools

import jax
import jax.numpy as jnp
from jax import lax
from jax.experimental import pallas as pl
from jax.experimental.pallas import tpu as pltpu
from jax.experimental.pallas import tpu_sc as plsc

N = 10000
E = 160000
F = 256
H = 512

NSUB = 16
NCHUNK = 125
CW = 80
CWC = 128
NCHC = 80
EP = NSUB * NCHC * CWC
TRASH = 10200
NPAD = 10240
RPT = NPAD // NSUB
BN = 400
GRID = N // BN
BND = 2000
GRIDD = N // BND

_mesh = plsc.VectorSubcoreMesh(core_axis_name="c", subcore_axis_name="s")


def _zero_vec(ref, nwords):
    def body(k, carry):
        ref[pl.ds(k * 16, 16)] = jnp.zeros((16,), jnp.float32)
        return carry
    lax.fori_loop(0, nwords // 16, body, 0)


@functools.partial(
    pl.kernel,
    out_type=jax.ShapeDtypeStruct((2, NPAD), jnp.float32),
    mesh=_mesh,
    scratch_types=[
        pltpu.VMEM((NCHUNK, CW), jnp.int32),
        pltpu.VMEM((CW,), jnp.float32),
        pltpu.VMEM((RPT,), jnp.float32),
        pltpu.VMEM_SHARED((NPAD,), jnp.float32),
        pltpu.SemaphoreType.DMA,
    ],
)
def _degrees(src3, dst3, deg2, idx_v, ones_v, buf, acc, sem):
    c = lax.axis_index("c")
    s = lax.axis_index("s")

    @pl.when(c == 0)
    def _():
        pltpu.sync_copy(src3.at[s], idx_v)

    @pl.when(c == 1)
    def _():
        pltpu.sync_copy(dst3.at[s], idx_v)
    for l in range(CW // 16):
        ones_v[pl.ds(l * 16, 16)] = jnp.ones((16,), jnp.float32)
    _zero_vec(buf, RPT)
    pltpu.sync_copy(buf, acc.at[pl.ds(s * RPT, RPT)])
    plsc.subcore_barrier()

    def body(j, carry):
        for b in range(5):
            pltpu.async_copy(ones_v, acc.at[idx_v.at[5 * j + b]], sem,
                             add=True)
        for b in range(5):
            pltpu.make_async_copy(ones_v, acc.at[idx_v.at[0]], sem).wait()
        return carry
    lax.fori_loop(0, NCHUNK // 5, body, 0)
    plsc.subcore_barrier()
    pltpu.sync_copy(acc.at[pl.ds(s * RPT, RPT)], buf)
    pltpu.sync_copy(buf, deg2.at[c, pl.ds(s * RPT, RPT)])


QW = 64
NQ = F // QW


def _normalize_body(feat, dego, degi, y, nsrc, ndst):
    ns = lax.rsqrt(jnp.maximum(dego[...], 1.0))
    nd = lax.rsqrt(jnp.maximum(degi[...], 1.0))
    y[...] = feat[...] * ns
    nsrc[...] = ns
    ndst[...] = nd


def _normalize(features, deg_out, deg_in):
    return pl.pallas_call(
        _normalize_body,
        grid=(GRID,),
        in_specs=[
            pl.BlockSpec((BN, F), lambda i: (i, 0)),
            pl.BlockSpec((BN, 1), lambda i: (i, 0)),
            pl.BlockSpec((BN, 1), lambda i: (i, 0)),
        ],
        out_specs=[
            pl.BlockSpec((BN, F), lambda i: (i, 0)),
            pl.BlockSpec((BN, 1), lambda i: (i, 0)),
            pl.BlockSpec((BN, 1), lambda i: (i, 0)),
        ],
        out_shape=[
            jax.ShapeDtypeStruct((N, F), jnp.float32),
            jax.ShapeDtypeStruct((N, 1), jnp.float32),
            jax.ShapeDtypeStruct((N, 1), jnp.float32),
        ],
    )(features, deg_out, deg_in)


KSUP = 5

NSUP = NCHUNK // KSUP

@functools.partial(
    pl.kernel,
    out_type=jax.ShapeDtypeStruct((NPAD, F), jnp.float32),
    mesh=_mesh,
    scratch_types=[
        pltpu.VMEM((NCHUNK, CW), jnp.int32),
        pltpu.VMEM((NCHUNK, CW), jnp.int32),
        pltpu.VMEM((2, KSUP, CW, QW), jnp.float32),
        pltpu.VMEM((128, QW), jnp.float32),
        pltpu.VMEM_SHARED((NPAD, QW), jnp.float32),
        pltpu.SemaphoreType.DMA,
        pltpu.SemaphoreType.DMA,
    ],
    compiler_params=pltpu.CompilerParams(use_tc_tiling_on_sc=False),
)
def _aggregate(yc, s3, d3, agg, src_v, dst_v, st, zb, acc, gsem, ssem):
    c = lax.axis_index("c")
    s = lax.axis_index("s")
    pltpu.sync_copy(d3.at[s], dst_v)
    pltpu.sync_copy(s3.at[s], src_v)

    def zrow(r, carry):
        for l in range(QW // 16):
            zb[r, pl.ds(l * 16, 16)] = jnp.zeros((16,), jnp.float32)
        return carry
    lax.fori_loop(0, 128, zrow, 0)

    def fire(t, buf, tab):
        base = t * KSUP
        for b in range(KSUP):
            pltpu.async_copy(
                tab.at[src_v.at[base + b]], st.at[buf, b], gsem)

    def drain(buf):
        for b in range(KSUP):
            pltpu.make_async_copy(
                yc.at[0, pl.ds(0, CW)], st.at[buf, b], gsem).wait()

    def fire_sc(t, buf):
        base = t * KSUP
        for b in range(KSUP):
            pltpu.async_copy(
                st.at[buf, b], acc.at[dst_v.at[base + b]], ssem, add=True)

    def drain_sc(buf):
        for b in range(KSUP):
            pltpu.make_async_copy(
                yc.at[0, pl.ds(0, CW)], st.at[buf, b], ssem).wait()

    def zcp(t, carry):
        pltpu.sync_copy(zb, acc.at[pl.ds(s * RPT + t * 128, 128)])
        return carry

    lax.fori_loop(0, RPT // 128, zcp, 0)
    fire(0, 0, yc.at[2 * c])
    plsc.subcore_barrier()

    for p in range(2):
        q = 2 * c + p
        tab = yc.at[q]

        def super_step(t, carry):
            pp = lax.rem(t, 2)
            drain(pp)

            @pl.when(t >= 1)
            def _():
                drain_sc(1 - pp)

            @pl.when(t + 1 < NSUP)
            def _():
                fire(t + 1, 1 - pp, tab)
            fire_sc(t, pp)
            return carry
        lax.fori_loop(0, NSUP, super_step, 0)
        drain_sc(lax.rem(NSUP - 1, 2))
        if p == 0:
            fire(0, 0, yc.at[2 * c + 1])
        plsc.subcore_barrier()

        def out_cp(t, carry):
            pltpu.sync_copy(
                acc.at[pl.ds(s * RPT + t * 128, 128)],
                agg.at[pl.ds(s * RPT + t * 128, 128), pl.ds(q * QW, QW)])
            return carry
        lax.fori_loop(0, RPT // 128, out_cp, 0)
        if p == 0:
            lax.fori_loop(0, RPT // 128, zcp, 0)
            plsc.subcore_barrier()


def _dense_body(a, nd, ns, w1, b1, w2, g):
    h = lax.dot_general(
        a[...], w1[...], (((1,), (0,)), ((), ())),
        precision=lax.Precision.DEFAULT, preferred_element_type=jnp.float32)
    h = h * nd[...] + b1[...]
    h = jnp.maximum(h, 0.0) * ns[...]
    g[...] = jnp.sum(h * w2[...].reshape(1, H), axis=1, keepdims=True)


def _dense(agg, ndst, nsrc, W1, b1, W2):
    return pl.pallas_call(
        _dense_body,
        grid=(GRIDD,),
        in_specs=[
            pl.BlockSpec((BND, F), lambda i: (i, 0)),
            pl.BlockSpec((BND, 1), lambda i: (i, 0)),
            pl.BlockSpec((BND, 1), lambda i: (i, 0)),
            pl.BlockSpec((F, H), lambda i: (0, 0)),
            pl.BlockSpec((1, H), lambda i: (0, 0)),
            pl.BlockSpec((H, 1), lambda i: (0, 0)),
        ],
        out_specs=pl.BlockSpec((BND, 1), lambda i: (i, 0)),
        out_shape=jax.ShapeDtypeStruct((N, 1), jnp.float32),
    )(agg, ndst, nsrc, W1, b1, W2)


@functools.partial(
    pl.kernel,
    out_type=jax.ShapeDtypeStruct((2, NPAD), jnp.float32),
    mesh=_mesh,
    scratch_types=[
        pltpu.VMEM((NCHUNK, CW), jnp.int32),
        pltpu.VMEM((NCHUNK, CW), jnp.int32),
        pltpu.VMEM((NPAD,), jnp.float32),
        pltpu.VMEM((NPAD,), jnp.float32),
        pltpu.VMEM((NPAD // 32,), jnp.float32),
        pltpu.VMEM((NPAD // 32,), jnp.float32),
        pltpu.VMEM((NPAD // 32,), jnp.float32),
        pltpu.VMEM((16,), jnp.float32),
        pltpu.VMEM_SHARED((NSUB, NPAD // 2), jnp.float32),
    ],
    compiler_params=pltpu.CompilerParams(
        use_tc_tiling_on_sc=False, needs_layout_passes=False),
)
def _layer2(g1, s3, d3, ndp, b2h, o2, src_v, dst_v, gtab, accl,
            lbuf, nbuf, obuf, b2v, slots):
    c = lax.axis_index("c")
    s = lax.axis_index("s")
    pltpu.sync_copy(s3.at[s], src_v)
    pltpu.sync_copy(d3.at[s], dst_v)
    pltpu.sync_copy(g1, gtab.at[pl.ds(0, N)])
    pltpu.sync_copy(b2h, b2v)
    _zero_vec(accl, NPAD)

    def edge(j, carry):
        for k in range(CW // 16):
            sl = pl.ds(k * 16, 16)
            si = src_v[j, sl]
            di = dst_v[j, sl]
            vals = plsc.load_gather(gtab, [si])
            plsc.addupdate_scatter(accl, [di], vals)
        return carry
    lax.fori_loop(0, NCHUNK, edge, 0)

    HN = NPAD // 2
    HRPT = NPAD // 32
    b2r = b2v[...]
    for r in range(2):
        pltpu.sync_copy(accl.at[pl.ds(r * HN, HN)], slots.at[s])
        plsc.subcore_barrier()
        off = s * HRPT
        glob = r * HN + off
        pltpu.sync_copy(slots.at[0, pl.ds(off, HRPT)], lbuf)
        for t in range(1, NSUB):
            pltpu.sync_copy(slots.at[t, pl.ds(off, HRPT)], nbuf)

            def accrow(k, carry):
                sl = pl.ds(k * 16, 16)
                lbuf[sl] = lbuf[sl] + nbuf[sl]
                return carry
            lax.fori_loop(0, HRPT // 16, accrow, 0)
        pltpu.sync_copy(ndp.at[pl.ds(glob, HRPT)], nbuf)

        def scale(k, carry):
            sl = pl.ds(k * 16, 16)
            obuf[sl] = lbuf[sl] * nbuf[sl] + b2r
            return carry
        lax.fori_loop(0, HRPT // 16, scale, 0)
        pltpu.sync_copy(obuf, o2.at[c, pl.ds(glob, HRPT)])
        plsc.subcore_barrier()


def kernel(features, edge_index, W1, b1, W2, b2):
    src = edge_index[0].astype(jnp.int32)
    dst = edge_index[1].astype(jnp.int32)
    src3 = src.reshape(NSUB, NCHUNK, CW)
    dst3 = dst.reshape(NSUB, NCHUNK, CW)

    deg2 = _degrees(src3, dst3)
    deg_out = deg2[0, :N, None]
    deg_in = deg2[1, :N, None]

    y, nsrc, ndst = _normalize(features, deg_out, deg_in)
    ycat = y.reshape(N, NQ, QW).transpose(1, 0, 2)

    agg = _aggregate(ycat, src3, dst3)
    g = _dense(agg, ndst, nsrc, W1, b1.reshape(1, H), W2)

    ndp = jnp.concatenate([ndst[:, 0], jnp.zeros((NPAD - N,), jnp.float32)])
    b2h = jnp.broadcast_to(b2, (16,))
    o2 = _layer2(g[:, 0], src3, dst3, ndp, b2h)
    return o2[0, :N].reshape(N, 1)

# --- scband reference (transcript-rebuilt; emitter-appended) ---
"""Pipeline reference for scband-gnnconv-67851893342766 (READ-ONLY COPY).

The authoritative reference and input builder live on the scoring server;
editing this copy changes nothing except your own understanding.
"""

import jax, jax.numpy as jnp
import numpy as np

N = 10000
E = 160000
IN_FEAT = 256
HIDDEN = 512


def setup_inputs(seed: int = 0) -> dict:
    key = jax.random.key(seed)
    k1, k2, k3, k4 = jax.random.split(key, 4)
    features = jax.random.normal(k1, (N, IN_FEAT), dtype=jnp.float32)
    edge_index = jax.random.randint(k2, (2, E), 0, N).astype(jnp.int64)
    # GraphConv layer 1: weight (in_feats, out_feats), bias (out_feats,)
    W1 = jax.random.normal(k3, (IN_FEAT, HIDDEN), dtype=jnp.float32) * 0.05
    b1 = jnp.zeros((HIDDEN,), dtype=jnp.float32)
    # GraphConv layer 2: hidden -> 1
    W2 = jax.random.normal(k4, (HIDDEN, 1), dtype=jnp.float32) * 0.05
    b2 = jnp.zeros((1,), dtype=jnp.float32)
    return {"features": features, "edge_index": edge_index, "W1": W1, "b1": b1, "W2": W2, "b2": b2}


def _graph_conv(feat, src, dst, W, b, n_nodes):
    # DGL GraphConv with norm='both':
    # h = D_in^{-1/2} A D_out^{-1/2} X W + b
    ones = jnp.ones(src.shape[0], dtype=feat.dtype)
    out_deg = jax.ops.segment_sum(ones, src, num_segments=n_nodes)
    in_deg = jax.ops.segment_sum(ones, dst, num_segments=n_nodes)
    norm_src = jax.lax.rsqrt(jnp.clip(out_deg, 1.0, None))
    norm_dst = jax.lax.rsqrt(jnp.clip(in_deg, 1.0, None))
    h = feat * norm_src[:, None]
    h = h @ W
    msg = jnp.take(h, src, axis=0)
    agg = jax.ops.segment_sum(msg, dst, num_segments=n_nodes)
    return agg * norm_dst[:, None] + b


def reference(features, edge_index, W1, b1, W2, b2):
    src = edge_index[0]
    dst = edge_index[1]
    n_nodes = features.shape[0]
    h = _graph_conv(features, src, dst, W1, b1, n_nodes)
    h = jax.nn.relu(h)
    # dropout p=0.0 -> identity
    h = _graph_conv(h, src, dst, W2, b2, n_nodes)
    return h

if __name__ == "__main__":
    import jax
    _d = setup_inputs()
    print(jax.jit(kernel)(*tuple(_d.values())))

</pallas_src>

<mosaic_0001>
#map = affine_map<(d0, d1) -> (0, 0, 0)>
#map1 = affine_map<(d0, d1) -> (0, 0)>
module attributes {stable_mosaic.version = 14 : i64} {
  func.func @_degrees(%arg0: i32, %arg1: i32, %arg2: memref<16x125x80xi32, #tpu.memory_space<hbm>>, %arg3: memref<16x125x80xi32, #tpu.memory_space<hbm>>, %arg4: memref<2x10240xf32, #tpu.memory_space<hbm>>, %arg5: memref<125x80xi32, #tpu.memory_space<vmem>>, %arg6: memref<80xf32, #tpu.memory_space<vmem>>, %arg7: memref<640xf32, #tpu.memory_space<vmem>>, %arg8: memref<10240xf32, #tpu.memory_space<vmem_shared>>, %arg9: memref<!tpu.dma_semaphore, #tpu.memory_space<semaphore_mem>>) attributes {dimension_semantics = [#tpu.dimension_semantics<core_parallel>, #tpu.dimension_semantics<subcore_parallel>], iteration_bounds = array<i64: 2, 16>, scalar_prefetch = 0 : i64, scratch_operands = 5 : i64, tpu.core_type = #tpu.core_type<sc_vector_subcore>, window_params = [{transform_indices = #map}, {transform_indices = #map}, {transform_indices = #map1}]} {
    %eq3A = arith.constant 0 : i32
    %eq3A_0 = arith.cmpi eq, %arg0, %eq3A : i32
    %convert_element_type3A = arith.extui %eq3A_0 : i1 to i32
    %cond3A = arith.constant 0 : i32
    %cond3A_1 = arith.cmpi ne, %convert_element_type3A, %cond3A : i32
    scf.if %cond3A_1 {
      "tpu.region"() ({
        %run_scoped3A = tpu.sem_alloc : memref<!tpu.dma_semaphore, #tpu.memory_space<semaphore_mem>>
        %dma_start3A = arith.constant 0 : i32
        %dma_start3A_52 = arith.constant 0 : i32
        %dma_start3A_53 = tpu.memref_slice %arg2[%arg1, %dma_start3A, %dma_start3A_52] : memref<16x125x80xi32, #tpu.memory_space<hbm>> -> memref<1x125x80xi32, #tpu.memory_space<hbm>>
        %dma_start3A_54 = tpu.memref_squeeze %dma_start3A_53 : memref<1x125x80xi32, #tpu.memory_space<hbm>> -> memref<125x80xi32, #tpu.memory_space<hbm>>
        %dma_start3A_55 = arith.constant 0 : i32
        %dma_start3A_56 = arith.constant 0 : i32
        %dma_start3A_57 = tpu.memref_slice %arg2[%arg1, %dma_start3A_55, %dma_start3A_56] : memref<16x125x80xi32, #tpu.memory_space<hbm>> -> memref<1x125x80xi32, #tpu.memory_space<hbm>>
        %dma_start3A_58 = tpu.memref_squeeze %dma_start3A_57 : memref<1x125x80xi32, #tpu.memory_space<hbm>> -> memref<125x80xi32, #tpu.memory_space<hbm>>
        tpu.enqueue_dma source(%dma_start3A_58 : memref<125x80xi32, #tpu.memory_space<hbm>>) target(%arg5 : memref<125x80xi32, #tpu.memory_space<vmem>>) target_semaphore(%run_scoped3A : memref<!tpu.dma_semaphore, #tpu.memory_space<semaphore_mem>>)
        %dma_wait3A = arith.constant 0 : i32
        %dma_wait3A_59 = arith.constant 0 : i32
        %dma_wait3A_60 = tpu.memref_slice %arg2[%arg1, %dma_wait3A, %dma_wait3A_59] : memref<16x125x80xi32, #tpu.memory_space<hbm>> -> memref<1x125x80xi32, #tpu.memory_space<hbm>>
        %dma_wait3A_61 = tpu.memref_squeeze %dma_wait3A_60 : memref<1x125x80xi32, #tpu.memory_space<hbm>> -> memref<125x80xi32, #tpu.memory_space<hbm>>
        %dma_wait3A_62 = arith.constant 0 : i32
        %dma_wait3A_63 = arith.constant 0 : i32
        %dma_wait3A_64 = tpu.memref_slice %arg2[%arg1, %dma_wait3A_62, %dma_wait3A_63] : memref<16x125x80xi32, #tpu.memory_space<hbm>> -> memref<1x125x80xi32, #tpu.memory_space<hbm>>
        %dma_wait3A_65 = tpu.memref_squeeze %dma_wait3A_64 : memref<1x125x80xi32, #tpu.memory_space<hbm>> -> memref<125x80xi32, #tpu.memory_space<hbm>>
        tpu.wait_dma2 semaphore(%run_scoped3A : memref<!tpu.dma_semaphore, #tpu.memory_space<semaphore_mem>>) src(%dma_wait3A_65 : memref<125x80xi32, #tpu.memory_space<hbm>>) dst(%arg5 : memref<125x80xi32, #tpu.memory_space<vmem>>)
        tpu.yield
      }) : () -> ()
    } else {
    }
    %eq3A_2 = arith.constant 1 : i32
    %eq3A_3 = arith.cmpi eq, %arg0, %eq3A_2 : i32
    %convert_element_type3A_4 = arith.extui %eq3A_3 : i1 to i32
    %cond3A_5 = arith.constant 0 : i32
    %cond3A_6 = arith.cmpi ne, %convert_element_type3A_4, %cond3A_5 : i32
    scf.if %cond3A_6 {
      "tpu.region"() ({
        %run_scoped3A = tpu.sem_alloc : memref<!tpu.dma_semaphore, #tpu.memory_space<semaphore_mem>>
        %dma_start3A = arith.constant 0 : i32
        %dma_start3A_52 = arith.constant 0 : i32
        %dma_start3A_53 = tpu.memref_slice %arg3[%arg1, %dma_start3A, %dma_start3A_52] : memref<16x125x80xi32, #tpu.memory_space<hbm>> -> memref<1x125x80xi32, #tpu.memory_space<hbm>>
        %dma_start3A_54 = tpu.memref_squeeze %dma_start3A_53 : memref<1x125x80xi32, #tpu.memory_space<hbm>> -> memref<125x80xi32, #tpu.memory_space<hbm>>
        %dma_start3A_55 = arith.constant 0 : i32
        %dma_start3A_56 = arith.constant 0 : i32
        %dma_start3A_57 = tpu.memref_slice %arg3[%arg1, %dma_start3A_55, %dma_start3A_56] : memref<16x125x80xi32, #tpu.memory_space<hbm>> -> memref<1x125x80xi32, #tpu.memory_space<hbm>>
        %dma_start3A_58 = tpu.memref_squeeze %dma_start3A_57 : memref<1x125x80xi32, #tpu.memory_space<hbm>> -> memref<125x80xi32, #tpu.memory_space<hbm>>
        tpu.enqueue_dma source(%dma_start3A_58 : memref<125x80xi32, #tpu.memory_space<hbm>>) target(%arg5 : memref<125x80xi32, #tpu.memory_space<vmem>>) target_semaphore(%run_scoped3A : memref<!tpu.dma_semaphore, #tpu.memory_space<semaphore_mem>>)
        %dma_wait3A = arith.constant 0 : i32
        %dma_wait3A_59 = arith.constant 0 : i32
        %dma_wait3A_60 = tpu.memref_slice %arg3[%arg1, %dma_wait3A, %dma_wait3A_59] : memref<16x125x80xi32, #tpu.memory_space<hbm>> -> memref<1x125x80xi32, #tpu.memory_space<hbm>>
        %dma_wait3A_61 = tpu.memref_squeeze %dma_wait3A_60 : memref<1x125x80xi32, #tpu.memory_space<hbm>> -> memref<125x80xi32, #tpu.memory_space<hbm>>
        %dma_wait3A_62 = arith.constant 0 : i32
        %dma_wait3A_63 = arith.constant 0 : i32
        %dma_wait3A_64 = tpu.memref_slice %arg3[%arg1, %dma_wait3A_62, %dma_wait3A_63] : memref<16x125x80xi32, #tpu.memory_space<hbm>> -> memref<1x125x80xi32, #tpu.memory_space<hbm>>
        %dma_wait3A_65 = tpu.memref_squeeze %dma_wait3A_64 : memref<1x125x80xi32, #tpu.memory_space<hbm>> -> memref<125x80xi32, #tpu.memory_space<hbm>>
        tpu.wait_dma2 semaphore(%run_scoped3A : memref<!tpu.dma_semaphore, #tpu.memory_space<semaphore_mem>>) src(%dma_wait3A_65 : memref<125x80xi32, #tpu.memory_space<hbm>>) dst(%arg5 : memref<125x80xi32, #tpu.memory_space<vmem>>)
        tpu.yield
      }) : () -> ()
    } else {
    }
    %broadcast_in_dim3A = arith.constant 1.000000e+00 : f32
    %broadcast_in_dim3A_7 = vector.broadcast %broadcast_in_dim3A : f32 to vector<16xf32>
    %swap3A = arith.constant 0 : index
    %swap3A_8 = tpu.vector_load %arg6[%swap3A] {strides = array<i32>} : memref<80xf32, #tpu.memory_space<vmem>>, vector<16xf32>,
    %swap3A_9 = vector.shape_cast %swap3A_8 : vector<16xf32> to vector<16xf32>
    %swap3A_10 = vector.shape_cast %broadcast_in_dim3A_7 : vector<16xf32> to vector<16xf32>
    tpu.vector_store %arg6[%swap3A], %swap3A_10 {strides = array<i32>} : memref<80xf32, #tpu.memory_space<vmem>>, vector<16xf32>,
    %broadcast_in_dim3A_11 = arith.constant 1.000000e+00 : f32
    %broadcast_in_dim3A_12 = vector.broadcast %broadcast_in_dim3A_11 : f32 to vector<16xf32>
    %swap3A_13 = arith.constant 16 : index
    %swap3A_14 = tpu.vector_load %arg6[%swap3A_13] {strides = array<i32>} : memref<80xf32, #tpu.memory_space<vmem>>, vector<16xf32>,
    %swap3A_15 = vector.shape_cast %swap3A_14 : vector<16xf32> to vector<16xf32>
    %swap3A_16 = vector.shape_cast %broadcast_in_dim3A_12 : vector<16xf32> to vector<16xf32>
    tpu.vector_store %arg6[%swap3A_13], %swap3A_16 {strides = array<i32>} : memref<80xf32, #tpu.memory_space<vmem>>, vector<16xf32>,
    %broadcast_in_dim3A_17 = arith.constant 1.000000e+00 : f32
    %broadcast_in_dim3A_18 = vector.broadcast %broadcast_in_dim3A_17 : f32 to vector<16xf32>
    %swap3A_19 = arith.constant 32 : index
    %swap3A_20 = tpu.vector_load %arg6[%swap3A_19] {strides = array<i32>} : memref<80xf32, #tpu.memory_space<vmem>>, vector<16xf32>,
    %swap3A_21 = vector.shape_cast %swap3A_20 : vector<16xf32> to vector<16xf32>
    %swap3A_22 = vector.shape_cast %broadcast_in_dim3A_18 : vector<16xf32> to vector<16xf32>
    tpu.vector_store %arg6[%swap3A_19], %swap3A_22 {strides = array<i32>} : memref<80xf32, #tpu.memory_space<vmem>>, vector<16xf32>,
    %broadcast_in_dim3A_23 = arith.constant 1.000000e+00 : f32
    %broadcast_in_dim3A_24 = vector.broadcast %broadcast_in_dim3A_23 : f32 to vector<16xf32>
    %swap3A_25 = arith.constant 48 : index
    %swap3A_26 = tpu.vector_load %arg6[%swap3A_25] {strides = array<i32>} : memref<80xf32, #tpu.memory_space<vmem>>, vector<16xf32>,
    %swap3A_27 = vector.shape_cast %swap3A_26 : vector<16xf32> to vector<16xf32>
    %swap3A_28 = vector.shape_cast %broadcast_in_dim3A_24 : vector<16xf32> to vector<16xf32>
    tpu.vector_store %arg6[%swap3A_25], %swap3A_28 {strides = array<i32>} : memref<80xf32, #tpu.memory_space<vmem>>, vector<16xf32>,
    %broadcast_in_dim3A_29 = arith.constant 1.000000e+00 : f32
    %broadcast_in_dim3A_30 = vector.broadcast %broadcast_in_dim3A_29 : f32 to vector<16xf32>
    %swap3A_31 = arith.constant 64 : index
    %swap3A_32 = tpu.vector_load %arg6[%swap3A_31] {strides = array<i32>} : memref<80xf32, #tpu.memory_space<vmem>>, vector<16xf32>,
    %swap3A_33 = vector.shape_cast %swap3A_32 : vector<16xf32> to vector<16xf32>
    %swap3A_34 = vector.shape_cast %broadcast_in_dim3A_30 : vector<16xf32> to vector<16xf32>
    tpu.vector_store %arg6[%swap3A_31], %swap3A_34 {strides = array<i32>} : memref<80xf32, #tpu.memory_space<vmem>>, vector<16xf32>,
    %scan3A = arith.constant 0 : i32
    %scan3A_35 = arith.constant 0 : i32
    %scan3A_36 = arith.constant 40 : i32
    %scan3A_37 = arith.addi %scan3A_35, %scan3A_36 : i32
    %scan3A_38 = arith.constant 1 : i32
    scf.for %scan3A_52 = %scan3A_35 to %scan3A_37 step %scan3A_38  : i32 {
      %broadcast_in_dim3A_53 = arith.constant 0.000000e+00 : f32
      %broadcast_in_dim3A_54 = vector.broadcast %broadcast_in_dim3A_53 : f32 to vector<16xf32>
      %mul3A_55 = arith.constant 16 : i32
      %mul3A_56 = arith.muli %scan3A_52, %mul3A_55 : i32
      %swap3A_57 = arith.index_cast %mul3A_56 : i32 to index
      %swap3A_58 = tpu.vector_load %arg7[%swap3A_57] {strides = array<i32>} : memref<640xf32, #tpu.memory_space<vmem>>, vector<16xf32>,
      %swap3A_59 = vector.shape_cast %swap3A_58 : vector<16xf32> to vector<16xf32>
      %swap3A_60 = vector.shape_cast %broadcast_in_dim3A_54 : vector<16xf32> to vector<16xf32>
      tpu.vector_store %arg7[%swap3A_57], %swap3A_60 {strides = array<i32>} : memref<640xf32, #tpu.memory_space<vmem>>, vector<16xf32>,
    }
    %scan3A_39 = arith.constant 40 : i32
    %mul3A = arith.constant 640 : i32
    %mul3A_40 = arith.muli %arg1, %mul3A : i32
    "tpu.region"() ({
      %run_scoped3A = tpu.sem_alloc : memref<!tpu.dma_semaphore, #tpu.memory_space<semaphore_mem>>
      %dma_start3A = tpu.memref_slice %arg8[%mul3A_40] : memref<10240xf32, #tpu.memory_space<vmem_shared>> -> memref<640xf32, #tpu.memory_space<vmem_shared>>
      %dma_start3A_52 = tpu.memref_slice %arg8[%mul3A_40] : memref<10240xf32, #tpu.memory_space<vmem_shared>> -> memref<640xf32, #tpu.memory_space<vmem_shared>>
      tpu.enqueue_dma source(%arg7 : memref<640xf32, #tpu.memory_space<vmem>>) target(%dma_start3A_52 : memref<640xf32, #tpu.memory_space<vmem_shared>>) target_semaphore(%run_scoped3A : memref<!tpu.dma_semaphore, #tpu.memory_space<semaphore_mem>>)
      %dma_wait3A = tpu.memref_slice %arg8[%mul3A_40] : memref<10240xf32, #tpu.memory_space<vmem_shared>> -> memref<640xf32, #tpu.memory_space<vmem_shared>>
      %dma_wait3A_53 = tpu.memref_slice %arg8[%mul3A_40] : memref<10240xf32, #tpu.memory_space<vmem_shared>> -> memref<640xf32, #tpu.memory_space<vmem_shared>>
      tpu.wait_dma2 semaphore(%run_scoped3A : memref<!tpu.dma_semaphore, #tpu.memory_space<semaphore_mem>>) src(%arg7 : memref<640xf32, #tpu.memory_space<vmem>>) dst(%dma_wait3A_53 : memref<640xf32, #tpu.memory_space<vmem_shared>>)
      tpu.yield
    }) : () -> ()
    %barrier3A = arith.constant 0 : index
    tpu.barrier barrier_id(%barrier3A)
    %scan3A_41 = arith.constant 0 : i32
    %scan3A_42 = arith.constant 0 : i32
    %scan3A_43 = arith.constant 25 : i32
    %scan3A_44 = arith.addi %scan3A_42, %scan3A_43 : i32
    %scan3A_45 = arith.constant 1 : i32
    scf.for %scan3A_52 = %scan3A_42 to %scan3A_44 step %scan3A_45  : i32 {
      %mul3A_53 = arith.constant 5 : i32
      %mul3A_54 = arith.muli %mul3A_53, %scan3A_52 : i32
      %add3A = arith.constant 0 : i32
      %add3A_55 = arith.addi %mul3A_54, %add3A : i32
      %dma_start3A = arith.constant 0 : i32
      %dma_start3A_56 = tpu.memref_slice %arg5[%add3A_55, %dma_start3A] : memref<125x80xi32, #tpu.memory_space<vmem>> -> memref<1x80xi32, #tpu.memory_space<vmem>>
      %dma_start3A_57 = tpu.memref_squeeze %dma_start3A_56 : memref<1x80xi32, #tpu.memory_space<vmem>> -> memref<80xi32, #tpu.memory_space<vmem>>
      %dma_start3A_58 = arith.constant 0 : i32
      %dma_start3A_59 = tpu.memref_slice %arg8[%dma_start3A_58] : memref<10240xf32, #tpu.memory_space<vmem_shared>> -> memref<10240xf32, #tpu.memory_space<vmem_shared>>
      tpu.enqueue_indirect_dma source(%arg6 : memref<80xf32, #tpu.memory_space<vmem>>) target(%dma_start3A_59 : memref<10240xf32, #tpu.memory_space<vmem_shared>>) offsets(%dma_start3A_57 : memref<80xi32, #tpu.memory_space<vmem>>) semaphore(%arg9 : memref<!tpu.dma_semaphore, #tpu.memory_space<semaphore_mem>>) {add = true}
      %mul3A_60 = arith.constant 5 : i32
      %mul3A_61 = arith.muli %mul3A_60, %scan3A_52 : i32
      %add3A_62 = arith.constant 1 : i32
      %add3A_63 = arith.addi %mul3A_61, %add3A_62 : i32
      %dma_start3A_64 = arith.constant 0 : i32
      %dma_start3A_65 = tpu.memref_slice %arg5[%add3A_63, %dma_start3A_64] : memref<125x80xi32, #tpu.memory_space<vmem>> -> memref<1x80xi32, #tpu.memory_space<vmem>>
      %dma_start3A_66 = tpu.memref_squeeze %dma_start3A_65 : memref<1x80xi32, #tpu.memory_space<vmem>> -> memref<80xi32, #tpu.memory_space<vmem>>
      %dma_start3A_67 = arith.constant 0 : i32
      %dma_start3A_68 = tpu.memref_slice %arg8[%dma_start3A_67] : memref<10240xf32, #tpu.memory_space<vmem_shared>> -> memref<10240xf32, #tpu.memory_space<vmem_shared>>
      tpu.enqueue_indirect_dma source(%arg6 : memref<80xf32, #tpu.memory_space<vmem>>) target(%dma_start3A_68 : memref<10240xf32, #tpu.memory_space<vmem_shared>>) offsets(%dma_start3A_66 : memref<80xi32, #tpu.memory_space<vmem>>) semaphore(%arg9 : memref<!tpu.dma_semaphore, #tpu.memory_space<semaphore_mem>>) {add = true}
      %mul3A_69 = arith.constant 5 : i32
      %mul3A_70 = arith.muli %mul3A_69, %scan3A_52 : i32
      %add3A_71 = arith.constant 2 : i32
      %add3A_72 = arith.addi %mul3A_70, %add3A_71 : i32
      %dma_start3A_73 = arith.constant 0 : i32
      %dma_start3A_74 = tpu.memref_slice %arg5[%add3A_72, %dma_start3A_73] : memref<125x80xi32, #tpu.memory_space<vmem>> -> memref<1x80xi32, #tpu.memory_space<vmem>>
      %dma_start3A_75 = tpu.memref_squeeze %dma_start3A_74 : memref<1x80xi32, #tpu.memory_space<vmem>> -> memref<80xi32, #tpu.memory_space<vmem>>
      %dma_start3A_76 = arith.constant 0 : i32
      %dma_start3A_77 = tpu.memref_slice %arg8[%dma_start3A_76] : memref<10240xf32, #tpu.memory_space<vmem_shared>> -> memref<10240xf32, #tpu.memory_space<vmem_shared>>
      tpu.enqueue_indirect_dma source(%arg6 : memref<80xf32, #tpu.memory_space<vmem>>) target(%dma_start3A_77 : memref<10240xf32, #tpu.memory_space<vmem_shared>>) offsets(%dma_start3A_75 : memref<80xi32, #tpu.memory_space<vmem>>) semaphore(%arg9 : memref<!tpu.dma_semaphore, #tpu.memory_space<semaphore_mem>>) {add = true}
      %mul3A_78 = arith.constant 5 : i32
      %mul3A_79 = arith.muli %mul3A_78, %scan3A_52 : i32
      %add3A_80 = arith.constant 3 : i32
      %add3A_81 = arith.addi %mul3A_79, %add3A_80 : i32
      %dma_start3A_82 = arith.constant 0 : i32
      %dma_start3A_83 = tpu.memref_slice %arg5[%add3A_81, %dma_start3A_82] : memref<125x80xi32, #tpu.memory_space<vmem>> -> memref<1x80xi32, #tpu.memory_space<vmem>>
      %dma_start3A_84 = tpu.memref_squeeze %dma_start3A_83 : memref<1x80xi32, #tpu.memory_space<vmem>> -> memref<80xi32, #tpu.memory_space<vmem>>
      %dma_start3A_85 = arith.constant 0 : i32
      %dma_start3A_86 = tpu.memref_slice %arg8[%dma_start3A_85] : memref<10240xf32, #tpu.memory_space<vmem_shared>> -> memref<10240xf32, #tpu.memory_space<vmem_shared>>
      tpu.enqueue_indirect_dma source(%arg6 : memref<80xf32, #tpu.memory_space<vmem>>) target(%dma_start3A_86 : memref<10240xf32, #tpu.memory_space<vmem_shared>>) offsets(%dma_start3A_84 : memref<80xi32, #tpu.memory_space<vmem>>) semaphore(%arg9 : memref<!tpu.dma_semaphore, #tpu.memory_space<semaphore_mem>>) {add = true}
      %mul3A_87 = arith.constant 5 : i32
      %mul3A_88 = arith.muli %mul3A_87, %scan3A_52 : i32
      %add3A_89 = arith.constant 4 : i32
      %add3A_90 = arith.addi %mul3A_88, %add3A_89 : i32
      %dma_start3A_91 = arith.constant 0 : i32
      %dma_start3A_92 = tpu.memref_slice %arg5[%add3A_90, %dma_start3A_91] : memref<125x80xi32, #tpu.memory_space<vmem>> -> memref<1x80xi32, #tpu.memory_space<vmem>>
      %dma_start3A_93 = tpu.memref_squeeze %dma_start3A_92 : memref<1x80xi32, #tpu.memory_space<vmem>> -> memref<80xi32, #tpu.memory_space<vmem>>
      %dma_start3A_94 = arith.constant 0 : i32
      %dma_start3A_95 = tpu.memref_slice %arg8[%dma_start3A_94] : memref<10240xf32, #tpu.memory_space<vmem_shared>> -> memref<10240xf32, #tpu.memory_space<vmem_shared>>
      tpu.enqueue_indirect_dma source(%arg6 : memref<80xf32, #tpu.memory_space<vmem>>) target(%dma_start3A_95 : memref<10240xf32, #tpu.memory_space<vmem_shared>>) offsets(%dma_start3A_93 : memref<80xi32, #tpu.memory_space<vmem>>) semaphore(%arg9 : memref<!tpu.dma_semaphore, #tpu.memory_space<semaphore_mem>>) {add = true}
      %dma_wait3A = arith.constant 0 : i32
      %dma_wait3A_96 = arith.constant 0 : i32
      %dma_wait3A_97 = tpu.memref_slice %arg5[%dma_wait3A, %dma_wait3A_96] : memref<125x80xi32, #tpu.memory_space<vmem>> -> memref<1x80xi32, #tpu.memory_space<vmem>>
      %dma_wait3A_98 = tpu.memref_squeeze %dma_wait3A_97 : memref<1x80xi32, #tpu.memory_space<vmem>> -> memref<80xi32, #tpu.memory_space<vmem>>
      %dma_wait3A_99 = arith.constant 0 : i32
      %dma_wait3A_100 = tpu.memref_slice %arg8[%dma_wait3A_99] : memref<10240xf32, #tpu.memory_space<vmem_shared>> -> memref<10240xf32, #tpu.memory_space<vmem_shared>>
      tpu.wait_indirect_dma semaphore(%arg9 : memref<!tpu.dma_semaphore, #tpu.memory_space<semaphore_mem>>) src(%arg6 : memref<80xf32, #tpu.memory_space<vmem>>) dst(%dma_wait3A_100 : memref<10240xf32, #tpu.memory_space<vmem_shared>>)
      %dma_wait3A_101 = arith.constant 0 : i32
      %dma_wait3A_102 = arith.constant 0 : i32
      %dma_wait3A_103 = tpu.memref_slice %arg5[%dma_wait3A_101, %dma_wait3A_102] : memref<125x80xi32, #tpu.memory_space<vmem>> -> memref<1x80xi32, #tpu.memory_space<vmem>>
      %dma_wait3A_104 = tpu.memref_squeeze %dma_wait3A_103 : memref<1x80xi32, #tpu.memory_space<vmem>> -> memref<80xi32, #tpu.memory_space<vmem>>
      %dma_wait3A_105 = arith.constant 0 : i32
      %dma_wait3A_106 = tpu.memref_slice %arg8[%dma_wait3A_105] : memref<10240xf32, #tpu.memory_space<vmem_shared>> -> memref<10240xf32, #tpu.memory_space<vmem_shared>>
      tpu.wait_indirect_dma semaphore(%arg9 : memref<!tpu.dma_semaphore, #tpu.memory_space<semaphore_mem>>) src(%arg6 : memref<80xf32, #tpu.memory_space<vmem>>) dst(%dma_wait3A_106 : memref<10240xf32, #tpu.memory_space<vmem_shared>>)
      %dma_wait3A_107 = arith.constant 0 : i32
      %dma_wait3A_108 = arith.constant 0 : i32
      %dma_wait3A_109 = tpu.memref_slice %arg5[%dma_wait3A_107, %dma_wait3A_108] : memref<125x80xi32, #tpu.memory_space<vmem>> -> memref<1x80xi32, #tpu.memory_space<vmem>>
      %dma_wait3A_110 = tpu.memref_squeeze %dma_wait3A_109 : memref<1x80xi32, #tpu.memory_space<vmem>> -> memref<80xi32, #tpu.memory_space<vmem>>
      %dma_wait3A_111 = arith.constant 0 : i32
      %dma_wait3A_112 = tpu.memref_slice %arg8[%dma_wait3A_111] : memref<10240xf32, #tpu.memory_space<vmem_shared>> -> memref<10240xf32, #tpu.memory_space<vmem_shared>>
      tpu.wait_indirect_dma semaphore(%arg9 : memref<!tpu.dma_semaphore, #tpu.memory_space<semaphore_mem>>) src(%arg6 : memref<80xf32, #tpu.memory_space<vmem>>) dst(%dma_wait3A_112 : memref<10240xf32, #tpu.memory_space<vmem_shared>>)
      %dma_wait3A_113 = arith.constant 0 : i32
      %dma_wait3A_114 = arith.constant 0 : i32
      %dma_wait3A_115 = tpu.memref_slice %arg5[%dma_wait3A_113, %dma_wait3A_114] : memref<125x80xi32, #tpu.memory_space<vmem>> -> memref<1x80xi32, #tpu.memory_space<vmem>>
      %dma_wait3A_116 = tpu.memref_squeeze %dma_wait3A_115 : memref<1x80xi32, #tpu.memory_space<vmem>> -> memref<80xi32, #tpu.memory_space<vmem>>
      %dma_wait3A_117 = arith.constant 0 : i32
      %dma_wait3A_118 = tpu.memref_slice %arg8[%dma_wait3A_117] : memref<10240xf32, #tpu.memory_space<vmem_shared>> -> memref<10240xf32, #tpu.memory_space<vmem_shared>>
      tpu.wait_indirect_dma semaphore(%arg9 : memref<!tpu.dma_semaphore, #tpu.memory_space<semaphore_mem>>) src(%arg6 : memref<80xf32, #tpu.memory_space<vmem>>) dst(%dma_wait3A_118 : memref<10240xf32, #tpu.memory_space<vmem_shared>>)
      %dma_wait3A_119 = arith.constant 0 : i32
      %dma_wait3A_120 = arith.constant 0 : i32
      %dma_wait3A_121 = tpu.memref_slice %arg5[%dma_wait3A_119, %dma_wait3A_120] : memref<125x80xi32, #tpu.memory_space<vmem>> -> memref<1x80xi32, #tpu.memory_space<vmem>>
      %dma_wait3A_122 = tpu.memref_squeeze %dma_wait3A_121 : memref<1x80xi32, #tpu.memory_space<vmem>> -> memref<80xi32, #tpu.memory_space<vmem>>
      %dma_wait3A_123 = arith.constant 0 : i32
      %dma_wait3A_124 = tpu.memref_slice %arg8[%dma_wait3A_123] : memref<10240xf32, #tpu.memory_space<vmem_shared>> -> memref<10240xf32, #tpu.memory_space<vmem_shared>>
      tpu.wait_indirect_dma semaphore(%arg9 : memref<!tpu.dma_semaphore, #tpu.memory_space<semaphore_mem>>) src(%arg6 : memref<80xf32, #tpu.memory_space<vmem>>) dst(%dma_wait3A_124 : memref<10240xf32, #tpu.memory_space<vmem_shared>>)
    }
    %scan3A_46 = arith.constant 25 : i32
    %barrier3A_47 = arith.constant 0 : index
    tpu.barrier barrier_id(%barrier3A_47)
    %mul3A_48 = arith.constant 640 : i32
    %mul3A_49 = arith.muli %arg1, %mul3A_48 : i32
    "tpu.region"() ({
      %run_scoped3A = tpu.sem_alloc : memref<!tpu.dma_semaphore, #tpu.memory_space<semaphore_mem>>
      %dma_start3A = tpu.memref_slice %arg8[%mul3A_49] : memref<10240xf32, #tpu.memory_space<vmem_shared>> -> memref<640xf32, #tpu.memory_space<vmem_shared>>
      %dma_start3A_52 = tpu.memref_slice %arg8[%mul3A_49] : memref<10240xf32, #tpu.memory_space<vmem_shared>> -> memref<640xf32, #tpu.memory_space<vmem_shared>>
      tpu.enqueue_dma source(%dma_start3A_52 : memref<640xf32, #tpu.memory_space<vmem_shared>>) target(%arg7 : memref<640xf32, #tpu.memory_space<vmem>>) target_semaphore(%run_scoped3A : memref<!tpu.dma_semaphore, #tpu.memory_space<semaphore_mem>>)
      %dma_wait3A = tpu.memref_slice %arg8[%mul3A_49] : memref<10240xf32, #tpu.memory_space<vmem_shared>> -> memref<640xf32, #tpu.memory_space<vmem_shared>>
      %dma_wait3A_53 = tpu.memref_slice %arg8[%mul3A_49] : memref<10240xf32, #tpu.memory_space<vmem_shared>> -> memref<640xf32, #tpu.memory_space<vmem_shared>>
      tpu.wait_dma2 semaphore(%run_scoped3A : memref<!tpu.dma_semaphore, #tpu.memory_space<semaphore_mem>>) src(%dma_wait3A_53 : memref<640xf32, #tpu.memory_space<vmem_shared>>) dst(%arg7 : memref<640xf32, #tpu.memory_space<vmem>>)
      tpu.yield
    }) : () -> ()
    %mul3A_50 = arith.constant 640 : i32
    %mul3A_51 = arith.muli %arg1, %mul3A_50 : i32
    "tpu.region"() ({
      %run_scoped3A = tpu.sem_alloc : memref<!tpu.dma_semaphore, #tpu.memory_space<semaphore_mem>>
      %dma_start3A = tpu.memref_slice %arg4[%arg0, %mul3A_51] : memref<2x10240xf32, #tpu.memory_space<hbm>> -> memref<1x640xf32, #tpu.memory_space<hbm>>
      %dma_start3A_52 = tpu.memref_squeeze %dma_start3A : memref<1x640xf32, #tpu.memory_space<hbm>> -> memref<640xf32, #tpu.memory_space<hbm>>
      %dma_start3A_53 = tpu.memref_slice %arg4[%arg0, %mul3A_51] : memref<2x10240xf32, #tpu.memory_space<hbm>> -> memref<1x640xf32, #tpu.memory_space<hbm>>
      %dma_start3A_54 = tpu.memref_squeeze %dma_start3A_53 : memref<1x640xf32, #tpu.memory_space<hbm>> -> memref<640xf32, #tpu.memory_space<hbm>>
      tpu.enqueue_dma source(%arg7 : memref<640xf32, #tpu.memory_space<vmem>>) target(%dma_start3A_54 : memref<640xf32, #tpu.memory_space<hbm>>) target_semaphore(%run_scoped3A : memref<!tpu.dma_semaphore, #tpu.memory_space<semaphore_mem>>)
      %dma_wait3A = tpu.memref_slice %arg4[%arg0, %mul3A_51] : memref<2x10240xf32, #tpu.memory_space<hbm>> -> memref<1x640xf32, #tpu.memory_space<hbm>>
      %dma_wait3A_55 = tpu.memref_squeeze %dma_wait3A : memref<1x640xf32, #tpu.memory_space<hbm>> -> memref<640xf32, #tpu.memory_space<hbm>>
      %dma_wait3A_56 = tpu.memref_slice %arg4[%arg0, %mul3A_51] : memref<2x10240xf32, #tpu.memory_space<hbm>> -> memref<1x640xf32, #tpu.memory_space<hbm>>
      %dma_wait3A_57 = tpu.memref_squeeze %dma_wait3A_56 : memref<1x640xf32, #tpu.memory_space<hbm>> -> memref<640xf32, #tpu.memory_space<hbm>>
      tpu.wait_dma2 semaphore(%run_scoped3A : memref<!tpu.dma_semaphore, #tpu.memory_space<semaphore_mem>>) src(%arg7 : memref<640xf32, #tpu.memory_space<vmem>>) dst(%dma_wait3A_57 : memref<640xf32, #tpu.memory_space<hbm>>)
      tpu.yield
    }) : () -> ()
    return
  }
}

#map = affine_map<(d0, d1) -> (0)>
#map1 = affine_map<(d0, d1) -> (0, 0, 0)>
#map2 = affine_map<(d0, d1) -> (0, 0)>
module attributes {stable_mosaic.version = 14 : i64} {
  func.func @_layer2(%arg0: i32, %arg1: i32, %arg2: memref<10000xf32, #tpu.memory_space<hbm>>, %arg3: memref<16x125x80xi32, #tpu.memory_space<hbm>>, %arg4: memref<16x125x80xi32, #tpu.memory_space<hbm>>, %arg5: memref<10240xf32, #tpu.memory_space<hbm>>, %arg6: memref<16xf32, #tpu.memory_space<hbm>>, %arg7: memref<2x10240xf32, #tpu.memory_space<hbm>>, %arg8: memref<125x80xi32, #tpu.memory_space<vmem>>, %arg9: memref<125x80xi32, #tpu.memory_space<vmem>>, %arg10: memref<10240xf32, #tpu.memory_space<vmem>>, %arg11: memref<10240xf32, #tpu.memory_space<vmem>>, %arg12: memref<320xf32, #tpu.memory_space<vmem>>, %arg13: memref<320xf32, #tpu.memory_space<vmem>>, %arg14: memref<320xf32, #tpu.memory_space<vmem>>, %arg15: memref<16xf32, #tpu.memory_space<vmem>>, %arg16: memref<16x5120xf32, #tpu.memory_space<vmem_shared>>) attributes {dimension_semantics = [#tpu.dimension_semantics<core_parallel>, #tpu.dimension_semantics<subcore_parallel>], iteration_bounds = array<i64: 2, 16>, scalar_prefetch = 0 : i64, scratch_operands = 9 : i64, tpu.core_type = #tpu.core_type<sc_vector_subcore>, window_params = [{transform_indices = #map}, {transform_indices = #map1}, {transform_indices = #map1}, {transform_indices = #map}, {transform_indices = #map}, {transform_indices = #map2}]} {
    "tpu.region"() ({
      %run_scoped3A_244 = tpu.sem_alloc : memref<!tpu.dma_semaphore, #tpu.memory_space<semaphore_mem>>
      %dma_start3A = arith.constant 0 : i32
      %dma_start3A_245 = arith.constant 0 : i32
      %dma_start3A_246 = tpu.memref_slice %arg3[%arg1, %dma_start3A, %dma_start3A_245] : memref<16x125x80xi32, #tpu.memory_space<hbm>> -> memref<1x125x80xi32, #tpu.memory_space<hbm>>
      %dma_start3A_247 = tpu.memref_squeeze %dma_start3A_246 : memref<1x125x80xi32, #tpu.memory_space<hbm>> -> memref<125x80xi32, #tpu.memory_space<hbm>>
      %dma_start3A_248 = arith.constant 0 : i32
      %dma_start3A_249 = arith.constant 0 : i32
      %dma_start3A_250 = tpu.memref_slice %arg3[%arg1, %dma_start3A_248, %dma_start3A_249] : memref<16x125x80xi32, #tpu.memory_space<hbm>> -> memref<1x125x80xi32, #tpu.memory_space<hbm>>
      %dma_start3A_251 = tpu.memref_squeeze %dma_start3A_250 : memref<1x125x80xi32, #tpu.memory_space<hbm>> -> memref<125x80xi32, #tpu.memory_space<hbm>>
      tpu.enqueue_dma source(%dma_start3A_251 : memref<125x80xi32, #tpu.memory_space<hbm>>) target(%arg8 : memref<125x80xi32, #tpu.memory_space<vmem>>) target_semaphore(%run_scoped3A_244 : memref<!tpu.dma_semaphore, #tpu.memory_space<semaphore_mem>>)
      %dma_wait3A = arith.constant 0 : i32
      %dma_wait3A_252 = arith.constant 0 : i32
      %dma_wait3A_253 = tpu.memref_slice %arg3[%arg1, %dma_wait3A, %dma_wait3A_252] : memref<16x125x80xi32, #tpu.memory_space<hbm>> -> memref<1x125x80xi32, #tpu.memory_space<hbm>>
      %dma_wait3A_254 = tpu.memref_squeeze %dma_wait3A_253 : memref<1x125x80xi32, #tpu.memory_space<hbm>> -> memref<125x80xi32, #tpu.memory_space<hbm>>
      %dma_wait3A_255 = arith.constant 0 : i32
      %dma_wait3A_256 = arith.constant 0 : i32
      %dma_wait3A_257 = tpu.memref_slice %arg3[%arg1, %dma_wait3A_255, %dma_wait3A_256] : memref<16x125x80xi32, #tpu.memory_space<hbm>> -> memref<1x125x80xi32, #tpu.memory_space<hbm>>
      %dma_wait3A_258 = tpu.memref_squeeze %dma_wait3A_257 : memref<1x125x80xi32, #tpu.memory_space<hbm>> -> memref<125x80xi32, #tpu.memory_space<hbm>>
      tpu.wait_dma2 semaphore(%run_scoped3A_244 : memref<!tpu.dma_semaphore, #tpu.memory_space<semaphore_mem>>) src(%dma_wait3A_258 : memref<125x80xi32, #tpu.memory_space<hbm>>) dst(%arg8 : memref<125x80xi32, #tpu.memory_space<vmem>>)
      tpu.yield
    }) : () -> ()
    "tpu.region"() ({
      %run_scoped3A_244 = tpu.sem_alloc : memref<!tpu.dma_semaphore, #tpu.memory_space<semaphore_mem>>
      %dma_start3A = arith.constant 0 : i32
      %dma_start3A_245 = arith.constant 0 : i32
      %dma_start3A_246 = tpu.memref_slice %arg4[%arg1, %dma_start3A, %dma_start3A_245] : memref<16x125x80xi32, #tpu.memory_space<hbm>> -> memref<1x125x80xi32, #tpu.memory_space<hbm>>
      %dma_start3A_247 = tpu.memref_squeeze %dma_start3A_246 : memref<1x125x80xi32, #tpu.memory_space<hbm>> -> memref<125x80xi32, #tpu.memory_space<hbm>>
      %dma_start3A_248 = arith.constant 0 : i32
      %dma_start3A_249 = arith.constant 0 : i32
      %dma_start3A_250 = tpu.memref_slice %arg4[%arg1, %dma_start3A_248, %dma_start3A_249] : memref<16x125x80xi32, #tpu.memory_space<hbm>> -> memref<1x125x80xi32, #tpu.memory_space<hbm>>
      %dma_start3A_251 = tpu.memref_squeeze %dma_start3A_250 : memref<1x125x80xi32, #tpu.memory_space<hbm>> -> memref<125x80xi32, #tpu.memory_space<hbm>>
      tpu.enqueue_dma source(%dma_start3A_251 : memref<125x80xi32, #tpu.memory_space<hbm>>) target(%arg9 : memref<125x80xi32, #tpu.memory_space<vmem>>) target_semaphore(%run_scoped3A_244 : memref<!tpu.dma_semaphore, #tpu.memory_space<semaphore_mem>>)
      %dma_wait3A = arith.constant 0 : i32
      %dma_wait3A_252 = arith.constant 0 : i32
      %dma_wait3A_253 = tpu.memref_slice %arg4[%arg1, %dma_wait3A, %dma_wait3A_252] : memref<16x125x80xi32, #tpu.memory_space<hbm>> -> memref<1x125x80xi32, #tpu.memory_space<hbm>>
      %dma_wait3A_254 = tpu.memref_squeeze %dma_wait3A_253 : memref<1x125x80xi32, #tpu.memory_space<hbm>> -> memref<125x80xi32, #tpu.memory_space<hbm>>
      %dma_wait3A_255 = arith.constant 0 : i32
      %dma_wait3A_256 = arith.constant 0 : i32
      %dma_wait3A_257 = tpu.memref_slice %arg4[%arg1, %dma_wait3A_255, %dma_wait3A_256] : memref<16x125x80xi32, #tpu.memory_space<hbm>> -> memref<1x125x80xi32, #tpu.memory_space<hbm>>
      %dma_wait3A_258 = tpu.memref_squeeze %dma_wait3A_257 : memref<1x125x80xi32, #tpu.memory_space<hbm>> -> memref<125x80xi32, #tpu.memory_space<hbm>>
      tpu.wait_dma2 semaphore(%run_scoped3A_244 : memref<!tpu.dma_semaphore, #tpu.memory_space<semaphore_mem>>) src(%dma_wait3A_258 : memref<125x80xi32, #tpu.memory_space<hbm>>) dst(%arg9 : memref<125x80xi32, #tpu.memory_space<vmem>>)
      tpu.yield
    }) : () -> ()
    "tpu.region"() ({
      %run_scoped3A_244 = tpu.sem_alloc : memref<!tpu.dma_semaphore, #tpu.memory_space<semaphore_mem>>
      %dma_start3A = arith.constant 0 : i32
      %dma_start3A_245 = tpu.memref_slice %arg10[%dma_start3A] : memref<10240xf32, #tpu.memory_space<vmem>> -> memref<10000xf32, #tpu.memory_space<vmem>>
      %dma_start3A_246 = arith.constant 0 : i32
      %dma_start3A_247 = tpu.memref_slice %arg10[%dma_start3A_246] : memref<10240xf32, #tpu.memory_space<vmem>> -> memref<10000xf32, #tpu.memory_space<vmem>>
      tpu.enqueue_dma source(%arg2 : memref<10000xf32, #tpu.memory_space<hbm>>) target(%dma_start3A_247 : memref<10000xf32, #tpu.memory_space<vmem>>) target_semaphore(%run_scoped3A_244 : memref<!tpu.dma_semaphore, #tpu.memory_space<semaphore_mem>>)
      %dma_wait3A = arith.constant 0 : i32
      %dma_wait3A_248 = tpu.memref_slice %arg10[%dma_wait3A] : memref<10240xf32, #tpu.memory_space<vmem>> -> memref<10000xf32, #tpu.memory_space<vmem>>
      %dma_wait3A_249 = arith.constant 0 : i32
      %dma_wait3A_250 = tpu.memref_slice %arg10[%dma_wait3A_249] : memref<10240xf32, #tpu.memory_space<vmem>> -> memref<10000xf32, #tpu.memory_space<vmem>>
      tpu.wait_dma2 semaphore(%run_scoped3A_244 : memref<!tpu.dma_semaphore, #tpu.memory_space<semaphore_mem>>) src(%arg2 : memref<10000xf32, #tpu.memory_space<hbm>>) dst(%dma_wait3A_250 : memref<10000xf32, #tpu.memory_space<vmem>>)
      tpu.yield
    }) : () -> ()
    "tpu.region"() ({
      %run_scoped3A_244 = tpu.sem_alloc : memref<!tpu.dma_semaphore, #tpu.memory_space<semaphore_mem>>
      tpu.enqueue_dma source(%arg6 : memref<16xf32, #tpu.memory_space<hbm>>) target(%arg15 : memref<16xf32, #tpu.memory_space<vmem>>) target_semaphore(%run_scoped3A_244 : memref<!tpu.dma_semaphore, #tpu.memory_space<semaphore_mem>>)
      tpu.wait_dma2 semaphore(%run_scoped3A_244 : memref<!tpu.dma_semaphore, #tpu.memory_space<semaphore_mem>>) src(%arg6 : memref<16xf32, #tpu.memory_space<hbm>>) dst(%arg15 : memref<16xf32, #tpu.memory_space<vmem>>)
      tpu.yield
    }) : () -> ()
    %scan3A = arith.constant 0 : i32
    %scan3A_0 = arith.constant 0 : i32
    %scan3A_1 = arith.constant 640 : i32
    %scan3A_2 = arith.addi %scan3A_0, %scan3A_1 : i32
    %scan3A_3 = arith.constant 1 : i32
    scf.for %scan3A_244 = %scan3A_0 to %scan3A_2 step %scan3A_3  : i32 {
      %broadcast_in_dim3A = arith.constant 0.000000e+00 : f32
      %broadcast_in_dim3A_245 = vector.broadcast %broadcast_in_dim3A : f32 to vector<16xf32>
      %mul3A_246 = arith.constant 16 : i32
      %mul3A_247 = arith.muli %scan3A_244, %mul3A_246 : i32
      %swap3A = arith.index_cast %mul3A_247 : i32 to index
      %swap3A_248 = tpu.vector_load %arg11[%swap3A] {strides = array<i32>} : memref<10240xf32, #tpu.memory_space<vmem>>, vector<16xf32>,
      tpu.vector_store %arg11[%swap3A], %broadcast_in_dim3A_245 {strides = array<i32>} : memref<10240xf32, #tpu.memory_space<vmem>>, vector<16xf32>,
    }
    %scan3A_4 = arith.constant 640 : i32
    %scan3A_5 = arith.constant 0 : i32
    %scan3A_6 = arith.constant 0 : i32
    %scan3A_7 = arith.constant 125 : i32
    %scan3A_8 = arith.addi %scan3A_6, %scan3A_7 : i32
    %scan3A_9 = arith.constant 1 : i32
    scf.for %scan3A_244 = %scan3A_6 to %scan3A_8 step %scan3A_9  : i32 {
      %get3A_245 = arith.index_cast %scan3A_244 : i32 to index
      %get3A_246 = arith.constant 0 : index
      %get3A_247 = tpu.vector_load %arg8[%get3A_245, %get3A_246] {strides = array<i32>} : memref<125x80xi32, #tpu.memory_space<vmem>>, vector<16xi32>,
      %get3A_248 = arith.index_cast %scan3A_244 : i32 to index
      %get3A_249 = arith.constant 0 : index
      %get3A_250 = tpu.vector_load %arg9[%get3A_248, %get3A_249] {strides = array<i32>} : memref<125x80xi32, #tpu.memory_space<vmem>>, vector<16xi32>,
      %gather3A = tpu.vector_load_idx %arg10[%get3A_247] : memref<10240xf32, #tpu.memory_space<vmem>>[vector<16xi32>], vector<16xf32>,
      tpu.vector_store_idx %arg11[%get3A_250], %gather3A {add = true} : memref<10240xf32, #tpu.memory_space<vmem>>[vector<16xi32>], vector<16xf32>,
      %get3A_251 = arith.index_cast %scan3A_244 : i32 to index
      %get3A_252 = arith.constant 16 : index
      %get3A_253 = tpu.vector_load %arg8[%get3A_251, %get3A_252] {strides = array<i32>} : memref<125x80xi32, #tpu.memory_space<vmem>>, vector<16xi32>,
      %get3A_254 = arith.index_cast %scan3A_244 : i32 to index
      %get3A_255 = arith.constant 16 : index
      %get3A_256 = tpu.vector_load %arg9[%get3A_254, %get3A_255] {strides = array<i32>} : memref<125x80xi32, #tpu.memory_space<vmem>>, vector<16xi32>,
      %gather3A_257 = tpu.vector_load_idx %arg10[%get3A_253] : memref<10240xf32, #tpu.memory_space<vmem>>[vector<16xi32>], vector<16xf32>,
      tpu.vector_store_idx %arg11[%get3A_256], %gather3A_257 {add = true} : memref<10240xf32, #tpu.memory_space<vmem>>[vector<16xi32>], vector<16xf32>,
      %get3A_258 = arith.index_cast %scan3A_244 : i32 to index
      %get3A_259 = arith.constant 32 : index
      %get3A_260 = tpu.vector_load %arg8[%get3A_258, %get3A_259] {strides = array<i32>} : memref<125x80xi32, #tpu.memory_space<vmem>>, vector<16xi32>,
      %get3A_261 = arith.index_cast %scan3A_244 : i32 to index
      %get3A_262 = arith.constant 32 : index
      %get3A_263 = tpu.vector_load %arg9[%get3A_261, %get3A_262] {strides = array<i32>} : memref<125x80xi32, #tpu.memory_space<vmem>>, vector<16xi32>,
      %gather3A_264 = tpu.vector_load_idx %arg10[%get3A_260] : memref<10240xf32, #tpu.memory_space<vmem>>[vector<16xi32>], vector<16xf32>,
      tpu.vector_store_idx %arg11[%get3A_263], %gather3A_264 {add = true} : memref<10240xf32, #tpu.memory_space<vmem>>[vector<16xi32>], vector<16xf32>,
      %get3A_265 = arith.index_cast %scan3A_244 : i32 to index
      %get3A_266 = arith.constant 48 : index
      %get3A_267 = tpu.vector_load %arg8[%get3A_265, %get3A_266] {strides = array<i32>} : memref<125x80xi32, #tpu.memory_space<vmem>>, vector<16xi32>,
      %get3A_268 = arith.index_cast %scan3A_244 : i32 to index
      %get3A_269 = arith.constant 48 : index
      %get3A_270 = tpu.vector_load %arg9[%get3A_268, %get3A_269] {strides = array<i32>} : memref<125x80xi32, #tpu.memory_space<vmem>>, vector<16xi32>,
      %gather3A_271 = tpu.vector_load_idx %arg10[%get3A_267] : memref<10240xf32, #tpu.memory_space<vmem>>[vector<16xi32>], vector<16xf32>,
      tpu.vector_store_idx %arg11[%get3A_270], %gather3A_271 {add = true} : memref<10240xf32, #tpu.memory_space<vmem>>[vector<16xi32>], vector<16xf32>,
      %get3A_272 = arith.index_cast %scan3A_244 : i32 to index
      %get3A_273 = arith.constant 64 : index
      %get3A_274 = tpu.vector_load %arg8[%get3A_272, %get3A_273] {strides = array<i32>} : memref<125x80xi32, #tpu.memory_space<vmem>>, vector<16xi32>,
      %get3A_275 = arith.index_cast %scan3A_244 : i32 to index
      %get3A_276 = arith.constant 64 : index
      %get3A_277 = tpu.vector_load %arg9[%get3A_275, %get3A_276] {strides = array<i32>} : memref<125x80xi32, #tpu.memory_space<vmem>>, vector<16xi32>,
      %gather3A_278 = tpu.vector_load_idx %arg10[%get3A_274] : memref<10240xf32, #tpu.memory_space<vmem>>[vector<16xi32>], vector<16xf32>,
      tpu.vector_store_idx %arg11[%get3A_277], %gather3A_278 {add = true} : memref<10240xf32, #tpu.memory_space<vmem>>[vector<16xi32>], vector<16xf32>,
    }
    %scan3A_10 = arith.constant 125 : i32
    %get3A = arith.constant 0 : index
    %get3A_11 = tpu.vector_load %arg15[%get3A] {strides = array<i32>} : memref<16xf32, #tpu.memory_space<vmem>>, vector<16xf32>,
    "tpu.region"() ({
      %run_scoped3A_244 = tpu.sem_alloc : memref<!tpu.dma_semaphore, #tpu.memory_space<semaphore_mem>>
      %dma_start3A = arith.constant 0 : i32
      %dma_start3A_245 = tpu.memref_slice %arg11[%dma_start3A] : memref<10240xf32, #tpu.memory_space<vmem>> -> memref<5120xf32, #tpu.memory_space<vmem>>
      %dma_start3A_246 = arith.constant 0 : i32
      %dma_start3A_247 = tpu.memref_slice %arg16[%arg1, %dma_start3A_246] : memref<16x5120xf32, #tpu.memory_space<vmem_shared>> -> memref<1x5120xf32, #tpu.memory_space<vmem_shared>>
      %dma_start3A_248 = tpu.memref_squeeze %dma_start3A_247 : memref<1x5120xf32, #tpu.memory_space<vmem_shared>> -> memref<5120xf32, #tpu.memory_space<vmem_shared>>
      %dma_start3A_249 = arith.constant 0 : i32
      %dma_start3A_250 = tpu.memref_slice %arg16[%arg1, %dma_start3A_249] : memref<16x5120xf32, #tpu.memory_space<vmem_shared>> -> memref<1x5120xf32, #tpu.memory_space<vmem_shared>>
      %dma_start3A_251 = tpu.memref_squeeze %dma_start3A_250 : memref<1x5120xf32, #tpu.memory_space<vmem_shared>> -> memref<5120xf32, #tpu.memory_space<vmem_shared>>
      %dma_start3A_252 = arith.constant 0 : i32
      %dma_start3A_253 = tpu.memref_slice %arg11[%dma_start3A_252] : memref<10240xf32, #tpu.memory_space<vmem>> -> memref<5120xf32, #tpu.memory_space<vmem>>
      tpu.enqueue_dma source(%dma_start3A_253 : memref<5120xf32, #tpu.memory_space<vmem>>) target(%dma_start3A_251 : memref<5120xf32, #tpu.memory_space<vmem_shared>>) target_semaphore(%run_scoped3A_244 : memref<!tpu.dma_semaphore, #tpu.memory_space<semaphore_mem>>)
      %dma_wait3A = arith.constant 0 : i32
      %dma_wait3A_254 = tpu.memref_slice %arg11[%dma_wait3A] : memref<10240xf32, #tpu.memory_space<vmem>> -> memref<5120xf32, #tpu.memory_space<vmem>>
      %dma_wait3A_255 = arith.constant 0 : i32
      %dma_wait3A_256 = tpu.memref_slice %arg16[%arg1, %dma_wait3A_255] : memref<16x5120xf32, #tpu.memory_space<vmem_shared>> -> memref<1x5120xf32, #tpu.memory_space<vmem_shared>>
      %dma_wait3A_257 = tpu.memref_squeeze %dma_wait3A_256 : memref<1x5120xf32, #tpu.memory_space<vmem_shared>> -> memref<5120xf32, #tpu.memory_space<vmem_shared>>
      %dma_wait3A_258 = arith.constant 0 : i32
      %dma_wait3A_259 = tpu.memref_slice %arg16[%arg1, %dma_wait3A_258] : memref<16x5120xf32, #tpu.memory_space<vmem_shared>> -> memref<1x5120xf32, #tpu.memory_space<vmem_shared>>
      %dma_wait3A_260 = tpu.memref_squeeze %dma_wait3A_259 : memref<1x5120xf32, #tpu.memory_space<vmem_shared>> -> memref<5120xf32, #tpu.memory_space<vmem_shared>>
      %dma_wait3A_261 = arith.constant 0 : i32
      %dma_wait3A_262 = tpu.memref_slice %arg11[%dma_wait3A_261] : memref<10240xf32, #tpu.memory_space<vmem>> -> memref<5120xf32, #tpu.memory_space<vmem>>
      tpu.wait_dma2 semaphore(%run_scoped3A_244 : memref<!tpu.dma_semaphore, #tpu.memory_space<semaphore_mem>>) src(%dma_wait3A_262 : memref<5120xf32, #tpu.memory_space<vmem>>) dst(%dma_wait3A_260 : memref<5120xf32, #tpu.memory_space<vmem_shared>>)
      tpu.yield
    }) : () -> ()
    %barrier3A = arith.constant 0 : index
    tpu.barrier barrier_id(%barrier3A)
    %mul3A = arith.constant 320 : i32
    %mul3A_12 = arith.muli %arg1, %mul3A : i32
    %add3A = arith.constant 0 : i32
    %add3A_13 = arith.addi %add3A, %mul3A_12 : i32
    %run_scoped3A = arith.constant 0 : i32
    "tpu.region"() ({
      %run_scoped3A_244 = tpu.sem_alloc : memref<!tpu.dma_semaphore, #tpu.memory_space<semaphore_mem>>
      %dma_start3A = tpu.memref_slice %arg16[%run_scoped3A, %mul3A_12] : memref<16x5120xf32, #tpu.memory_space<vmem_shared>> -> memref<1x320xf32, #tpu.memory_space<vmem_shared>>
      %dma_start3A_245 = tpu.memref_squeeze %dma_start3A : memref<1x320xf32, #tpu.memory_space<vmem_shared>> -> memref<320xf32, #tpu.memory_space<vmem_shared>>
      %dma_start3A_246 = tpu.memref_slice %arg16[%run_scoped3A, %mul3A_12] : memref<16x5120xf32, #tpu.memory_space<vmem_shared>> -> memref<1x320xf32, #tpu.memory_space<vmem_shared>>
      %dma_start3A_247 = tpu.memref_squeeze %dma_start3A_246 : memref<1x320xf32, #tpu.memory_space<vmem_shared>> -> memref<320xf32, #tpu.memory_space<vmem_shared>>
      tpu.enqueue_dma source(%dma_start3A_247 : memref<320xf32, #tpu.memory_space<vmem_shared>>) target(%arg12 : memref<320xf32, #tpu.memory_space<vmem>>) target_semaphore(%run_scoped3A_244 : memref<!tpu.dma_semaphore, #tpu.memory_space<semaphore_mem>>)
      %dma_wait3A = tpu.memref_slice %arg16[%run_scoped3A, %mul3A_12] : memref<16x5120xf32, #tpu.memory_space<vmem_shared>> -> memref<1x320xf32, #tpu.memory_space<vmem_shared>>
      %dma_wait3A_248 = tpu.memref_squeeze %dma_wait3A : memref<1x320xf32, #tpu.memory_space<vmem_shared>> -> memref<320xf32, #tpu.memory_space<vmem_shared>>
      %dma_wait3A_249 = tpu.memref_slice %arg16[%run_scoped3A, %mul3A_12] : memref<16x5120xf32, #tpu.memory_space<vmem_shared>> -> memref<1x320xf32, #tpu.memory_space<vmem_shared>>
      %dma_wait3A_250 = tpu.memref_squeeze %dma_wait3A_249 : memref<1x320xf32, #tpu.memory_space<vmem_shared>> -> memref<320xf32, #tpu.memory_space<vmem_shared>>
      tpu.wait_dma2 semaphore(%run_scoped3A_244 : memref<!tpu.dma_semaphore, #tpu.memory_space<semaphore_mem>>) src(%dma_wait3A_250 : memref<320xf32, #tpu.memory_space<vmem_shared>>) dst(%arg12 : memref<320xf32, #tpu.memory_space<vmem>>)
      tpu.yield
    }) : () -> ()
    %run_scoped3A_14 = arith.constant 1 : i32
    "tpu.region"() ({
      %run_scoped3A_244 = tpu.sem_alloc : memref<!tpu.dma_semaphore, #tpu.memory_space<semaphore_mem>>
      %dma_start3A = tpu.memref_slice %arg16[%run_scoped3A_14, %mul3A_12] : memref<16x5120xf32, #tpu.memory_space<vmem_shared>> -> memref<1x320xf32, #tpu.memory_space<vmem_shared>>
      %dma_start3A_245 = tpu.memref_squeeze %dma_start3A : memref<1x320xf32, #tpu.memory_space<vmem_shared>> -> memref<320xf32, #tpu.memory_space<vmem_shared>>
      %dma_start3A_246 = tpu.memref_slice %arg16[%run_scoped3A_14, %mul3A_12] : memref<16x5120xf32, #tpu.memory_space<vmem_shared>> -> memref<1x320xf32, #tpu.memory_space<vmem_shared>>
      %dma_start3A_247 = tpu.memref_squeeze %dma_start3A_246 : memref<1x320xf32, #tpu.memory_space<vmem_shared>> -> memref<320xf32, #tpu.memory_space<vmem_shared>>
      tpu.enqueue_dma source(%dma_start3A_247 : memref<320xf32, #tpu.memory_space<vmem_shared>>) target(%arg13 : memref<320xf32, #tpu.memory_space<vmem>>) target_semaphore(%run_scoped3A_244 : memref<!tpu.dma_semaphore, #tpu.memory_space<semaphore_mem>>)
      %dma_wait3A = tpu.memref_slice %arg16[%run_scoped3A_14, %mul3A_12] : memref<16x5120xf32, #tpu.memory_space<vmem_shared>> -> memref<1x320xf32, #tpu.memory_space<vmem_shared>>
      %dma_wait3A_248 = tpu.memref_squeeze %dma_wait3A : memref<1x320xf32, #tpu.memory_space<vmem_shared>> -> memref<320xf32, #tpu.memory_space<vmem_shared>>
      %dma_wait3A_249 = tpu.memref_slice %arg16[%run_scoped3A_14, %mul3A_12] : memref<16x5120xf32, #tpu.memory_space<vmem_shared>> -> memref<1x320xf32, #tpu.memory_space<vmem_shared>>
      %dma_wait3A_250 = tpu.memref_squeeze %dma_wait3A_249 : memref<1x320xf32, #tpu.memory_space<vmem_shared>> -> memref<320xf32, #tpu.memory_space<vmem_shared>>
      tpu.wait_dma2 semaphore(%run_scoped3A_244 : memref<!tpu.dma_semaphore, #tpu.memory_space<semaphore_mem>>) src(%dma_wait3A_250 : memref<320xf32, #tpu.memory_space<vmem_shared>>) dst(%arg13 : memref<320xf32, #tpu.memory_space<vmem>>)
      tpu.yield
    }) : () -> ()
    %scan3A_15 = arith.constant 0 : i32
    %scan3A_16 = arith.constant 0 : i32
    %scan3A_17 = arith.constant 20 : i32
    %scan3A_18 = arith.addi %scan3A_16, %scan3A_17 : i32
    %scan3A_19 = arith.constant 1 : i32
    scf.for %scan3A_244 = %scan3A_16 to %scan3A_18 step %scan3A_19  : i32 {
      %mul3A_245 = arith.constant 16 : i32
      %mul3A_246 = arith.muli %scan3A_244, %mul3A_245 : i32
      %get3A_247 = arith.index_cast %mul3A_246 : i32 to index
      %get3A_248 = tpu.vector_load %arg12[%get3A_247] {strides = array<i32>} : memref<320xf32, #tpu.memory_space<vmem>>, vector<16xf32>,
      %get3A_249 = arith.index_cast %mul3A_246 : i32 to index
      %get3A_250 = tpu.vector_load %arg13[%get3A_249] {strides = array<i32>} : memref<320xf32, #tpu.memory_space<vmem>>, vector<16xf32>,
      %add3A_251 = arith.addf %get3A_248, %get3A_250 : vector<16xf32>
      %swap3A = arith.index_cast %mul3A_246 : i32 to index
      %swap3A_252 = tpu.vector_load %arg12[%swap3A] {strides = array<i32>} : memref<320xf32, #tpu.memory_space<vmem>>, vector<16xf32>,
      tpu.vector_store %arg12[%swap3A], %add3A_251 {strides = array<i32>} : memref<320xf32, #tpu.memory_space<vmem>>, vector<16xf32>,
    }
    %scan3A_20 = arith.constant 20 : i32
    %run_scoped3A_21 = arith.constant 2 : i32
    "tpu.region"() ({
      %run_scoped3A_244 = tpu.sem_alloc : memref<!tpu.dma_semaphore, #tpu.memory_space<semaphore_mem>>
      %dma_start3A = tpu.memref_slice %arg16[%run_scoped3A_21, %mul3A_12] : memref<16x5120xf32, #tpu.memory_space<vmem_shared>> -> memref<1x320xf32, #tpu.memory_space<vmem_shared>>
      %dma_start3A_245 = tpu.memref_squeeze %dma_start3A : memref<1x320xf32, #tpu.memory_space<vmem_shared>> -> memref<320xf32, #tpu.memory_space<vmem_shared>>
      %dma_start3A_246 = tpu.memref_slice %arg16[%run_scoped3A_21, %mul3A_12] : memref<16x5120xf32, #tpu.memory_space<vmem_shared>> -> memref<1x320xf32, #tpu.memory_space<vmem_shared>>
      %dma_start3A_247 = tpu.memref_squeeze %dma_start3A_246 : memref<1x320xf32, #tpu.memory_space<vmem_shared>> -> memref<320xf32, #tpu.memory_space<vmem_shared>>
      tpu.enqueue_dma source(%dma_start3A_247 : memref<320xf32, #tpu.memory_space<vmem_shared>>) target(%arg13 : memref<320xf32, #tpu.memory_space<vmem>>) target_semaphore(%run_scoped3A_244 : memref<!tpu.dma_semaphore, #tpu.memory_space<semaphore_mem>>)
      %dma_wait3A = tpu.memref_slice %arg16[%run_scoped3A_21, %mul3A_12] : memref<16x5120xf32, #tpu.memory_space<vmem_shared>> -> memref<1x320xf32, #tpu.memory_space<vmem_shared>>
      %dma_wait3A_248 = tpu.memref_squeeze %dma_wait3A : memref<1x320xf32, #tpu.memory_space<vmem_shared>> -> memref<320xf32, #tpu.memory_space<vmem_shared>>
      %dma_wait3A_249 = tpu.memref_slice %arg16[%run_scoped3A_21, %mul3A_12] : memref<16x5120xf32, #tpu.memory_space<vmem_shared>> -> memref<1x320xf32, #tpu.memory_space<vmem_shared>>
      %dma_wait3A_250 = tpu.memref_squeeze %dma_wait3A_249 : memref<1x320xf32, #tpu.memory_space<vmem_shared>> -> memref<320xf32, #tpu.memory_space<vmem_shared>>
      tpu.wait_dma2 semaphore(%run_scoped3A_244 : memref<!tpu.dma_semaphore, #tpu.memory_space<semaphore_mem>>) src(%dma_wait3A_250 : memref<320xf32, #tpu.memory_space<vmem_shared>>) dst(%arg13 : memref<320xf32, #tpu.memory_space<vmem>>)
      tpu.yield
    }) : () -> ()
    %scan3A_22 = arith.constant 0 : i32
    %scan3A_23 = arith.constant 0 : i32
    %scan3A_24 = arith.constant 20 : i32
    %scan3A_25 = arith.addi %scan3A_23, %scan3A_24 : i32
    %scan3A_26 = arith.constant 1 : i32
    scf.for %scan3A_244 = %scan3A_23 to %scan3A_25 step %scan3A_26  : i32 {
      %mul3A_245 = arith.constant 16 : i32
      %mul3A_246 = arith.muli %scan3A_244, %mul3A_245 : i32
      %get3A_247 = arith.index_cast %mul3A_246 : i32 to index
      %get3A_248 = tpu.vector_load %arg12[%get3A_247] {strides = array<i32>} : memref<320xf32, #tpu.memory_space<vmem>>, vector<16xf32>,
      %get3A_249 = arith.index_cast %mul3A_246 : i32 to index
      %get3A_250 = tpu.vector_load %arg13[%get3A_249] {strides = array<i32>} : memref<320xf32, #tpu.memory_space<vmem>>, vector<16xf32>,
      %add3A_251 = arith.addf %get3A_248, %get3A_250 : vector<16xf32>
      %swap3A = arith.index_cast %mul3A_246 : i32 to index
      %swap3A_252 = tpu.vector_load %arg12[%swap3A] {strides = array<i32>} : memref<320xf32, #tpu.memory_space<vmem>>, vector<16xf32>,
      tpu.vector_store %arg12[%swap3A], %add3A_251 {strides = array<i32>} : memref<320xf32, #tpu.memory_space<vmem>>, vector<16xf32>,
    }
    %scan3A_27 = arith.constant 20 : i32
    %run_scoped3A_28 = arith.constant 3 : i32
    "tpu.region"() ({
      %run_scoped3A_244 = tpu.sem_alloc : memref<!tpu.dma_semaphore, #tpu.memory_space<semaphore_mem>>
      %dma_start3A = tpu.memref_slice %arg16[%run_scoped3A_28, %mul3A_12] : memref<16x5120xf32, #tpu.memory_space<vmem_shared>> -> memref<1x320xf32, #tpu.memory_space<vmem_shared>>
      %dma_start3A_245 = tpu.memref_squeeze %dma_start3A : memref<1x320xf32, #tpu.memory_space<vmem_shared>> -> memref<320xf32, #tpu.memory_space<vmem_shared>>
      %dma_start3A_246 = tpu.memref_slice %arg16[%run_scoped3A_28, %mul3A_12] : memref<16x5120xf32, #tpu.memory_space<vmem_shared>> -> memref<1x320xf32, #tpu.memory_space<vmem_shared>>
      %dma_start3A_247 = tpu.memref_squeeze %dma_start3A_246 : memref<1x320xf32, #tpu.memory_space<vmem_shared>> -> memref<320xf32, #tpu.memory_space<vmem_shared>>
      tpu.enqueue_dma source(%dma_start3A_247 : memref<320xf32, #tpu.memory_space<vmem_shared>>) target(%arg13 : memref<320xf32, #tpu.memory_space<vmem>>) target_semaphore(%run_scoped3A_244 : memref<!tpu.dma_semaphore, #tpu.memory_space<semaphore_mem>>)
      %dma_wait3A = tpu.memref_slice %arg16[%run_scoped3A_28, %mul3A_12] : memref<16x5120xf32, #tpu.memory_space<vmem_shared>> -> memref<1x320xf32, #tpu.memory_space<vmem_shared>>
      %dma_wait3A_248 = tpu.memref_squeeze %dma_wait3A : memref<1x320xf32, #tpu.memory_space<vmem_shared>> -> memref<320xf32, #tpu.memory_space<vmem_shared>>
      %dma_wait3A_249 = tpu.memref_slice %arg16[%run_scoped3A_28, %mul3A_12] : memref<16x5120xf32, #tpu.memory_space<vmem_shared>> -> memref<1x320xf32, #tpu.memory_space<vmem_shared>>
      %dma_wait3A_250 = tpu.memref_squeeze %dma_wait3A_249 : memref<1x320xf32, #tpu.memory_space<vmem_shared>> -> memref<320xf32, #tpu.memory_space<vmem_shared>>
      tpu.wait_dma2 semaphore(%run_scoped3A_244 : memref<!tpu.dma_semaphore, #tpu.memory_space<semaphore_mem>>) src(%dma_wait3A_250 : memref<320xf32, #tpu.memory_space<vmem_shared>>) dst(%arg13 : memref<320xf32, #tpu.memory_space<vmem>>)
      tpu.yield
    }) : () -> ()
    %scan3A_29 = arith.constant 0 : i32
    %scan3A_30 = arith.constant 0 : i32
    %scan3A_31 = arith.constant 20 : i32
    %scan3A_32 = arith.addi %scan3A_30, %scan3A_31 : i32
    %scan3A_33 = arith.constant 1 : i32
    scf.for %scan3A_244 = %scan3A_30 to %scan3A_32 step %scan3A_33  : i32 {
      %mul3A_245 = arith.constant 16 : i32
      %mul3A_246 = arith.muli %scan3A_244, %mul3A_245 : i32
      %get3A_247 = arith.index_cast %mul3A_246 : i32 to index
      %get3A_248 = tpu.vector_load %arg12[%get3A_247] {strides = array<i32>} : memref<320xf32, #tpu.memory_space<vmem>>, vector<16xf32>,
      %get3A_249 = arith.index_cast %mul3A_246 : i32 to index
      %get3A_250 = tpu.vector_load %arg13[%get3A_249] {strides = array<i32>} : memref<320xf32, #tpu.memory_space<vmem>>, vector<16xf32>,
      %add3A_251 = arith.addf %get3A_248, %get3A_250 : vector<16xf32>
      %swap3A = arith.index_cast %mul3A_246 : i32 to index
      %swap3A_252 = tpu.vector_load %arg12[%swap3A] {strides = array<i32>} : memref<320xf32, #tpu.memory_space<vmem>>, vector<16xf32>,
      tpu.vector_store %arg12[%swap3A], %add3A_251 {strides = array<i32>} : memref<320xf32, #tpu.memory_space<vmem>>, vector<16xf32>,
    }
    %scan3A_34 = arith.constant 20 : i32
    %run_scoped3A_35 = arith.constant 4 : i32
    "tpu.region"() ({
      %run_scoped3A_244 = tpu.sem_alloc : memref<!tpu.dma_semaphore, #tpu.memory_space<semaphore_mem>>
      %dma_start3A = tpu.memref_slice %arg16[%run_scoped3A_35, %mul3A_12] : memref<16x5120xf32, #tpu.memory_space<vmem_shared>> -> memref<1x320xf32, #tpu.memory_space<vmem_shared>>
      %dma_start3A_245 = tpu.memref_squeeze %dma_start3A : memref<1x320xf32, #tpu.memory_space<vmem_shared>> -> memref<320xf32, #tpu.memory_space<vmem_shared>>
      %dma_start3A_246 = tpu.memref_slice %arg16[%run_scoped3A_35, %mul3A_12] : memref<16x5120xf32, #tpu.memory_space<vmem_shared>> -> memref<1x320xf32, #tpu.memory_space<vmem_shared>>
      %dma_start3A_247 = tpu.memref_squeeze %dma_start3A_246 : memref<1x320xf32, #tpu.memory_space<vmem_shared>> -> memref<320xf32, #tpu.memory_space<vmem_shared>>
      tpu.enqueue_dma source(%dma_start3A_247 : memref<320xf32, #tpu.memory_space<vmem_shared>>) target(%arg13 : memref<320xf32, #tpu.memory_space<vmem>>) target_semaphore(%run_scoped3A_244 : memref<!tpu.dma_semaphore, #tpu.memory_space<semaphore_mem>>)
      %dma_wait3A = tpu.memref_slice %arg16[%run_scoped3A_35, %mul3A_12] : memref<16x5120xf32, #tpu.memory_space<vmem_shared>> -> memref<1x320xf32, #tpu.memory_space<vmem_shared>>
      %dma_wait3A_248 = tpu.memref_squeeze %dma_wait3A : memref<1x320xf32, #tpu.memory_space<vmem_shared>> -> memref<320xf32, #tpu.memory_space<vmem_shared>>
      %dma_wait3A_249 = tpu.memref_slice %arg16[%run_scoped3A_35, %mul3A_12] : memref<16x5120xf32, #tpu.memory_space<vmem_shared>> -> memref<1x320xf32, #tpu.memory_space<vmem_shared>>
      %dma_wait3A_250 = tpu.memref_squeeze %dma_wait3A_249 : memref<1x320xf32, #tpu.memory_space<vmem_shared>> -> memref<320xf32, #tpu.memory_space<vmem_shared>>
      tpu.wait_dma2 semaphore(%run_scoped3A_244 : memref<!tpu.dma_semaphore, #tpu.memory_space<semaphore_mem>>) src(%dma_wait3A_250 : memref<320xf32, #tpu.memory_space<vmem_shared>>) dst(%arg13 : memref<320xf32, #tpu.memory_space<vmem>>)
      tpu.yield
    }) : () -> ()
    %scan3A_36 = arith.constant 0 : i32
    %scan3A_37 = arith.constant 0 : i32
    %scan3A_38 = arith.constant 20 : i32
    %scan3A_39 = arith.addi %scan3A_37, %scan3A_38 : i32
    %scan3A_40 = arith.constant 1 : i32
    scf.for %scan3A_244 = %scan3A_37 to %scan3A_39 step %scan3A_40  : i32 {
      %mul3A_245 = arith.constant 16 : i32
      %mul3A_246 = arith.muli %scan3A_244, %mul3A_245 : i32
      %get3A_247 = arith.index_cast %mul3A_246 : i32 to index
      %get3A_248 = tpu.vector_load %arg12[%get3A_247] {strides = array<i32>} : memref<320xf32, #tpu.memory_space<vmem>>, vector<16xf32>,
      %get3A_249 = arith.index_cast %mul3A_246 : i32 to index
      %get3A_250 = tpu.vector_load %arg13[%get3A_249] {strides = array<i32>} : memref<320xf32, #tpu.memory_space<vmem>>, vector<16xf32>,
      %add3A_251 = arith.addf %get3A_248, %get3A_250 : vector<16xf32>
      %swap3A = arith.index_cast %mul3A_246 : i32 to index
      %swap3A_252 = tpu.vector_load %arg12[%swap3A] {strides = array<i32>} : memref<320xf32, #tpu.memory_space<vmem>>, vector<16xf32>,
      tpu.vector_store %arg12[%swap3A], %add3A_251 {strides = array<i32>} : memref<320xf32, #tpu.memory_space<vmem>>, vector<16xf32>,
    }
    %scan3A_41 = arith.constant 20 : i32
    %run_scoped3A_42 = arith.constant 5 : i32
    "tpu.region"() ({
      %run_scoped3A_244 = tpu.sem_alloc : memref<!tpu.dma_semaphore, #tpu.memory_space<semaphore_mem>>
      %dma_start3A = tpu.memref_slice %arg16[%run_scoped3A_42, %mul3A_12] : memref<16x5120xf32, #tpu.memory_space<vmem_shared>> -> memref<1x320xf32, #tpu.memory_space<vmem_shared>>
      %dma_start3A_245 = tpu.memref_squeeze %dma_start3A : memref<1x320xf32, #tpu.memory_space<vmem_shared>> -> memref<320xf32, #tpu.memory_space<vmem_shared>>
      %dma_start3A_246 = tpu.memref_slice %arg16[%run_scoped3A_42, %mul3A_12] : memref<16x5120xf32, #tpu.memory_space<vmem_shared>> -> memref<1x320xf32, #tpu.memory_space<vmem_shared>>
      %dma_start3A_247 = tpu.memref_squeeze %dma_start3A_246 : memref<1x320xf32, #tpu.memory_space<vmem_shared>> -> memref<320xf32, #tpu.memory_space<vmem_shared>>
      tpu.enqueue_dma source(%dma_start3A_247 : memref<320xf32, #tpu.memory_space<vmem_shared>>) target(%arg13 : memref<320xf32, #tpu.memory_space<vmem>>) target_semaphore(%run_scoped3A_244 : memref<!tpu.dma_semaphore, #tpu.memory_space<semaphore_mem>>)
      %dma_wait3A = tpu.memref_slice %arg16[%run_scoped3A_42, %mul3A_12] : memref<16x5120xf32, #tpu.memory_space<vmem_shared>> -> memref<1x320xf32, #tpu.memory_space<vmem_shared>>
      %dma_wait3A_248 = tpu.memref_squeeze %dma_wait3A : memref<1x320xf32, #tpu.memory_space<vmem_shared>> -> memref<320xf32, #tpu.memory_space<vmem_shared>>
      %dma_wait3A_249 = tpu.memref_slice %arg16[%run_scoped3A_42, %mul3A_12] : memref<16x5120xf32, #tpu.memory_space<vmem_shared>> -> memref<1x320xf32, #tpu.memory_space<vmem_shared>>
      %dma_wait3A_250 = tpu.memref_squeeze %dma_wait3A_249 : memref<1x320xf32, #tpu.memory_space<vmem_shared>> -> memref<320xf32, #tpu.memory_space<vmem_shared>>
      tpu.wait_dma2 semaphore(%run_scoped3A_244 : memref<!tpu.dma_semaphore, #tpu.memory_space<semaphore_mem>>) src(%dma_wait3A_250 : memref<320xf32, #tpu.memory_space<vmem_shared>>) dst(%arg13 : memref<320xf32, #tpu.memory_space<vmem>>)
      tpu.yield
    }) : () -> ()
    %scan3A_43 = arith.constant 0 : i32
    %scan3A_44 = arith.constant 0 : i32
    %scan3A_45 = arith.constant 20 : i32
    %scan3A_46 = arith.addi %scan3A_44, %scan3A_45 : i32
    %scan3A_47 = arith.constant 1 : i32
    scf.for %scan3A_244 = %scan3A_44 to %scan3A_46 step %scan3A_47  : i32 {
      %mul3A_245 = arith.constant 16 : i32
      %mul3A_246 = arith.muli %scan3A_244, %mul3A_245 : i32
      %get3A_247 = arith.index_cast %mul3A_246 : i32 to index
      %get3A_248 = tpu.vector_load %arg12[%get3A_247] {strides = array<i32>} : memref<320xf32, #tpu.memory_space<vmem>>, vector<16xf32>,
      %get3A_249 = arith.index_cast %mul3A_246 : i32 to index
      %get3A_250 = tpu.vector_load %arg13[%get3A_249] {strides = array<i32>} : memref<320xf32, #tpu.memory_space<vmem>>, vector<16xf32>,
      %add3A_251 = arith.addf %get3A_248, %get3A_250 : vector<16xf32>
      %swap3A = arith.index_cast %mul3A_246 : i32 to index
      %swap3A_252 = tpu.vector_load %arg12[%swap3A] {strides = array<i32>} : memref<320xf32, #tpu.memory_space<vmem>>, vector<16xf32>,
      tpu.vector_store %arg12[%swap3A], %add3A_251 {strides = array<i32>} : memref<320xf32, #tpu.memory_space<vmem>>, vector<16xf32>,
    }
    %scan3A_48 = arith.constant 20 : i32
    %run_scoped3A_49 = arith.constant 6 : i32
    "tpu.region"() ({
      %run_scoped3A_244 = tpu.sem_alloc : memref<!tpu.dma_semaphore, #tpu.memory_space<semaphore_mem>>
      %dma_start3A = tpu.memref_slice %arg16[%run_scoped3A_49, %mul3A_12] : memref<16x5120xf32, #tpu.memory_space<vmem_shared>> -> memref<1x320xf32, #tpu.memory_space<vmem_shared>>
      %dma_start3A_245 = tpu.memref_squeeze %dma_start3A : memref<1x320xf32, #tpu.memory_space<vmem_shared>> -> memref<320xf32, #tpu.memory_space<vmem_shared>>
      %dma_start3A_246 = tpu.memref_slice %arg16[%run_scoped3A_49, %mul3A_12] : memref<16x5120xf32, #tpu.memory_space<vmem_shared>> -> memref<1x320xf32, #tpu.memory_space<vmem_shared>>
      %dma_start3A_247 = tpu.memref_squeeze %dma_start3A_246 : memref<1x320xf32, #tpu.memory_space<vmem_shared>> -> memref<320xf32, #tpu.memory_space<vmem_shared>>
      tpu.enqueue_dma source(%dma_start3A_247 : memref<320xf32, #tpu.memory_space<vmem_shared>>) target(%arg13 : memref<320xf32, #tpu.memory_space<vmem>>) target_semaphore(%run_scoped3A_244 : memref<!tpu.dma_semaphore, #tpu.memory_space<semaphore_mem>>)
      %dma_wait3A = tpu.memref_slice %arg16[%run_scoped3A_49, %mul3A_12] : memref<16x5120xf32, #tpu.memory_space<vmem_shared>> -> memref<1x320xf32, #tpu.memory_space<vmem_shared>>
      %dma_wait3A_248 = tpu.memref_squeeze %dma_wait3A : memref<1x320xf32, #tpu.memory_space<vmem_shared>> -> memref<320xf32, #tpu.memory_space<vmem_shared>>
      %dma_wait3A_249 = tpu.memref_slice %arg16[%run_scoped3A_49, %mul3A_12] : memref<16x5120xf32, #tpu.memory_space<vmem_shared>> -> memref<1x320xf32, #tpu.memory_space<vmem_shared>>
      %dma_wait3A_250 = tpu.memref_squeeze %dma_wait3A_249 : memref<1x320xf32, #tpu.memory_space<vmem_shared>> -> memref<320xf32, #tpu.memory_space<vmem_shared>>
      tpu.wait_dma2 semaphore(%run_scoped3A_244 : memref<!tpu.dma_semaphore, #tpu.memory_space<semaphore_mem>>) src(%dma_wait3A_250 : memref<320xf32, #tpu.memory_space<vmem_shared>>) dst(%arg13 : memref<320xf32, #tpu.memory_space<vmem>>)
      tpu.yield
    }) : () -> ()
    %scan3A_50 = arith.constant 0 : i32
    %scan3A_51 = arith.constant 0 : i32
    %scan3A_52 = arith.constant 20 : i32
    %scan3A_53 = arith.addi %scan3A_51, %scan3A_52 : i32
    %scan3A_54 = arith.constant 1 : i32
    scf.for %scan3A_244 = %scan3A_51 to %scan3A_53 step %scan3A_54  : i32 {
      %mul3A_245 = arith.constant 16 : i32
      %mul3A_246 = arith.muli %scan3A_244, %mul3A_245 : i32
      %get3A_247 = arith.index_cast %mul3A_246 : i32 to index
      %get3A_248 = tpu.vector_load %arg12[%get3A_247] {strides = array<i32>} : memref<320xf32, #tpu.memory_space<vmem>>, vector<16xf32>,
      %get3A_249 = arith.index_cast %mul3A_246 : i32 to index
      %get3A_250 = tpu.vector_load %arg13[%get3A_249] {strides = array<i32>} : memref<320xf32, #tpu.memory_space<vmem>>, vector<16xf32>,
      %add3A_251 = arith.addf %get3A_248, %get3A_250 : vector<16xf32>
      %swap3A = arith.index_cast %mul3A_246 : i32 to index
      %swap3A_252 = tpu.vector_load %arg12[%swap3A] {strides = array<i32>} : memref<320xf32, #tpu.memory_space<vmem>>, vector<16xf32>,
      tpu.vector_store %arg12[%swap3A], %add3A_251 {strides = array<i32>} : memref<320xf32, #tpu.memory_space<vmem>>, vector<16xf32>,
    }
    %scan3A_55 = arith.constant 20 : i32
    %run_scoped3A_56 = arith.constant 7 : i32
    "tpu.region"() ({
      %run_scoped3A_244 = tpu.sem_alloc : memref<!tpu.dma_semaphore, #tpu.memory_space<semaphore_mem>>
      %dma_start3A = tpu.memref_slice %arg16[%run_scoped3A_56, %mul3A_12] : memref<16x5120xf32, #tpu.memory_space<vmem_shared>> -> memref<1x320xf32, #tpu.memory_space<vmem_shared>>
      %dma_start3A_245 = tpu.memref_squeeze %dma_start3A : memref<1x320xf32, #tpu.memory_space<vmem_shared>> -> memref<320xf32, #tpu.memory_space<vmem_shared>>
      %dma_start3A_246 = tpu.memref_slice %arg16[%run_scoped3A_56, %mul3A_12] : memref<16x5120xf32, #tpu.memory_space<vmem_shared>> -> memref<1x320xf32, #tpu.memory_space<vmem_shared>>
      %dma_start3A_247 = tpu.memref_squeeze %dma_start3A_246 : memref<1x320xf32, #tpu.memory_space<vmem_shared>> -> memref<320xf32, #tpu.memory_space<vmem_shared>>
      tpu.enqueue_dma source(%dma_start3A_247 : memref<320xf32, #tpu.memory_space<vmem_shared>>) target(%arg13 : memref<320xf32, #tpu.memory_space<vmem>>) target_semaphore(%run_scoped3A_244 : memref<!tpu.dma_semaphore, #tpu.memory_space<semaphore_mem>>)
      %dma_wait3A = tpu.memref_slice %arg16[%run_scoped3A_56, %mul3A_12] : memref<16x5120xf32, #tpu.memory_space<vmem_shared>> -> memref<1x320xf32, #tpu.memory_space<vmem_shared>>
      %dma_wait3A_248 = tpu.memref_squeeze %dma_wait3A : memref<1x320xf32, #tpu.memory_space<vmem_shared>> -> memref<320xf32, #tpu.memory_space<vmem_shared>>
      %dma_wait3A_249 = tpu.memref_slice %arg16[%run_scoped3A_56, %mul3A_12] : memref<16x5120xf32, #tpu.memory_space<vmem_shared>> -> memref<1x320xf32, #tpu.memory_space<vmem_shared>>
      %dma_wait3A_250 = tpu.memref_squeeze %dma_wait3A_249 : memref<1x320xf32, #tpu.memory_space<vmem_shared>> -> memref<320xf32, #tpu.memory_space<vmem_shared>>
      tpu.wait_dma2 semaphore(%run_scoped3A_244 : memref<!tpu.dma_semaphore, #tpu.memory_space<semaphore_mem>>) src(%dma_wait3A_250 : memref<320xf32, #tpu.memory_space<vmem_shared>>) dst(%arg13 : memref<320xf32, #tpu.memory_space<vmem>>)
      tpu.yield
    }) : () -> ()
    %scan3A_57 = arith.constant 0 : i32
    %scan3A_58 = arith.constant 0 : i32
    %scan3A_59 = arith.constant 20 : i32
    %scan3A_60 = arith.addi %scan3A_58, %scan3A_59 : i32
    %scan3A_61 = arith.constant 1 : i32
    scf.for %scan3A_244 = %scan3A_58 to %scan3A_60 step %scan3A_61  : i32 {
      %mul3A_245 = arith.constant 16 : i32
      %mul3A_246 = arith.muli %scan3A_244, %mul3A_245 : i32
      %get3A_247 = arith.index_cast %mul3A_246 : i32 to index
      %get3A_248 = tpu.vector_load %arg12[%get3A_247] {strides = array<i32>} : memref<320xf32, #tpu.memory_space<vmem>>, vector<16xf32>,
      %get3A_249 = arith.index_cast %mul3A_246 : i32 to index
      %get3A_250 = tpu.vector_load %arg13[%get3A_249] {strides = array<i32>} : memref<320xf32, #tpu.memory_space<vmem>>, vector<16xf32>,
      %add3A_251 = arith.addf %get3A_248, %get3A_250 : vector<16xf32>
      %swap3A = arith.index_cast %mul3A_246 : i32 to index
      %swap3A_252 = tpu.vector_load %arg12[%swap3A] {strides = array<i32>} : memref<320xf32, #tpu.memory_space<vmem>>, vector<16xf32>,
      tpu.vector_store %arg12[%swap3A], %add3A_251 {strides = array<i32>} : memref<320xf32, #tpu.memory_space<vmem>>, vector<16xf32>,
    }
    %scan3A_62 = arith.constant 20 : i32
    %run_scoped3A_63 = arith.constant 8 : i32
    "tpu.region"() ({
      %run_scoped3A_244 = tpu.sem_alloc : memref<!tpu.dma_semaphore, #tpu.memory_space<semaphore_mem>>
      %dma_start3A = tpu.memref_slice %arg16[%run_scoped3A_63, %mul3A_12] : memref<16x5120xf32, #tpu.memory_space<vmem_shared>> -> memref<1x320xf32, #tpu.memory_space<vmem_shared>>
      %dma_start3A_245 = tpu.memref_squeeze %dma_start3A : memref<1x320xf32, #tpu.memory_space<vmem_shared>> -> memref<320xf32, #tpu.memory_space<vmem_shared>>
      %dma_start3A_246 = tpu.memref_slice %arg16[%run_scoped3A_63, %mul3A_12] : memref<16x5120xf32, #tpu.memory_space<vmem_shared>> -> memref<1x320xf32, #tpu.memory_space<vmem_shared>>
      %dma_start3A_247 = tpu.memref_squeeze %dma_start3A_246 : memref<1x320xf32, #tpu.memory_space<vmem_shared>> -> memref<320xf32, #tpu.memory_space<vmem_shared>>
      tpu.enqueue_dma source(%dma_start3A_247 : memref<320xf32, #tpu.memory_space<vmem_shared>>) target(%arg13 : memref<320xf32, #tpu.memory_space<vmem>>) target_semaphore(%run_scoped3A_244 : memref<!tpu.dma_semaphore, #tpu.memory_space<semaphore_mem>>)
      %dma_wait3A = tpu.memref_slice %arg16[%run_scoped3A_63, %mul3A_12] : memref<16x5120xf32, #tpu.memory_space<vmem_shared>> -> memref<1x320xf32, #tpu.memory_space<vmem_shared>>
      %dma_wait3A_248 = tpu.memref_squeeze %dma_wait3A : memref<1x320xf32, #tpu.memory_space<vmem_shared>> -> memref<320xf32, #tpu.memory_space<vmem_shared>>
      %dma_wait3A_249 = tpu.memref_slice %arg16[%run_scoped3A_63, %mul3A_12] : memref<16x5120xf32, #tpu.memory_space<vmem_shared>> -> memref<1x320xf32, #tpu.memory_space<vmem_shared>>
      %dma_wait3A_250 = tpu.memref_squeeze %dma_wait3A_249 : memref<1x320xf32, #tpu.memory_space<vmem_shared>> -> memref<320xf32, #tpu.memory_space<vmem_shared>>
      tpu.wait_dma2 semaphore(%run_scoped3A_244 : memref<!tpu.dma_semaphore, #tpu.memory_space<semaphore_mem>>) src(%dma_wait3A_250 : memref<320xf32, #tpu.memory_space<vmem_shared>>) dst(%arg13 : memref<320xf32, #tpu.memory_space<vmem>>)
      tpu.yield
    }) : () -> ()
    %scan3A_64 = arith.constant 0 : i32
    %scan3A_65 = arith.constant 0 : i32
    %scan3A_66 = arith.constant 20 : i32
    %scan3A_67 = arith.addi %scan3A_65, %scan3A_66 : i32
    %scan3A_68 = arith.constant 1 : i32
    scf.for %scan3A_244 = %scan3A_65 to %scan3A_67 step %scan3A_68  : i32 {
      %mul3A_245 = arith.constant 16 : i32
      %mul3A_246 = arith.muli %scan3A_244, %mul3A_245 : i32
      %get3A_247 = arith.index_cast %mul3A_246 : i32 to index
      %get3A_248 = tpu.vector_load %arg12[%get3A_247] {strides = array<i32>} : memref<320xf32, #tpu.memory_space<vmem>>, vector<16xf32>,
      %get3A_249 = arith.index_cast %mul3A_246 : i32 to index
      %get3A_250 = tpu.vector_load %arg13[%get3A_249] {strides = array<i32>} : memref<320xf32, #tpu.memory_space<vmem>>, vector<16xf32>,
      %add3A_251 = arith.addf %get3A_248, %get3A_250 : vector<16xf32>
      %swap3A = arith.index_cast %mul3A_246 : i32 to index
      %swap3A_252 = tpu.vector_load %arg12[%swap3A] {strides = array<i32>} : memref<320xf32, #tpu.memory_space<vmem>>, vector<16xf32>,
      tpu.vector_store %arg12[%swap3A], %add3A_251 {strides = array<i32>} : memref<320xf32, #tpu.memory_space<vmem>>, vector<16xf32>,
    }
    %scan3A_69 = arith.constant 20 : i32
    %run_scoped3A_70 = arith.constant 9 : i32
    "tpu.region"() ({
      %run_scoped3A_244 = tpu.sem_alloc : memref<!tpu.dma_semaphore, #tpu.memory_space<semaphore_mem>>
      %dma_start3A = tpu.memref_slice %arg16[%run_scoped3A_70, %mul3A_12] : memref<16x5120xf32, #tpu.memory_space<vmem_shared>> -> memref<1x320xf32, #tpu.memory_space<vmem_shared>>
      %dma_start3A_245 = tpu.memref_squeeze %dma_start3A : memref<1x320xf32, #tpu.memory_space<vmem_shared>> -> memref<320xf32, #tpu.memory_space<vmem_shared>>
      %dma_start3A_246 = tpu.memref_slice %arg16[%run_scoped3A_70, %mul3A_12] : memref<16x5120xf32, #tpu.memory_space<vmem_shared>> -> memref<1x320xf32, #tpu.memory_space<vmem_shared>>
      %dma_start3A_247 = tpu.memref_squeeze %dma_start3A_246 : memref<1x320xf32, #tpu.memory_space<vmem_shared>> -> memref<320xf32, #tpu.memory_space<vmem_shared>>
      tpu.enqueue_dma source(%dma_start3A_247 : memref<320xf32, #tpu.memory_space<vmem_shared>>) target(%arg13 : memref<320xf32, #tpu.memory_space<vmem>>) target_semaphore(%run_scoped3A_244 : memref<!tpu.dma_semaphore, #tpu.memory_space<semaphore_mem>>)
      %dma_wait3A = tpu.memref_slice %arg16[%run_scoped3A_70, %mul3A_12] : memref<16x5120xf32, #tpu.memory_space<vmem_shared>> -> memref<1x320xf32, #tpu.memory_space<vmem_shared>>
      %dma_wait3A_248 = tpu.memref_squeeze %dma_wait3A : memref<1x320xf32, #tpu.memory_space<vmem_shared>> -> memref<320xf32, #tpu.memory_space<vmem_shared>>
      %dma_wait3A_249 = tpu.memref_slice %arg16[%run_scoped3A_70, %mul3A_12] : memref<16x5120xf32, #tpu.memory_space<vmem_shared>> -> memref<1x320xf32, #tpu.memory_space<vmem_shared>>
      %dma_wait3A_250 = tpu.memref_squeeze %dma_wait3A_249 : memref<1x320xf32, #tpu.memory_space<vmem_shared>> -> memref<320xf32, #tpu.memory_space<vmem_shared>>
      tpu.wait_dma2 semaphore(%run_scoped3A_244 : memref<!tpu.dma_semaphore, #tpu.memory_space<semaphore_mem>>) src(%dma_wait3A_250 : memref<320xf32, #tpu.memory_space<vmem_shared>>) dst(%arg13 : memref<320xf32, #tpu.memory_space<vmem>>)
      tpu.yield
    }) : () -> ()
    %scan3A_71 = arith.constant 0 : i32
    %scan3A_72 = arith.constant 0 : i32
    %scan3A_73 = arith.constant 20 : i32
    %scan3A_74 = arith.addi %scan3A_72, %scan3A_73 : i32
    %scan3A_75 = arith.constant 1 : i32
    scf.for %scan3A_244 = %scan3A_72 to %scan3A_74 step %scan3A_75  : i32 {
      %mul3A_245 = arith.constant 16 : i32
      %mul3A_246 = arith.muli %scan3A_244, %mul3A_245 : i32
      %get3A_247 = arith.index_cast %mul3A_246 : i32 to index
      %get3A_248 = tpu.vector_load %arg12[%get3A_247] {strides = array<i32>} : memref<320xf32, #tpu.memory_space<vmem>>, vector<16xf32>,
      %get3A_249 = arith.index_cast %mul3A_246 : i32 to index
      %get3A_250 = tpu.vector_load %arg13[%get3A_249] {strides = array<i32>} : memref<320xf32, #tpu.memory_space<vmem>>, vector<16xf32>,
      %add3A_251 = arith.addf %get3A_248, %get3A_250 : vector<16xf32>
      %swap3A = arith.index_cast %mul3A_246 : i32 to index
      %swap3A_252 = tpu.vector_load %arg12[%swap3A] {strides = array<i32>} : memref<320xf32, #tpu.memory_space<vmem>>, vector<16xf32>,
      tpu.vector_store %arg12[%swap3A], %add3A_251 {strides = array<i32>} : memref<320xf32, #tpu.memory_space<vmem>>, vector<16xf32>,
    }
    %scan3A_76 = arith.constant 20 : i32
    %run_scoped3A_77 = arith.constant 10 : i32
    "tpu.region"() ({
      %run_scoped3A_244 = tpu.sem_alloc : memref<!tpu.dma_semaphore, #tpu.memory_space<semaphore_mem>>
      %dma_start3A = tpu.memref_slice %arg16[%run_scoped3A_77, %mul3A_12] : memref<16x5120xf32, #tpu.memory_space<vmem_shared>> -> memref<1x320xf32, #tpu.memory_space<vmem_shared>>
      %dma_start3A_245 = tpu.memref_squeeze %dma_start3A : memref<1x320xf32, #tpu.memory_space<vmem_shared>> -> memref<320xf32, #tpu.memory_space<vmem_shared>>
      %dma_start3A_246 = tpu.memref_slice %arg16[%run_scoped3A_77, %mul3A_12] : memref<16x5120xf32, #tpu.memory_space<vmem_shared>> -> memref<1x320xf32, #tpu.memory_space<vmem_shared>>
      %dma_start3A_247 = tpu.memref_squeeze %dma_start3A_246 : memref<1x320xf32, #tpu.memory_space<vmem_shared>> -> memref<320xf32, #tpu.memory_space<vmem_shared>>
      tpu.enqueue_dma source(%dma_start3A_247 : memref<320xf32, #tpu.memory_space<vmem_shared>>) target(%arg13 : memref<320xf32, #tpu.memory_space<vmem>>) target_semaphore(%run_scoped3A_244 : memref<!tpu.dma_semaphore, #tpu.memory_space<semaphore_mem>>)
      %dma_wait3A = tpu.memref_slice %arg16[%run_scoped3A_77, %mul3A_12] : memref<16x5120xf32, #tpu.memory_space<vmem_shared>> -> memref<1x320xf32, #tpu.memory_space<vmem_shared>>
      %dma_wait3A_248 = tpu.memref_squeeze %dma_wait3A : memref<1x320xf32, #tpu.memory_space<vmem_shared>> -> memref<320xf32, #tpu.memory_space<vmem_shared>>
      %dma_wait3A_249 = tpu.memref_slice %arg16[%run_scoped3A_77, %mul3A_12] : memref<16x5120xf32, #tpu.memory_space<vmem_shared>> -> memref<1x320xf32, #tpu.memory_space<vmem_shared>>
      %dma_wait3A_250 = tpu.memref_squeeze %dma_wait3A_249 : memref<1x320xf32, #tpu.memory_space<vmem_shared>> -> memref<320xf32, #tpu.memory_space<vmem_shared>>
      tpu.wait_dma2 semaphore(%run_scoped3A_244 : memref<!tpu.dma_semaphore, #tpu.memory_space<semaphore_mem>>) src(%dma_wait3A_250 : memref<320xf32, #tpu.memory_space<vmem_shared>>) dst(%arg13 : memref<320xf32, #tpu.memory_space<vmem>>)
      tpu.yield
    }) : () -> ()
    %scan3A_78 = arith.constant 0 : i32
    %scan3A_79 = arith.constant 0 : i32
    %scan3A_80 = arith.constant 20 : i32
    %scan3A_81 = arith.addi %scan3A_79, %scan3A_80 : i32
    %scan3A_82 = arith.constant 1 : i32
    scf.for %scan3A_244 = %scan3A_79 to %scan3A_81 step %scan3A_82  : i32 {
      %mul3A_245 = arith.constant 16 : i32
      %mul3A_246 = arith.muli %scan3A_244, %mul3A_245 : i32
      %get3A_247 = arith.index_cast %mul3A_246 : i32 to index
      %get3A_248 = tpu.vector_load %arg12[%get3A_247] {strides = array<i32>} : memref<320xf32, #tpu.memory_space<vmem>>, vector<16xf32>,
      %get3A_249 = arith.index_cast %mul3A_246 : i32 to index
      %get3A_250 = tpu.vector_load %arg13[%get3A_249] {strides = array<i32>} : memref<320xf32, #tpu.memory_space<vmem>>, vector<16xf32>,
      %add3A_251 = arith.addf %get3A_248, %get3A_250 : vector<16xf32>
      %swap3A = arith.index_cast %mul3A_246 : i32 to index
      %swap3A_252 = tpu.vector_load %arg12[%swap3A] {strides = array<i32>} : memref<320xf32, #tpu.memory_space<vmem>>, vector<16xf32>,
      tpu.vector_store %arg12[%swap3A], %add3A_251 {strides = array<i32>} : memref<320xf32, #tpu.memory_space<vmem>>, vector<16xf32>,
    }
    %scan3A_83 = arith.constant 20 : i32
    %run_scoped3A_84 = arith.constant 11 : i32
    "tpu.region"() ({
      %run_scoped3A_244 = tpu.sem_alloc : memref<!tpu.dma_semaphore, #tpu.memory_space<semaphore_mem>>
      %dma_start3A = tpu.memref_slice %arg16[%run_scoped3A_84, %mul3A_12] : memref<16x5120xf32, #tpu.memory_space<vmem_shared>> -> memref<1x320xf32, #tpu.memory_space<vmem_shared>>
      %dma_start3A_245 = tpu.memref_squeeze %dma_start3A : memref<1x320xf32, #tpu.memory_space<vmem_shared>> -> memref<320xf32, #tpu.memory_space<vmem_shared>>
      %dma_start3A_246 = tpu.memref_slice %arg16[%run_scoped3A_84, %mul3A_12] : memref<16x5120xf32, #tpu.memory_space<vmem_shared>> -> memref<1x320xf32, #tpu.memory_space<vmem_shared>>
      %dma_start3A_247 = tpu.memref_squeeze %dma_start3A_246 : memref<1x320xf32, #tpu.memory_space<vmem_shared>> -> memref<320xf32, #tpu.memory_space<vmem_shared>>
      tpu.enqueue_dma source(%dma_start3A_247 : memref<320xf32, #tpu.memory_space<vmem_shared>>) target(%arg13 : memref<320xf32, #tpu.memory_space<vmem>>) target_semaphore(%run_scoped3A_244 : memref<!tpu.dma_semaphore, #tpu.memory_space<semaphore_mem>>)
      %dma_wait3A = tpu.memref_slice %arg16[%run_scoped3A_84, %mul3A_12] : memref<16x5120xf32, #tpu.memory_space<vmem_shared>> -> memref<1x320xf32, #tpu.memory_space<vmem_shared>>
      %dma_wait3A_248 = tpu.memref_squeeze %dma_wait3A : memref<1x320xf32, #tpu.memory_space<vmem_shared>> -> memref<320xf32, #tpu.memory_space<vmem_shared>>
      %dma_wait3A_249 = tpu.memref_slice %arg16[%run_scoped3A_84, %mul3A_12] : memref<16x5120xf32, #tpu.memory_space<vmem_shared>> -> memref<1x320xf32, #tpu.memory_space<vmem_shared>>
      %dma_wait3A_250 = tpu.memref_squeeze %dma_wait3A_249 : memref<1x320xf32, #tpu.memory_space<vmem_shared>> -> memref<320xf32, #tpu.memory_space<vmem_shared>>
      tpu.wait_dma2 semaphore(%run_scoped3A_244 : memref<!tpu.dma_semaphore, #tpu.memory_space<semaphore_mem>>) src(%dma_wait3A_250 : memref<320xf32, #tpu.memory_space<vmem_shared>>) dst(%arg13 : memref<320xf32, #tpu.memory_space<vmem>>)
      tpu.yield
    }) : () -> ()
    %scan3A_85 = arith.constant 0 : i32
    %scan3A_86 = arith.constant 0 : i32
    %scan3A_87 = arith.constant 20 : i32
    %scan3A_88 = arith.addi %scan3A_86, %scan3A_87 : i32
    %scan3A_89 = arith.constant 1 : i32
    scf.for %scan3A_244 = %scan3A_86 to %scan3A_88 step %scan3A_89  : i32 {
      %mul3A_245 = arith.constant 16 : i32
      %mul3A_246 = arith.muli %scan3A_244, %mul3A_245 : i32
      %get3A_247 = arith.index_cast %mul3A_246 : i32 to index
      %get3A_248 = tpu.vector_load %arg12[%get3A_247] {strides = array<i32>} : memref<320xf32, #tpu.memory_space<vmem>>, vector<16xf32>,
      %get3A_249 = arith.index_cast %mul3A_246 : i32 to index
      %get3A_250 = tpu.vector_load %arg13[%get3A_249] {strides = array<i32>} : memref<320xf32, #tpu.memory_space<vmem>>, vector<16xf32>,
      %add3A_251 = arith.addf %get3A_248, %get3A_250 : vector<16xf32>
      %swap3A = arith.index_cast %mul3A_246 : i32 to index
      %swap3A_252 = tpu.vector_load %arg12[%swap3A] {strides = array<i32>} : memref<320xf32, #tpu.memory_space<vmem>>, vector<16xf32>,
      tpu.vector_store %arg12[%swap3A], %add3A_251 {strides = array<i32>} : memref<320xf32, #tpu.memory_space<vmem>>, vector<16xf32>,
    }
    %scan3A_90 = arith.constant 20 : i32
    %run_scoped3A_91 = arith.constant 12 : i32
    "tpu.region"() ({
      %run_scoped3A_244 = tpu.sem_alloc : memref<!tpu.dma_semaphore, #tpu.memory_space<semaphore_mem>>
      %dma_start3A = tpu.memref_slice %arg16[%run_scoped3A_91, %mul3A_12] : memref<16x5120xf32, #tpu.memory_space<vmem_shared>> -> memref<1x320xf32, #tpu.memory_space<vmem_shared>>
      %dma_start3A_245 = tpu.memref_squeeze %dma_start3A : memref<1x320xf32, #tpu.memory_space<vmem_shared>> -> memref<320xf32, #tpu.memory_space<vmem_shared>>
      %dma_start3A_246 = tpu.memref_slice %arg16[%run_scoped3A_91, %mul3A_12] : memref<16x5120xf32, #tpu.memory_space<vmem_shared>> -> memref<1x320xf32, #tpu.memory_space<vmem_shared>>
      %dma_start3A_247 = tpu.memref_squeeze %dma_start3A_246 : memref<1x320xf32, #tpu.memory_space<vmem_shared>> -> memref<320xf32, #tpu.memory_space<vmem_shared>>
      tpu.enqueue_dma source(%dma_start3A_247 : memref<320xf32, #tpu.memory_space<vmem_shared>>) target(%arg13 : memref<320xf32, #tpu.memory_space<vmem>>) target_semaphore(%run_scoped3A_244 : memref<!tpu.dma_semaphore, #tpu.memory_space<semaphore_mem>>)
      %dma_wait3A = tpu.memref_slice %arg16[%run_scoped3A_91, %mul3A_12] : memref<16x5120xf32, #tpu.memory_space<vmem_shared>> -> memref<1x320xf32, #tpu.memory_space<vmem_shared>>
      %dma_wait3A_248 = tpu.memref_squeeze %dma_wait3A : memref<1x320xf32, #tpu.memory_space<vmem_shared>> -> memref<320xf32, #tpu.memory_space<vmem_shared>>
      %dma_wait3A_249 = tpu.memref_slice %arg16[%run_scoped3A_91, %mul3A_12] : memref<16x5120xf32, #tpu.memory_space<vmem_shared>> -> memref<1x320xf32, #tpu.memory_space<vmem_shared>>
      %dma_wait3A_250 = tpu.memref_squeeze %dma_wait3A_249 : memref<1x320xf32, #tpu.memory_space<vmem_shared>> -> memref<320xf32, #tpu.memory_space<vmem_shared>>
      tpu.wait_dma2 semaphore(%run_scoped3A_244 : memref<!tpu.dma_semaphore, #tpu.memory_space<semaphore_mem>>) src(%dma_wait3A_250 : memref<320xf32, #tpu.memory_space<vmem_shared>>) dst(%arg13 : memref<320xf32, #tpu.memory_space<vmem>>)
      tpu.yield
    }) : () -> ()
    %scan3A_92 = arith.constant 0 : i32
    %scan3A_93 = arith.constant 0 : i32
    %scan3A_94 = arith.constant 20 : i32
    %scan3A_95 = arith.addi %scan3A_93, %scan3A_94 : i32
    %scan3A_96 = arith.constant 1 : i32
    scf.for %scan3A_244 = %scan3A_93 to %scan3A_95 step %scan3A_96  : i32 {
      %mul3A_245 = arith.constant 16 : i32
      %mul3A_246 = arith.muli %scan3A_244, %mul3A_245 : i32
      %get3A_247 = arith.index_cast %mul3A_246 : i32 to index
      %get3A_248 = tpu.vector_load %arg12[%get3A_247] {strides = array<i32>} : memref<320xf32, #tpu.memory_space<vmem>>, vector<16xf32>,
      %get3A_249 = arith.index_cast %mul3A_246 : i32 to index
      %get3A_250 = tpu.vector_load %arg13[%get3A_249] {strides = array<i32>} : memref<320xf32, #tpu.memory_space<vmem>>, vector<16xf32>,
      %add3A_251 = arith.addf %get3A_248, %get3A_250 : vector<16xf32>
      %swap3A = arith.index_cast %mul3A_246 : i32 to index
      %swap3A_252 = tpu.vector_load %arg12[%swap3A] {strides = array<i32>} : memref<320xf32, #tpu.memory_space<vmem>>, vector<16xf32>,
      tpu.vector_store %arg12[%swap3A], %add3A_251 {strides = array<i32>} : memref<320xf32, #tpu.memory_space<vmem>>, vector<16xf32>,
    }
    %scan3A_97 = arith.constant 20 : i32
    %run_scoped3A_98 = arith.constant 13 : i32
    "tpu.region"() ({
      %run_scoped3A_244 = tpu.sem_alloc : memref<!tpu.dma_semaphore, #tpu.memory_space<semaphore_mem>>
      %dma_start3A = tpu.memref_slice %arg16[%run_scoped3A_98, %mul3A_12] : memref<16x5120xf32, #tpu.memory_space<vmem_shared>> -> memref<1x320xf32, #tpu.memory_space<vmem_shared>>
      %dma_start3A_245 = tpu.memref_squeeze %dma_start3A : memref<1x320xf32, #tpu.memory_space<vmem_shared>> -> memref<320xf32, #tpu.memory_space<vmem_shared>>
      %dma_start3A_246 = tpu.memref_slice %arg16[%run_scoped3A_98, %mul3A_12] : memref<16x5120xf32, #tpu.memory_space<vmem_shared>> -> memref<1x320xf32, #tpu.memory_space<vmem_shared>>
      %dma_start3A_247 = tpu.memref_squeeze %dma_start3A_246 : memref<1x320xf32, #tpu.memory_space<vmem_shared>> -> memref<320xf32, #tpu.memory_space<vmem_shared>>
      tpu.enqueue_dma source(%dma_start3A_247 : memref<320xf32, #tpu.memory_space<vmem_shared>>) target(%arg13 : memref<320xf32, #tpu.memory_space<vmem>>) target_semaphore(%run_scoped3A_244 : memref<!tpu.dma_semaphore, #tpu.memory_space<semaphore_mem>>)
      %dma_wait3A = tpu.memref_slice %arg16[%run_scoped3A_98, %mul3A_12] : memref<16x5120xf32, #tpu.memory_space<vmem_shared>> -> memref<1x320xf32, #tpu.memory_space<vmem_shared>>
      %dma_wait3A_248 = tpu.memref_squeeze %dma_wait3A : memref<1x320xf32, #tpu.memory_space<vmem_shared>> -> memref<320xf32, #tpu.memory_space<vmem_shared>>
      %dma_wait3A_249 = tpu.memref_slice %arg16[%run_scoped3A_98, %mul3A_12] : memref<16x5120xf32, #tpu.memory_space<vmem_shared>> -> memref<1x320xf32, #tpu.memory_space<vmem_shared>>
      %dma_wait3A_250 = tpu.memref_squeeze %dma_wait3A_249 : memref<1x320xf32, #tpu.memory_space<vmem_shared>> -> memref<320xf32, #tpu.memory_space<vmem_shared>>
      tpu.wait_dma2 semaphore(%run_scoped3A_244 : memref<!tpu.dma_semaphore, #tpu.memory_space<semaphore_mem>>) src(%dma_wait3A_250 : memref<320xf32, #tpu.memory_space<vmem_shared>>) dst(%arg13 : memref<320xf32, #tpu.memory_space<vmem>>)
      tpu.yield
    }) : () -> ()
    %scan3A_99 = arith.constant 0 : i32
    %scan3A_100 = arith.constant 0 : i32
    %scan3A_101 = arith.constant 20 : i32
    %scan3A_102 = arith.addi %scan3A_100, %scan3A_101 : i32
    %scan3A_103 = arith.constant 1 : i32
    scf.for %scan3A_244 = %scan3A_100 to %scan3A_102 step %scan3A_103  : i32 {
      %mul3A_245 = arith.constant 16 : i32
      %mul3A_246 = arith.muli %scan3A_244, %mul3A_245 : i32
      %get3A_247 = arith.index_cast %mul3A_246 : i32 to index
      %get3A_248 = tpu.vector_load %arg12[%get3A_247] {strides = array<i32>} : memref<320xf32, #tpu.memory_space<vmem>>, vector<16xf32>,
      %get3A_249 = arith.index_cast %mul3A_246 : i32 to index
      %get3A_250 = tpu.vector_load %arg13[%get3A_249] {strides = array<i32>} : memref<320xf32, #tpu.memory_space<vmem>>, vector<16xf32>,
      %add3A_251 = arith.addf %get3A_248, %get3A_250 : vector<16xf32>
      %swap3A = arith.index_cast %mul3A_246 : i32 to index
      %swap3A_252 = tpu.vector_load %arg12[%swap3A] {strides = array<i32>} : memref<320xf32, #tpu.memory_space<vmem>>, vector<16xf32>,
      tpu.vector_store %arg12[%swap3A], %add3A_251 {strides = array<i32>} : memref<320xf32, #tpu.memory_space<vmem>>, vector<16xf32>,
    }
    %scan3A_104 = arith.constant 20 : i32
    %run_scoped3A_105 = arith.constant 14 : i32
    "tpu.region"() ({
      %run_scoped3A_244 = tpu.sem_alloc : memref<!tpu.dma_semaphore, #tpu.memory_space<semaphore_mem>>
      %dma_start3A = tpu.memref_slice %arg16[%run_scoped3A_105, %mul3A_12] : memref<16x5120xf32, #tpu.memory_space<vmem_shared>> -> memref<1x320xf32, #tpu.memory_space<vmem_shared>>
      %dma_start3A_245 = tpu.memref_squeeze %dma_start3A : memref<1x320xf32, #tpu.memory_space<vmem_shared>> -> memref<320xf32, #tpu.memory_space<vmem_shared>>
      %dma_start3A_246 = tpu.memref_slice %arg16[%run_scoped3A_105, %mul3A_12] : memref<16x5120xf32, #tpu.memory_space<vmem_shared>> -> memref<1x320xf32, #tpu.memory_space<vmem_shared>>
      %dma_start3A_247 = tpu.memref_squeeze %dma_start3A_246 : memref<1x320xf32, #tpu.memory_space<vmem_shared>> -> memref<320xf32, #tpu.memory_space<vmem_shared>>
      tpu.enqueue_dma source(%dma_start3A_247 : memref<320xf32, #tpu.memory_space<vmem_shared>>) target(%arg13 : memref<320xf32, #tpu.memory_space<vmem>>) target_semaphore(%run_scoped3A_244 : memref<!tpu.dma_semaphore, #tpu.memory_space<semaphore_mem>>)
      %dma_wait3A = tpu.memref_slice %arg16[%run_scoped3A_105, %mul3A_12] : memref<16x5120xf32, #tpu.memory_space<vmem_shared>> -> memref<1x320xf32, #tpu.memory_space<vmem_shared>>
      %dma_wait3A_248 = tpu.memref_squeeze %dma_wait3A : memref<1x320xf32, #tpu.memory_space<vmem_shared>> -> memref<320xf32, #tpu.memory_space<vmem_shared>>
      %dma_wait3A_249 = tpu.memref_slice %arg16[%run_scoped3A_105, %mul3A_12] : memref<16x5120xf32, #tpu.memory_space<vmem_shared>> -> memref<1x320xf32, #tpu.memory_space<vmem_shared>>
      %dma_wait3A_250 = tpu.memref_squeeze %dma_wait3A_249 : memref<1x320xf32, #tpu.memory_space<vmem_shared>> -> memref<320xf32, #tpu.memory_space<vmem_shared>>
      tpu.wait_dma2 semaphore(%run_scoped3A_244 : memref<!tpu.dma_semaphore, #tpu.memory_space<semaphore_mem>>) src(%dma_wait3A_250 : memref<320xf32, #tpu.memory_space<vmem_shared>>) dst(%arg13 : memref<320xf32, #tpu.memory_space<vmem>>)
      tpu.yield
    }) : () -> ()
    %scan3A_106 = arith.constant 0 : i32
    %scan3A_107 = arith.constant 0 : i32
    %scan3A_108 = arith.constant 20 : i32
    %scan3A_109 = arith.addi %scan3A_107, %scan3A_108 : i32
    %scan3A_110 = arith.constant 1 : i32
    scf.for %scan3A_244 = %scan3A_107 to %scan3A_109 step %scan3A_110  : i32 {
      %mul3A_245 = arith.constant 16 : i32
      %mul3A_246 = arith.muli %scan3A_244, %mul3A_245 : i32
      %get3A_247 = arith.index_cast %mul3A_246 : i32 to index
      %get3A_248 = tpu.vector_load %arg12[%get3A_247] {strides = array<i32>} : memref<320xf32, #tpu.memory_space<vmem>>, vector<16xf32>,
      %get3A_249 = arith.index_cast %mul3A_246 : i32 to index
      %get3A_250 = tpu.vector_load %arg13[%get3A_249] {strides = array<i32>} : memref<320xf32, #tpu.memory_space<vmem>>, vector<16xf32>,
      %add3A_251 = arith.addf %get3A_248, %get3A_250 : vector<16xf32>
      %swap3A = arith.index_cast %mul3A_246 : i32 to index
      %swap3A_252 = tpu.vector_load %arg12[%swap3A] {strides = array<i32>} : memref<320xf32, #tpu.memory_space<vmem>>, vector<16xf32>,
      tpu.vector_store %arg12[%swap3A], %add3A_251 {strides = array<i32>} : memref<320xf32, #tpu.memory_space<vmem>>, vector<16xf32>,
    }
    %scan3A_111 = arith.constant 20 : i32
    %run_scoped3A_112 = arith.constant 15 : i32
    "tpu.region"() ({
      %run_scoped3A_244 = tpu.sem_alloc : memref<!tpu.dma_semaphore, #tpu.memory_space<semaphore_mem>>
      %dma_start3A = tpu.memref_slice %arg16[%run_scoped3A_112, %mul3A_12] : memref<16x5120xf32, #tpu.memory_space<vmem_shared>> -> memref<1x320xf32, #tpu.memory_space<vmem_shared>>
      %dma_start3A_245 = tpu.memref_squeeze %dma_start3A : memref<1x320xf32, #tpu.memory_space<vmem_shared>> -> memref<320xf32, #tpu.memory_space<vmem_shared>>
      %dma_start3A_246 = tpu.memref_slice %arg16[%run_scoped3A_112, %mul3A_12] : memref<16x5120xf32, #tpu.memory_space<vmem_shared>> -> memref<1x320xf32, #tpu.memory_space<vmem_shared>>
      %dma_start3A_247 = tpu.memref_squeeze %dma_start3A_246 : memref<1x320xf32, #tpu.memory_space<vmem_shared>> -> memref<320xf32, #tpu.memory_space<vmem_shared>>
      tpu.enqueue_dma source(%dma_start3A_247 : memref<320xf32, #tpu.memory_space<vmem_shared>>) target(%arg13 : memref<320xf32, #tpu.memory_space<vmem>>) target_semaphore(%run_scoped3A_244 : memref<!tpu.dma_semaphore, #tpu.memory_space<semaphore_mem>>)
      %dma_wait3A = tpu.memref_slice %arg16[%run_scoped3A_112, %mul3A_12] : memref<16x5120xf32, #tpu.memory_space<vmem_shared>> -> memref<1x320xf32, #tpu.memory_space<vmem_shared>>
      %dma_wait3A_248 = tpu.memref_squeeze %dma_wait3A : memref<1x320xf32, #tpu.memory_space<vmem_shared>> -> memref<320xf32, #tpu.memory_space<vmem_shared>>
      %dma_wait3A_249 = tpu.memref_slice %arg16[%run_scoped3A_112, %mul3A_12] : memref<16x5120xf32, #tpu.memory_space<vmem_shared>> -> memref<1x320xf32, #tpu.memory_space<vmem_shared>>
      %dma_wait3A_250 = tpu.memref_squeeze %dma_wait3A_249 : memref<1x320xf32, #tpu.memory_space<vmem_shared>> -> memref<320xf32, #tpu.memory_space<vmem_shared>>
      tpu.wait_dma2 semaphore(%run_scoped3A_244 : memref<!tpu.dma_semaphore, #tpu.memory_space<semaphore_mem>>) src(%dma_wait3A_250 : memref<320xf32, #tpu.memory_space<vmem_shared>>) dst(%arg13 : memref<320xf32, #tpu.memory_space<vmem>>)
      tpu.yield
    }) : () -> ()
    %scan3A_113 = arith.constant 0 : i32
    %scan3A_114 = arith.constant 0 : i32
    %scan3A_115 = arith.constant 20 : i32
    %scan3A_116 = arith.addi %scan3A_114, %scan3A_115 : i32
    %scan3A_117 = arith.constant 1 : i32
    scf.for %scan3A_244 = %scan3A_114 to %scan3A_116 step %scan3A_117  : i32 {
      %mul3A_245 = arith.constant 16 : i32
      %mul3A_246 = arith.muli %scan3A_244, %mul3A_245 : i32
      %get3A_247 = arith.index_cast %mul3A_246 : i32 to index
      %get3A_248 = tpu.vector_load %arg12[%get3A_247] {strides = array<i32>} : memref<320xf32, #tpu.memory_space<vmem>>, vector<16xf32>,
      %get3A_249 = arith.index_cast %mul3A_246 : i32 to index
      %get3A_250 = tpu.vector_load %arg13[%get3A_249] {strides = array<i32>} : memref<320xf32, #tpu.memory_space<vmem>>, vector<16xf32>,
      %add3A_251 = arith.addf %get3A_248, %get3A_250 : vector<16xf32>
      %swap3A = arith.index_cast %mul3A_246 : i32 to index
      %swap3A_252 = tpu.vector_load %arg12[%swap3A] {strides = array<i32>} : memref<320xf32, #tpu.memory_space<vmem>>, vector<16xf32>,
      tpu.vector_store %arg12[%swap3A], %add3A_251 {strides = array<i32>} : memref<320xf32, #tpu.memory_space<vmem>>, vector<16xf32>,
    }
    %scan3A_118 = arith.constant 20 : i32
    "tpu.region"() ({
      %run_scoped3A_244 = tpu.sem_alloc : memref<!tpu.dma_semaphore, #tpu.memory_space<semaphore_mem>>
      %dma_start3A = tpu.memref_slice %arg5[%add3A_13] : memref<10240xf32, #tpu.memory_space<hbm>> -> memref<320xf32, #tpu.memory_space<hbm>>
      %dma_start3A_245 = tpu.memref_slice %arg5[%add3A_13] : memref<10240xf32, #tpu.memory_space<hbm>> -> memref<320xf32, #tpu.memory_space<hbm>>
      tpu.enqueue_dma source(%dma_start3A_245 : memref<320xf32, #tpu.memory_space<hbm>>) target(%arg13 : memref<320xf32, #tpu.memory_space<vmem>>) target_semaphore(%run_scoped3A_244 : memref<!tpu.dma_semaphore, #tpu.memory_space<semaphore_mem>>)
      %dma_wait3A = tpu.memref_slice %arg5[%add3A_13] : memref<10240xf32, #tpu.memory_space<hbm>> -> memref<320xf32, #tpu.memory_space<hbm>>
      %dma_wait3A_246 = tpu.memref_slice %arg5[%add3A_13] : memref<10240xf32, #tpu.memory_space<hbm>> -> memref<320xf32, #tpu.memory_space<hbm>>
      tpu.wait_dma2 semaphore(%run_scoped3A_244 : memref<!tpu.dma_semaphore, #tpu.memory_space<semaphore_mem>>) src(%dma_wait3A_246 : memref<320xf32, #tpu.memory_space<hbm>>) dst(%arg13 : memref<320xf32, #tpu.memory_space<vmem>>)
      tpu.yield
    }) : () -> ()
    %scan3A_119 = arith.constant 0 : i32
    %scan3A_120 = arith.constant 0 : i32
    %scan3A_121 = arith.constant 20 : i32
    %scan3A_122 = arith.addi %scan3A_120, %scan3A_121 : i32
    %scan3A_123 = arith.constant 1 : i32
    scf.for %scan3A_244 = %scan3A_120 to %scan3A_122 step %scan3A_123  : i32 {
      %mul3A_245 = arith.constant 16 : i32
      %mul3A_246 = arith.muli %scan3A_244, %mul3A_245 : i32
      %get3A_247 = arith.index_cast %mul3A_246 : i32 to index
      %get3A_248 = tpu.vector_load %arg12[%get3A_247] {strides = array<i32>} : memref<320xf32, #tpu.memory_space<vmem>>, vector<16xf32>,
      %get3A_249 = arith.index_cast %mul3A_246 : i32 to index
      %get3A_250 = tpu.vector_load %arg13[%get3A_249] {strides = array<i32>} : memref<320xf32, #tpu.memory_space<vmem>>, vector<16xf32>,
      %mul3A_251 = arith.mulf %get3A_248, %get3A_250 : vector<16xf32>
      %add3A_252 = arith.addf %mul3A_251, %get3A_11 : vector<16xf32>
      %swap3A = arith.index_cast %mul3A_246 : i32 to index
      %swap3A_253 = tpu.vector_load %arg14[%swap3A] {strides = array<i32>} : memref<320xf32, #tpu.memory_space<vmem>>, vector<16xf32>,
      tpu.vector_store %arg14[%swap3A], %add3A_252 {strides = array<i32>} : memref<320xf32, #tpu.memory_space<vmem>>, vector<16xf32>,
    }
    %scan3A_124 = arith.constant 20 : i32
    "tpu.region"() ({
      %run_scoped3A_244 = tpu.sem_alloc : memref<!tpu.dma_semaphore, #tpu.memory_space<semaphore_mem>>
      %dma_start3A = tpu.memref_slice %arg7[%arg0, %add3A_13] : memref<2x10240xf32, #tpu.memory_space<hbm>> -> memref<1x320xf32, #tpu.memory_space<hbm>>
      %dma_start3A_245 = tpu.memref_squeeze %dma_start3A : memref<1x320xf32, #tpu.memory_space<hbm>> -> memref<320xf32, #tpu.memory_space<hbm>>
      %dma_start3A_246 = tpu.memref_slice %arg7[%arg0, %add3A_13] : memref<2x10240xf32, #tpu.memory_space<hbm>> -> memref<1x320xf32, #tpu.memory_space<hbm>>
      %dma_start3A_247 = tpu.memref_squeeze %dma_start3A_246 : memref<1x320xf32, #tpu.memory_space<hbm>> -> memref<320xf32, #tpu.memory_space<hbm>>
      tpu.enqueue_dma source(%arg14 : memref<320xf32, #tpu.memory_space<vmem>>) target(%dma_start3A_247 : memref<320xf32, #tpu.memory_space<hbm>>) target_semaphore(%run_scoped3A_244 : memref<!tpu.dma_semaphore, #tpu.memory_space<semaphore_mem>>)
      %dma_wait3A = tpu.memref_slice %arg7[%arg0, %add3A_13] : memref<2x10240xf32, #tpu.memory_space<hbm>> -> memref<1x320xf32, #tpu.memory_space<hbm>>
      %dma_wait3A_248 = tpu.memref_squeeze %dma_wait3A : memref<1x320xf32, #tpu.memory_space<hbm>> -> memref<320xf32, #tpu.memory_space<hbm>>
      %dma_wait3A_249 = tpu.memref_slice %arg7[%arg0, %add3A_13] : memref<2x10240xf32, #tpu.memory_space<hbm>> -> memref<1x320xf32, #tpu.memory_space<hbm>>
      %dma_wait3A_250 = tpu.memref_squeeze %dma_wait3A_249 : memref<1x320xf32, #tpu.memory_space<hbm>> -> memref<320xf32, #tpu.memory_space<hbm>>
      tpu.wait_dma2 semaphore(%run_scoped3A_244 : memref<!tpu.dma_semaphore, #tpu.memory_space<semaphore_mem>>) src(%arg14 : memref<320xf32, #tpu.memory_space<vmem>>) dst(%dma_wait3A_250 : memref<320xf32, #tpu.memory_space<hbm>>)
      tpu.yield
    }) : () -> ()
    %barrier3A_125 = arith.constant 0 : index
    tpu.barrier barrier_id(%barrier3A_125)
    "tpu.region"() ({
      %run_scoped3A_244 = tpu.sem_alloc : memref<!tpu.dma_semaphore, #tpu.memory_space<semaphore_mem>>
      %dma_start3A = arith.constant 5120 : i32
      %dma_start3A_245 = tpu.memref_slice %arg11[%dma_start3A] : memref<10240xf32, #tpu.memory_space<vmem>> -> memref<5120xf32, #tpu.memory_space<vmem>>
      %dma_start3A_246 = arith.constant 0 : i32
      %dma_start3A_247 = tpu.memref_slice %arg16[%arg1, %dma_start3A_246] : memref<16x5120xf32, #tpu.memory_space<vmem_shared>> -> memref<1x5120xf32, #tpu.memory_space<vmem_shared>>
      %dma_start3A_248 = tpu.memref_squeeze %dma_start3A_247 : memref<1x5120xf32, #tpu.memory_space<vmem_shared>> -> memref<5120xf32, #tpu.memory_space<vmem_shared>>
      %dma_start3A_249 = arith.constant 0 : i32
      %dma_start3A_250 = tpu.memref_slice %arg16[%arg1, %dma_start3A_249] : memref<16x5120xf32, #tpu.memory_space<vmem_shared>> -> memref<1x5120xf32, #tpu.memory_space<vmem_shared>>
      %dma_start3A_251 = tpu.memref_squeeze %dma_start3A_250 : memref<1x5120xf32, #tpu.memory_space<vmem_shared>> -> memref<5120xf32, #tpu.memory_space<vmem_shared>>
      %dma_start3A_252 = arith.constant 5120 : i32
      %dma_start3A_253 = tpu.memref_slice %arg11[%dma_start3A_252] : memref<10240xf32, #tpu.memory_space<vmem>> -> memref<5120xf32, #tpu.memory_space<vmem>>
      tpu.enqueue_dma source(%dma_start3A_253 : memref<5120xf32, #tpu.memory_space<vmem>>) target(%dma_start3A_251 : memref<5120xf32, #tpu.memory_space<vmem_shared>>) target_semaphore(%run_scoped3A_244 : memref<!tpu.dma_semaphore, #tpu.memory_space<semaphore_mem>>)
      %dma_wait3A = arith.constant 5120 : i32
      %dma_wait3A_254 = tpu.memref_slice %arg11[%dma_wait3A] : memref<10240xf32, #tpu.memory_space<vmem>> -> memref<5120xf32, #tpu.memory_space<vmem>>
      %dma_wait3A_255 = arith.constant 0 : i32
      %dma_wait3A_256 = tpu.memref_slice %arg16[%arg1, %dma_wait3A_255] : memref<16x5120xf32, #tpu.memory_space<vmem_shared>> -> memref<1x5120xf32, #tpu.memory_space<vmem_shared>>
      %dma_wait3A_257 = tpu.memref_squeeze %dma_wait3A_256 : memref<1x5120xf32, #tpu.memory_space<vmem_shared>> -> memref<5120xf32, #tpu.memory_space<vmem_shared>>
      %dma_wait3A_258 = arith.constant 0 : i32
      %dma_wait3A_259 = tpu.memref_slice %arg16[%arg1, %dma_wait3A_258] : memref<16x5120xf32, #tpu.memory_space<vmem_shared>> -> memref<1x5120xf32, #tpu.memory_space<vmem_shared>>
      %dma_wait3A_260 = tpu.memref_squeeze %dma_wait3A_259 : memref<1x5120xf32, #tpu.memory_space<vmem_shared>> -> memref<5120xf32, #tpu.memory_space<vmem_shared>>
      %dma_wait3A_261 = arith.constant 5120 : i32
      %dma_wait3A_262 = tpu.memref_slice %arg11[%dma_wait3A_261] : memref<10240xf32, #tpu.memory_space<vmem>> -> memref<5120xf32, #tpu.memory_space<vmem>>
      tpu.wait_dma2 semaphore(%run_scoped3A_244 : memref<!tpu.dma_semaphore, #tpu.memory_space<semaphore_mem>>) src(%dma_wait3A_262 : memref<5120xf32, #tpu.memory_space<vmem>>) dst(%dma_wait3A_260 : memref<5120xf32, #tpu.memory_space<vmem_shared>>)
      tpu.yield
    }) : () -> ()
    %barrier3A_126 = arith.constant 0 : index
    tpu.barrier barrier_id(%barrier3A_126)
    %mul3A_127 = arith.constant 320 : i32
    %mul3A_128 = arith.muli %arg1, %mul3A_127 : i32
    %add3A_129 = arith.constant 5120 : i32
    %add3A_130 = arith.addi %add3A_129, %mul3A_128 : i32
    %run_scoped3A_131 = arith.constant 0 : i32
    "tpu.region"() ({
      %run_scoped3A_244 = tpu.sem_alloc : memref<!tpu.dma_semaphore, #tpu.memory_space<semaphore_mem>>
      %dma_start3A = tpu.memref_slice %arg16[%run_scoped3A_131, %mul3A_128] : memref<16x5120xf32, #tpu.memory_space<vmem_shared>> -> memref<1x320xf32, #tpu.memory_space<vmem_shared>>
      %dma_start3A_245 = tpu.memref_squeeze %dma_start3A : memref<1x320xf32, #tpu.memory_space<vmem_shared>> -> memref<320xf32, #tpu.memory_space<vmem_shared>>
      %dma_start3A_246 = tpu.memref_slice %arg16[%run_scoped3A_131, %mul3A_128] : memref<16x5120xf32, #tpu.memory_space<vmem_shared>> -> memref<1x320xf32, #tpu.memory_space<vmem_shared>>
      %dma_start3A_247 = tpu.memref_squeeze %dma_start3A_246 : memref<1x320xf32, #tpu.memory_space<vmem_shared>> -> memref<320xf32, #tpu.memory_space<vmem_shared>>
      tpu.enqueue_dma source(%dma_start3A_247 : memref<320xf32, #tpu.memory_space<vmem_shared>>) target(%arg12 : memref<320xf32, #tpu.memory_space<vmem>>) target_semaphore(%run_scoped3A_244 : memref<!tpu.dma_semaphore, #tpu.memory_space<semaphore_mem>>)
      %dma_wait3A = tpu.memref_slice %arg16[%run_scoped3A_131, %mul3A_128] : memref<16x5120xf32, #tpu.memory_space<vmem_shared>> -> memref<1x320xf32, #tpu.memory_space<vmem_shared>>
      %dma_wait3A_248 = tpu.memref_squeeze %dma_wait3A : memref<1x320xf32, #tpu.memory_space<vmem_shared>> -> memref<320xf32, #tpu.memory_space<vmem_shared>>
      %dma_wait3A_249 = tpu.memref_slice %arg16[%run_scoped3A_131, %mul3A_128] : memref<16x5120xf32, #tpu.memory_space<vmem_shared>> -> memref<1x320xf32, #tpu.memory_space<vmem_shared>>
      %dma_wait3A_250 = tpu.memref_squeeze %dma_wait3A_249 : memref<1x320xf32, #tpu.memory_space<vmem_shared>> -> memref<320xf32, #tpu.memory_space<vmem_shared>>
      tpu.wait_dma2 semaphore(%run_scoped3A_244 : memref<!tpu.dma_semaphore, #tpu.memory_space<semaphore_mem>>) src(%dma_wait3A_250 : memref<320xf32, #tpu.memory_space<vmem_shared>>) dst(%arg12 : memref<320xf32, #tpu.memory_space<vmem>>)
      tpu.yield
    }) : () -> ()
    %run_scoped3A_132 = arith.constant 1 : i32
    "tpu.region"() ({
      %run_scoped3A_244 = tpu.sem_alloc : memref<!tpu.dma_semaphore, #tpu.memory_space<semaphore_mem>>
      %dma_start3A = tpu.memref_slice %arg16[%run_scoped3A_132, %mul3A_128] : memref<16x5120xf32, #tpu.memory_space<vmem_shared>> -> memref<1x320xf32, #tpu.memory_space<vmem_shared>>
      %dma_start3A_245 = tpu.memref_squeeze %dma_start3A : memref<1x320xf32, #tpu.memory_space<vmem_shared>> -> memref<320xf32, #tpu.memory_space<vmem_shared>>
      %dma_start3A_246 = tpu.memref_slice %arg16[%run_scoped3A_132, %mul3A_128] : memref<16x5120xf32, #tpu.memory_space<vmem_shared>> -> memref<1x320xf32, #tpu.memory_space<vmem_shared>>
      %dma_start3A_247 = tpu.memref_squeeze %dma_start3A_246 : memref<1x320xf32, #tpu.memory_space<vmem_shared>> -> memref<320xf32, #tpu.memory_space<vmem_shared>>
      tpu.enqueue_dma source(%dma_start3A_247 : memref<320xf32, #tpu.memory_space<vmem_shared>>) target(%arg13 : memref<320xf32, #tpu.memory_space<vmem>>) target_semaphore(%run_scoped3A_244 : memref<!tpu.dma_semaphore, #tpu.memory_space<semaphore_mem>>)
      %dma_wait3A = tpu.memref_slice %arg16[%run_scoped3A_132, %mul3A_128] : memref<16x5120xf32, #tpu.memory_space<vmem_shared>> -> memref<1x320xf32, #tpu.memory_space<vmem_shared>>
      %dma_wait3A_248 = tpu.memref_squeeze %dma_wait3A : memref<1x320xf32, #tpu.memory_space<vmem_shared>> -> memref<320xf32, #tpu.memory_space<vmem_shared>>
      %dma_wait3A_249 = tpu.memref_slice %arg16[%run_scoped3A_132, %mul3A_128] : memref<16x5120xf32, #tpu.memory_space<vmem_shared>> -> memref<1x320xf32, #tpu.memory_space<vmem_shared>>
      %dma_wait3A_250 = tpu.memref_squeeze %dma_wait3A_249 : memref<1x320xf32, #tpu.memory_space<vmem_shared>> -> memref<320xf32, #tpu.memory_space<vmem_shared>>
      tpu.wait_dma2 semaphore(%run_scoped3A_244 : memref<!tpu.dma_semaphore, #tpu.memory_space<semaphore_mem>>) src(%dma_wait3A_250 : memref<320xf32, #tpu.memory_space<vmem_shared>>) dst(%arg13 : memref<320xf32, #tpu.memory_space<vmem>>)
      tpu.yield
    }) : () -> ()
    %scan3A_133 = arith.constant 0 : i32
    %scan3A_134 = arith.constant 0 : i32
    %scan3A_135 = arith.constant 20 : i32
    %scan3A_136 = arith.addi %scan3A_134, %scan3A_135 : i32
    %scan3A_137 = arith.constant 1 : i32
    scf.for %scan3A_244 = %scan3A_134 to %scan3A_136 step %scan3A_137  : i32 {
      %mul3A_245 = arith.constant 16 : i32
      %mul3A_246 = arith.muli %scan3A_244, %mul3A_245 : i32
      %get3A_247 = arith.index_cast %mul3A_246 : i32 to index
      %get3A_248 = tpu.vector_load %arg12[%get3A_247] {strides = array<i32>} : memref<320xf32, #tpu.memory_space<vmem>>, vector<16xf32>,
      %get3A_249 = arith.index_cast %mul3A_246 : i32 to index
      %get3A_250 = tpu.vector_load %arg13[%get3A_249] {strides = array<i32>} : memref<320xf32, #tpu.memory_space<vmem>>, vector<16xf32>,
      %add3A_251 = arith.addf %get3A_248, %get3A_250 : vector<16xf32>
      %swap3A = arith.index_cast %mul3A_246 : i32 to index
      %swap3A_252 = tpu.vector_load %arg12[%swap3A] {strides = array<i32>} : memref<320xf32, #tpu.memory_space<vmem>>, vector<16xf32>,
      tpu.vector_store %arg12[%swap3A], %add3A_251 {strides = array<i32>} : memref<320xf32, #tpu.memory_space<vmem>>, vector<16xf32>,
    }
    %scan3A_138 = arith.constant 20 : i32
    %run_scoped3A_139 = arith.constant 2 : i32
    "tpu.region"() ({
      %run_scoped3A_244 = tpu.sem_alloc : memref<!tpu.dma_semaphore, #tpu.memory_space<semaphore_mem>>
      %dma_start3A = tpu.memref_slice %arg16[%run_scoped3A_139, %mul3A_128] : memref<16x5120xf32, #tpu.memory_space<vmem_shared>> -> memref<1x320xf32, #tpu.memory_space<vmem_shared>>
      %dma_start3A_245 = tpu.memref_squeeze %dma_start3A : memref<1x320xf32, #tpu.memory_space<vmem_shared>> -> memref<320xf32, #tpu.memory_space<vmem_shared>>
      %dma_start3A_246 = tpu.memref_slice %arg16[%run_scoped3A_139, %mul3A_128] : memref<16x5120xf32, #tpu.memory_space<vmem_shared>> -> memref<1x320xf32, #tpu.memory_space<vmem_shared>>
      %dma_start3A_247 = tpu.memref_squeeze %dma_start3A_246 : memref<1x320xf32, #tpu.memory_space<vmem_shared>> -> memref<320xf32, #tpu.memory_space<vmem_shared>>
      tpu.enqueue_dma source(%dma_start3A_247 : memref<320xf32, #tpu.memory_space<vmem_shared>>) target(%arg13 : memref<320xf32, #tpu.memory_space<vmem>>) target_semaphore(%run_scoped3A_244 : memref<!tpu.dma_semaphore, #tpu.memory_space<semaphore_mem>>)
      %dma_wait3A = tpu.memref_slice %arg16[%run_scoped3A_139, %mul3A_128] : memref<16x5120xf32, #tpu.memory_space<vmem_shared>> -> memref<1x320xf32, #tpu.memory_space<vmem_shared>>
      %dma_wait3A_248 = tpu.memref_squeeze %dma_wait3A : memref<1x320xf32, #tpu.memory_space<vmem_shared>> -> memref<320xf32, #tpu.memory_space<vmem_shared>>
      %dma_wait3A_249 = tpu.memref_slice %arg16[%run_scoped3A_139, %mul3A_128] : memref<16x5120xf32, #tpu.memory_space<vmem_shared>> -> memref<1x320xf32, #tpu.memory_space<vmem_shared>>
      %dma_wait3A_250 = tpu.memref_squeeze %dma_wait3A_249 : memref<1x320xf32, #tpu.memory_space<vmem_shared>> -> memref<320xf32, #tpu.memory_space<vmem_shared>>
      tpu.wait_dma2 semaphore(%run_scoped3A_244 : memref<!tpu.dma_semaphore, #tpu.memory_space<semaphore_mem>>) src(%dma_wait3A_250 : memref<320xf32, #tpu.memory_space<vmem_shared>>) dst(%arg13 : memref<320xf32, #tpu.memory_space<vmem>>)
      tpu.yield
    }) : () -> ()
    %scan3A_140 = arith.constant 0 : i32
    %scan3A_141 = arith.constant 0 : i32
    %scan3A_142 = arith.constant 20 : i32
    %scan3A_143 = arith.addi %scan3A_141, %scan3A_142 : i32
    %scan3A_144 = arith.constant 1 : i32
    scf.for %scan3A_244 = %scan3A_141 to %scan3A_143 step %scan3A_144  : i32 {
      %mul3A_245 = arith.constant 16 : i32
      %mul3A_246 = arith.muli %scan3A_244, %mul3A_245 : i32
      %get3A_247 = arith.index_cast %mul3A_246 : i32 to index
      %get3A_248 = tpu.vector_load %arg12[%get3A_247] {strides = array<i32>} : memref<320xf32, #tpu.memory_space<vmem>>, vector<16xf32>,
      %get3A_249 = arith.index_cast %mul3A_246 : i32 to index
      %get3A_250 = tpu.vector_load %arg13[%get3A_249] {strides = array<i32>} : memref<320xf32, #tpu.memory_space<vmem>>, vector<16xf32>,
      %add3A_251 = arith.addf %get3A_248, %get3A_250 : vector<16xf32>
      %swap3A = arith.index_cast %mul3A_246 : i32 to index
      %swap3A_252 = tpu.vector_load %arg12[%swap3A] {strides = array<i32>} : memref<320xf32, #tpu.memory_space<vmem>>, vector<16xf32>,
      tpu.vector_store %arg12[%swap3A], %add3A_251 {strides = array<i32>} : memref<320xf32, #tpu.memory_space<vmem>>, vector<16xf32>,
    }
    %scan3A_145 = arith.constant 20 : i32
    %run_scoped3A_146 = arith.constant 3 : i32
    "tpu.region"() ({
      %run_scoped3A_244 = tpu.sem_alloc : memref<!tpu.dma_semaphore, #tpu.memory_space<semaphore_mem>>
      %dma_start3A = tpu.memref_slice %arg16[%run_scoped3A_146, %mul3A_128] : memref<16x5120xf32, #tpu.memory_space<vmem_shared>> -> memref<1x320xf32, #tpu.memory_space<vmem_shared>>
      %dma_start3A_245 = tpu.memref_squeeze %dma_start3A : memref<1x320xf32, #tpu.memory_space<vmem_shared>> -> memref<320xf32, #tpu.memory_space<vmem_shared>>
      %dma_start3A_246 = tpu.memref_slice %arg16[%run_scoped3A_146, %mul3A_128] : memref<16x5120xf32, #tpu.memory_space<vmem_shared>> -> memref<1x320xf32, #tpu.memory_space<vmem_shared>>
      %dma_start3A_247 = tpu.memref_squeeze %dma_start3A_246 : memref<1x320xf32, #tpu.memory_space<vmem_shared>> -> memref<320xf32, #tpu.memory_space<vmem_shared>>
      tpu.enqueue_dma source(%dma_start3A_247 : memref<320xf32, #tpu.memory_space<vmem_shared>>) target(%arg13 : memref<320xf32, #tpu.memory_space<vmem>>) target_semaphore(%run_scoped3A_244 : memref<!tpu.dma_semaphore, #tpu.memory_space<semaphore_mem>>)
      %dma_wait3A = tpu.memref_slice %arg16[%run_scoped3A_146, %mul3A_128] : memref<16x5120xf32, #tpu.memory_space<vmem_shared>> -> memref<1x320xf32, #tpu.memory_space<vmem_shared>>
      %dma_wait3A_248 = tpu.memref_squeeze %dma_wait3A : memref<1x320xf32, #tpu.memory_space<vmem_shared>> -> memref<320xf32, #tpu.memory_space<vmem_shared>>
      %dma_wait3A_249 = tpu.memref_slice %arg16[%run_scoped3A_146, %mul3A_128] : memref<16x5120xf32, #tpu.memory_space<vmem_shared>> -> memref<1x320xf32, #tpu.memory_space<vmem_shared>>
      %dma_wait3A_250 = tpu.memref_squeeze %dma_wait3A_249 : memref<1x320xf32, #tpu.memory_space<vmem_shared>> -> memref<320xf32, #tpu.memory_space<vmem_shared>>
      tpu.wait_dma2 semaphore(%run_scoped3A_244 : memref<!tpu.dma_semaphore, #tpu.memory_space<semaphore_mem>>) src(%dma_wait3A_250 : memref<320xf32, #tpu.memory_space<vmem_shared>>) dst(%arg13 : memref<320xf32, #tpu.memory_space<vmem>>)
      tpu.yield
    }) : () -> ()
    %scan3A_147 = arith.constant 0 : i32
    %scan3A_148 = arith.constant 0 : i32
    %scan3A_149 = arith.constant 20 : i32
    %scan3A_150 = arith.addi %scan3A_148, %scan3A_149 : i32
    %scan3A_151 = arith.constant 1 : i32
    scf.for %scan3A_244 = %scan3A_148 to %scan3A_150 step %scan3A_151  : i32 {
      %mul3A_245 = arith.constant 16 : i32
      %mul3A_246 = arith.muli %scan3A_244, %mul3A_245 : i32
      %get3A_247 = arith.index_cast %mul3A_246 : i32 to index
      %get3A_248 = tpu.vector_load %arg12[%get3A_247] {strides = array<i32>} : memref<320xf32, #tpu.memory_space<vmem>>, vector<16xf32>,
      %get3A_249 = arith.index_cast %mul3A_246 : i32 to index
      %get3A_250 = tpu.vector_load %arg13[%get3A_249] {strides = array<i32>} : memref<320xf32, #tpu.memory_space<vmem>>, vector<16xf32>,
      %add3A_251 = arith.addf %get3A_248, %get3A_250 : vector<16xf32>
      %swap3A = arith.index_cast %mul3A_246 : i32 to index
      %swap3A_252 = tpu.vector_load %arg12[%swap3A] {strides = array<i32>} : memref<320xf32, #tpu.memory_space<vmem>>, vector<16xf32>,
      tpu.vector_store %arg12[%swap3A], %add3A_251 {strides = array<i32>} : memref<320xf32, #tpu.memory_space<vmem>>, vector<16xf32>,
    }
    %scan3A_152 = arith.constant 20 : i32
    %run_scoped3A_153 = arith.constant 4 : i32
    "tpu.region"() ({
      %run_scoped3A_244 = tpu.sem_alloc : memref<!tpu.dma_semaphore, #tpu.memory_space<semaphore_mem>>
      %dma_start3A = tpu.memref_slice %arg16[%run_scoped3A_153, %mul3A_128] : memref<16x5120xf32, #tpu.memory_space<vmem_shared>> -> memref<1x320xf32, #tpu.memory_space<vmem_shared>>
      %dma_start3A_245 = tpu.memref_squeeze %dma_start3A : memref<1x320xf32, #tpu.memory_space<vmem_shared>> -> memref<320xf32, #tpu.memory_space<vmem_shared>>
      %dma_start3A_246 = tpu.memref_slice %arg16[%run_scoped3A_153, %mul3A_128] : memref<16x5120xf32, #tpu.memory_space<vmem_shared>> -> memref<1x320xf32, #tpu.memory_space<vmem_shared>>
      %dma_start3A_247 = tpu.memref_squeeze %dma_start3A_246 : memref<1x320xf32, #tpu.memory_space<vmem_shared>> -> memref<320xf32, #tpu.memory_space<vmem_shared>>
      tpu.enqueue_dma source(%dma_start3A_247 : memref<320xf32, #tpu.memory_space<vmem_shared>>) target(%arg13 : memref<320xf32, #tpu.memory_space<vmem>>) target_semaphore(%run_scoped3A_244 : memref<!tpu.dma_semaphore, #tpu.memory_space<semaphore_mem>>)
      %dma_wait3A = tpu.memref_slice %arg16[%run_scoped3A_153, %mul3A_128] : memref<16x5120xf32, #tpu.memory_space<vmem_shared>> -> memref<1x320xf32, #tpu.memory_space<vmem_shared>>
      %dma_wait3A_248 = tpu.memref_squeeze %dma_wait3A : memref<1x320xf32, #tpu.memory_space<vmem_shared>> -> memref<320xf32, #tpu.memory_space<vmem_shared>>
      %dma_wait3A_249 = tpu.memref_slice %arg16[%run_scoped3A_153, %mul3A_128] : memref<16x5120xf32, #tpu.memory_space<vmem_shared>> -> memref<1x320xf32, #tpu.memory_space<vmem_shared>>
      %dma_wait3A_250 = tpu.memref_squeeze %dma_wait3A_249 : memref<1x320xf32, #tpu.memory_space<vmem_shared>> -> memref<320xf32, #tpu.memory_space<vmem_shared>>
      tpu.wait_dma2 semaphore(%run_scoped3A_244 : memref<!tpu.dma_semaphore, #tpu.memory_space<semaphore_mem>>) src(%dma_wait3A_250 : memref<320xf32, #tpu.memory_space<vmem_shared>>) dst(%arg13 : memref<320xf32, #tpu.memory_space<vmem>>)
      tpu.yield
    }) : () -> ()
    %scan3A_154 = arith.constant 0 : i32
    %scan3A_155 = arith.constant 0 : i32
    %scan3A_156 = arith.constant 20 : i32
    %scan3A_157 = arith.addi %scan3A_155, %scan3A_156 : i32
    %scan3A_158 = arith.constant 1 : i32
    scf.for %scan3A_244 = %scan3A_155 to %scan3A_157 step %scan3A_158  : i32 {
      %mul3A_245 = arith.constant 16 : i32
      %mul3A_246 = arith.muli %scan3A_244, %mul3A_245 : i32
      %get3A_247 = arith.index_cast %mul3A_246 : i32 to index
      %get3A_248 = tpu.vector_load %arg12[%get3A_247] {strides = array<i32>} : memref<320xf32, #tpu.memory_space<vmem>>, vector<16xf32>,
      %get3A_249 = arith.index_cast %mul3A_246 : i32 to index
      %get3A_250 = tpu.vector_load %arg13[%get3A_249] {strides = array<i32>} : memref<320xf32, #tpu.memory_space<vmem>>, vector<16xf32>,
      %add3A_251 = arith.addf %get3A_248, %get3A_250 : vector<16xf32>
      %swap3A = arith.index_cast %mul3A_246 : i32 to index
      %swap3A_252 = tpu.vector_load %arg12[%swap3A] {strides = array<i32>} : memref<320xf32, #tpu.memory_space<vmem>>, vector<16xf32>,
      tpu.vector_store %arg12[%swap3A], %add3A_251 {strides = array<i32>} : memref<320xf32, #tpu.memory_space<vmem>>, vector<16xf32>,
    }
    %scan3A_159 = arith.constant 20 : i32
    %run_scoped3A_160 = arith.constant 5 : i32
    "tpu.region"() ({
      %run_scoped3A_244 = tpu.sem_alloc : memref<!tpu.dma_semaphore, #tpu.memory_space<semaphore_mem>>
      %dma_start3A = tpu.memref_slice %arg16[%run_scoped3A_160, %mul3A_128] : memref<16x5120xf32, #tpu.memory_space<vmem_shared>> -> memref<1x320xf32, #tpu.memory_space<vmem_shared>>
      %dma_start3A_245 = tpu.memref_squeeze %dma_start3A : memref<1x320xf32, #tpu.memory_space<vmem_shared>> -> memref<320xf32, #tpu.memory_space<vmem_shared>>
      %dma_start3A_246 = tpu.memref_slice %arg16[%run_scoped3A_160, %mul3A_128] : memref<16x5120xf32, #tpu.memory_space<vmem_shared>> -> memref<1x320xf32, #tpu.memory_space<vmem_shared>>
      %dma_start3A_247 = tpu.memref_squeeze %dma_start3A_246 : memref<1x320xf32, #tpu.memory_space<vmem_shared>> -> memref<320xf32, #tpu.memory_space<vmem_shared>>
      tpu.enqueue_dma source(%dma_start3A_247 : memref<320xf32, #tpu.memory_space<vmem_shared>>) target(%arg13 : memref<320xf32, #tpu.memory_space<vmem>>) target_semaphore(%run_scoped3A_244 : memref<!tpu.dma_semaphore, #tpu.memory_space<semaphore_mem>>)
      %dma_wait3A = tpu.memref_slice %arg16[%run_scoped3A_160, %mul3A_128] : memref<16x5120xf32, #tpu.memory_space<vmem_shared>> -> memref<1x320xf32, #tpu.memory_space<vmem_shared>>
      %dma_wait3A_248 = tpu.memref_squeeze %dma_wait3A : memref<1x320xf32, #tpu.memory_space<vmem_shared>> -> memref<320xf32, #tpu.memory_space<vmem_shared>>
      %dma_wait3A_249 = tpu.memref_slice %arg16[%run_scoped3A_160, %mul3A_128] : memref<16x5120xf32, #tpu.memory_space<vmem_shared>> -> memref<1x320xf32, #tpu.memory_space<vmem_shared>>
      %dma_wait3A_250 = tpu.memref_squeeze %dma_wait3A_249 : memref<1x320xf32, #tpu.memory_space<vmem_shared>> -> memref<320xf32, #tpu.memory_space<vmem_shared>>
      tpu.wait_dma2 semaphore(%run_scoped3A_244 : memref<!tpu.dma_semaphore, #tpu.memory_space<semaphore_mem>>) src(%dma_wait3A_250 : memref<320xf32, #tpu.memory_space<vmem_shared>>) dst(%arg13 : memref<320xf32, #tpu.memory_space<vmem>>)
      tpu.yield
    }) : () -> ()
    %scan3A_161 = arith.constant 0 : i32
    %scan3A_162 = arith.constant 0 : i32
    %scan3A_163 = arith.constant 20 : i32
    %scan3A_164 = arith.addi %scan3A_162, %scan3A_163 : i32
    %scan3A_165 = arith.constant 1 : i32
    scf.for %scan3A_244 = %scan3A_162 to %scan3A_164 step %scan3A_165  : i32 {
      %mul3A_245 = arith.constant 16 : i32
      %mul3A_246 = arith.muli %scan3A_244, %mul3A_245 : i32
      %get3A_247 = arith.index_cast %mul3A_246 : i32 to index
      %get3A_248 = tpu.vector_load %arg12[%get3A_247] {strides = array<i32>} : memref<320xf32, #tpu.memory_space<vmem>>, vector<16xf32>,
      %get3A_249 = arith.index_cast %mul3A_246 : i32 to index
      %get3A_250 = tpu.vector_load %arg13[%get3A_249] {strides = array<i32>} : memref<320xf32, #tpu.memory_space<vmem>>, vector<16xf32>,
      %add3A_251 = arith.addf %get3A_248, %get3A_250 : vector<16xf32>
      %swap3A = arith.index_cast %mul3A_246 : i32 to index
      %swap3A_252 = tpu.vector_load %arg12[%swap3A] {strides = array<i32>} : memref<320xf32, #tpu.memory_space<vmem>>, vector<16xf32>,
      tpu.vector_store %arg12[%swap3A], %add3A_251 {strides = array<i32>} : memref<320xf32, #tpu.memory_space<vmem>>, vector<16xf32>,
    }
    %scan3A_166 = arith.constant 20 : i32
    %run_scoped3A_167 = arith.constant 6 : i32
    "tpu.region"() ({
      %run_scoped3A_244 = tpu.sem_alloc : memref<!tpu.dma_semaphore, #tpu.memory_space<semaphore_mem>>
      %dma_start3A = tpu.memref_slice %arg16[%run_scoped3A_167, %mul3A_128] : memref<16x5120xf32, #tpu.memory_space<vmem_shared>> -> memref<1x320xf32, #tpu.memory_space<vmem_shared>>
      %dma_start3A_245 = tpu.memref_squeeze %dma_start3A : memref<1x320xf32, #tpu.memory_space<vmem_shared>> -> memref<320xf32, #tpu.memory_space<vmem_shared>>
      %dma_start3A_246 = tpu.memref_slice %arg16[%run_scoped3A_167, %mul3A_128] : memref<16x5120xf32, #tpu.memory_space<vmem_shared>> -> memref<1x320xf32, #tpu.memory_space<vmem_shared>>
      %dma_start3A_247 = tpu.memref_squeeze %dma_start3A_246 : memref<1x320xf32, #tpu.memory_space<vmem_shared>> -> memref<320xf32, #tpu.memory_space<vmem_shared>>
      tpu.enqueue_dma source(%dma_start3A_247 : memref<320xf32, #tpu.memory_space<vmem_shared>>) target(%arg13 : memref<320xf32, #tpu.memory_space<vmem>>) target_semaphore(%run_scoped3A_244 : memref<!tpu.dma_semaphore, #tpu.memory_space<semaphore_mem>>)
      %dma_wait3A = tpu.memref_slice %arg16[%run_scoped3A_167, %mul3A_128] : memref<16x5120xf32, #tpu.memory_space<vmem_shared>> -> memref<1x320xf32, #tpu.memory_space<vmem_shared>>
      %dma_wait3A_248 = tpu.memref_squeeze %dma_wait3A : memref<1x320xf32, #tpu.memory_space<vmem_shared>> -> memref<320xf32, #tpu.memory_space<vmem_shared>>
      %dma_wait3A_249 = tpu.memref_slice %arg16[%run_scoped3A_167, %mul3A_128] : memref<16x5120xf32, #tpu.memory_space<vmem_shared>> -> memref<1x320xf32, #tpu.memory_space<vmem_shared>>
      %dma_wait3A_250 = tpu.memref_squeeze %dma_wait3A_249 : memref<1x320xf32, #tpu.memory_space<vmem_shared>> -> memref<320xf32, #tpu.memory_space<vmem_shared>>
      tpu.wait_dma2 semaphore(%run_scoped3A_244 : memref<!tpu.dma_semaphore, #tpu.memory_space<semaphore_mem>>) src(%dma_wait3A_250 : memref<320xf32, #tpu.memory_space<vmem_shared>>) dst(%arg13 : memref<320xf32, #tpu.memory_space<vmem>>)
      tpu.yield
    }) : () -> ()
    %scan3A_168 = arith.constant 0 : i32
    %scan3A_169 = arith.constant 0 : i32
    %scan3A_170 = arith.constant 20 : i32
    %scan3A_171 = arith.addi %scan3A_169, %scan3A_170 : i32
    %scan3A_172 = arith.constant 1 : i32
    scf.for %scan3A_244 = %scan3A_169 to %scan3A_171 step %scan3A_172  : i32 {
      %mul3A_245 = arith.constant 16 : i32
      %mul3A_246 = arith.muli %scan3A_244, %mul3A_245 : i32
      %get3A_247 = arith.index_cast %mul3A_246 : i32 to index
      %get3A_248 = tpu.vector_load %arg12[%get3A_247] {strides = array<i32>} : memref<320xf32, #tpu.memory_space<vmem>>, vector<16xf32>,
      %get3A_249 = arith.index_cast %mul3A_246 : i32 to index
      %get3A_250 = tpu.vector_load %arg13[%get3A_249] {strides = array<i32>} : memref<320xf32, #tpu.memory_space<vmem>>, vector<16xf32>,
      %add3A_251 = arith.addf %get3A_248, %get3A_250 : vector<16xf32>
      %swap3A = arith.index_cast %mul3A_246 : i32 to index
      %swap3A_252 = tpu.vector_load %arg12[%swap3A] {strides = array<i32>} : memref<320xf32, #tpu.memory_space<vmem>>, vector<16xf32>,
      tpu.vector_store %arg12[%swap3A], %add3A_251 {strides = array<i32>} : memref<320xf32, #tpu.memory_space<vmem>>, vector<16xf32>,
    }
    %scan3A_173 = arith.constant 20 : i32
    %run_scoped3A_174 = arith.constant 7 : i32
    "tpu.region"() ({
      %run_scoped3A_244 = tpu.sem_alloc : memref<!tpu.dma_semaphore, #tpu.memory_space<semaphore_mem>>
      %dma_start3A = tpu.memref_slice %arg16[%run_scoped3A_174, %mul3A_128] : memref<16x5120xf32, #tpu.memory_space<vmem_shared>> -> memref<1x320xf32, #tpu.memory_space<vmem_shared>>
      %dma_start3A_245 = tpu.memref_squeeze %dma_start3A : memref<1x320xf32, #tpu.memory_space<vmem_shared>> -> memref<320xf32, #tpu.memory_space<vmem_shared>>
      %dma_start3A_246 = tpu.memref_slice %arg16[%run_scoped3A_174, %mul3A_128] : memref<16x5120xf32, #tpu.memory_space<vmem_shared>> -> memref<1x320xf32, #tpu.memory_space<vmem_shared>>
      %dma_start3A_247 = tpu.memref_squeeze %dma_start3A_246 : memref<1x320xf32, #tpu.memory_space<vmem_shared>> -> memref<320xf32, #tpu.memory_space<vmem_shared>>
      tpu.enqueue_dma source(%dma_start3A_247 : memref<320xf32, #tpu.memory_space<vmem_shared>>) target(%arg13 : memref<320xf32, #tpu.memory_space<vmem>>) target_semaphore(%run_scoped3A_244 : memref<!tpu.dma_semaphore, #tpu.memory_space<semaphore_mem>>)
      %dma_wait3A = tpu.memref_slice %arg16[%run_scoped3A_174, %mul3A_128] : memref<16x5120xf32, #tpu.memory_space<vmem_shared>> -> memref<1x320xf32, #tpu.memory_space<vmem_shared>>
      %dma_wait3A_248 = tpu.memref_squeeze %dma_wait3A : memref<1x320xf32, #tpu.memory_space<vmem_shared>> -> memref<320xf32, #tpu.memory_space<vmem_shared>>
      %dma_wait3A_249 = tpu.memref_slice %arg16[%run_scoped3A_174, %mul3A_128] : memref<16x5120xf32, #tpu.memory_space<vmem_shared>> -> memref<1x320xf32, #tpu.memory_space<vmem_shared>>
      %dma_wait3A_250 = tpu.memref_squeeze %dma_wait3A_249 : memref<1x320xf32, #tpu.memory_space<vmem_shared>> -> memref<320xf32, #tpu.memory_space<vmem_shared>>
      tpu.wait_dma2 semaphore(%run_scoped3A_244 : memref<!tpu.dma_semaphore, #tpu.memory_space<semaphore_mem>>) src(%dma_wait3A_250 : memref<320xf32, #tpu.memory_space<vmem_shared>>) dst(%arg13 : memref<320xf32, #tpu.memory_space<vmem>>)
      tpu.yield
    }) : () -> ()
    %scan3A_175 = arith.constant 0 : i32
    %scan3A_176 = arith.constant 0 : i32
    %scan3A_177 = arith.constant 20 : i32
    %scan3A_178 = arith.addi %scan3A_176, %scan3A_177 : i32
    %scan3A_179 = arith.constant 1 : i32
    scf.for %scan3A_244 = %scan3A_176 to %scan3A_178 step %scan3A_179  : i32 {
      %mul3A_245 = arith.constant 16 : i32
      %mul3A_246 = arith.muli %scan3A_244, %mul3A_245 : i32
      %get3A_247 = arith.index_cast %mul3A_246 : i32 to index
      %get3A_248 = tpu.vector_load %arg12[%get3A_247] {strides = array<i32>} : memref<320xf32, #tpu.memory_space<vmem>>, vector<16xf32>,
      %get3A_249 = arith.index_cast %mul3A_246 : i32 to index
      %get3A_250 = tpu.vector_load %arg13[%get3A_249] {strides = array<i32>} : memref<320xf32, #tpu.memory_space<vmem>>, vector<16xf32>,
      %add3A_251 = arith.addf %get3A_248, %get3A_250 : vector<16xf32>
      %swap3A = arith.index_cast %mul3A_246 : i32 to index
      %swap3A_252 = tpu.vector_load %arg12[%swap3A] {strides = array<i32>} : memref<320xf32, #tpu.memory_space<vmem>>, vector<16xf32>,
      tpu.vector_store %arg12[%swap3A], %add3A_251 {strides = array<i32>} : memref<320xf32, #tpu.memory_space<vmem>>, vector<16xf32>,
    }
    %scan3A_180 = arith.constant 20 : i32
    %run_scoped3A_181 = arith.constant 8 : i32
    "tpu.region"() ({
      %run_scoped3A_244 = tpu.sem_alloc : memref<!tpu.dma_semaphore, #tpu.memory_space<semaphore_mem>>
      %dma_start3A = tpu.memref_slice %arg16[%run_scoped3A_181, %mul3A_128] : memref<16x5120xf32, #tpu.memory_space<vmem_shared>> -> memref<1x320xf32, #tpu.memory_space<vmem_shared>>
      %dma_start3A_245 = tpu.memref_squeeze %dma_start3A : memref<1x320xf32, #tpu.memory_space<vmem_shared>> -> memref<320xf32, #tpu.memory_space<vmem_shared>>
      %dma_start3A_246 = tpu.memref_slice %arg16[%run_scoped3A_181, %mul3A_128] : memref<16x5120xf32, #tpu.memory_space<vmem_shared>> -> memref<1x320xf32, #tpu.memory_space<vmem_shared>>
      %dma_start3A_247 = tpu.memref_squeeze %dma_start3A_246 : memref<1x320xf32, #tpu.memory_space<vmem_shared>> -> memref<320xf32, #tpu.memory_space<vmem_shared>>
      tpu.enqueue_dma source(%dma_start3A_247 : memref<320xf32, #tpu.memory_space<vmem_shared>>) target(%arg13 : memref<320xf32, #tpu.memory_space<vmem>>) target_semaphore(%run_scoped3A_244 : memref<!tpu.dma_semaphore, #tpu.memory_space<semaphore_mem>>)
      %dma_wait3A = tpu.memref_slice %arg16[%run_scoped3A_181, %mul3A_128] : memref<16x5120xf32, #tpu.memory_space<vmem_shared>> -> memref<1x320xf32, #tpu.memory_space<vmem_shared>>
      %dma_wait3A_248 = tpu.memref_squeeze %dma_wait3A : memref<1x320xf32, #tpu.memory_space<vmem_shared>> -> memref<320xf32, #tpu.memory_space<vmem_shared>>
      %dma_wait3A_249 = tpu.memref_slice %arg16[%run_scoped3A_181, %mul3A_128] : memref<16x5120xf32, #tpu.memory_space<vmem_shared>> -> memref<1x320xf32, #tpu.memory_space<vmem_shared>>
      %dma_wait3A_250 = tpu.memref_squeeze %dma_wait3A_249 : memref<1x320xf32, #tpu.memory_space<vmem_shared>> -> memref<320xf32, #tpu.memory_space<vmem_shared>>
      tpu.wait_dma2 semaphore(%run_scoped3A_244 : memref<!tpu.dma_semaphore, #tpu.memory_space<semaphore_mem>>) src(%dma_wait3A_250 : memref<320xf32, #tpu.memory_space<vmem_shared>>) dst(%arg13 : memref<320xf32, #tpu.memory_space<vmem>>)
      tpu.yield
    }) : () -> ()
    %scan3A_182 = arith.constant 0 : i32
    %scan3A_183 = arith.constant 0 : i32
    %scan3A_184 = arith.constant 20 : i32
    %scan3A_185 = arith.addi %scan3A_183, %scan3A_184 : i32
    %scan3A_186 = arith.constant 1 : i32
    scf.for %scan3A_244 = %scan3A_183 to %scan3A_185 step %scan3A_186  : i32 {
      %mul3A_245 = arith.constant 16 : i32
      %mul3A_246 = arith.muli %scan3A_244, %mul3A_245 : i32
      %get3A_247 = arith.index_cast %mul3A_246 : i32 to index
      %get3A_248 = tpu.vector_load %arg12[%get3A_247] {strides = array<i32>} : memref<320xf32, #tpu.memory_space<vmem>>, vector<16xf32>,
      %get3A_249 = arith.index_cast %mul3A_246 : i32 to index
      %get3A_250 = tpu.vector_load %arg13[%get3A_249] {strides = array<i32>} : memref<320xf32, #tpu.memory_space<vmem>>, vector<16xf32>,
      %add3A_251 = arith.addf %get3A_248, %get3A_250 : vector<16xf32>
      %swap3A = arith.index_cast %mul3A_246 : i32 to index
      %swap3A_252 = tpu.vector_load %arg12[%swap3A] {strides = array<i32>} : memref<320xf32, #tpu.memory_space<vmem>>, vector<16xf32>,
      tpu.vector_store %arg12[%swap3A], %add3A_251 {strides = array<i32>} : memref<320xf32, #tpu.memory_space<vmem>>, vector<16xf32>,
    }
    %scan3A_187 = arith.constant 20 : i32
    %run_scoped3A_188 = arith.constant 9 : i32
    "tpu.region"() ({
      %run_scoped3A_244 = tpu.sem_alloc : memref<!tpu.dma_semaphore, #tpu.memory_space<semaphore_mem>>
      %dma_start3A = tpu.memref_slice %arg16[%run_scoped3A_188, %mul3A_128] : memref<16x5120xf32, #tpu.memory_space<vmem_shared>> -> memref<1x320xf32, #tpu.memory_space<vmem_shared>>
      %dma_start3A_245 = tpu.memref_squeeze %dma_start3A : memref<1x320xf32, #tpu.memory_space<vmem_shared>> -> memref<320xf32, #tpu.memory_space<vmem_shared>>
      %dma_start3A_246 = tpu.memref_slice %arg16[%run_scoped3A_188, %mul3A_128] : memref<16x5120xf32, #tpu.memory_space<vmem_shared>> -> memref<1x320xf32, #tpu.memory_space<vmem_shared>>
      %dma_start3A_247 = tpu.memref_squeeze %dma_start3A_246 : memref<1x320xf32, #tpu.memory_space<vmem_shared>> -> memref<320xf32, #tpu.memory_space<vmem_shared>>
      tpu.enqueue_dma source(%dma_start3A_247 : memref<320xf32, #tpu.memory_space<vmem_shared>>) target(%arg13 : memref<320xf32, #tpu.memory_space<vmem>>) target_semaphore(%run_scoped3A_244 : memref<!tpu.dma_semaphore, #tpu.memory_space<semaphore_mem>>)
      %dma_wait3A = tpu.memref_slice %arg16[%run_scoped3A_188, %mul3A_128] : memref<16x5120xf32, #tpu.memory_space<vmem_shared>> -> memref<1x320xf32, #tpu.memory_space<vmem_shared>>
      %dma_wait3A_248 = tpu.memref_squeeze %dma_wait3A : memref<1x320xf32, #tpu.memory_space<vmem_shared>> -> memref<320xf32, #tpu.memory_space<vmem_shared>>
      %dma_wait3A_249 = tpu.memref_slice %arg16[%run_scoped3A_188, %mul3A_128] : memref<16x5120xf32, #tpu.memory_space<vmem_shared>> -> memref<1x320xf32, #tpu.memory_space<vmem_shared>>
      %dma_wait3A_250 = tpu.memref_squeeze %dma_wait3A_249 : memref<1x320xf32, #tpu.memory_space<vmem_shared>> -> memref<320xf32, #tpu.memory_space<vmem_shared>>
      tpu.wait_dma2 semaphore(%run_scoped3A_244 : memref<!tpu.dma_semaphore, #tpu.memory_space<semaphore_mem>>) src(%dma_wait3A_250 : memref<320xf32, #tpu.memory_space<vmem_shared>>) dst(%arg13 : memref<320xf32, #tpu.memory_space<vmem>>)
      tpu.yield
    }) : () -> ()
    %scan3A_189 = arith.constant 0 : i32
    %scan3A_190 = arith.constant 0 : i32
    %scan3A_191 = arith.constant 20 : i32
    %scan3A_192 = arith.addi %scan3A_190, %scan3A_191 : i32
    %scan3A_193 = arith.constant 1 : i32
    scf.for %scan3A_244 = %scan3A_190 to %scan3A_192 step %scan3A_193  : i32 {
      %mul3A_245 = arith.constant 16 : i32
      %mul3A_246 = arith.muli %scan3A_244, %mul3A_245 : i32
      %get3A_247 = arith.index_cast %mul3A_246 : i32 to index
      %get3A_248 = tpu.vector_load %arg12[%get3A_247] {strides = array<i32>} : memref<320xf32, #tpu.memory_space<vmem>>, vector<16xf32>,
      %get3A_249 = arith.index_cast %mul3A_246 : i32 to index
      %get3A_250 = tpu.vector_load %arg13[%get3A_249] {strides = array<i32>} : memref<320xf32, #tpu.memory_space<vmem>>, vector<16xf32>,
      %add3A_251 = arith.addf %get3A_248, %get3A_250 : vector<16xf32>
      %swap3A = arith.index_cast %mul3A_246 : i32 to index
      %swap3A_252 = tpu.vector_load %arg12[%swap3A] {strides = array<i32>} : memref<320xf32, #tpu.memory_space<vmem>>, vector<16xf32>,
      tpu.vector_store %arg12[%swap3A], %add3A_251 {strides = array<i32>} : memref<320xf32, #tpu.memory_space<vmem>>, vector<16xf32>,
    }
    %scan3A_194 = arith.constant 20 : i32
    %run_scoped3A_195 = arith.constant 10 : i32
    "tpu.region"() ({
      %run_scoped3A_244 = tpu.sem_alloc : memref<!tpu.dma_semaphore, #tpu.memory_space<semaphore_mem>>
      %dma_start3A = tpu.memref_slice %arg16[%run_scoped3A_195, %mul3A_128] : memref<16x5120xf32, #tpu.memory_space<vmem_shared>> -> memref<1x320xf32, #tpu.memory_space<vmem_shared>>
      %dma_start3A_245 = tpu.memref_squeeze %dma_start3A : memref<1x320xf32, #tpu.memory_space<vmem_shared>> -> memref<320xf32, #tpu.memory_space<vmem_shared>>
      %dma_start3A_246 = tpu.memref_slice %arg16[%run_scoped3A_195, %mul3A_128] : memref<16x5120xf32, #tpu.memory_space<vmem_shared>> -> memref<1x320xf32, #tpu.memory_space<vmem_shared>>
      %dma_start3A_247 = tpu.memref_squeeze %dma_start3A_246 : memref<1x320xf32, #tpu.memory_space<vmem_shared>> -> memref<320xf32, #tpu.memory_space<vmem_shared>>
      tpu.enqueue_dma source(%dma_start3A_247 : memref<320xf32, #tpu.memory_space<vmem_shared>>) target(%arg13 : memref<320xf32, #tpu.memory_space<vmem>>) target_semaphore(%run_scoped3A_244 : memref<!tpu.dma_semaphore, #tpu.memory_space<semaphore_mem>>)
      %dma_wait3A = tpu.memref_slice %arg16[%run_scoped3A_195, %mul3A_128] : memref<16x5120xf32, #tpu.memory_space<vmem_shared>> -> memref<1x320xf32, #tpu.memory_space<vmem_shared>>
      %dma_wait3A_248 = tpu.memref_squeeze %dma_wait3A : memref<1x320xf32, #tpu.memory_space<vmem_shared>> -> memref<320xf32, #tpu.memory_space<vmem_shared>>
      %dma_wait3A_249 = tpu.memref_slice %arg16[%run_scoped3A_195, %mul3A_128] : memref<16x5120xf32, #tpu.memory_space<vmem_shared>> -> memref<1x320xf32, #tpu.memory_space<vmem_shared>>
      %dma_wait3A_250 = tpu.memref_squeeze %dma_wait3A_249 : memref<1x320xf32, #tpu.memory_space<vmem_shared>> -> memref<320xf32, #tpu.memory_space<vmem_shared>>
      tpu.wait_dma2 semaphore(%run_scoped3A_244 : memref<!tpu.dma_semaphore, #tpu.memory_space<semaphore_mem>>) src(%dma_wait3A_250 : memref<320xf32, #tpu.memory_space<vmem_shared>>) dst(%arg13 : memref<320xf32, #tpu.memory_space<vmem>>)
      tpu.yield
    }) : () -> ()
    %scan3A_196 = arith.constant 0 : i32
    %scan3A_197 = arith.constant 0 : i32
    %scan3A_198 = arith.constant 20 : i32
    %scan3A_199 = arith.addi %scan3A_197, %scan3A_198 : i32
    %scan3A_200 = arith.constant 1 : i32
    scf.for %scan3A_244 = %scan3A_197 to %scan3A_199 step %scan3A_200  : i32 {
      %mul3A_245 = arith.constant 16 : i32
      %mul3A_246 = arith.muli %scan3A_244, %mul3A_245 : i32
      %get3A_247 = arith.index_cast %mul3A_246 : i32 to index
      %get3A_248 = tpu.vector_load %arg12[%get3A_247] {strides = array<i32>} : memref<320xf32, #tpu.memory_space<vmem>>, vector<16xf32>,
      %get3A_249 = arith.index_cast %mul3A_246 : i32 to index
      %get3A_250 = tpu.vector_load %arg13[%get3A_249] {strides = array<i32>} : memref<320xf32, #tpu.memory_space<vmem>>, vector<16xf32>,
      %add3A_251 = arith.addf %get3A_248, %get3A_250 : vector<16xf32>
      %swap3A = arith.index_cast %mul3A_246 : i32 to index
      %swap3A_252 = tpu.vector_load %arg12[%swap3A] {strides = array<i32>} : memref<320xf32, #tpu.memory_space<vmem>>, vector<16xf32>,
      tpu.vector_store %arg12[%swap3A], %add3A_251 {strides = array<i32>} : memref<320xf32, #tpu.memory_space<vmem>>, vector<16xf32>,
    }
    %scan3A_201 = arith.constant 20 : i32
    %run_scoped3A_202 = arith.constant 11 : i32
    "tpu.region"() ({
      %run_scoped3A_244 = tpu.sem_alloc : memref<!tpu.dma_semaphore, #tpu.memory_space<semaphore_mem>>
      %dma_start3A = tpu.memref_slice %arg16[%run_scoped3A_202, %mul3A_128] : memref<16x5120xf32, #tpu.memory_space<vmem_shared>> -> memref<1x320xf32, #tpu.memory_space<vmem_shared>>
      %dma_start3A_245 = tpu.memref_squeeze %dma_start3A : memref<1x320xf32, #tpu.memory_space<vmem_shared>> -> memref<320xf32, #tpu.memory_space<vmem_shared>>
      %dma_start3A_246 = tpu.memref_slice %arg16[%run_scoped3A_202, %mul3A_128] : memref<16x5120xf32, #tpu.memory_space<vmem_shared>> -> memref<1x320xf32, #tpu.memory_space<vmem_shared>>
      %dma_start3A_247 = tpu.memref_squeeze %dma_start3A_246 : memref<1x320xf32, #tpu.memory_space<vmem_shared>> -> memref<320xf32, #tpu.memory_space<vmem_shared>>
      tpu.enqueue_dma source(%dma_start3A_247 : memref<320xf32, #tpu.memory_space<vmem_shared>>) target(%arg13 : memref<320xf32, #tpu.memory_space<vmem>>) target_semaphore(%run_scoped3A_244 : memref<!tpu.dma_semaphore, #tpu.memory_space<semaphore_mem>>)
      %dma_wait3A = tpu.memref_slice %arg16[%run_scoped3A_202, %mul3A_128] : memref<16x5120xf32, #tpu.memory_space<vmem_shared>> -> memref<1x320xf32, #tpu.memory_space<vmem_shared>>
      %dma_wait3A_248 = tpu.memref_squeeze %dma_wait3A : memref<1x320xf32, #tpu.memory_space<vmem_shared>> -> memref<320xf32, #tpu.memory_space<vmem_shared>>
      %dma_wait3A_249 = tpu.memref_slice %arg16[%run_scoped3A_202, %mul3A_128] : memref<16x5120xf32, #tpu.memory_space<vmem_shared>> -> memref<1x320xf32, #tpu.memory_space<vmem_shared>>
      %dma_wait3A_250 = tpu.memref_squeeze %dma_wait3A_249 : memref<1x320xf32, #tpu.memory_space<vmem_shared>> -> memref<320xf32, #tpu.memory_space<vmem_shared>>
      tpu.wait_dma2 semaphore(%run_scoped3A_244 : memref<!tpu.dma_semaphore, #tpu.memory_space<semaphore_mem>>) src(%dma_wait3A_250 : memref<320xf32, #tpu.memory_space<vmem_shared>>) dst(%arg13 : memref<320xf32, #tpu.memory_space<vmem>>)
      tpu.yield
    }) : () -> ()
    %scan3A_203 = arith.constant 0 : i32
    %scan3A_204 = arith.constant 0 : i32
    %scan3A_205 = arith.constant 20 : i32
    %scan3A_206 = arith.addi %scan3A_204, %scan3A_205 : i32
    %scan3A_207 = arith.constant 1 : i32
    scf.for %scan3A_244 = %scan3A_204 to %scan3A_206 step %scan3A_207  : i32 {
      %mul3A_245 = arith.constant 16 : i32
      %mul3A_246 = arith.muli %scan3A_244, %mul3A_245 : i32
      %get3A_247 = arith.index_cast %mul3A_246 : i32 to index
      %get3A_248 = tpu.vector_load %arg12[%get3A_247] {strides = array<i32>} : memref<320xf32, #tpu.memory_space<vmem>>, vector<16xf32>,
      %get3A_249 = arith.index_cast %mul3A_246 : i32 to index
      %get3A_250 = tpu.vector_load %arg13[%get3A_249] {strides = array<i32>} : memref<320xf32, #tpu.memory_space<vmem>>, vector<16xf32>,
      %add3A_251 = arith.addf %get3A_248, %get3A_250 : vector<16xf32>
      %swap3A = arith.index_cast %mul3A_246 : i32 to index
      %swap3A_252 = tpu.vector_load %arg12[%swap3A] {strides = array<i32>} : memref<320xf32, #tpu.memory_space<vmem>>, vector<16xf32>,
      tpu.vector_store %arg12[%swap3A], %add3A_251 {strides = array<i32>} : memref<320xf32, #tpu.memory_space<vmem>>, vector<16xf32>,
    }
    %scan3A_208 = arith.constant 20 : i32
    %run_scoped3A_209 = arith.constant 12 : i32
    "tpu.region"() ({
      %run_scoped3A_244 = tpu.sem_alloc : memref<!tpu.dma_semaphore, #tpu.memory_space<semaphore_mem>>
      %dma_start3A = tpu.memref_slice %arg16[%run_scoped3A_209, %mul3A_128] : memref<16x5120xf32, #tpu.memory_space<vmem_shared>> -> memref<1x320xf32, #tpu.memory_space<vmem_shared>>
      %dma_start3A_245 = tpu.memref_squeeze %dma_start3A : memref<1x320xf32, #tpu.memory_space<vmem_shared>> -> memref<320xf32, #tpu.memory_space<vmem_shared>>
      %dma_start3A_246 = tpu.memref_slice %arg16[%run_scoped3A_209, %mul3A_128] : memref<16x5120xf32, #tpu.memory_space<vmem_shared>> -> memref<1x320xf32, #tpu.memory_space<vmem_shared>>
      %dma_start3A_247 = tpu.memref_squeeze %dma_start3A_246 : memref<1x320xf32, #tpu.memory_space<vmem_shared>> -> memref<320xf32, #tpu.memory_space<vmem_shared>>
      tpu.enqueue_dma source(%dma_start3A_247 : memref<320xf32, #tpu.memory_space<vmem_shared>>) target(%arg13 : memref<320xf32, #tpu.memory_space<vmem>>) target_semaphore(%run_scoped3A_244 : memref<!tpu.dma_semaphore, #tpu.memory_space<semaphore_mem>>)
      %dma_wait3A = tpu.memref_slice %arg16[%run_scoped3A_209, %mul3A_128] : memref<16x5120xf32, #tpu.memory_space<vmem_shared>> -> memref<1x320xf32, #tpu.memory_space<vmem_shared>>
      %dma_wait3A_248 = tpu.memref_squeeze %dma_wait3A : memref<1x320xf32, #tpu.memory_space<vmem_shared>> -> memref<320xf32, #tpu.memory_space<vmem_shared>>
      %dma_wait3A_249 = tpu.memref_slice %arg16[%run_scoped3A_209, %mul3A_128] : memref<16x5120xf32, #tpu.memory_space<vmem_shared>> -> memref<1x320xf32, #tpu.memory_space<vmem_shared>>
      %dma_wait3A_250 = tpu.memref_squeeze %dma_wait3A_249 : memref<1x320xf32, #tpu.memory_space<vmem_shared>> -> memref<320xf32, #tpu.memory_space<vmem_shared>>
      tpu.wait_dma2 semaphore(%run_scoped3A_244 : memref<!tpu.dma_semaphore, #tpu.memory_space<semaphore_mem>>) src(%dma_wait3A_250 : memref<320xf32, #tpu.memory_space<vmem_shared>>) dst(%arg13 : memref<320xf32, #tpu.memory_space<vmem>>)
      tpu.yield
    }) : () -> ()
    %scan3A_210 = arith.constant 0 : i32
    %scan3A_211 = arith.constant 0 : i32
    %scan3A_212 = arith.constant 20 : i32
    %scan3A_213 = arith.addi %scan3A_211, %scan3A_212 : i32
    %scan3A_214 = arith.constant 1 : i32
    scf.for %scan3A_244 = %scan3A_211 to %scan3A_213 step %scan3A_214  : i32 {
      %mul3A_245 = arith.constant 16 : i32
      %mul3A_246 = arith.muli %scan3A_244, %mul3A_245 : i32
      %get3A_247 = arith.index_cast %mul3A_246 : i32 to index
      %get3A_248 = tpu.vector_load %arg12[%get3A_247] {strides = array<i32>} : memref<320xf32, #tpu.memory_space<vmem>>, vector<16xf32>,
      %get3A_249 = arith.index_cast %mul3A_246 : i32 to index
      %get3A_250 = tpu.vector_load %arg13[%get3A_249] {strides = array<i32>} : memref<320xf32, #tpu.memory_space<vmem>>, vector<16xf32>,
      %add3A_251 = arith.addf %get3A_248, %get3A_250 : vector<16xf32>
      %swap3A = arith.index_cast %mul3A_246 : i32 to index
      %swap3A_252 = tpu.vector_load %arg12[%swap3A] {strides = array<i32>} : memref<320xf32, #tpu.memory_space<vmem>>, vector<16xf32>,
      tpu.vector_store %arg12[%swap3A], %add3A_251 {strides = array<i32>} : memref<320xf32, #tpu.memory_space<vmem>>, vector<16xf32>,
    }
    %scan3A_215 = arith.constant 20 : i32
    %run_scoped3A_216 = arith.constant 13 : i32
    "tpu.region"() ({
      %run_scoped3A_244 = tpu.sem_alloc : memref<!tpu.dma_semaphore, #tpu.memory_space<semaphore_mem>>
      %dma_start3A = tpu.memref_slice %arg16[%run_scoped3A_216, %mul3A_128] : memref<16x5120xf32, #tpu.memory_space<vmem_shared>> -> memref<1x320xf32, #tpu.memory_space<vmem_shared>>
      %dma_start3A_245 = tpu.memref_squeeze %dma_start3A : memref<1x320xf32, #tpu.memory_space<vmem_shared>> -> memref<320xf32, #tpu.memory_space<vmem_shared>>
      %dma_start3A_246 = tpu.memref_slice %arg16[%run_scoped3A_216, %mul3A_128] : memref<16x5120xf32, #tpu.memory_space<vmem_shared>> -> memref<1x320xf32, #tpu.memory_space<vmem_shared>>
      %dma_start3A_247 = tpu.memref_squeeze %dma_start3A_246 : memref<1x320xf32, #tpu.memory_space<vmem_shared>> -> memref<320xf32, #tpu.memory_space<vmem_shared>>
      tpu.enqueue_dma source(%dma_start3A_247 : memref<320xf32, #tpu.memory_space<vmem_shared>>) target(%arg13 : memref<320xf32, #tpu.memory_space<vmem>>) target_semaphore(%run_scoped3A_244 : memref<!tpu.dma_semaphore, #tpu.memory_space<semaphore_mem>>)
      %dma_wait3A = tpu.memref_slice %arg16[%run_scoped3A_216, %mul3A_128] : memref<16x5120xf32, #tpu.memory_space<vmem_shared>> -> memref<1x320xf32, #tpu.memory_space<vmem_shared>>
      %dma_wait3A_248 = tpu.memref_squeeze %dma_wait3A : memref<1x320xf32, #tpu.memory_space<vmem_shared>> -> memref<320xf32, #tpu.memory_space<vmem_shared>>
      %dma_wait3A_249 = tpu.memref_slice %arg16[%run_scoped3A_216, %mul3A_128] : memref<16x5120xf32, #tpu.memory_space<vmem_shared>> -> memref<1x320xf32, #tpu.memory_space<vmem_shared>>
      %dma_wait3A_250 = tpu.memref_squeeze %dma_wait3A_249 : memref<1x320xf32, #tpu.memory_space<vmem_shared>> -> memref<320xf32, #tpu.memory_space<vmem_shared>>
      tpu.wait_dma2 semaphore(%run_scoped3A_244 : memref<!tpu.dma_semaphore, #tpu.memory_space<semaphore_mem>>) src(%dma_wait3A_250 : memref<320xf32, #tpu.memory_space<vmem_shared>>) dst(%arg13 : memref<320xf32, #tpu.memory_space<vmem>>)
      tpu.yield
    }) : () -> ()
    %scan3A_217 = arith.constant 0 : i32
    %scan3A_218 = arith.constant 0 : i32
    %scan3A_219 = arith.constant 20 : i32
    %scan3A_220 = arith.addi %scan3A_218, %scan3A_219 : i32
    %scan3A_221 = arith.constant 1 : i32
    scf.for %scan3A_244 = %scan3A_218 to %scan3A_220 step %scan3A_221  : i32 {
      %mul3A_245 = arith.constant 16 : i32
      %mul3A_246 = arith.muli %scan3A_244, %mul3A_245 : i32
      %get3A_247 = arith.index_cast %mul3A_246 : i32 to index
      %get3A_248 = tpu.vector_load %arg12[%get3A_247] {strides = array<i32>} : memref<320xf32, #tpu.memory_space<vmem>>, vector<16xf32>,
      %get3A_249 = arith.index_cast %mul3A_246 : i32 to index
      %get3A_250 = tpu.vector_load %arg13[%get3A_249] {strides = array<i32>} : memref<320xf32, #tpu.memory_space<vmem>>, vector<16xf32>,
      %add3A_251 = arith.addf %get3A_248, %get3A_250 : vector<16xf32>
      %swap3A = arith.index_cast %mul3A_246 : i32 to index
      %swap3A_252 = tpu.vector_load %arg12[%swap3A] {strides = array<i32>} : memref<320xf32, #tpu.memory_space<vmem>>, vector<16xf32>,
      tpu.vector_store %arg12[%swap3A], %add3A_251 {strides = array<i32>} : memref<320xf32, #tpu.memory_space<vmem>>, vector<16xf32>,
    }
    %scan3A_222 = arith.constant 20 : i32
    %run_scoped3A_223 = arith.constant 14 : i32
    "tpu.region"() ({
      %run_scoped3A_244 = tpu.sem_alloc : memref<!tpu.dma_semaphore, #tpu.memory_space<semaphore_mem>>
      %dma_start3A = tpu.memref_slice %arg16[%run_scoped3A_223, %mul3A_128] : memref<16x5120xf32, #tpu.memory_space<vmem_shared>> -> memref<1x320xf32, #tpu.memory_space<vmem_shared>>
      %dma_start3A_245 = tpu.memref_squeeze %dma_start3A : memref<1x320xf32, #tpu.memory_space<vmem_shared>> -> memref<320xf32, #tpu.memory_space<vmem_shared>>
      %dma_start3A_246 = tpu.memref_slice %arg16[%run_scoped3A_223, %mul3A_128] : memref<16x5120xf32, #tpu.memory_space<vmem_shared>> -> memref<1x320xf32, #tpu.memory_space<vmem_shared>>
      %dma_start3A_247 = tpu.memref_squeeze %dma_start3A_246 : memref<1x320xf32, #tpu.memory_space<vmem_shared>> -> memref<320xf32, #tpu.memory_space<vmem_shared>>
      tpu.enqueue_dma source(%dma_start3A_247 : memref<320xf32, #tpu.memory_space<vmem_shared>>) target(%arg13 : memref<320xf32, #tpu.memory_space<vmem>>) target_semaphore(%run_scoped3A_244 : memref<!tpu.dma_semaphore, #tpu.memory_space<semaphore_mem>>)
      %dma_wait3A = tpu.memref_slice %arg16[%run_scoped3A_223, %mul3A_128] : memref<16x5120xf32, #tpu.memory_space<vmem_shared>> -> memref<1x320xf32, #tpu.memory_space<vmem_shared>>
      %dma_wait3A_248 = tpu.memref_squeeze %dma_wait3A : memref<1x320xf32, #tpu.memory_space<vmem_shared>> -> memref<320xf32, #tpu.memory_space<vmem_shared>>
      %dma_wait3A_249 = tpu.memref_slice %arg16[%run_scoped3A_223, %mul3A_128] : memref<16x5120xf32, #tpu.memory_space<vmem_shared>> -> memref<1x320xf32, #tpu.memory_space<vmem_shared>>
      %dma_wait3A_250 = tpu.memref_squeeze %dma_wait3A_249 : memref<1x320xf32, #tpu.memory_space<vmem_shared>> -> memref<320xf32, #tpu.memory_space<vmem_shared>>
      tpu.wait_dma2 semaphore(%run_scoped3A_244 : memref<!tpu.dma_semaphore, #tpu.memory_space<semaphore_mem>>) src(%dma_wait3A_250 : memref<320xf32, #tpu.memory_space<vmem_shared>>) dst(%arg13 : memref<320xf32, #tpu.memory_space<vmem>>)
      tpu.yield
    }) : () -> ()
    %scan3A_224 = arith.constant 0 : i32
    %scan3A_225 = arith.constant 0 : i32
    %scan3A_226 = arith.constant 20 : i32
    %scan3A_227 = arith.addi %scan3A_225, %scan3A_226 : i32
    %scan3A_228 = arith.constant 1 : i32
    scf.for %scan3A_244 = %scan3A_225 to %scan3A_227 step %scan3A_228  : i32 {
      %mul3A_245 = arith.constant 16 : i32
      %mul3A_246 = arith.muli %scan3A_244, %mul3A_245 : i32
      %get3A_247 = arith.index_cast %mul3A_246 : i32 to index
      %get3A_248 = tpu.vector_load %arg12[%get3A_247] {strides = array<i32>} : memref<320xf32, #tpu.memory_space<vmem>>, vector<16xf32>,
      %get3A_249 = arith.index_cast %mul3A_246 : i32 to index
      %get3A_250 = tpu.vector_load %arg13[%get3A_249] {strides = array<i32>} : memref<320xf32, #tpu.memory_space<vmem>>, vector<16xf32>,
      %add3A_251 = arith.addf %get3A_248, %get3A_250 : vector<16xf32>
      %swap3A = arith.index_cast %mul3A_246 : i32 to index
      %swap3A_252 = tpu.vector_load %arg12[%swap3A] {strides = array<i32>} : memref<320xf32, #tpu.memory_space<vmem>>, vector<16xf32>,
      tpu.vector_store %arg12[%swap3A], %add3A_251 {strides = array<i32>} : memref<320xf32, #tpu.memory_space<vmem>>, vector<16xf32>,
    }
    %scan3A_229 = arith.constant 20 : i32
    %run_scoped3A_230 = arith.constant 15 : i32
    "tpu.region"() ({
      %run_scoped3A_244 = tpu.sem_alloc : memref<!tpu.dma_semaphore, #tpu.memory_space<semaphore_mem>>
      %dma_start3A = tpu.memref_slice %arg16[%run_scoped3A_230, %mul3A_128] : memref<16x5120xf32, #tpu.memory_space<vmem_shared>> -> memref<1x320xf32, #tpu.memory_space<vmem_shared>>
      %dma_start3A_245 = tpu.memref_squeeze %dma_start3A : memref<1x320xf32, #tpu.memory_space<vmem_shared>> -> memref<320xf32, #tpu.memory_space<vmem_shared>>
      %dma_start3A_246 = tpu.memref_slice %arg16[%run_scoped3A_230, %mul3A_128] : memref<16x5120xf32, #tpu.memory_space<vmem_shared>> -> memref<1x320xf32, #tpu.memory_space<vmem_shared>>
      %dma_start3A_247 = tpu.memref_squeeze %dma_start3A_246 : memref<1x320xf32, #tpu.memory_space<vmem_shared>> -> memref<320xf32, #tpu.memory_space<vmem_shared>>
      tpu.enqueue_dma source(%dma_start3A_247 : memref<320xf32, #tpu.memory_space<vmem_shared>>) target(%arg13 : memref<320xf32, #tpu.memory_space<vmem>>) target_semaphore(%run_scoped3A_244 : memref<!tpu.dma_semaphore, #tpu.memory_space<semaphore_mem>>)
      %dma_wait3A = tpu.memref_slice %arg16[%run_scoped3A_230, %mul3A_128] : memref<16x5120xf32, #tpu.memory_space<vmem_shared>> -> memref<1x320xf32, #tpu.memory_space<vmem_shared>>
      %dma_wait3A_248 = tpu.memref_squeeze %dma_wait3A : memref<1x320xf32, #tpu.memory_space<vmem_shared>> -> memref<320xf32, #tpu.memory_space<vmem_shared>>
      %dma_wait3A_249 = tpu.memref_slice %arg16[%run_scoped3A_230, %mul3A_128] : memref<16x5120xf32, #tpu.memory_space<vmem_shared>> -> memref<1x320xf32, #tpu.memory_space<vmem_shared>>
      %dma_wait3A_250 = tpu.memref_squeeze %dma_wait3A_249 : memref<1x320xf32, #tpu.memory_space<vmem_shared>> -> memref<320xf32, #tpu.memory_space<vmem_shared>>
      tpu.wait_dma2 semaphore(%run_scoped3A_244 : memref<!tpu.dma_semaphore, #tpu.memory_space<semaphore_mem>>) src(%dma_wait3A_250 : memref<320xf32, #tpu.memory_space<vmem_shared>>) dst(%arg13 : memref<320xf32, #tpu.memory_space<vmem>>)
      tpu.yield
    }) : () -> ()
    %scan3A_231 = arith.constant 0 : i32
    %scan3A_232 = arith.constant 0 : i32
    %scan3A_233 = arith.constant 20 : i32
    %scan3A_234 = arith.addi %scan3A_232, %scan3A_233 : i32
    %scan3A_235 = arith.constant 1 : i32
    scf.for %scan3A_244 = %scan3A_232 to %scan3A_234 step %scan3A_235  : i32 {
      %mul3A_245 = arith.constant 16 : i32
      %mul3A_246 = arith.muli %scan3A_244, %mul3A_245 : i32
      %get3A_247 = arith.index_cast %mul3A_246 : i32 to index
      %get3A_248 = tpu.vector_load %arg12[%get3A_247] {strides = array<i32>} : memref<320xf32, #tpu.memory_space<vmem>>, vector<16xf32>,
      %get3A_249 = arith.index_cast %mul3A_246 : i32 to index
      %get3A_250 = tpu.vector_load %arg13[%get3A_249] {strides = array<i32>} : memref<320xf32, #tpu.memory_space<vmem>>, vector<16xf32>,
      %add3A_251 = arith.addf %get3A_248, %get3A_250 : vector<16xf32>
      %swap3A = arith.index_cast %mul3A_246 : i32 to index
      %swap3A_252 = tpu.vector_load %arg12[%swap3A] {strides = array<i32>} : memref<320xf32, #tpu.memory_space<vmem>>, vector<16xf32>,
      tpu.vector_store %arg12[%swap3A], %add3A_251 {strides = array<i32>} : memref<320xf32, #tpu.memory_space<vmem>>, vector<16xf32>,
    }
    %scan3A_236 = arith.constant 20 : i32
    "tpu.region"() ({
      %run_scoped3A_244 = tpu.sem_alloc : memref<!tpu.dma_semaphore, #tpu.memory_space<semaphore_mem>>
      %dma_start3A = tpu.memref_slice %arg5[%add3A_130] : memref<10240xf32, #tpu.memory_space<hbm>> -> memref<320xf32, #tpu.memory_space<hbm>>
      %dma_start3A_245 = tpu.memref_slice %arg5[%add3A_130] : memref<10240xf32, #tpu.memory_space<hbm>> -> memref<320xf32, #tpu.memory_space<hbm>>
      tpu.enqueue_dma source(%dma_start3A_245 : memref<320xf32, #tpu.memory_space<hbm>>) target(%arg13 : memref<320xf32, #tpu.memory_space<vmem>>) target_semaphore(%run_scoped3A_244 : memref<!tpu.dma_semaphore, #tpu.memory_space<semaphore_mem>>)
      %dma_wait3A = tpu.memref_slice %arg5[%add3A_130] : memref<10240xf32, #tpu.memory_space<hbm>> -> memref<320xf32, #tpu.memory_space<hbm>>
      %dma_wait3A_246 = tpu.memref_slice %arg5[%add3A_130] : memref<10240xf32, #tpu.memory_space<hbm>> -> memref<320xf32, #tpu.memory_space<hbm>>
      tpu.wait_dma2 semaphore(%run_scoped3A_244 : memref<!tpu.dma_semaphore, #tpu.memory_space<semaphore_mem>>) src(%dma_wait3A_246 : memref<320xf32, #tpu.memory_space<hbm>>) dst(%arg13 : memref<320xf32, #tpu.memory_space<vmem>>)
      tpu.yield
    }) : () -> ()
    %scan3A_237 = arith.constant 0 : i32
    %scan3A_238 = arith.constant 0 : i32
    %scan3A_239 = arith.constant 20 : i32
    %scan3A_240 = arith.addi %scan3A_238, %scan3A_239 : i32
    %scan3A_241 = arith.constant 1 : i32
    scf.for %scan3A_244 = %scan3A_238 to %scan3A_240 step %scan3A_241  : i32 {
      %mul3A_245 = arith.constant 16 : i32
      %mul3A_246 = arith.muli %scan3A_244, %mul3A_245 : i32
      %get3A_247 = arith.index_cast %mul3A_246 : i32 to index
      %get3A_248 = tpu.vector_load %arg12[%get3A_247] {strides = array<i32>} : memref<320xf32, #tpu.memory_space<vmem>>, vector<16xf32>,
      %get3A_249 = arith.index_cast %mul3A_246 : i32 to index
      %get3A_250 = tpu.vector_load %arg13[%get3A_249] {strides = array<i32>} : memref<320xf32, #tpu.memory_space<vmem>>, vector<16xf32>,
      %mul3A_251 = arith.mulf %get3A_248, %get3A_250 : vector<16xf32>
      %add3A_252 = arith.addf %mul3A_251, %get3A_11 : vector<16xf32>
      %swap3A = arith.index_cast %mul3A_246 : i32 to index
      %swap3A_253 = tpu.vector_load %arg14[%swap3A] {strides = array<i32>} : memref<320xf32, #tpu.memory_space<vmem>>, vector<16xf32>,
      tpu.vector_store %arg14[%swap3A], %add3A_252 {strides = array<i32>} : memref<320xf32, #tpu.memory_space<vmem>>, vector<16xf32>,
    }
    %scan3A_242 = arith.constant 20 : i32
    "tpu.region"() ({
      %run_scoped3A_244 = tpu.sem_alloc : memref<!tpu.dma_semaphore, #tpu.memory_space<semaphore_mem>>
      %dma_start3A = tpu.memref_slice %arg7[%arg0, %add3A_130] : memref<2x10240xf32, #tpu.memory_space<hbm>> -> memref<1x320xf32, #tpu.memory_space<hbm>>
      %dma_start3A_245 = tpu.memref_squeeze %dma_start3A : memref<1x320xf32, #tpu.memory_space<hbm>> -> memref<320xf32, #tpu.memory_space<hbm>>
      %dma_start3A_246 = tpu.memref_slice %arg7[%arg0, %add3A_130] : memref<2x10240xf32, #tpu.memory_space<hbm>> -> memref<1x320xf32, #tpu.memory_space<hbm>>
      %dma_start3A_247 = tpu.memref_squeeze %dma_start3A_246 : memref<1x320xf32, #tpu.memory_space<hbm>> -> memref<320xf32, #tpu.memory_space<hbm>>
      tpu.enqueue_dma source(%arg14 : memref<320xf32, #tpu.memory_space<vmem>>) target(%dma_start3A_247 : memref<320xf32, #tpu.memory_space<hbm>>) target_semaphore(%run_scoped3A_244 : memref<!tpu.dma_semaphore, #tpu.memory_space<semaphore_mem>>)
      %dma_wait3A = tpu.memref_slice %arg7[%arg0, %add3A_130] : memref<2x10240xf32, #tpu.memory_space<hbm>> -> memref<1x320xf32, #tpu.memory_space<hbm>>
      %dma_wait3A_248 = tpu.memref_squeeze %dma_wait3A : memref<1x320xf32, #tpu.memory_space<hbm>> -> memref<320xf32, #tpu.memory_space<hbm>>
      %dma_wait3A_249 = tpu.memref_slice %arg7[%arg0, %add3A_130] : memref<2x10240xf32, #tpu.memory_space<hbm>> -> memref<1x320xf32, #tpu.memory_space<hbm>>
      %dma_wait3A_250 = tpu.memref_squeeze %dma_wait3A_249 : memref<1x320xf32, #tpu.memory_space<hbm>> -> memref<320xf32, #tpu.memory_space<hbm>>
      tpu.wait_dma2 semaphore(%run_scoped3A_244 : memref<!tpu.dma_semaphore, #tpu.memory_space<semaphore_mem>>) src(%arg14 : memref<320xf32, #tpu.memory_space<vmem>>) dst(%dma_wait3A_250 : memref<320xf32, #tpu.memory_space<hbm>>)
      tpu.yield
    }) : () -> ()
    %barrier3A_243 = arith.constant 0 : index
    tpu.barrier barrier_id(%barrier3A_243)
    return
  }
}

#map = affine_map<(d0, d1) -> (0, 0, 0)>
#map1 = affine_map<(d0, d1) -> (0, 0)>
module attributes {stable_mosaic.version = 14 : i64} {
  func.func @_aggregate(%arg0: i32, %arg1: i32, %arg2: memref<4x10000x64xf32, #tpu.memory_space<hbm>>, %arg3: memref<16x125x80xi32, #tpu.memory_space<hbm>>, %arg4: memref<16x125x80xi32, #tpu.memory_space<hbm>>, %arg5: memref<10240x256xf32, #tpu.memory_space<hbm>>, %arg6: memref<125x80xi32, #tpu.memory_space<vmem>>, %arg7: memref<125x80xi32, #tpu.memory_space<vmem>>, %arg8: memref<2x5x80x64xf32, #tpu.memory_space<vmem>>, %arg9: memref<128x64xf32, #tpu.memory_space<vmem>>, %arg10: memref<10240x64xf32, #tpu.memory_space<vmem_shared>>, %arg11: memref<!tpu.dma_semaphore, #tpu.memory_space<semaphore_mem>>, %arg12: memref<!tpu.dma_semaphore, #tpu.memory_space<semaphore_mem>>) attributes {dimension_semantics = [#tpu.dimension_semantics<core_parallel>, #tpu.dimension_semantics<subcore_parallel>], iteration_bounds = array<i64: 2, 16>, scalar_prefetch = 0 : i64, scratch_operands = 7 : i64, tpu.core_type = #tpu.core_type<sc_vector_subcore>, window_params = [{transform_indices = #map}, {transform_indices = #map}, {transform_indices = #map}, {transform_indices = #map1}]} {
    "tpu.region"() ({
      %run_scoped3A = tpu.sem_alloc : memref<!tpu.dma_semaphore, #tpu.memory_space<semaphore_mem>>
      %dma_start3A_409 = arith.constant 0 : i32
      %dma_start3A_410 = arith.constant 0 : i32
      %dma_start3A_411 = tpu.memref_slice %arg4[%arg1, %dma_start3A_409, %dma_start3A_410] : memref<16x125x80xi32, #tpu.memory_space<hbm>> -> memref<1x125x80xi32, #tpu.memory_space<hbm>>
      %dma_start3A_412 = tpu.memref_squeeze %dma_start3A_411 : memref<1x125x80xi32, #tpu.memory_space<hbm>> -> memref<125x80xi32, #tpu.memory_space<hbm>>
      %dma_start3A_413 = arith.constant 0 : i32
      %dma_start3A_414 = arith.constant 0 : i32
      %dma_start3A_415 = tpu.memref_slice %arg4[%arg1, %dma_start3A_413, %dma_start3A_414] : memref<16x125x80xi32, #tpu.memory_space<hbm>> -> memref<1x125x80xi32, #tpu.memory_space<hbm>>
      %dma_start3A_416 = tpu.memref_squeeze %dma_start3A_415 : memref<1x125x80xi32, #tpu.memory_space<hbm>> -> memref<125x80xi32, #tpu.memory_space<hbm>>
      tpu.enqueue_dma source(%dma_start3A_416 : memref<125x80xi32, #tpu.memory_space<hbm>>) target(%arg7 : memref<125x80xi32, #tpu.memory_space<vmem>>) target_semaphore(%run_scoped3A : memref<!tpu.dma_semaphore, #tpu.memory_space<semaphore_mem>>)
      %dma_wait3A_417 = arith.constant 0 : i32
      %dma_wait3A_418 = arith.constant 0 : i32
      %dma_wait3A_419 = tpu.memref_slice %arg4[%arg1, %dma_wait3A_417, %dma_wait3A_418] : memref<16x125x80xi32, #tpu.memory_space<hbm>> -> memref<1x125x80xi32, #tpu.memory_space<hbm>>
      %dma_wait3A_420 = tpu.memref_squeeze %dma_wait3A_419 : memref<1x125x80xi32, #tpu.memory_space<hbm>> -> memref<125x80xi32, #tpu.memory_space<hbm>>
      %dma_wait3A_421 = arith.constant 0 : i32
      %dma_wait3A_422 = arith.constant 0 : i32
      %dma_wait3A_423 = tpu.memref_slice %arg4[%arg1, %dma_wait3A_421, %dma_wait3A_422] : memref<16x125x80xi32, #tpu.memory_space<hbm>> -> memref<1x125x80xi32, #tpu.memory_space<hbm>>
      %dma_wait3A_424 = tpu.memref_squeeze %dma_wait3A_423 : memref<1x125x80xi32, #tpu.memory_space<hbm>> -> memref<125x80xi32, #tpu.memory_space<hbm>>
      tpu.wait_dma2 semaphore(%run_scoped3A : memref<!tpu.dma_semaphore, #tpu.memory_space<semaphore_mem>>) src(%dma_wait3A_424 : memref<125x80xi32, #tpu.memory_space<hbm>>) dst(%arg7 : memref<125x80xi32, #tpu.memory_space<vmem>>)
      tpu.yield
    }) : () -> ()
    "tpu.region"() ({
      %run_scoped3A = tpu.sem_alloc : memref<!tpu.dma_semaphore, #tpu.memory_space<semaphore_mem>>
      %dma_start3A_409 = arith.constant 0 : i32
      %dma_start3A_410 = arith.constant 0 : i32
      %dma_start3A_411 = tpu.memref_slice %arg3[%arg1, %dma_start3A_409, %dma_start3A_410] : memref<16x125x80xi32, #tpu.memory_space<hbm>> -> memref<1x125x80xi32, #tpu.memory_space<hbm>>
      %dma_start3A_412 = tpu.memref_squeeze %dma_start3A_411 : memref<1x125x80xi32, #tpu.memory_space<hbm>> -> memref<125x80xi32, #tpu.memory_space<hbm>>
      %dma_start3A_413 = arith.constant 0 : i32
      %dma_start3A_414 = arith.constant 0 : i32
      %dma_start3A_415 = tpu.memref_slice %arg3[%arg1, %dma_start3A_413, %dma_start3A_414] : memref<16x125x80xi32, #tpu.memory_space<hbm>> -> memref<1x125x80xi32, #tpu.memory_space<hbm>>
      %dma_start3A_416 = tpu.memref_squeeze %dma_start3A_415 : memref<1x125x80xi32, #tpu.memory_space<hbm>> -> memref<125x80xi32, #tpu.memory_space<hbm>>
      tpu.enqueue_dma source(%dma_start3A_416 : memref<125x80xi32, #tpu.memory_space<hbm>>) target(%arg6 : memref<125x80xi32, #tpu.memory_space<vmem>>) target_semaphore(%run_scoped3A : memref<!tpu.dma_semaphore, #tpu.memory_space<semaphore_mem>>)
      %dma_wait3A_417 = arith.constant 0 : i32
      %dma_wait3A_418 = arith.constant 0 : i32
      %dma_wait3A_419 = tpu.memref_slice %arg3[%arg1, %dma_wait3A_417, %dma_wait3A_418] : memref<16x125x80xi32, #tpu.memory_space<hbm>> -> memref<1x125x80xi32, #tpu.memory_space<hbm>>
      %dma_wait3A_420 = tpu.memref_squeeze %dma_wait3A_419 : memref<1x125x80xi32, #tpu.memory_space<hbm>> -> memref<125x80xi32, #tpu.memory_space<hbm>>
      %dma_wait3A_421 = arith.constant 0 : i32
      %dma_wait3A_422 = arith.constant 0 : i32
      %dma_wait3A_423 = tpu.memref_slice %arg3[%arg1, %dma_wait3A_421, %dma_wait3A_422] : memref<16x125x80xi32, #tpu.memory_space<hbm>> -> memref<1x125x80xi32, #tpu.memory_space<hbm>>
      %dma_wait3A_424 = tpu.memref_squeeze %dma_wait3A_423 : memref<1x125x80xi32, #tpu.memory_space<hbm>> -> memref<125x80xi32, #tpu.memory_space<hbm>>
      tpu.wait_dma2 semaphore(%run_scoped3A : memref<!tpu.dma_semaphore, #tpu.memory_space<semaphore_mem>>) src(%dma_wait3A_424 : memref<125x80xi32, #tpu.memory_space<hbm>>) dst(%arg6 : memref<125x80xi32, #tpu.memory_space<vmem>>)
      tpu.yield
    }) : () -> ()
    %scan3A = arith.constant 0 : i32
    %scan3A_0 = arith.constant 0 : i32
    %scan3A_1 = arith.constant 128 : i32
    %scan3A_2 = arith.addi %scan3A_0, %scan3A_1 : i32
    %scan3A_3 = arith.constant 1 : i32
    scf.for %scan3A_409 = %scan3A_0 to %scan3A_2 step %scan3A_3  : i32 {
      %broadcast_in_dim3A = arith.constant 0.000000e+00 : f32
      %broadcast_in_dim3A_410 = vector.broadcast %broadcast_in_dim3A : f32 to vector<16xf32>
      %swap3A = arith.index_cast %scan3A_409 : i32 to index
      %swap3A_411 = arith.constant 0 : index
      %swap3A_412 = tpu.vector_load %arg9[%swap3A, %swap3A_411] {strides = array<i32>} : memref<128x64xf32, #tpu.memory_space<vmem>>, vector<1x16xf32>,
      %swap3A_413 = vector.shape_cast %swap3A_412 : vector<1x16xf32> to vector<16xf32>
      %swap3A_414 = vector.shape_cast %broadcast_in_dim3A_410 : vector<16xf32> to vector<1x16xf32>
      tpu.vector_store %arg9[%swap3A, %swap3A_411], %swap3A_414 {strides = array<i32>} : memref<128x64xf32, #tpu.memory_space<vmem>>, vector<1x16xf32>,
      %broadcast_in_dim3A_415 = arith.constant 0.000000e+00 : f32
      %broadcast_in_dim3A_416 = vector.broadcast %broadcast_in_dim3A_415 : f32 to vector<16xf32>
      %swap3A_417 = arith.index_cast %scan3A_409 : i32 to index
      %swap3A_418 = arith.constant 16 : index
      %swap3A_419 = tpu.vector_load %arg9[%swap3A_417, %swap3A_418] {strides = array<i32>} : memref<128x64xf32, #tpu.memory_space<vmem>>, vector<1x16xf32>,
      %swap3A_420 = vector.shape_cast %swap3A_419 : vector<1x16xf32> to vector<16xf32>
      %swap3A_421 = vector.shape_cast %broadcast_in_dim3A_416 : vector<16xf32> to vector<1x16xf32>
      tpu.vector_store %arg9[%swap3A_417, %swap3A_418], %swap3A_421 {strides = array<i32>} : memref<128x64xf32, #tpu.memory_space<vmem>>, vector<1x16xf32>,
      %broadcast_in_dim3A_422 = arith.constant 0.000000e+00 : f32
      %broadcast_in_dim3A_423 = vector.broadcast %broadcast_in_dim3A_422 : f32 to vector<16xf32>
      %swap3A_424 = arith.index_cast %scan3A_409 : i32 to index
      %swap3A_425 = arith.constant 32 : index
      %swap3A_426 = tpu.vector_load %arg9[%swap3A_424, %swap3A_425] {strides = array<i32>} : memref<128x64xf32, #tpu.memory_space<vmem>>, vector<1x16xf32>,
      %swap3A_427 = vector.shape_cast %swap3A_426 : vector<1x16xf32> to vector<16xf32>
      %swap3A_428 = vector.shape_cast %broadcast_in_dim3A_423 : vector<16xf32> to vector<1x16xf32>
      tpu.vector_store %arg9[%swap3A_424, %swap3A_425], %swap3A_428 {strides = array<i32>} : memref<128x64xf32, #tpu.memory_space<vmem>>, vector<1x16xf32>,
      %broadcast_in_dim3A_429 = arith.constant 0.000000e+00 : f32
      %broadcast_in_dim3A_430 = vector.broadcast %broadcast_in_dim3A_429 : f32 to vector<16xf32>
      %swap3A_431 = arith.index_cast %scan3A_409 : i32 to index
      %swap3A_432 = arith.constant 48 : index
      %swap3A_433 = tpu.vector_load %arg9[%swap3A_431, %swap3A_432] {strides = array<i32>} : memref<128x64xf32, #tpu.memory_space<vmem>>, vector<1x16xf32>,
      %swap3A_434 = vector.shape_cast %swap3A_433 : vector<1x16xf32> to vector<16xf32>
      %swap3A_435 = vector.shape_cast %broadcast_in_dim3A_430 : vector<16xf32> to vector<1x16xf32>
      tpu.vector_store %arg9[%swap3A_431, %swap3A_432], %swap3A_435 {strides = array<i32>} : memref<128x64xf32, #tpu.memory_space<vmem>>, vector<1x16xf32>,
    }
    %scan3A_4 = arith.constant 128 : i32
    %scan3A_5 = arith.constant 0 : i32
    %scan3A_6 = arith.constant 0 : i32
    %scan3A_7 = arith.constant 5 : i32
    %scan3A_8 = arith.addi %scan3A_6, %scan3A_7 : i32
    %scan3A_9 = arith.constant 1 : i32
    scf.for %scan3A_409 = %scan3A_6 to %scan3A_8 step %scan3A_9  : i32 {
      %mul3A_410 = arith.constant 640 : i32
      %mul3A_411 = arith.muli %arg1, %mul3A_410 : i32
      %mul3A_412 = arith.constant 128 : i32
      %mul3A_413 = arith.muli %scan3A_409, %mul3A_412 : i32
      %add3A_414 = arith.addi %mul3A_411, %mul3A_413 : i32
      "tpu.region"() ({
        %run_scoped3A = tpu.sem_alloc : memref<!tpu.dma_semaphore, #tpu.memory_space<semaphore_mem>>
        %dma_start3A_415 = arith.constant 0 : i32
        %dma_start3A_416 = tpu.memref_slice %arg10[%add3A_414, %dma_start3A_415] : memref<10240x64xf32, #tpu.memory_space<vmem_shared>> -> memref<128x64xf32, #tpu.memory_space<vmem_shared>>
        %dma_start3A_417 = arith.constant 0 : i32
        %dma_start3A_418 = tpu.memref_slice %arg10[%add3A_414, %dma_start3A_417] : memref<10240x64xf32, #tpu.memory_space<vmem_shared>> -> memref<128x64xf32, #tpu.memory_space<vmem_shared>>
        tpu.enqueue_dma source(%arg9 : memref<128x64xf32, #tpu.memory_space<vmem>>) target(%dma_start3A_418 : memref<128x64xf32, #tpu.memory_space<vmem_shared>>) target_semaphore(%run_scoped3A : memref<!tpu.dma_semaphore, #tpu.memory_space<semaphore_mem>>)
        %dma_wait3A_419 = arith.constant 0 : i32
        %dma_wait3A_420 = tpu.memref_slice %arg10[%add3A_414, %dma_wait3A_419] : memref<10240x64xf32, #tpu.memory_space<vmem_shared>> -> memref<128x64xf32, #tpu.memory_space<vmem_shared>>
        %dma_wait3A_421 = arith.constant 0 : i32
        %dma_wait3A_422 = tpu.memref_slice %arg10[%add3A_414, %dma_wait3A_421] : memref<10240x64xf32, #tpu.memory_space<vmem_shared>> -> memref<128x64xf32, #tpu.memory_space<vmem_shared>>
        tpu.wait_dma2 semaphore(%run_scoped3A : memref<!tpu.dma_semaphore, #tpu.memory_space<semaphore_mem>>) src(%arg9 : memref<128x64xf32, #tpu.memory_space<vmem>>) dst(%dma_wait3A_422 : memref<128x64xf32, #tpu.memory_space<vmem_shared>>)
        tpu.yield
      }) : () -> ()
    }
    %scan3A_10 = arith.constant 5 : i32
    %mul3A = arith.constant 2 : i32
    %mul3A_11 = arith.muli %mul3A, %arg0 : i32
    %dma_start3A = arith.constant 0 : i32
    %dma_start3A_12 = arith.constant 0 : i32
    %dma_start3A_13 = arith.constant 0 : i32
    %dma_start3A_14 = arith.constant 0 : i32
    %dma_start3A_15 = arith.constant 0 : i32
    %dma_start3A_16 = tpu.memref_slice %arg8[%dma_start3A_12, %dma_start3A_13, %dma_start3A_14, %dma_start3A_15] : memref<2x5x80x64xf32, #tpu.memory_space<vmem>> -> memref<1x1x80x64xf32, #tpu.memory_space<vmem>>
    %dma_start3A_17 = tpu.memref_squeeze %dma_start3A_16 : memref<1x1x80x64xf32, #tpu.memory_space<vmem>> -> memref<80x64xf32, #tpu.memory_space<vmem>>
    %dma_start3A_18 = arith.constant 0 : i32
    %dma_start3A_19 = tpu.memref_slice %arg6[%dma_start3A, %dma_start3A_18] : memref<125x80xi32, #tpu.memory_space<vmem>> -> memref<1x80xi32, #tpu.memory_space<vmem>>
    %dma_start3A_20 = tpu.memref_squeeze %dma_start3A_19 : memref<1x80xi32, #tpu.memory_space<vmem>> -> memref<80xi32, #tpu.memory_space<vmem>>
    %dma_start3A_21 = arith.constant 0 : i32
    %dma_start3A_22 = arith.constant 0 : i32
    %dma_start3A_23 = tpu.memref_slice %arg2[%mul3A_11, %dma_start3A_21, %dma_start3A_22] : memref<4x10000x64xf32, #tpu.memory_space<hbm>> -> memref<1x10000x64xf32, #tpu.memory_space<hbm>>
    %dma_start3A_24 = tpu.memref_squeeze %dma_start3A_23 : memref<1x10000x64xf32, #tpu.memory_space<hbm>> -> memref<10000x64xf32, #tpu.memory_space<hbm>>
    %dma_start3A_25 = arith.constant 0 : i32
    %dma_start3A_26 = arith.constant 0 : i32
    %dma_start3A_27 = tpu.memref_slice %dma_start3A_24[%dma_start3A_25, %dma_start3A_26] : memref<10000x64xf32, #tpu.memory_space<hbm>> -> memref<10000x64xf32, #tpu.memory_space<hbm>>
    tpu.enqueue_indirect_dma source(%dma_start3A_27 : memref<10000x64xf32, #tpu.memory_space<hbm>>) target(%dma_start3A_17 : memref<80x64xf32, #tpu.memory_space<vmem>>) offsets(%dma_start3A_20 : memref<80xi32, #tpu.memory_space<vmem>>) semaphore(%arg11 : memref<!tpu.dma_semaphore, #tpu.memory_space<semaphore_mem>>)
    %dma_start3A_28 = arith.constant 1 : i32
    %dma_start3A_29 = arith.constant 0 : i32
    %dma_start3A_30 = arith.constant 1 : i32
    %dma_start3A_31 = arith.constant 0 : i32
    %dma_start3A_32 = arith.constant 0 : i32
    %dma_start3A_33 = tpu.memref_slice %arg8[%dma_start3A_29, %dma_start3A_30, %dma_start3A_31, %dma_start3A_32] : memref<2x5x80x64xf32, #tpu.memory_space<vmem>> -> memref<1x1x80x64xf32, #tpu.memory_space<vmem>>
    %dma_start3A_34 = tpu.memref_squeeze %dma_start3A_33 : memref<1x1x80x64xf32, #tpu.memory_space<vmem>> -> memref<80x64xf32, #tpu.memory_space<vmem>>
    %dma_start3A_35 = arith.constant 0 : i32
    %dma_start3A_36 = tpu.memref_slice %arg6[%dma_start3A_28, %dma_start3A_35] : memref<125x80xi32, #tpu.memory_space<vmem>> -> memref<1x80xi32, #tpu.memory_space<vmem>>
    %dma_start3A_37 = tpu.memref_squeeze %dma_start3A_36 : memref<1x80xi32, #tpu.memory_space<vmem>> -> memref<80xi32, #tpu.memory_space<vmem>>
    %dma_start3A_38 = arith.constant 0 : i32
    %dma_start3A_39 = arith.constant 0 : i32
    %dma_start3A_40 = tpu.memref_slice %arg2[%mul3A_11, %dma_start3A_38, %dma_start3A_39] : memref<4x10000x64xf32, #tpu.memory_space<hbm>> -> memref<1x10000x64xf32, #tpu.memory_space<hbm>>
    %dma_start3A_41 = tpu.memref_squeeze %dma_start3A_40 : memref<1x10000x64xf32, #tpu.memory_space<hbm>> -> memref<10000x64xf32, #tpu.memory_space<hbm>>
    %dma_start3A_42 = arith.constant 0 : i32
    %dma_start3A_43 = arith.constant 0 : i32
    %dma_start3A_44 = tpu.memref_slice %dma_start3A_41[%dma_start3A_42, %dma_start3A_43] : memref<10000x64xf32, #tpu.memory_space<hbm>> -> memref<10000x64xf32, #tpu.memory_space<hbm>>
    tpu.enqueue_indirect_dma source(%dma_start3A_44 : memref<10000x64xf32, #tpu.memory_space<hbm>>) target(%dma_start3A_34 : memref<80x64xf32, #tpu.memory_space<vmem>>) offsets(%dma_start3A_37 : memref<80xi32, #tpu.memory_space<vmem>>) semaphore(%arg11 : memref<!tpu.dma_semaphore, #tpu.memory_space<semaphore_mem>>)
    %dma_start3A_45 = arith.constant 2 : i32
    %dma_start3A_46 = arith.constant 0 : i32
    %dma_start3A_47 = arith.constant 2 : i32
    %dma_start3A_48 = arith.constant 0 : i32
    %dma_start3A_49 = arith.constant 0 : i32
    %dma_start3A_50 = tpu.memref_slice %arg8[%dma_start3A_46, %dma_start3A_47, %dma_start3A_48, %dma_start3A_49] : memref<2x5x80x64xf32, #tpu.memory_space<vmem>> -> memref<1x1x80x64xf32, #tpu.memory_space<vmem>>
    %dma_start3A_51 = tpu.memref_squeeze %dma_start3A_50 : memref<1x1x80x64xf32, #tpu.memory_space<vmem>> -> memref<80x64xf32, #tpu.memory_space<vmem>>
    %dma_start3A_52 = arith.constant 0 : i32
    %dma_start3A_53 = tpu.memref_slice %arg6[%dma_start3A_45, %dma_start3A_52] : memref<125x80xi32, #tpu.memory_space<vmem>> -> memref<1x80xi32, #tpu.memory_space<vmem>>
    %dma_start3A_54 = tpu.memref_squeeze %dma_start3A_53 : memref<1x80xi32, #tpu.memory_space<vmem>> -> memref<80xi32, #tpu.memory_space<vmem>>
    %dma_start3A_55 = arith.constant 0 : i32
    %dma_start3A_56 = arith.constant 0 : i32
    %dma_start3A_57 = tpu.memref_slice %arg2[%mul3A_11, %dma_start3A_55, %dma_start3A_56] : memref<4x10000x64xf32, #tpu.memory_space<hbm>> -> memref<1x10000x64xf32, #tpu.memory_space<hbm>>
    %dma_start3A_58 = tpu.memref_squeeze %dma_start3A_57 : memref<1x10000x64xf32, #tpu.memory_space<hbm>> -> memref<10000x64xf32, #tpu.memory_space<hbm>>
    %dma_start3A_59 = arith.constant 0 : i32
    %dma_start3A_60 = arith.constant 0 : i32
    %dma_start3A_61 = tpu.memref_slice %dma_start3A_58[%dma_start3A_59, %dma_start3A_60] : memref<10000x64xf32, #tpu.memory_space<hbm>> -> memref<10000x64xf32, #tpu.memory_space<hbm>>
    tpu.enqueue_indirect_dma source(%dma_start3A_61 : memref<10000x64xf32, #tpu.memory_space<hbm>>) target(%dma_start3A_51 : memref<80x64xf32, #tpu.memory_space<vmem>>) offsets(%dma_start3A_54 : memref<80xi32, #tpu.memory_space<vmem>>) semaphore(%arg11 : memref<!tpu.dma_semaphore, #tpu.memory_space<semaphore_mem>>)
    %dma_start3A_62 = arith.constant 3 : i32
    %dma_start3A_63 = arith.constant 0 : i32
    %dma_start3A_64 = arith.constant 3 : i32
    %dma_start3A_65 = arith.constant 0 : i32
    %dma_start3A_66 = arith.constant 0 : i32
    %dma_start3A_67 = tpu.memref_slice %arg8[%dma_start3A_63, %dma_start3A_64, %dma_start3A_65, %dma_start3A_66] : memref<2x5x80x64xf32, #tpu.memory_space<vmem>> -> memref<1x1x80x64xf32, #tpu.memory_space<vmem>>
    %dma_start3A_68 = tpu.memref_squeeze %dma_start3A_67 : memref<1x1x80x64xf32, #tpu.memory_space<vmem>> -> memref<80x64xf32, #tpu.memory_space<vmem>>
    %dma_start3A_69 = arith.constant 0 : i32
    %dma_start3A_70 = tpu.memref_slice %arg6[%dma_start3A_62, %dma_start3A_69] : memref<125x80xi32, #tpu.memory_space<vmem>> -> memref<1x80xi32, #tpu.memory_space<vmem>>
    %dma_start3A_71 = tpu.memref_squeeze %dma_start3A_70 : memref<1x80xi32, #tpu.memory_space<vmem>> -> memref<80xi32, #tpu.memory_space<vmem>>
    %dma_start3A_72 = arith.constant 0 : i32
    %dma_start3A_73 = arith.constant 0 : i32
    %dma_start3A_74 = tpu.memref_slice %arg2[%mul3A_11, %dma_start3A_72, %dma_start3A_73] : memref<4x10000x64xf32, #tpu.memory_space<hbm>> -> memref<1x10000x64xf32, #tpu.memory_space<hbm>>
    %dma_start3A_75 = tpu.memref_squeeze %dma_start3A_74 : memref<1x10000x64xf32, #tpu.memory_space<hbm>> -> memref<10000x64xf32, #tpu.memory_space<hbm>>
    %dma_start3A_76 = arith.constant 0 : i32
    %dma_start3A_77 = arith.constant 0 : i32
    %dma_start3A_78 = tpu.memref_slice %dma_start3A_75[%dma_start3A_76, %dma_start3A_77] : memref<10000x64xf32, #tpu.memory_space<hbm>> -> memref<10000x64xf32, #tpu.memory_space<hbm>>
    tpu.enqueue_indirect_dma source(%dma_start3A_78 : memref<10000x64xf32, #tpu.memory_space<hbm>>) target(%dma_start3A_68 : memref<80x64xf32, #tpu.memory_space<vmem>>) offsets(%dma_start3A_71 : memref<80xi32, #tpu.memory_space<vmem>>) semaphore(%arg11 : memref<!tpu.dma_semaphore, #tpu.memory_space<semaphore_mem>>)
    %dma_start3A_79 = arith.constant 4 : i32
    %dma_start3A_80 = arith.constant 0 : i32
    %dma_start3A_81 = arith.constant 4 : i32
    %dma_start3A_82 = arith.constant 0 : i32
    %dma_start3A_83 = arith.constant 0 : i32
    %dma_start3A_84 = tpu.memref_slice %arg8[%dma_start3A_80, %dma_start3A_81, %dma_start3A_82, %dma_start3A_83] : memref<2x5x80x64xf32, #tpu.memory_space<vmem>> -> memref<1x1x80x64xf32, #tpu.memory_space<vmem>>
    %dma_start3A_85 = tpu.memref_squeeze %dma_start3A_84 : memref<1x1x80x64xf32, #tpu.memory_space<vmem>> -> memref<80x64xf32, #tpu.memory_space<vmem>>
    %dma_start3A_86 = arith.constant 0 : i32
    %dma_start3A_87 = tpu.memref_slice %arg6[%dma_start3A_79, %dma_start3A_86] : memref<125x80xi32, #tpu.memory_space<vmem>> -> memref<1x80xi32, #tpu.memory_space<vmem>>
    %dma_start3A_88 = tpu.memref_squeeze %dma_start3A_87 : memref<1x80xi32, #tpu.memory_space<vmem>> -> memref<80xi32, #tpu.memory_space<vmem>>
    %dma_start3A_89 = arith.constant 0 : i32
    %dma_start3A_90 = arith.constant 0 : i32
    %dma_start3A_91 = tpu.memref_slice %arg2[%mul3A_11, %dma_start3A_89, %dma_start3A_90] : memref<4x10000x64xf32, #tpu.memory_space<hbm>> -> memref<1x10000x64xf32, #tpu.memory_space<hbm>>
    %dma_start3A_92 = tpu.memref_squeeze %dma_start3A_91 : memref<1x10000x64xf32, #tpu.memory_space<hbm>> -> memref<10000x64xf32, #tpu.memory_space<hbm>>
    %dma_start3A_93 = arith.constant 0 : i32
    %dma_start3A_94 = arith.constant 0 : i32
    %dma_start3A_95 = tpu.memref_slice %dma_start3A_92[%dma_start3A_93, %dma_start3A_94] : memref<10000x64xf32, #tpu.memory_space<hbm>> -> memref<10000x64xf32, #tpu.memory_space<hbm>>
    tpu.enqueue_indirect_dma source(%dma_start3A_95 : memref<10000x64xf32, #tpu.memory_space<hbm>>) target(%dma_start3A_85 : memref<80x64xf32, #tpu.memory_space<vmem>>) offsets(%dma_start3A_88 : memref<80xi32, #tpu.memory_space<vmem>>) semaphore(%arg11 : memref<!tpu.dma_semaphore, #tpu.memory_space<semaphore_mem>>)
    %barrier3A = arith.constant 0 : index
    tpu.barrier barrier_id(%barrier3A)
    %mul3A_96 = arith.constant 2 : i32
    %mul3A_97 = arith.muli %mul3A_96, %arg0 : i32
    %add3A = arith.constant 0 : i32
    %add3A_98 = arith.addi %mul3A_97, %add3A : i32
    %scan3A_99 = arith.constant 0 : i32
    %scan3A_100 = arith.constant 0 : i32
    %scan3A_101 = arith.constant 25 : i32
    %scan3A_102 = arith.addi %scan3A_100, %scan3A_101 : i32
    %scan3A_103 = arith.constant 1 : i32
    scf.for %scan3A_409 = %scan3A_100 to %scan3A_102 step %scan3A_103  : i32 {
      %rem3A_410 = arith.constant 2 : i32
      %rem3A_411 = arith.remsi %scan3A_409, %rem3A_410 : i32
      %dma_wait3A_412 = arith.constant 0 : i32
      %dma_wait3A_413 = arith.constant 0 : i32
      %dma_wait3A_414 = arith.constant 0 : i32
      %dma_wait3A_415 = arith.constant 0 : i32
      %dma_wait3A_416 = tpu.memref_slice %arg8[%rem3A_411, %dma_wait3A_413, %dma_wait3A_414, %dma_wait3A_415] : memref<2x5x80x64xf32, #tpu.memory_space<vmem>> -> memref<1x1x80x64xf32, #tpu.memory_space<vmem>>
      %dma_wait3A_417 = tpu.memref_squeeze %dma_wait3A_416 : memref<1x1x80x64xf32, #tpu.memory_space<vmem>> -> memref<80x64xf32, #tpu.memory_space<vmem>>
      %dma_wait3A_418 = arith.constant 0 : i32
      %dma_wait3A_419 = arith.constant 0 : i32
      %dma_wait3A_420 = tpu.memref_slice %arg2[%dma_wait3A_412, %dma_wait3A_418, %dma_wait3A_419] : memref<4x10000x64xf32, #tpu.memory_space<hbm>> -> memref<1x80x64xf32, #tpu.memory_space<hbm>>
      %dma_wait3A_421 = tpu.memref_squeeze %dma_wait3A_420 : memref<1x80x64xf32, #tpu.memory_space<hbm>> -> memref<80x64xf32, #tpu.memory_space<hbm>>
      %dma_wait3A_422 = arith.constant 0 : i32
      %dma_wait3A_423 = arith.constant 0 : i32
      %dma_wait3A_424 = tpu.memref_slice %arg8[%rem3A_411, %dma_wait3A_413, %dma_wait3A_422, %dma_wait3A_423] : memref<2x5x80x64xf32, #tpu.memory_space<vmem>> -> memref<1x1x80x64xf32, #tpu.memory_space<vmem>>
      %dma_wait3A_425 = tpu.memref_squeeze %dma_wait3A_424 : memref<1x1x80x64xf32, #tpu.memory_space<vmem>> -> memref<80x64xf32, #tpu.memory_space<vmem>>
      %dma_wait3A_426 = arith.constant 0 : i32
      %dma_wait3A_427 = arith.constant 0 : i32
      %dma_wait3A_428 = tpu.memref_slice %arg2[%dma_wait3A_412, %dma_wait3A_426, %dma_wait3A_427] : memref<4x10000x64xf32, #tpu.memory_space<hbm>> -> memref<1x80x64xf32, #tpu.memory_space<hbm>>
      %dma_wait3A_429 = tpu.memref_squeeze %dma_wait3A_428 : memref<1x80x64xf32, #tpu.memory_space<hbm>> -> memref<80x64xf32, #tpu.memory_space<hbm>>
      tpu.wait_dma2 semaphore(%arg11 : memref<!tpu.dma_semaphore, #tpu.memory_space<semaphore_mem>>) src(%dma_wait3A_429 : memref<80x64xf32, #tpu.memory_space<hbm>>) dst(%dma_wait3A_425 : memref<80x64xf32, #tpu.memory_space<vmem>>)
      %dma_wait3A_430 = arith.constant 0 : i32
      %dma_wait3A_431 = arith.constant 1 : i32
      %dma_wait3A_432 = arith.constant 0 : i32
      %dma_wait3A_433 = arith.constant 0 : i32
      %dma_wait3A_434 = tpu.memref_slice %arg8[%rem3A_411, %dma_wait3A_431, %dma_wait3A_432, %dma_wait3A_433] : memref<2x5x80x64xf32, #tpu.memory_space<vmem>> -> memref<1x1x80x64xf32, #tpu.memory_space<vmem>>
      %dma_wait3A_435 = tpu.memref_squeeze %dma_wait3A_434 : memref<1x1x80x64xf32, #tpu.memory_space<vmem>> -> memref<80x64xf32, #tpu.memory_space<vmem>>
      %dma_wait3A_436 = arith.constant 0 : i32
      %dma_wait3A_437 = arith.constant 0 : i32
      %dma_wait3A_438 = tpu.memref_slice %arg2[%dma_wait3A_430, %dma_wait3A_436, %dma_wait3A_437] : memref<4x10000x64xf32, #tpu.memory_space<hbm>> -> memref<1x80x64xf32, #tpu.memory_space<hbm>>
      %dma_wait3A_439 = tpu.memref_squeeze %dma_wait3A_438 : memref<1x80x64xf32, #tpu.memory_space<hbm>> -> memref<80x64xf32, #tpu.memory_space<hbm>>
      %dma_wait3A_440 = arith.constant 0 : i32
      %dma_wait3A_441 = arith.constant 0 : i32
      %dma_wait3A_442 = tpu.memref_slice %arg8[%rem3A_411, %dma_wait3A_431, %dma_wait3A_440, %dma_wait3A_441] : memref<2x5x80x64xf32, #tpu.memory_space<vmem>> -> memref<1x1x80x64xf32, #tpu.memory_space<vmem>>
      %dma_wait3A_443 = tpu.memref_squeeze %dma_wait3A_442 : memref<1x1x80x64xf32, #tpu.memory_space<vmem>> -> memref<80x64xf32, #tpu.memory_space<vmem>>
      %dma_wait3A_444 = arith.constant 0 : i32
      %dma_wait3A_445 = arith.constant 0 : i32
      %dma_wait3A_446 = tpu.memref_slice %arg2[%dma_wait3A_430, %dma_wait3A_444, %dma_wait3A_445] : memref<4x10000x64xf32, #tpu.memory_space<hbm>> -> memref<1x80x64xf32, #tpu.memory_space<hbm>>
      %dma_wait3A_447 = tpu.memref_squeeze %dma_wait3A_446 : memref<1x80x64xf32, #tpu.memory_space<hbm>> -> memref<80x64xf32, #tpu.memory_space<hbm>>
      tpu.wait_dma2 semaphore(%arg11 : memref<!tpu.dma_semaphore, #tpu.memory_space<semaphore_mem>>) src(%dma_wait3A_447 : memref<80x64xf32, #tpu.memory_space<hbm>>) dst(%dma_wait3A_443 : memref<80x64xf32, #tpu.memory_space<vmem>>)
      %dma_wait3A_448 = arith.constant 0 : i32
      %dma_wait3A_449 = arith.constant 2 : i32
      %dma_wait3A_450 = arith.constant 0 : i32
      %dma_wait3A_451 = arith.constant 0 : i32
      %dma_wait3A_452 = tpu.memref_slice %arg8[%rem3A_411, %dma_wait3A_449, %dma_wait3A_450, %dma_wait3A_451] : memref<2x5x80x64xf32, #tpu.memory_space<vmem>> -> memref<1x1x80x64xf32, #tpu.memory_space<vmem>>
      %dma_wait3A_453 = tpu.memref_squeeze %dma_wait3A_452 : memref<1x1x80x64xf32, #tpu.memory_space<vmem>> -> memref<80x64xf32, #tpu.memory_space<vmem>>
      %dma_wait3A_454 = arith.constant 0 : i32
      %dma_wait3A_455 = arith.constant 0 : i32
      %dma_wait3A_456 = tpu.memref_slice %arg2[%dma_wait3A_448, %dma_wait3A_454, %dma_wait3A_455] : memref<4x10000x64xf32, #tpu.memory_space<hbm>> -> memref<1x80x64xf32, #tpu.memory_space<hbm>>
      %dma_wait3A_457 = tpu.memref_squeeze %dma_wait3A_456 : memref<1x80x64xf32, #tpu.memory_space<hbm>> -> memref<80x64xf32, #tpu.memory_space<hbm>>
      %dma_wait3A_458 = arith.constant 0 : i32
      %dma_wait3A_459 = arith.constant 0 : i32
      %dma_wait3A_460 = tpu.memref_slice %arg8[%rem3A_411, %dma_wait3A_449, %dma_wait3A_458, %dma_wait3A_459] : memref<2x5x80x64xf32, #tpu.memory_space<vmem>> -> memref<1x1x80x64xf32, #tpu.memory_space<vmem>>
      %dma_wait3A_461 = tpu.memref_squeeze %dma_wait3A_460 : memref<1x1x80x64xf32, #tpu.memory_space<vmem>> -> memref<80x64xf32, #tpu.memory_space<vmem>>
      %dma_wait3A_462 = arith.constant 0 : i32
      %dma_wait3A_463 = arith.constant 0 : i32
      %dma_wait3A_464 = tpu.memref_slice %arg2[%dma_wait3A_448, %dma_wait3A_462, %dma_wait3A_463] : memref<4x10000x64xf32, #tpu.memory_space<hbm>> -> memref<1x80x64xf32, #tpu.memory_space<hbm>>
      %dma_wait3A_465 = tpu.memref_squeeze %dma_wait3A_464 : memref<1x80x64xf32, #tpu.memory_space<hbm>> -> memref<80x64xf32, #tpu.memory_space<hbm>>
      tpu.wait_dma2 semaphore(%arg11 : memref<!tpu.dma_semaphore, #tpu.memory_space<semaphore_mem>>) src(%dma_wait3A_465 : memref<80x64xf32, #tpu.memory_space<hbm>>) dst(%dma_wait3A_461 : memref<80x64xf32, #tpu.memory_space<vmem>>)
      %dma_wait3A_466 = arith.constant 0 : i32
      %dma_wait3A_467 = arith.constant 3 : i32
      %dma_wait3A_468 = arith.constant 0 : i32
      %dma_wait3A_469 = arith.constant 0 : i32
      %dma_wait3A_470 = tpu.memref_slice %arg8[%rem3A_411, %dma_wait3A_467, %dma_wait3A_468, %dma_wait3A_469] : memref<2x5x80x64xf32, #tpu.memory_space<vmem>> -> memref<1x1x80x64xf32, #tpu.memory_space<vmem>>
      %dma_wait3A_471 = tpu.memref_squeeze %dma_wait3A_470 : memref<1x1x80x64xf32, #tpu.memory_space<vmem>> -> memref<80x64xf32, #tpu.memory_space<vmem>>
      %dma_wait3A_472 = arith.constant 0 : i32
      %dma_wait3A_473 = arith.constant 0 : i32
      %dma_wait3A_474 = tpu.memref_slice %arg2[%dma_wait3A_466, %dma_wait3A_472, %dma_wait3A_473] : memref<4x10000x64xf32, #tpu.memory_space<hbm>> -> memref<1x80x64xf32, #tpu.memory_space<hbm>>
      %dma_wait3A_475 = tpu.memref_squeeze %dma_wait3A_474 : memref<1x80x64xf32, #tpu.memory_space<hbm>> -> memref<80x64xf32, #tpu.memory_space<hbm>>
      %dma_wait3A_476 = arith.constant 0 : i32
      %dma_wait3A_477 = arith.constant 0 : i32
      %dma_wait3A_478 = tpu.memref_slice %arg8[%rem3A_411, %dma_wait3A_467, %dma_wait3A_476, %dma_wait3A_477] : memref<2x5x80x64xf32, #tpu.memory_space<vmem>> -> memref<1x1x80x64xf32, #tpu.memory_space<vmem>>
      %dma_wait3A_479 = tpu.memref_squeeze %dma_wait3A_478 : memref<1x1x80x64xf32, #tpu.memory_space<vmem>> -> memref<80x64xf32, #tpu.memory_space<vmem>>
      %dma_wait3A_480 = arith.constant 0 : i32
      %dma_wait3A_481 = arith.constant 0 : i32
      %dma_wait3A_482 = tpu.memref_slice %arg2[%dma_wait3A_466, %dma_wait3A_480, %dma_wait3A_481] : memref<4x10000x64xf32, #tpu.memory_space<hbm>> -> memref<1x80x64xf32, #tpu.memory_space<hbm>>
      %dma_wait3A_483 = tpu.memref_squeeze %dma_wait3A_482 : memref<1x80x64xf32, #tpu.memory_space<hbm>> -> memref<80x64xf32, #tpu.memory_space<hbm>>
      tpu.wait_dma2 semaphore(%arg11 : memref<!tpu.dma_semaphore, #tpu.memory_space<semaphore_mem>>) src(%dma_wait3A_483 : memref<80x64xf32, #tpu.memory_space<hbm>>) dst(%dma_wait3A_479 : memref<80x64xf32, #tpu.memory_space<vmem>>)
      %dma_wait3A_484 = arith.constant 0 : i32
      %dma_wait3A_485 = arith.constant 4 : i32
      %dma_wait3A_486 = arith.constant 0 : i32
      %dma_wait3A_487 = arith.constant 0 : i32
      %dma_wait3A_488 = tpu.memref_slice %arg8[%rem3A_411, %dma_wait3A_485, %dma_wait3A_486, %dma_wait3A_487] : memref<2x5x80x64xf32, #tpu.memory_space<vmem>> -> memref<1x1x80x64xf32, #tpu.memory_space<vmem>>
      %dma_wait3A_489 = tpu.memref_squeeze %dma_wait3A_488 : memref<1x1x80x64xf32, #tpu.memory_space<vmem>> -> memref<80x64xf32, #tpu.memory_space<vmem>>
      %dma_wait3A_490 = arith.constant 0 : i32
      %dma_wait3A_491 = arith.constant 0 : i32
      %dma_wait3A_492 = tpu.memref_slice %arg2[%dma_wait3A_484, %dma_wait3A_490, %dma_wait3A_491] : memref<4x10000x64xf32, #tpu.memory_space<hbm>> -> memref<1x80x64xf32, #tpu.memory_space<hbm>>
      %dma_wait3A_493 = tpu.memref_squeeze %dma_wait3A_492 : memref<1x80x64xf32, #tpu.memory_space<hbm>> -> memref<80x64xf32, #tpu.memory_space<hbm>>
      %dma_wait3A_494 = arith.constant 0 : i32
      %dma_wait3A_495 = arith.constant 0 : i32
      %dma_wait3A_496 = tpu.memref_slice %arg8[%rem3A_411, %dma_wait3A_485, %dma_wait3A_494, %dma_wait3A_495] : memref<2x5x80x64xf32, #tpu.memory_space<vmem>> -> memref<1x1x80x64xf32, #tpu.memory_space<vmem>>
      %dma_wait3A_497 = tpu.memref_squeeze %dma_wait3A_496 : memref<1x1x80x64xf32, #tpu.memory_space<vmem>> -> memref<80x64xf32, #tpu.memory_space<vmem>>
      %dma_wait3A_498 = arith.constant 0 : i32
      %dma_wait3A_499 = arith.constant 0 : i32
      %dma_wait3A_500 = tpu.memref_slice %arg2[%dma_wait3A_484, %dma_wait3A_498, %dma_wait3A_499] : memref<4x10000x64xf32, #tpu.memory_space<hbm>> -> memref<1x80x64xf32, #tpu.memory_space<hbm>>
      %dma_wait3A_501 = tpu.memref_squeeze %dma_wait3A_500 : memref<1x80x64xf32, #tpu.memory_space<hbm>> -> memref<80x64xf32, #tpu.memory_space<hbm>>
      tpu.wait_dma2 semaphore(%arg11 : memref<!tpu.dma_semaphore, #tpu.memory_space<semaphore_mem>>) src(%dma_wait3A_501 : memref<80x64xf32, #tpu.memory_space<hbm>>) dst(%dma_wait3A_497 : memref<80x64xf32, #tpu.memory_space<vmem>>)
      %ge3A = arith.constant 1 : i32
      %ge3A_502 = arith.cmpi sge, %scan3A_409, %ge3A : i32
      %convert_element_type3A = arith.extui %ge3A_502 : i1 to i32
      %cond3A = arith.constant 0 : i32
      %cond3A_503 = arith.cmpi ne, %convert_element_type3A, %cond3A : i32
      scf.if %cond3A_503 {
        %sub3A = arith.constant 1 : i32
        %sub3A_577 = arith.subi %sub3A, %rem3A_411 : i32
        %dma_wait3A_578 = arith.constant 0 : i32
        %dma_wait3A_579 = arith.constant 0 : i32
        %dma_wait3A_580 = arith.constant 0 : i32
        %dma_wait3A_581 = arith.constant 0 : i32
        %dma_wait3A_582 = tpu.memref_slice %arg8[%sub3A_577, %dma_wait3A_579, %dma_wait3A_580, %dma_wait3A_581] : memref<2x5x80x64xf32, #tpu.memory_space<vmem>> -> memref<1x1x80x64xf32, #tpu.memory_space<vmem>>
        %dma_wait3A_583 = tpu.memref_squeeze %dma_wait3A_582 : memref<1x1x80x64xf32, #tpu.memory_space<vmem>> -> memref<80x64xf32, #tpu.memory_space<vmem>>
        %dma_wait3A_584 = arith.constant 0 : i32
        %dma_wait3A_585 = arith.constant 0 : i32
        %dma_wait3A_586 = tpu.memref_slice %arg2[%dma_wait3A_578, %dma_wait3A_584, %dma_wait3A_585] : memref<4x10000x64xf32, #tpu.memory_space<hbm>> -> memref<1x80x64xf32, #tpu.memory_space<hbm>>
        %dma_wait3A_587 = tpu.memref_squeeze %dma_wait3A_586 : memref<1x80x64xf32, #tpu.memory_space<hbm>> -> memref<80x64xf32, #tpu.memory_space<hbm>>
        %dma_wait3A_588 = arith.constant 0 : i32
        %dma_wait3A_589 = arith.constant 0 : i32
        %dma_wait3A_590 = tpu.memref_slice %arg8[%sub3A_577, %dma_wait3A_579, %dma_wait3A_588, %dma_wait3A_589] : memref<2x5x80x64xf32, #tpu.memory_space<vmem>> -> memref<1x1x80x64xf32, #tpu.memory_space<vmem>>
        %dma_wait3A_591 = tpu.memref_squeeze %dma_wait3A_590 : memref<1x1x80x64xf32, #tpu.memory_space<vmem>> -> memref<80x64xf32, #tpu.memory_space<vmem>>
        %dma_wait3A_592 = arith.constant 0 : i32
        %dma_wait3A_593 = arith.constant 0 : i32
        %dma_wait3A_594 = tpu.memref_slice %arg2[%dma_wait3A_578, %dma_wait3A_592, %dma_wait3A_593] : memref<4x10000x64xf32, #tpu.memory_space<hbm>> -> memref<1x80x64xf32, #tpu.memory_space<hbm>>
        %dma_wait3A_595 = tpu.memref_squeeze %dma_wait3A_594 : memref<1x80x64xf32, #tpu.memory_space<hbm>> -> memref<80x64xf32, #tpu.memory_space<hbm>>
        tpu.wait_dma2 semaphore(%arg12 : memref<!tpu.dma_semaphore, #tpu.memory_space<semaphore_mem>>) src(%dma_wait3A_595 : memref<80x64xf32, #tpu.memory_space<hbm>>) dst(%dma_wait3A_591 : memref<80x64xf32, #tpu.memory_space<vmem>>)
        %dma_wait3A_596 = arith.constant 0 : i32
        %dma_wait3A_597 = arith.constant 1 : i32
        %dma_wait3A_598 = arith.constant 0 : i32
        %dma_wait3A_599 = arith.constant 0 : i32
        %dma_wait3A_600 = tpu.memref_slice %arg8[%sub3A_577, %dma_wait3A_597, %dma_wait3A_598, %dma_wait3A_599] : memref<2x5x80x64xf32, #tpu.memory_space<vmem>> -> memref<1x1x80x64xf32, #tpu.memory_space<vmem>>
        %dma_wait3A_601 = tpu.memref_squeeze %dma_wait3A_600 : memref<1x1x80x64xf32, #tpu.memory_space<vmem>> -> memref<80x64xf32, #tpu.memory_space<vmem>>
        %dma_wait3A_602 = arith.constant 0 : i32
        %dma_wait3A_603 = arith.constant 0 : i32
        %dma_wait3A_604 = tpu.memref_slice %arg2[%dma_wait3A_596, %dma_wait3A_602, %dma_wait3A_603] : memref<4x10000x64xf32, #tpu.memory_space<hbm>> -> memref<1x80x64xf32, #tpu.memory_space<hbm>>
        %dma_wait3A_605 = tpu.memref_squeeze %dma_wait3A_604 : memref<1x80x64xf32, #tpu.memory_space<hbm>> -> memref<80x64xf32, #tpu.memory_space<hbm>>
        %dma_wait3A_606 = arith.constant 0 : i32
        %dma_wait3A_607 = arith.constant 0 : i32
        %dma_wait3A_608 = tpu.memref_slice %arg8[%sub3A_577, %dma_wait3A_597, %dma_wait3A_606, %dma_wait3A_607] : memref<2x5x80x64xf32, #tpu.memory_space<vmem>> -> memref<1x1x80x64xf32, #tpu.memory_space<vmem>>
        %dma_wait3A_609 = tpu.memref_squeeze %dma_wait3A_608 : memref<1x1x80x64xf32, #tpu.memory_space<vmem>> -> memref<80x64xf32, #tpu.memory_space<vmem>>
        %dma_wait3A_610 = arith.constant 0 : i32
        %dma_wait3A_611 = arith.constant 0 : i32
        %dma_wait3A_612 = tpu.memref_slice %arg2[%dma_wait3A_596, %dma_wait3A_610, %dma_wait3A_611] : memref<4x10000x64xf32, #tpu.memory_space<hbm>> -> memref<1x80x64xf32, #tpu.memory_space<hbm>>
        %dma_wait3A_613 = tpu.memref_squeeze %dma_wait3A_612 : memref<1x80x64xf32, #tpu.memory_space<hbm>> -> memref<80x64xf32, #tpu.memory_space<hbm>>
        tpu.wait_dma2 semaphore(%arg12 : memref<!tpu.dma_semaphore, #tpu.memory_space<semaphore_mem>>) src(%dma_wait3A_613 : memref<80x64xf32, #tpu.memory_space<hbm>>) dst(%dma_wait3A_609 : memref<80x64xf32, #tpu.memory_space<vmem>>)
        %dma_wait3A_614 = arith.constant 0 : i32
        %dma_wait3A_615 = arith.constant 2 : i32
        %dma_wait3A_616 = arith.constant 0 : i32
        %dma_wait3A_617 = arith.constant 0 : i32
        %dma_wait3A_618 = tpu.memref_slice %arg8[%sub3A_577, %dma_wait3A_615, %dma_wait3A_616, %dma_wait3A_617] : memref<2x5x80x64xf32, #tpu.memory_space<vmem>> -> memref<1x1x80x64xf32, #tpu.memory_space<vmem>>
        %dma_wait3A_619 = tpu.memref_squeeze %dma_wait3A_618 : memref<1x1x80x64xf32, #tpu.memory_space<vmem>> -> memref<80x64xf32, #tpu.memory_space<vmem>>
        %dma_wait3A_620 = arith.constant 0 : i32
        %dma_wait3A_621 = arith.constant 0 : i32
        %dma_wait3A_622 = tpu.memref_slice %arg2[%dma_wait3A_614, %dma_wait3A_620, %dma_wait3A_621] : memref<4x10000x64xf32, #tpu.memory_space<hbm>> -> memref<1x80x64xf32, #tpu.memory_space<hbm>>
        %dma_wait3A_623 = tpu.memref_squeeze %dma_wait3A_622 : memref<1x80x64xf32, #tpu.memory_space<hbm>> -> memref<80x64xf32, #tpu.memory_space<hbm>>
        %dma_wait3A_624 = arith.constant 0 : i32
        %dma_wait3A_625 = arith.constant 0 : i32
        %dma_wait3A_626 = tpu.memref_slice %arg8[%sub3A_577, %dma_wait3A_615, %dma_wait3A_624, %dma_wait3A_625] : memref<2x5x80x64xf32, #tpu.memory_space<vmem>> -> memref<1x1x80x64xf32, #tpu.memory_space<vmem>>
        %dma_wait3A_627 = tpu.memref_squeeze %dma_wait3A_626 : memref<1x1x80x64xf32, #tpu.memory_space<vmem>> -> memref<80x64xf32, #tpu.memory_space<vmem>>
        %dma_wait3A_628 = arith.constant 0 : i32
        %dma_wait3A_629 = arith.constant 0 : i32
        %dma_wait3A_630 = tpu.memref_slice %arg2[%dma_wait3A_614, %dma_wait3A_628, %dma_wait3A_629] : memref<4x10000x64xf32, #tpu.memory_space<hbm>> -> memref<1x80x64xf32, #tpu.memory_space<hbm>>
        %dma_wait3A_631 = tpu.memref_squeeze %dma_wait3A_630 : memref<1x80x64xf32, #tpu.memory_space<hbm>> -> memref<80x64xf32, #tpu.memory_space<hbm>>
        tpu.wait_dma2 semaphore(%arg12 : memref<!tpu.dma_semaphore, #tpu.memory_space<semaphore_mem>>) src(%dma_wait3A_631 : memref<80x64xf32, #tpu.memory_space<hbm>>) dst(%dma_wait3A_627 : memref<80x64xf32, #tpu.memory_space<vmem>>)
        %dma_wait3A_632 = arith.constant 0 : i32
        %dma_wait3A_633 = arith.constant 3 : i32
        %dma_wait3A_634 = arith.constant 0 : i32
        %dma_wait3A_635 = arith.constant 0 : i32
        %dma_wait3A_636 = tpu.memref_slice %arg8[%sub3A_577, %dma_wait3A_633, %dma_wait3A_634, %dma_wait3A_635] : memref<2x5x80x64xf32, #tpu.memory_space<vmem>> -> memref<1x1x80x64xf32, #tpu.memory_space<vmem>>
        %dma_wait3A_637 = tpu.memref_squeeze %dma_wait3A_636 : memref<1x1x80x64xf32, #tpu.memory_space<vmem>> -> memref<80x64xf32, #tpu.memory_space<vmem>>
        %dma_wait3A_638 = arith.constant 0 : i32
        %dma_wait3A_639 = arith.constant 0 : i32
        %dma_wait3A_640 = tpu.memref_slice %arg2[%dma_wait3A_632, %dma_wait3A_638, %dma_wait3A_639] : memref<4x10000x64xf32, #tpu.memory_space<hbm>> -> memref<1x80x64xf32, #tpu.memory_space<hbm>>
        %dma_wait3A_641 = tpu.memref_squeeze %dma_wait3A_640 : memref<1x80x64xf32, #tpu.memory_space<hbm>> -> memref<80x64xf32, #tpu.memory_space<hbm>>
        %dma_wait3A_642 = arith.constant 0 : i32
        %dma_wait3A_643 = arith.constant 0 : i32
        %dma_wait3A_644 = tpu.memref_slice %arg8[%sub3A_577, %dma_wait3A_633, %dma_wait3A_642, %dma_wait3A_643] : memref<2x5x80x64xf32, #tpu.memory_space<vmem>> -> memref<1x1x80x64xf32, #tpu.memory_space<vmem>>
        %dma_wait3A_645 = tpu.memref_squeeze %dma_wait3A_644 : memref<1x1x80x64xf32, #tpu.memory_space<vmem>> -> memref<80x64xf32, #tpu.memory_space<vmem>>
        %dma_wait3A_646 = arith.constant 0 : i32
        %dma_wait3A_647 = arith.constant 0 : i32
        %dma_wait3A_648 = tpu.memref_slice %arg2[%dma_wait3A_632, %dma_wait3A_646, %dma_wait3A_647] : memref<4x10000x64xf32, #tpu.memory_space<hbm>> -> memref<1x80x64xf32, #tpu.memory_space<hbm>>
        %dma_wait3A_649 = tpu.memref_squeeze %dma_wait3A_648 : memref<1x80x64xf32, #tpu.memory_space<hbm>> -> memref<80x64xf32, #tpu.memory_space<hbm>>
        tpu.wait_dma2 semaphore(%arg12 : memref<!tpu.dma_semaphore, #tpu.memory_space<semaphore_mem>>) src(%dma_wait3A_649 : memref<80x64xf32, #tpu.memory_space<hbm>>) dst(%dma_wait3A_645 : memref<80x64xf32, #tpu.memory_space<vmem>>)
        %dma_wait3A_650 = arith.constant 0 : i32
        %dma_wait3A_651 = arith.constant 4 : i32
        %dma_wait3A_652 = arith.constant 0 : i32
        %dma_wait3A_653 = arith.constant 0 : i32
        %dma_wait3A_654 = tpu.memref_slice %arg8[%sub3A_577, %dma_wait3A_651, %dma_wait3A_652, %dma_wait3A_653] : memref<2x5x80x64xf32, #tpu.memory_space<vmem>> -> memref<1x1x80x64xf32, #tpu.memory_space<vmem>>
        %dma_wait3A_655 = tpu.memref_squeeze %dma_wait3A_654 : memref<1x1x80x64xf32, #tpu.memory_space<vmem>> -> memref<80x64xf32, #tpu.memory_space<vmem>>
        %dma_wait3A_656 = arith.constant 0 : i32
        %dma_wait3A_657 = arith.constant 0 : i32
        %dma_wait3A_658 = tpu.memref_slice %arg2[%dma_wait3A_650, %dma_wait3A_656, %dma_wait3A_657] : memref<4x10000x64xf32, #tpu.memory_space<hbm>> -> memref<1x80x64xf32, #tpu.memory_space<hbm>>
        %dma_wait3A_659 = tpu.memref_squeeze %dma_wait3A_658 : memref<1x80x64xf32, #tpu.memory_space<hbm>> -> memref<80x64xf32, #tpu.memory_space<hbm>>
        %dma_wait3A_660 = arith.constant 0 : i32
        %dma_wait3A_661 = arith.constant 0 : i32
        %dma_wait3A_662 = tpu.memref_slice %arg8[%sub3A_577, %dma_wait3A_651, %dma_wait3A_660, %dma_wait3A_661] : memref<2x5x80x64xf32, #tpu.memory_space<vmem>> -> memref<1x1x80x64xf32, #tpu.memory_space<vmem>>
        %dma_wait3A_663 = tpu.memref_squeeze %dma_wait3A_662 : memref<1x1x80x64xf32, #tpu.memory_space<vmem>> -> memref<80x64xf32, #tpu.memory_space<vmem>>
        %dma_wait3A_664 = arith.constant 0 : i32
        %dma_wait3A_665 = arith.constant 0 : i32
        %dma_wait3A_666 = tpu.memref_slice %arg2[%dma_wait3A_650, %dma_wait3A_664, %dma_wait3A_665] : memref<4x10000x64xf32, #tpu.memory_space<hbm>> -> memref<1x80x64xf32, #tpu.memory_space<hbm>>
        %dma_wait3A_667 = tpu.memref_squeeze %dma_wait3A_666 : memref<1x80x64xf32, #tpu.memory_space<hbm>> -> memref<80x64xf32, #tpu.memory_space<hbm>>
        tpu.wait_dma2 semaphore(%arg12 : memref<!tpu.dma_semaphore, #tpu.memory_space<semaphore_mem>>) src(%dma_wait3A_667 : memref<80x64xf32, #tpu.memory_space<hbm>>) dst(%dma_wait3A_663 : memref<80x64xf32, #tpu.memory_space<vmem>>)
      } else {
      }
      %add3A_504 = arith.constant 1 : i32
      %add3A_505 = arith.addi %scan3A_409, %add3A_504 : i32
      %lt3A = arith.constant 25 : i32
      %lt3A_506 = arith.cmpi slt, %add3A_505, %lt3A : i32
      %convert_element_type3A_507 = arith.extui %lt3A_506 : i1 to i32
      %cond3A_508 = arith.constant 0 : i32
      %cond3A_509 = arith.cmpi ne, %convert_element_type3A_507, %cond3A_508 : i32
      scf.if %cond3A_509 {
        %add3A_577 = arith.constant 1 : i32
        %add3A_578 = arith.addi %scan3A_409, %add3A_577 : i32
        %sub3A = arith.constant 1 : i32
        %sub3A_579 = arith.subi %sub3A, %rem3A_411 : i32
        %mul3A_580 = arith.constant 5 : i32
        %mul3A_581 = arith.muli %add3A_578, %mul3A_580 : i32
        %add3A_582 = arith.constant 0 : i32
        %add3A_583 = arith.addi %mul3A_581, %add3A_582 : i32
        %dma_start3A_584 = arith.constant 0 : i32
        %dma_start3A_585 = arith.constant 0 : i32
        %dma_start3A_586 = arith.constant 0 : i32
        %dma_start3A_587 = tpu.memref_slice %arg8[%sub3A_579, %dma_start3A_584, %dma_start3A_585, %dma_start3A_586] : memref<2x5x80x64xf32, #tpu.memory_space<vmem>> -> memref<1x1x80x64xf32, #tpu.memory_space<vmem>>
        %dma_start3A_588 = tpu.memref_squeeze %dma_start3A_587 : memref<1x1x80x64xf32, #tpu.memory_space<vmem>> -> memref<80x64xf32, #tpu.memory_space<vmem>>
        %dma_start3A_589 = arith.constant 0 : i32
        %dma_start3A_590 = tpu.memref_slice %arg6[%add3A_583, %dma_start3A_589] : memref<125x80xi32, #tpu.memory_space<vmem>> -> memref<1x80xi32, #tpu.memory_space<vmem>>
        %dma_start3A_591 = tpu.memref_squeeze %dma_start3A_590 : memref<1x80xi32, #tpu.memory_space<vmem>> -> memref<80xi32, #tpu.memory_space<vmem>>
        %dma_start3A_592 = arith.constant 0 : i32
        %dma_start3A_593 = arith.constant 0 : i32
        %dma_start3A_594 = tpu.memref_slice %arg2[%add3A_98, %dma_start3A_592, %dma_start3A_593] : memref<4x10000x64xf32, #tpu.memory_space<hbm>> -> memref<1x10000x64xf32, #tpu.memory_space<hbm>>
        %dma_start3A_595 = tpu.memref_squeeze %dma_start3A_594 : memref<1x10000x64xf32, #tpu.memory_space<hbm>> -> memref<10000x64xf32, #tpu.memory_space<hbm>>
        %dma_start3A_596 = arith.constant 0 : i32
        %dma_start3A_597 = arith.constant 0 : i32
        %dma_start3A_598 = tpu.memref_slice %dma_start3A_595[%dma_start3A_596, %dma_start3A_597] : memref<10000x64xf32, #tpu.memory_space<hbm>> -> memref<10000x64xf32, #tpu.memory_space<hbm>>
        tpu.enqueue_indirect_dma source(%dma_start3A_598 : memref<10000x64xf32, #tpu.memory_space<hbm>>) target(%dma_start3A_588 : memref<80x64xf32, #tpu.memory_space<vmem>>) offsets(%dma_start3A_591 : memref<80xi32, #tpu.memory_space<vmem>>) semaphore(%arg11 : memref<!tpu.dma_semaphore, #tpu.memory_space<semaphore_mem>>)
        %add3A_599 = arith.constant 1 : i32
        %add3A_600 = arith.addi %mul3A_581, %add3A_599 : i32
        %dma_start3A_601 = arith.constant 1 : i32
        %dma_start3A_602 = arith.constant 0 : i32
        %dma_start3A_603 = arith.constant 0 : i32
        %dma_start3A_604 = tpu.memref_slice %arg8[%sub3A_579, %dma_start3A_601, %dma_start3A_602, %dma_start3A_603] : memref<2x5x80x64xf32, #tpu.memory_space<vmem>> -> memref<1x1x80x64xf32, #tpu.memory_space<vmem>>
        %dma_start3A_605 = tpu.memref_squeeze %dma_start3A_604 : memref<1x1x80x64xf32, #tpu.memory_space<vmem>> -> memref<80x64xf32, #tpu.memory_space<vmem>>
        %dma_start3A_606 = arith.constant 0 : i32
        %dma_start3A_607 = tpu.memref_slice %arg6[%add3A_600, %dma_start3A_606] : memref<125x80xi32, #tpu.memory_space<vmem>> -> memref<1x80xi32, #tpu.memory_space<vmem>>
        %dma_start3A_608 = tpu.memref_squeeze %dma_start3A_607 : memref<1x80xi32, #tpu.memory_space<vmem>> -> memref<80xi32, #tpu.memory_space<vmem>>
        %dma_start3A_609 = arith.constant 0 : i32
        %dma_start3A_610 = arith.constant 0 : i32
        %dma_start3A_611 = tpu.memref_slice %arg2[%add3A_98, %dma_start3A_609, %dma_start3A_610] : memref<4x10000x64xf32, #tpu.memory_space<hbm>> -> memref<1x10000x64xf32, #tpu.memory_space<hbm>>
        %dma_start3A_612 = tpu.memref_squeeze %dma_start3A_611 : memref<1x10000x64xf32, #tpu.memory_space<hbm>> -> memref<10000x64xf32, #tpu.memory_space<hbm>>
        %dma_start3A_613 = arith.constant 0 : i32
        %dma_start3A_614 = arith.constant 0 : i32
        %dma_start3A_615 = tpu.memref_slice %dma_start3A_612[%dma_start3A_613, %dma_start3A_614] : memref<10000x64xf32, #tpu.memory_space<hbm>> -> memref<10000x64xf32, #tpu.memory_space<hbm>>
        tpu.enqueue_indirect_dma source(%dma_start3A_615 : memref<10000x64xf32, #tpu.memory_space<hbm>>) target(%dma_start3A_605 : memref<80x64xf32, #tpu.memory_space<vmem>>) offsets(%dma_start3A_608 : memref<80xi32, #tpu.memory_space<vmem>>) semaphore(%arg11 : memref<!tpu.dma_semaphore, #tpu.memory_space<semaphore_mem>>)
        %add3A_616 = arith.constant 2 : i32
        %add3A_617 = arith.addi %mul3A_581, %add3A_616 : i32
        %dma_start3A_618 = arith.constant 2 : i32
        %dma_start3A_619 = arith.constant 0 : i32
        %dma_start3A_620 = arith.constant 0 : i32
        %dma_start3A_621 = tpu.memref_slice %arg8[%sub3A_579, %dma_start3A_618, %dma_start3A_619, %dma_start3A_620] : memref<2x5x80x64xf32, #tpu.memory_space<vmem>> -> memref<1x1x80x64xf32, #tpu.memory_space<vmem>>
        %dma_start3A_622 = tpu.memref_squeeze %dma_start3A_621 : memref<1x1x80x64xf32, #tpu.memory_space<vmem>> -> memref<80x64xf32, #tpu.memory_space<vmem>>
        %dma_start3A_623 = arith.constant 0 : i32
        %dma_start3A_624 = tpu.memref_slice %arg6[%add3A_617, %dma_start3A_623] : memref<125x80xi32, #tpu.memory_space<vmem>> -> memref<1x80xi32, #tpu.memory_space<vmem>>
        %dma_start3A_625 = tpu.memref_squeeze %dma_start3A_624 : memref<1x80xi32, #tpu.memory_space<vmem>> -> memref<80xi32, #tpu.memory_space<vmem>>
        %dma_start3A_626 = arith.constant 0 : i32
        %dma_start3A_627 = arith.constant 0 : i32
        %dma_start3A_628 = tpu.memref_slice %arg2[%add3A_98, %dma_start3A_626, %dma_start3A_627] : memref<4x10000x64xf32, #tpu.memory_space<hbm>> -> memref<1x10000x64xf32, #tpu.memory_space<hbm>>
        %dma_start3A_629 = tpu.memref_squeeze %dma_start3A_628 : memref<1x10000x64xf32, #tpu.memory_space<hbm>> -> memref<10000x64xf32, #tpu.memory_space<hbm>>
        %dma_start3A_630 = arith.constant 0 : i32
        %dma_start3A_631 = arith.constant 0 : i32
        %dma_start3A_632 = tpu.memref_slice %dma_start3A_629[%dma_start3A_630, %dma_start3A_631] : memref<10000x64xf32, #tpu.memory_space<hbm>> -> memref<10000x64xf32, #tpu.memory_space<hbm>>
        tpu.enqueue_indirect_dma source(%dma_start3A_632 : memref<10000x64xf32, #tpu.memory_space<hbm>>) target(%dma_start3A_622 : memref<80x64xf32, #tpu.memory_space<vmem>>) offsets(%dma_start3A_625 : memref<80xi32, #tpu.memory_space<vmem>>) semaphore(%arg11 : memref<!tpu.dma_semaphore, #tpu.memory_space<semaphore_mem>>)
        %add3A_633 = arith.constant 3 : i32
        %add3A_634 = arith.addi %mul3A_581, %add3A_633 : i32
        %dma_start3A_635 = arith.constant 3 : i32
        %dma_start3A_636 = arith.constant 0 : i32
        %dma_start3A_637 = arith.constant 0 : i32
        %dma_start3A_638 = tpu.memref_slice %arg8[%sub3A_579, %dma_start3A_635, %dma_start3A_636, %dma_start3A_637] : memref<2x5x80x64xf32, #tpu.memory_space<vmem>> -> memref<1x1x80x64xf32, #tpu.memory_space<vmem>>
        %dma_start3A_639 = tpu.memref_squeeze %dma_start3A_638 : memref<1x1x80x64xf32, #tpu.memory_space<vmem>> -> memref<80x64xf32, #tpu.memory_space<vmem>>
        %dma_start3A_640 = arith.constant 0 : i32
        %dma_start3A_641 = tpu.memref_slice %arg6[%add3A_634, %dma_start3A_640] : memref<125x80xi32, #tpu.memory_space<vmem>> -> memref<1x80xi32, #tpu.memory_space<vmem>>
        %dma_start3A_642 = tpu.memref_squeeze %dma_start3A_641 : memref<1x80xi32, #tpu.memory_space<vmem>> -> memref<80xi32, #tpu.memory_space<vmem>>
        %dma_start3A_643 = arith.constant 0 : i32
        %dma_start3A_644 = arith.constant 0 : i32
        %dma_start3A_645 = tpu.memref_slice %arg2[%add3A_98, %dma_start3A_643, %dma_start3A_644] : memref<4x10000x64xf32, #tpu.memory_space<hbm>> -> memref<1x10000x64xf32, #tpu.memory_space<hbm>>
        %dma_start3A_646 = tpu.memref_squeeze %dma_start3A_645 : memref<1x10000x64xf32, #tpu.memory_space<hbm>> -> memref<10000x64xf32, #tpu.memory_space<hbm>>
        %dma_start3A_647 = arith.constant 0 : i32
        %dma_start3A_648 = arith.constant 0 : i32
        %dma_start3A_649 = tpu.memref_slice %dma_start3A_646[%dma_start3A_647, %dma_start3A_648] : memref<10000x64xf32, #tpu.memory_space<hbm>> -> memref<10000x64xf32, #tpu.memory_space<hbm>>
        tpu.enqueue_indirect_dma source(%dma_start3A_649 : memref<10000x64xf32, #tpu.memory_space<hbm>>) target(%dma_start3A_639 : memref<80x64xf32, #tpu.memory_space<vmem>>) offsets(%dma_start3A_642 : memref<80xi32, #tpu.memory_space<vmem>>) semaphore(%arg11 : memref<!tpu.dma_semaphore, #tpu.memory_space<semaphore_mem>>)
        %add3A_650 = arith.constant 4 : i32
        %add3A_651 = arith.addi %mul3A_581, %add3A_650 : i32
        %dma_start3A_652 = arith.constant 4 : i32
        %dma_start3A_653 = arith.constant 0 : i32
        %dma_start3A_654 = arith.constant 0 : i32
        %dma_start3A_655 = tpu.memref_slice %arg8[%sub3A_579, %dma_start3A_652, %dma_start3A_653, %dma_start3A_654] : memref<2x5x80x64xf32, #tpu.memory_space<vmem>> -> memref<1x1x80x64xf32, #tpu.memory_space<vmem>>
        %dma_start3A_656 = tpu.memref_squeeze %dma_start3A_655 : memref<1x1x80x64xf32, #tpu.memory_space<vmem>> -> memref<80x64xf32, #tpu.memory_space<vmem>>
        %dma_start3A_657 = arith.constant 0 : i32
        %dma_start3A_658 = tpu.memref_slice %arg6[%add3A_651, %dma_start3A_657] : memref<125x80xi32, #tpu.memory_space<vmem>> -> memref<1x80xi32, #tpu.memory_space<vmem>>
        %dma_start3A_659 = tpu.memref_squeeze %dma_start3A_658 : memref<1x80xi32, #tpu.memory_space<vmem>> -> memref<80xi32, #tpu.memory_space<vmem>>
        %dma_start3A_660 = arith.constant 0 : i32
        %dma_start3A_661 = arith.constant 0 : i32
        %dma_start3A_662 = tpu.memref_slice %arg2[%add3A_98, %dma_start3A_660, %dma_start3A_661] : memref<4x10000x64xf32, #tpu.memory_space<hbm>> -> memref<1x10000x64xf32, #tpu.memory_space<hbm>>
        %dma_start3A_663 = tpu.memref_squeeze %dma_start3A_662 : memref<1x10000x64xf32, #tpu.memory_space<hbm>> -> memref<10000x64xf32, #tpu.memory_space<hbm>>
        %dma_start3A_664 = arith.constant 0 : i32
        %dma_start3A_665 = arith.constant 0 : i32
        %dma_start3A_666 = tpu.memref_slice %dma_start3A_663[%dma_start3A_664, %dma_start3A_665] : memref<10000x64xf32, #tpu.memory_space<hbm>> -> memref<10000x64xf32, #tpu.memory_space<hbm>>
        tpu.enqueue_indirect_dma source(%dma_start3A_666 : memref<10000x64xf32, #tpu.memory_space<hbm>>) target(%dma_start3A_656 : memref<80x64xf32, #tpu.memory_space<vmem>>) offsets(%dma_start3A_659 : memref<80xi32, #tpu.memory_space<vmem>>) semaphore(%arg11 : memref<!tpu.dma_semaphore, #tpu.memory_space<semaphore_mem>>)
      } else {
      }
      %mul3A_510 = arith.constant 5 : i32
      %mul3A_511 = arith.muli %scan3A_409, %mul3A_510 : i32
      %add3A_512 = arith.constant 0 : i32
      %add3A_513 = arith.addi %mul3A_511, %add3A_512 : i32
      %dma_start3A_514 = arith.constant 0 : i32
      %dma_start3A_515 = arith.constant 0 : i32
      %dma_start3A_516 = arith.constant 0 : i32
      %dma_start3A_517 = tpu.memref_slice %arg8[%rem3A_411, %dma_start3A_514, %dma_start3A_515, %dma_start3A_516] : memref<2x5x80x64xf32, #tpu.memory_space<vmem>> -> memref<1x1x80x64xf32, #tpu.memory_space<vmem>>
      %dma_start3A_518 = tpu.memref_squeeze %dma_start3A_517 : memref<1x1x80x64xf32, #tpu.memory_space<vmem>> -> memref<80x64xf32, #tpu.memory_space<vmem>>
      %dma_start3A_519 = arith.constant 0 : i32
      %dma_start3A_520 = tpu.memref_slice %arg7[%add3A_513, %dma_start3A_519] : memref<125x80xi32, #tpu.memory_space<vmem>> -> memref<1x80xi32, #tpu.memory_space<vmem>>
      %dma_start3A_521 = tpu.memref_squeeze %dma_start3A_520 : memref<1x80xi32, #tpu.memory_space<vmem>> -> memref<80xi32, #tpu.memory_space<vmem>>
      %dma_start3A_522 = arith.constant 0 : i32
      %dma_start3A_523 = arith.constant 0 : i32
      %dma_start3A_524 = tpu.memref_slice %arg10[%dma_start3A_522, %dma_start3A_523] : memref<10240x64xf32, #tpu.memory_space<vmem_shared>> -> memref<10240x64xf32, #tpu.memory_space<vmem_shared>>
      tpu.enqueue_indirect_dma source(%dma_start3A_518 : memref<80x64xf32, #tpu.memory_space<vmem>>) target(%dma_start3A_524 : memref<10240x64xf32, #tpu.memory_space<vmem_shared>>) offsets(%dma_start3A_521 : memref<80xi32, #tpu.memory_space<vmem>>) semaphore(%arg12 : memref<!tpu.dma_semaphore, #tpu.memory_space<semaphore_mem>>) {add = true}
      %add3A_525 = arith.constant 1 : i32
      %add3A_526 = arith.addi %mul3A_511, %add3A_525 : i32
      %dma_start3A_527 = arith.constant 1 : i32
      %dma_start3A_528 = arith.constant 0 : i32
      %dma_start3A_529 = arith.constant 0 : i32
      %dma_start3A_530 = tpu.memref_slice %arg8[%rem3A_411, %dma_start3A_527, %dma_start3A_528, %dma_start3A_529] : memref<2x5x80x64xf32, #tpu.memory_space<vmem>> -> memref<1x1x80x64xf32, #tpu.memory_space<vmem>>
      %dma_start3A_531 = tpu.memref_squeeze %dma_start3A_530 : memref<1x1x80x64xf32, #tpu.memory_space<vmem>> -> memref<80x64xf32, #tpu.memory_space<vmem>>
      %dma_start3A_532 = arith.constant 0 : i32
      %dma_start3A_533 = tpu.memref_slice %arg7[%add3A_526, %dma_start3A_532] : memref<125x80xi32, #tpu.memory_space<vmem>> -> memref<1x80xi32, #tpu.memory_space<vmem>>
      %dma_start3A_534 = tpu.memref_squeeze %dma_start3A_533 : memref<1x80xi32, #tpu.memory_space<vmem>> -> memref<80xi32, #tpu.memory_space<vmem>>
      %dma_start3A_535 = arith.constant 0 : i32
      %dma_start3A_536 = arith.constant 0 : i32
      %dma_start3A_537 = tpu.memref_slice %arg10[%dma_start3A_535, %dma_start3A_536] : memref<10240x64xf32, #tpu.memory_space<vmem_shared>> -> memref<10240x64xf32, #tpu.memory_space<vmem_shared>>
      tpu.enqueue_indirect_dma source(%dma_start3A_531 : memref<80x64xf32, #tpu.memory_space<vmem>>) target(%dma_start3A_537 : memref<10240x64xf32, #tpu.memory_space<vmem_shared>>) offsets(%dma_start3A_534 : memref<80xi32, #tpu.memory_space<vmem>>) semaphore(%arg12 : memref<!tpu.dma_semaphore, #tpu.memory_space<semaphore_mem>>) {add = true}
      %add3A_538 = arith.constant 2 : i32
      %add3A_539 = arith.addi %mul3A_511, %add3A_538 : i32
      %dma_start3A_540 = arith.constant 2 : i32
      %dma_start3A_541 = arith.constant 0 : i32
      %dma_start3A_542 = arith.constant 0 : i32
      %dma_start3A_543 = tpu.memref_slice %arg8[%rem3A_411, %dma_start3A_540, %dma_start3A_541, %dma_start3A_542] : memref<2x5x80x64xf32, #tpu.memory_space<vmem>> -> memref<1x1x80x64xf32, #tpu.memory_space<vmem>>
      %dma_start3A_544 = tpu.memref_squeeze %dma_start3A_543 : memref<1x1x80x64xf32, #tpu.memory_space<vmem>> -> memref<80x64xf32, #tpu.memory_space<vmem>>
      %dma_start3A_545 = arith.constant 0 : i32
      %dma_start3A_546 = tpu.memref_slice %arg7[%add3A_539, %dma_start3A_545] : memref<125x80xi32, #tpu.memory_space<vmem>> -> memref<1x80xi32, #tpu.memory_space<vmem>>
      %dma_start3A_547 = tpu.memref_squeeze %dma_start3A_546 : memref<1x80xi32, #tpu.memory_space<vmem>> -> memref<80xi32, #tpu.memory_space<vmem>>
      %dma_start3A_548 = arith.constant 0 : i32
      %dma_start3A_549 = arith.constant 0 : i32
      %dma_start3A_550 = tpu.memref_slice %arg10[%dma_start3A_548, %dma_start3A_549] : memref<10240x64xf32, #tpu.memory_space<vmem_shared>> -> memref<10240x64xf32, #tpu.memory_space<vmem_shared>>
      tpu.enqueue_indirect_dma source(%dma_start3A_544 : memref<80x64xf32, #tpu.memory_space<vmem>>) target(%dma_start3A_550 : memref<10240x64xf32, #tpu.memory_space<vmem_shared>>) offsets(%dma_start3A_547 : memref<80xi32, #tpu.memory_space<vmem>>) semaphore(%arg12 : memref<!tpu.dma_semaphore, #tpu.memory_space<semaphore_mem>>) {add = true}
      %add3A_551 = arith.constant 3 : i32
      %add3A_552 = arith.addi %mul3A_511, %add3A_551 : i32
      %dma_start3A_553 = arith.constant 3 : i32
      %dma_start3A_554 = arith.constant 0 : i32
      %dma_start3A_555 = arith.constant 0 : i32
      %dma_start3A_556 = tpu.memref_slice %arg8[%rem3A_411, %dma_start3A_553, %dma_start3A_554, %dma_start3A_555] : memref<2x5x80x64xf32, #tpu.memory_space<vmem>> -> memref<1x1x80x64xf32, #tpu.memory_space<vmem>>
      %dma_start3A_557 = tpu.memref_squeeze %dma_start3A_556 : memref<1x1x80x64xf32, #tpu.memory_space<vmem>> -> memref<80x64xf32, #tpu.memory_space<vmem>>
      %dma_start3A_558 = arith.constant 0 : i32
      %dma_start3A_559 = tpu.memref_slice %arg7[%add3A_552, %dma_start3A_558] : memref<125x80xi32, #tpu.memory_space<vmem>> -> memref<1x80xi32, #tpu.memory_space<vmem>>
      %dma_start3A_560 = tpu.memref_squeeze %dma_start3A_559 : memref<1x80xi32, #tpu.memory_space<vmem>> -> memref<80xi32, #tpu.memory_space<vmem>>
      %dma_start3A_561 = arith.constant 0 : i32
      %dma_start3A_562 = arith.constant 0 : i32
      %dma_start3A_563 = tpu.memref_slice %arg10[%dma_start3A_561, %dma_start3A_562] : memref<10240x64xf32, #tpu.memory_space<vmem_shared>> -> memref<10240x64xf32, #tpu.memory_space<vmem_shared>>
      tpu.enqueue_indirect_dma source(%dma_start3A_557 : memref<80x64xf32, #tpu.memory_space<vmem>>) target(%dma_start3A_563 : memref<10240x64xf32, #tpu.memory_space<vmem_shared>>) offsets(%dma_start3A_560 : memref<80xi32, #tpu.memory_space<vmem>>) semaphore(%arg12 : memref<!tpu.dma_semaphore, #tpu.memory_space<semaphore_mem>>) {add = true}
      %add3A_564 = arith.constant 4 : i32
      %add3A_565 = arith.addi %mul3A_511, %add3A_564 : i32
      %dma_start3A_566 = arith.constant 4 : i32
      %dma_start3A_567 = arith.constant 0 : i32
      %dma_start3A_568 = arith.constant 0 : i32
      %dma_start3A_569 = tpu.memref_slice %arg8[%rem3A_411, %dma_start3A_566, %dma_start3A_567, %dma_start3A_568] : memref<2x5x80x64xf32, #tpu.memory_space<vmem>> -> memref<1x1x80x64xf32, #tpu.memory_space<vmem>>
      %dma_start3A_570 = tpu.memref_squeeze %dma_start3A_569 : memref<1x1x80x64xf32, #tpu.memory_space<vmem>> -> memref<80x64xf32, #tpu.memory_space<vmem>>
      %dma_start3A_571 = arith.constant 0 : i32
      %dma_start3A_572 = tpu.memref_slice %arg7[%add3A_565, %dma_start3A_571] : memref<125x80xi32, #tpu.memory_space<vmem>> -> memref<1x80xi32, #tpu.memory_space<vmem>>
      %dma_start3A_573 = tpu.memref_squeeze %dma_start3A_572 : memref<1x80xi32, #tpu.memory_space<vmem>> -> memref<80xi32, #tpu.memory_space<vmem>>
      %dma_start3A_574 = arith.constant 0 : i32
      %dma_start3A_575 = arith.constant 0 : i32
      %dma_start3A_576 = tpu.memref_slice %arg10[%dma_start3A_574, %dma_start3A_575] : memref<10240x64xf32, #tpu.memory_space<vmem_shared>> -> memref<10240x64xf32, #tpu.memory_space<vmem_shared>>
      tpu.enqueue_indirect_dma source(%dma_start3A_570 : memref<80x64xf32, #tpu.memory_space<vmem>>) target(%dma_start3A_576 : memref<10240x64xf32, #tpu.memory_space<vmem_shared>>) offsets(%dma_start3A_573 : memref<80xi32, #tpu.memory_space<vmem>>) semaphore(%arg12 : memref<!tpu.dma_semaphore, #tpu.memory_space<semaphore_mem>>) {add = true}
    }
    %scan3A_104 = arith.constant 25 : i32
    %rem3A = arith.constant 24 : i32
    %rem3A_105 = arith.constant 2 : i32
    %rem3A_106 = arith.remsi %rem3A, %rem3A_105 : i32
    %dma_wait3A = arith.constant 0 : i32
    %dma_wait3A_107 = arith.constant 0 : i32
    %dma_wait3A_108 = arith.constant 0 : i32
    %dma_wait3A_109 = arith.constant 0 : i32
    %dma_wait3A_110 = tpu.memref_slice %arg8[%rem3A_106, %dma_wait3A_107, %dma_wait3A_108, %dma_wait3A_109] : memref<2x5x80x64xf32, #tpu.memory_space<vmem>> -> memref<1x1x80x64xf32, #tpu.memory_space<vmem>>
    %dma_wait3A_111 = tpu.memref_squeeze %dma_wait3A_110 : memref<1x1x80x64xf32, #tpu.memory_space<vmem>> -> memref<80x64xf32, #tpu.memory_space<vmem>>
    %dma_wait3A_112 = arith.constant 0 : i32
    %dma_wait3A_113 = arith.constant 0 : i32
    %dma_wait3A_114 = tpu.memref_slice %arg2[%dma_wait3A, %dma_wait3A_112, %dma_wait3A_113] : memref<4x10000x64xf32, #tpu.memory_space<hbm>> -> memref<1x80x64xf32, #tpu.memory_space<hbm>>
    %dma_wait3A_115 = tpu.memref_squeeze %dma_wait3A_114 : memref<1x80x64xf32, #tpu.memory_space<hbm>> -> memref<80x64xf32, #tpu.memory_space<hbm>>
    %dma_wait3A_116 = arith.constant 0 : i32
    %dma_wait3A_117 = arith.constant 0 : i32
    %dma_wait3A_118 = tpu.memref_slice %arg8[%rem3A_106, %dma_wait3A_107, %dma_wait3A_116, %dma_wait3A_117] : memref<2x5x80x64xf32, #tpu.memory_space<vmem>> -> memref<1x1x80x64xf32, #tpu.memory_space<vmem>>
    %dma_wait3A_119 = tpu.memref_squeeze %dma_wait3A_118 : memref<1x1x80x64xf32, #tpu.memory_space<vmem>> -> memref<80x64xf32, #tpu.memory_space<vmem>>
    %dma_wait3A_120 = arith.constant 0 : i32
    %dma_wait3A_121 = arith.constant 0 : i32
    %dma_wait3A_122 = tpu.memref_slice %arg2[%dma_wait3A, %dma_wait3A_120, %dma_wait3A_121] : memref<4x10000x64xf32, #tpu.memory_space<hbm>> -> memref<1x80x64xf32, #tpu.memory_space<hbm>>
    %dma_wait3A_123 = tpu.memref_squeeze %dma_wait3A_122 : memref<1x80x64xf32, #tpu.memory_space<hbm>> -> memref<80x64xf32, #tpu.memory_space<hbm>>
    tpu.wait_dma2 semaphore(%arg12 : memref<!tpu.dma_semaphore, #tpu.memory_space<semaphore_mem>>) src(%dma_wait3A_123 : memref<80x64xf32, #tpu.memory_space<hbm>>) dst(%dma_wait3A_119 : memref<80x64xf32, #tpu.memory_space<vmem>>)
    %dma_wait3A_124 = arith.constant 0 : i32
    %dma_wait3A_125 = arith.constant 1 : i32
    %dma_wait3A_126 = arith.constant 0 : i32
    %dma_wait3A_127 = arith.constant 0 : i32
    %dma_wait3A_128 = tpu.memref_slice %arg8[%rem3A_106, %dma_wait3A_125, %dma_wait3A_126, %dma_wait3A_127] : memref<2x5x80x64xf32, #tpu.memory_space<vmem>> -> memref<1x1x80x64xf32, #tpu.memory_space<vmem>>
    %dma_wait3A_129 = tpu.memref_squeeze %dma_wait3A_128 : memref<1x1x80x64xf32, #tpu.memory_space<vmem>> -> memref<80x64xf32, #tpu.memory_space<vmem>>
    %dma_wait3A_130 = arith.constant 0 : i32
    %dma_wait3A_131 = arith.constant 0 : i32
    %dma_wait3A_132 = tpu.memref_slice %arg2[%dma_wait3A_124, %dma_wait3A_130, %dma_wait3A_131] : memref<4x10000x64xf32, #tpu.memory_space<hbm>> -> memref<1x80x64xf32, #tpu.memory_space<hbm>>
    %dma_wait3A_133 = tpu.memref_squeeze %dma_wait3A_132 : memref<1x80x64xf32, #tpu.memory_space<hbm>> -> memref<80x64xf32, #tpu.memory_space<hbm>>
    %dma_wait3A_134 = arith.constant 0 : i32
    %dma_wait3A_135 = arith.constant 0 : i32
    %dma_wait3A_136 = tpu.memref_slice %arg8[%rem3A_106, %dma_wait3A_125, %dma_wait3A_134, %dma_wait3A_135] : memref<2x5x80x64xf32, #tpu.memory_space<vmem>> -> memref<1x1x80x64xf32, #tpu.memory_space<vmem>>
    %dma_wait3A_137 = tpu.memref_squeeze %dma_wait3A_136 : memref<1x1x80x64xf32, #tpu.memory_space<vmem>> -> memref<80x64xf32, #tpu.memory_space<vmem>>
    %dma_wait3A_138 = arith.constant 0 : i32
    %dma_wait3A_139 = arith.constant 0 : i32
    %dma_wait3A_140 = tpu.memref_slice %arg2[%dma_wait3A_124, %dma_wait3A_138, %dma_wait3A_139] : memref<4x10000x64xf32, #tpu.memory_space<hbm>> -> memref<1x80x64xf32, #tpu.memory_space<hbm>>
    %dma_wait3A_141 = tpu.memref_squeeze %dma_wait3A_140 : memref<1x80x64xf32, #tpu.memory_space<hbm>> -> memref<80x64xf32, #tpu.memory_space<hbm>>
    tpu.wait_dma2 semaphore(%arg12 : memref<!tpu.dma_semaphore, #tpu.memory_space<semaphore_mem>>) src(%dma_wait3A_141 : memref<80x64xf32, #tpu.memory_space<hbm>>) dst(%dma_wait3A_137 : memref<80x64xf32, #tpu.memory_space<vmem>>)
    %dma_wait3A_142 = arith.constant 0 : i32
    %dma_wait3A_143 = arith.constant 2 : i32
    %dma_wait3A_144 = arith.constant 0 : i32
    %dma_wait3A_145 = arith.constant 0 : i32
    %dma_wait3A_146 = tpu.memref_slice %arg8[%rem3A_106, %dma_wait3A_143, %dma_wait3A_144, %dma_wait3A_145] : memref<2x5x80x64xf32, #tpu.memory_space<vmem>> -> memref<1x1x80x64xf32, #tpu.memory_space<vmem>>
    %dma_wait3A_147 = tpu.memref_squeeze %dma_wait3A_146 : memref<1x1x80x64xf32, #tpu.memory_space<vmem>> -> memref<80x64xf32, #tpu.memory_space<vmem>>
    %dma_wait3A_148 = arith.constant 0 : i32
    %dma_wait3A_149 = arith.constant 0 : i32
    %dma_wait3A_150 = tpu.memref_slice %arg2[%dma_wait3A_142, %dma_wait3A_148, %dma_wait3A_149] : memref<4x10000x64xf32, #tpu.memory_space<hbm>> -> memref<1x80x64xf32, #tpu.memory_space<hbm>>
    %dma_wait3A_151 = tpu.memref_squeeze %dma_wait3A_150 : memref<1x80x64xf32, #tpu.memory_space<hbm>> -> memref<80x64xf32, #tpu.memory_space<hbm>>
    %dma_wait3A_152 = arith.constant 0 : i32
    %dma_wait3A_153 = arith.constant 0 : i32
    %dma_wait3A_154 = tpu.memref_slice %arg8[%rem3A_106, %dma_wait3A_143, %dma_wait3A_152, %dma_wait3A_153] : memref<2x5x80x64xf32, #tpu.memory_space<vmem>> -> memref<1x1x80x64xf32, #tpu.memory_space<vmem>>
    %dma_wait3A_155 = tpu.memref_squeeze %dma_wait3A_154 : memref<1x1x80x64xf32, #tpu.memory_space<vmem>> -> memref<80x64xf32, #tpu.memory_space<vmem>>
    %dma_wait3A_156 = arith.constant 0 : i32
    %dma_wait3A_157 = arith.constant 0 : i32
    %dma_wait3A_158 = tpu.memref_slice %arg2[%dma_wait3A_142, %dma_wait3A_156, %dma_wait3A_157] : memref<4x10000x64xf32, #tpu.memory_space<hbm>> -> memref<1x80x64xf32, #tpu.memory_space<hbm>>
    %dma_wait3A_159 = tpu.memref_squeeze %dma_wait3A_158 : memref<1x80x64xf32, #tpu.memory_space<hbm>> -> memref<80x64xf32, #tpu.memory_space<hbm>>
    tpu.wait_dma2 semaphore(%arg12 : memref<!tpu.dma_semaphore, #tpu.memory_space<semaphore_mem>>) src(%dma_wait3A_159 : memref<80x64xf32, #tpu.memory_space<hbm>>) dst(%dma_wait3A_155 : memref<80x64xf32, #tpu.memory_space<vmem>>)
    %dma_wait3A_160 = arith.constant 0 : i32
    %dma_wait3A_161 = arith.constant 3 : i32
    %dma_wait3A_162 = arith.constant 0 : i32
    %dma_wait3A_163 = arith.constant 0 : i32
    %dma_wait3A_164 = tpu.memref_slice %arg8[%rem3A_106, %dma_wait3A_161, %dma_wait3A_162, %dma_wait3A_163] : memref<2x5x80x64xf32, #tpu.memory_space<vmem>> -> memref<1x1x80x64xf32, #tpu.memory_space<vmem>>
    %dma_wait3A_165 = tpu.memref_squeeze %dma_wait3A_164 : memref<1x1x80x64xf32, #tpu.memory_space<vmem>> -> memref<80x64xf32, #tpu.memory_space<vmem>>
    %dma_wait3A_166 = arith.constant 0 : i32
    %dma_wait3A_167 = arith.constant 0 : i32
    %dma_wait3A_168 = tpu.memref_slice %arg2[%dma_wait3A_160, %dma_wait3A_166, %dma_wait3A_167] : memref<4x10000x64xf32, #tpu.memory_space<hbm>> -> memref<1x80x64xf32, #tpu.memory_space<hbm>>
    %dma_wait3A_169 = tpu.memref_squeeze %dma_wait3A_168 : memref<1x80x64xf32, #tpu.memory_space<hbm>> -> memref<80x64xf32, #tpu.memory_space<hbm>>
    %dma_wait3A_170 = arith.constant 0 : i32
    %dma_wait3A_171 = arith.constant 0 : i32
    %dma_wait3A_172 = tpu.memref_slice %arg8[%rem3A_106, %dma_wait3A_161, %dma_wait3A_170, %dma_wait3A_171] : memref<2x5x80x64xf32, #tpu.memory_space<vmem>> -> memref<1x1x80x64xf32, #tpu.memory_space<vmem>>
    %dma_wait3A_173 = tpu.memref_squeeze %dma_wait3A_172 : memref<1x1x80x64xf32, #tpu.memory_space<vmem>> -> memref<80x64xf32, #tpu.memory_space<vmem>>
    %dma_wait3A_174 = arith.constant 0 : i32
    %dma_wait3A_175 = arith.constant 0 : i32
    %dma_wait3A_176 = tpu.memref_slice %arg2[%dma_wait3A_160, %dma_wait3A_174, %dma_wait3A_175] : memref<4x10000x64xf32, #tpu.memory_space<hbm>> -> memref<1x80x64xf32, #tpu.memory_space<hbm>>
    %dma_wait3A_177 = tpu.memref_squeeze %dma_wait3A_176 : memref<1x80x64xf32, #tpu.memory_space<hbm>> -> memref<80x64xf32, #tpu.memory_space<hbm>>
    tpu.wait_dma2 semaphore(%arg12 : memref<!tpu.dma_semaphore, #tpu.memory_space<semaphore_mem>>) src(%dma_wait3A_177 : memref<80x64xf32, #tpu.memory_space<hbm>>) dst(%dma_wait3A_173 : memref<80x64xf32, #tpu.memory_space<vmem>>)
    %dma_wait3A_178 = arith.constant 0 : i32
    %dma_wait3A_179 = arith.constant 4 : i32
    %dma_wait3A_180 = arith.constant 0 : i32
    %dma_wait3A_181 = arith.constant 0 : i32
    %dma_wait3A_182 = tpu.memref_slice %arg8[%rem3A_106, %dma_wait3A_179, %dma_wait3A_180, %dma_wait3A_181] : memref<2x5x80x64xf32, #tpu.memory_space<vmem>> -> memref<1x1x80x64xf32, #tpu.memory_space<vmem>>
    %dma_wait3A_183 = tpu.memref_squeeze %dma_wait3A_182 : memref<1x1x80x64xf32, #tpu.memory_space<vmem>> -> memref<80x64xf32, #tpu.memory_space<vmem>>
    %dma_wait3A_184 = arith.constant 0 : i32
    %dma_wait3A_185 = arith.constant 0 : i32
    %dma_wait3A_186 = tpu.memref_slice %arg2[%dma_wait3A_178, %dma_wait3A_184, %dma_wait3A_185] : memref<4x10000x64xf32, #tpu.memory_space<hbm>> -> memref<1x80x64xf32, #tpu.memory_space<hbm>>
    %dma_wait3A_187 = tpu.memref_squeeze %dma_wait3A_186 : memref<1x80x64xf32, #tpu.memory_space<hbm>> -> memref<80x64xf32, #tpu.memory_space<hbm>>
    %dma_wait3A_188 = arith.constant 0 : i32
    %dma_wait3A_189 = arith.constant 0 : i32
    %dma_wait3A_190 = tpu.memref_slice %arg8[%rem3A_106, %dma_wait3A_179, %dma_wait3A_188, %dma_wait3A_189] : memref<2x5x80x64xf32, #tpu.memory_space<vmem>> -> memref<1x1x80x64xf32, #tpu.memory_space<vmem>>
    %dma_wait3A_191 = tpu.memref_squeeze %dma_wait3A_190 : memref<1x1x80x64xf32, #tpu.memory_space<vmem>> -> memref<80x64xf32, #tpu.memory_space<vmem>>
    %dma_wait3A_192 = arith.constant 0 : i32
    %dma_wait3A_193 = arith.constant 0 : i32
    %dma_wait3A_194 = tpu.memref_slice %arg2[%dma_wait3A_178, %dma_wait3A_192, %dma_wait3A_193] : memref<4x10000x64xf32, #tpu.memory_space<hbm>> -> memref<1x80x64xf32, #tpu.memory_space<hbm>>
    %dma_wait3A_195 = tpu.memref_squeeze %dma_wait3A_194 : memref<1x80x64xf32, #tpu.memory_space<hbm>> -> memref<80x64xf32, #tpu.memory_space<hbm>>
    tpu.wait_dma2 semaphore(%arg12 : memref<!tpu.dma_semaphore, #tpu.memory_space<semaphore_mem>>) src(%dma_wait3A_195 : memref<80x64xf32, #tpu.memory_space<hbm>>) dst(%dma_wait3A_191 : memref<80x64xf32, #tpu.memory_space<vmem>>)
    %mul3A_196 = arith.constant 2 : i32
    %mul3A_197 = arith.muli %mul3A_196, %arg0 : i32
    %add3A_198 = arith.constant 1 : i32
    %add3A_199 = arith.addi %mul3A_197, %add3A_198 : i32
    %dma_start3A_200 = arith.constant 0 : i32
    %dma_start3A_201 = arith.constant 0 : i32
    %dma_start3A_202 = arith.constant 0 : i32
    %dma_start3A_203 = arith.constant 0 : i32
    %dma_start3A_204 = arith.constant 0 : i32
    %dma_start3A_205 = tpu.memref_slice %arg8[%dma_start3A_201, %dma_start3A_202, %dma_start3A_203, %dma_start3A_204] : memref<2x5x80x64xf32, #tpu.memory_space<vmem>> -> memref<1x1x80x64xf32, #tpu.memory_space<vmem>>
    %dma_start3A_206 = tpu.memref_squeeze %dma_start3A_205 : memref<1x1x80x64xf32, #tpu.memory_space<vmem>> -> memref<80x64xf32, #tpu.memory_space<vmem>>
    %dma_start3A_207 = arith.constant 0 : i32
    %dma_start3A_208 = tpu.memref_slice %arg6[%dma_start3A_200, %dma_start3A_207] : memref<125x80xi32, #tpu.memory_space<vmem>> -> memref<1x80xi32, #tpu.memory_space<vmem>>
    %dma_start3A_209 = tpu.memref_squeeze %dma_start3A_208 : memref<1x80xi32, #tpu.memory_space<vmem>> -> memref<80xi32, #tpu.memory_space<vmem>>
    %dma_start3A_210 = arith.constant 0 : i32
    %dma_start3A_211 = arith.constant 0 : i32
    %dma_start3A_212 = tpu.memref_slice %arg2[%add3A_199, %dma_start3A_210, %dma_start3A_211] : memref<4x10000x64xf32, #tpu.memory_space<hbm>> -> memref<1x10000x64xf32, #tpu.memory_space<hbm>>
    %dma_start3A_213 = tpu.memref_squeeze %dma_start3A_212 : memref<1x10000x64xf32, #tpu.memory_space<hbm>> -> memref<10000x64xf32, #tpu.memory_space<hbm>>
    %dma_start3A_214 = arith.constant 0 : i32
    %dma_start3A_215 = arith.constant 0 : i32
    %dma_start3A_216 = tpu.memref_slice %dma_start3A_213[%dma_start3A_214, %dma_start3A_215] : memref<10000x64xf32, #tpu.memory_space<hbm>> -> memref<10000x64xf32, #tpu.memory_space<hbm>>
    tpu.enqueue_indirect_dma source(%dma_start3A_216 : memref<10000x64xf32, #tpu.memory_space<hbm>>) target(%dma_start3A_206 : memref<80x64xf32, #tpu.memory_space<vmem>>) offsets(%dma_start3A_209 : memref<80xi32, #tpu.memory_space<vmem>>) semaphore(%arg11 : memref<!tpu.dma_semaphore, #tpu.memory_space<semaphore_mem>>)
    %dma_start3A_217 = arith.constant 1 : i32
    %dma_start3A_218 = arith.constant 0 : i32
    %dma_start3A_219 = arith.constant 1 : i32
    %dma_start3A_220 = arith.constant 0 : i32
    %dma_start3A_221 = arith.constant 0 : i32
    %dma_start3A_222 = tpu.memref_slice %arg8[%dma_start3A_218, %dma_start3A_219, %dma_start3A_220, %dma_start3A_221] : memref<2x5x80x64xf32, #tpu.memory_space<vmem>> -> memref<1x1x80x64xf32, #tpu.memory_space<vmem>>
    %dma_start3A_223 = tpu.memref_squeeze %dma_start3A_222 : memref<1x1x80x64xf32, #tpu.memory_space<vmem>> -> memref<80x64xf32, #tpu.memory_space<vmem>>
    %dma_start3A_224 = arith.constant 0 : i32
    %dma_start3A_225 = tpu.memref_slice %arg6[%dma_start3A_217, %dma_start3A_224] : memref<125x80xi32, #tpu.memory_space<vmem>> -> memref<1x80xi32, #tpu.memory_space<vmem>>
    %dma_start3A_226 = tpu.memref_squeeze %dma_start3A_225 : memref<1x80xi32, #tpu.memory_space<vmem>> -> memref<80xi32, #tpu.memory_space<vmem>>
    %dma_start3A_227 = arith.constant 0 : i32
    %dma_start3A_228 = arith.constant 0 : i32
    %dma_start3A_229 = tpu.memref_slice %arg2[%add3A_199, %dma_start3A_227, %dma_start3A_228] : memref<4x10000x64xf32, #tpu.memory_space<hbm>> -> memref<1x10000x64xf32, #tpu.memory_space<hbm>>
    %dma_start3A_230 = tpu.memref_squeeze %dma_start3A_229 : memref<1x10000x64xf32, #tpu.memory_space<hbm>> -> memref<10000x64xf32, #tpu.memory_space<hbm>>
    %dma_start3A_231 = arith.constant 0 : i32
    %dma_start3A_232 = arith.constant 0 : i32
    %dma_start3A_233 = tpu.memref_slice %dma_start3A_230[%dma_start3A_231, %dma_start3A_232] : memref<10000x64xf32, #tpu.memory_space<hbm>> -> memref<10000x64xf32, #tpu.memory_space<hbm>>
    tpu.enqueue_indirect_dma source(%dma_start3A_233 : memref<10000x64xf32, #tpu.memory_space<hbm>>) target(%dma_start3A_223 : memref<80x64xf32, #tpu.memory_space<vmem>>) offsets(%dma_start3A_226 : memref<80xi32, #tpu.memory_space<vmem>>) semaphore(%arg11 : memref<!tpu.dma_semaphore, #tpu.memory_space<semaphore_mem>>)
    %dma_start3A_234 = arith.constant 2 : i32
    %dma_start3A_235 = arith.constant 0 : i32
    %dma_start3A_236 = arith.constant 2 : i32
    %dma_start3A_237 = arith.constant 0 : i32
    %dma_start3A_238 = arith.constant 0 : i32
    %dma_start3A_239 = tpu.memref_slice %arg8[%dma_start3A_235, %dma_start3A_236, %dma_start3A_237, %dma_start3A_238] : memref<2x5x80x64xf32, #tpu.memory_space<vmem>> -> memref<1x1x80x64xf32, #tpu.memory_space<vmem>>
    %dma_start3A_240 = tpu.memref_squeeze %dma_start3A_239 : memref<1x1x80x64xf32, #tpu.memory_space<vmem>> -> memref<80x64xf32, #tpu.memory_space<vmem>>
    %dma_start3A_241 = arith.constant 0 : i32
    %dma_start3A_242 = tpu.memref_slice %arg6[%dma_start3A_234, %dma_start3A_241] : memref<125x80xi32, #tpu.memory_space<vmem>> -> memref<1x80xi32, #tpu.memory_space<vmem>>
    %dma_start3A_243 = tpu.memref_squeeze %dma_start3A_242 : memref<1x80xi32, #tpu.memory_space<vmem>> -> memref<80xi32, #tpu.memory_space<vmem>>
    %dma_start3A_244 = arith.constant 0 : i32
    %dma_start3A_245 = arith.constant 0 : i32
    %dma_start3A_246 = tpu.memref_slice %arg2[%add3A_199, %dma_start3A_244, %dma_start3A_245] : memref<4x10000x64xf32, #tpu.memory_space<hbm>> -> memref<1x10000x64xf32, #tpu.memory_space<hbm>>
    %dma_start3A_247 = tpu.memref_squeeze %dma_start3A_246 : memref<1x10000x64xf32, #tpu.memory_space<hbm>> -> memref<10000x64xf32, #tpu.memory_space<hbm>>
    %dma_start3A_248 = arith.constant 0 : i32
    %dma_start3A_249 = arith.constant 0 : i32
    %dma_start3A_250 = tpu.memref_slice %dma_start3A_247[%dma_start3A_248, %dma_start3A_249] : memref<10000x64xf32, #tpu.memory_space<hbm>> -> memref<10000x64xf32, #tpu.memory_space<hbm>>
    tpu.enqueue_indirect_dma source(%dma_start3A_250 : memref<10000x64xf32, #tpu.memory_space<hbm>>) target(%dma_start3A_240 : memref<80x64xf32, #tpu.memory_space<vmem>>) offsets(%dma_start3A_243 : memref<80xi32, #tpu.memory_space<vmem>>) semaphore(%arg11 : memref<!tpu.dma_semaphore, #tpu.memory_space<semaphore_mem>>)
    %dma_start3A_251 = arith.constant 3 : i32
    %dma_start3A_252 = arith.constant 0 : i32
    %dma_start3A_253 = arith.constant 3 : i32
    %dma_start3A_254 = arith.constant 0 : i32
    %dma_start3A_255 = arith.constant 0 : i32
    %dma_start3A_256 = tpu.memref_slice %arg8[%dma_start3A_252, %dma_start3A_253, %dma_start3A_254, %dma_start3A_255] : memref<2x5x80x64xf32, #tpu.memory_space<vmem>> -> memref<1x1x80x64xf32, #tpu.memory_space<vmem>>
    %dma_start3A_257 = tpu.memref_squeeze %dma_start3A_256 : memref<1x1x80x64xf32, #tpu.memory_space<vmem>> -> memref<80x64xf32, #tpu.memory_space<vmem>>
    %dma_start3A_258 = arith.constant 0 : i32
    %dma_start3A_259 = tpu.memref_slice %arg6[%dma_start3A_251, %dma_start3A_258] : memref<125x80xi32, #tpu.memory_space<vmem>> -> memref<1x80xi32, #tpu.memory_space<vmem>>
    %dma_start3A_260 = tpu.memref_squeeze %dma_start3A_259 : memref<1x80xi32, #tpu.memory_space<vmem>> -> memref<80xi32, #tpu.memory_space<vmem>>
    %dma_start3A_261 = arith.constant 0 : i32
    %dma_start3A_262 = arith.constant 0 : i32
    %dma_start3A_263 = tpu.memref_slice %arg2[%add3A_199, %dma_start3A_261, %dma_start3A_262] : memref<4x10000x64xf32, #tpu.memory_space<hbm>> -> memref<1x10000x64xf32, #tpu.memory_space<hbm>>
    %dma_start3A_264 = tpu.memref_squeeze %dma_start3A_263 : memref<1x10000x64xf32, #tpu.memory_space<hbm>> -> memref<10000x64xf32, #tpu.memory_space<hbm>>
    %dma_start3A_265 = arith.constant 0 : i32
    %dma_start3A_266 = arith.constant 0 : i32
    %dma_start3A_267 = tpu.memref_slice %dma_start3A_264[%dma_start3A_265, %dma_start3A_266] : memref<10000x64xf32, #tpu.memory_space<hbm>> -> memref<10000x64xf32, #tpu.memory_space<hbm>>
    tpu.enqueue_indirect_dma source(%dma_start3A_267 : memref<10000x64xf32, #tpu.memory_space<hbm>>) target(%dma_start3A_257 : memref<80x64xf32, #tpu.memory_space<vmem>>) offsets(%dma_start3A_260 : memref<80xi32, #tpu.memory_space<vmem>>) semaphore(%arg11 : memref<!tpu.dma_semaphore, #tpu.memory_space<semaphore_mem>>)
    %dma_start3A_268 = arith.constant 4 : i32
    %dma_start3A_269 = arith.constant 0 : i32
    %dma_start3A_270 = arith.constant 4 : i32
    %dma_start3A_271 = arith.constant 0 : i32
    %dma_start3A_272 = arith.constant 0 : i32
    %dma_start3A_273 = tpu.memref_slice %arg8[%dma_start3A_269, %dma_start3A_270, %dma_start3A_271, %dma_start3A_272] : memref<2x5x80x64xf32, #tpu.memory_space<vmem>> -> memref<1x1x80x64xf32, #tpu.memory_space<vmem>>
    %dma_start3A_274 = tpu.memref_squeeze %dma_start3A_273 : memref<1x1x80x64xf32, #tpu.memory_space<vmem>> -> memref<80x64xf32, #tpu.memory_space<vmem>>
    %dma_start3A_275 = arith.constant 0 : i32
    %dma_start3A_276 = tpu.memref_slice %arg6[%dma_start3A_268, %dma_start3A_275] : memref<125x80xi32, #tpu.memory_space<vmem>> -> memref<1x80xi32, #tpu.memory_space<vmem>>
    %dma_start3A_277 = tpu.memref_squeeze %dma_start3A_276 : memref<1x80xi32, #tpu.memory_space<vmem>> -> memref<80xi32, #tpu.memory_space<vmem>>
    %dma_start3A_278 = arith.constant 0 : i32
    %dma_start3A_279 = arith.constant 0 : i32
    %dma_start3A_280 = tpu.memref_slice %arg2[%add3A_199, %dma_start3A_278, %dma_start3A_279] : memref<4x10000x64xf32, #tpu.memory_space<hbm>> -> memref<1x10000x64xf32, #tpu.memory_space<hbm>>
    %dma_start3A_281 = tpu.memref_squeeze %dma_start3A_280 : memref<1x10000x64xf32, #tpu.memory_space<hbm>> -> memref<10000x64xf32, #tpu.memory_space<hbm>>
    %dma_start3A_282 = arith.constant 0 : i32
    %dma_start3A_283 = arith.constant 0 : i32
    %dma_start3A_284 = tpu.memref_slice %dma_start3A_281[%dma_start3A_282, %dma_start3A_283] : memref<10000x64xf32, #tpu.memory_space<hbm>> -> memref<10000x64xf32, #tpu.memory_space<hbm>>
    tpu.enqueue_indirect_dma source(%dma_start3A_284 : memref<10000x64xf32, #tpu.memory_space<hbm>>) target(%dma_start3A_274 : memref<80x64xf32, #tpu.memory_space<vmem>>) offsets(%dma_start3A_277 : memref<80xi32, #tpu.memory_space<vmem>>) semaphore(%arg11 : memref<!tpu.dma_semaphore, #tpu.memory_space<semaphore_mem>>)
    %barrier3A_285 = arith.constant 0 : index
    tpu.barrier barrier_id(%barrier3A_285)
    %scan3A_286 = arith.constant 0 : i32
    %scan3A_287 = arith.constant 0 : i32
    %scan3A_288 = arith.constant 5 : i32
    %scan3A_289 = arith.addi %scan3A_287, %scan3A_288 : i32
    %scan3A_290 = arith.constant 1 : i32
    scf.for %scan3A_409 = %scan3A_287 to %scan3A_289 step %scan3A_290  : i32 {
      %mul3A_410 = arith.constant 640 : i32
      %mul3A_411 = arith.muli %arg1, %mul3A_410 : i32
      %mul3A_412 = arith.constant 128 : i32
      %mul3A_413 = arith.muli %scan3A_409, %mul3A_412 : i32
      %add3A_414 = arith.addi %mul3A_411, %mul3A_413 : i32
      %mul3A_415 = arith.constant 640 : i32
      %mul3A_416 = arith.muli %arg1, %mul3A_415 : i32
      %mul3A_417 = arith.constant 128 : i32
      %mul3A_418 = arith.muli %scan3A_409, %mul3A_417 : i32
      %add3A_419 = arith.addi %mul3A_416, %mul3A_418 : i32
      %mul3A_420 = arith.constant 64 : i32
      %mul3A_421 = arith.muli %add3A_98, %mul3A_420 : i32
      "tpu.region"() ({
        %run_scoped3A = tpu.sem_alloc : memref<!tpu.dma_semaphore, #tpu.memory_space<semaphore_mem>>
        %dma_start3A_422 = tpu.memref_slice %arg5[%add3A_419, %mul3A_421] : memref<10240x256xf32, #tpu.memory_space<hbm>> -> memref<128x64xf32, #tpu.memory_space<hbm>>
        %dma_start3A_423 = arith.constant 0 : i32
        %dma_start3A_424 = tpu.memref_slice %arg10[%add3A_414, %dma_start3A_423] : memref<10240x64xf32, #tpu.memory_space<vmem_shared>> -> memref<128x64xf32, #tpu.memory_space<vmem_shared>>
        tpu.enqueue_dma source(%dma_start3A_424 : memref<128x64xf32, #tpu.memory_space<vmem_shared>>) target(%dma_start3A_422 : memref<128x64xf32, #tpu.memory_space<hbm>>) target_semaphore(%run_scoped3A : memref<!tpu.dma_semaphore, #tpu.memory_space<semaphore_mem>>)
        %dma_wait3A_425 = tpu.memref_slice %arg5[%add3A_419, %mul3A_421] : memref<10240x256xf32, #tpu.memory_space<hbm>> -> memref<128x64xf32, #tpu.memory_space<hbm>>
        %dma_wait3A_426 = arith.constant 0 : i32
        %dma_wait3A_427 = tpu.memref_slice %arg10[%add3A_414, %dma_wait3A_426] : memref<10240x64xf32, #tpu.memory_space<vmem_shared>> -> memref<128x64xf32, #tpu.memory_space<vmem_shared>>
        tpu.wait_dma2 semaphore(%run_scoped3A : memref<!tpu.dma_semaphore, #tpu.memory_space<semaphore_mem>>) src(%dma_wait3A_427 : memref<128x64xf32, #tpu.memory_space<vmem_shared>>) dst(%dma_wait3A_425 : memref<128x64xf32, #tpu.memory_space<hbm>>)
        tpu.yield
      }) : () -> ()
    }
    %scan3A_291 = arith.constant 5 : i32
    %scan3A_292 = arith.constant 0 : i32
    %scan3A_293 = arith.constant 0 : i32
    %scan3A_294 = arith.constant 5 : i32
    %scan3A_295 = arith.addi %scan3A_293, %scan3A_294 : i32
    %scan3A_296 = arith.constant 1 : i32
    scf.for %scan3A_409 = %scan3A_293 to %scan3A_295 step %scan3A_296  : i32 {
      %mul3A_410 = arith.constant 640 : i32
      %mul3A_411 = arith.muli %arg1, %mul3A_410 : i32
      %mul3A_412 = arith.constant 128 : i32
      %mul3A_413 = arith.muli %scan3A_409, %mul3A_412 : i32
      %add3A_414 = arith.addi %mul3A_411, %mul3A_413 : i32
      "tpu.region"() ({
        %run_scoped3A = tpu.sem_alloc : memref<!tpu.dma_semaphore, #tpu.memory_space<semaphore_mem>>
        %dma_start3A_415 = arith.constant 0 : i32
        %dma_start3A_416 = tpu.memref_slice %arg10[%add3A_414, %dma_start3A_415] : memref<10240x64xf32, #tpu.memory_space<vmem_shared>> -> memref<128x64xf32, #tpu.memory_space<vmem_shared>>
        %dma_start3A_417 = arith.constant 0 : i32
        %dma_start3A_418 = tpu.memref_slice %arg10[%add3A_414, %dma_start3A_417] : memref<10240x64xf32, #tpu.memory_space<vmem_shared>> -> memref<128x64xf32, #tpu.memory_space<vmem_shared>>
        tpu.enqueue_dma source(%arg9 : memref<128x64xf32, #tpu.memory_space<vmem>>) target(%dma_start3A_418 : memref<128x64xf32, #tpu.memory_space<vmem_shared>>) target_semaphore(%run_scoped3A : memref<!tpu.dma_semaphore, #tpu.memory_space<semaphore_mem>>)
        %dma_wait3A_419 = arith.constant 0 : i32
        %dma_wait3A_420 = tpu.memref_slice %arg10[%add3A_414, %dma_wait3A_419] : memref<10240x64xf32, #tpu.memory_space<vmem_shared>> -> memref<128x64xf32, #tpu.memory_space<vmem_shared>>
        %dma_wait3A_421 = arith.constant 0 : i32
        %dma_wait3A_422 = tpu.memref_slice %arg10[%add3A_414, %dma_wait3A_421] : memref<10240x64xf32, #tpu.memory_space<vmem_shared>> -> memref<128x64xf32, #tpu.memory_space<vmem_shared>>
        tpu.wait_dma2 semaphore(%run_scoped3A : memref<!tpu.dma_semaphore, #tpu.memory_space<semaphore_mem>>) src(%arg9 : memref<128x64xf32, #tpu.memory_space<vmem>>) dst(%dma_wait3A_422 : memref<128x64xf32, #tpu.memory_space<vmem_shared>>)
        tpu.yield
      }) : () -> ()
    }
    %scan3A_297 = arith.constant 5 : i32
    %barrier3A_298 = arith.constant 0 : index
    tpu.barrier barrier_id(%barrier3A_298)
    %mul3A_299 = arith.constant 2 : i32
    %mul3A_300 = arith.muli %mul3A_299, %arg0 : i32
    %add3A_301 = arith.constant 1 : i32
    %add3A_302 = arith.addi %mul3A_300, %add3A_301 : i32
    %scan3A_303 = arith.constant 0 : i32
    %scan3A_304 = arith.constant 0 : i32
    %scan3A_305 = arith.constant 25 : i32
    %scan3A_306 = arith.addi %scan3A_304, %scan3A_305 : i32
    %scan3A_307 = arith.constant 1 : i32
    scf.for %scan3A_409 = %scan3A_304 to %scan3A_306 step %scan3A_307  : i32 {
      %rem3A_410 = arith.constant 2 : i32
      %rem3A_411 = arith.remsi %scan3A_409, %rem3A_410 : i32
      %dma_wait3A_412 = arith.constant 0 : i32
      %dma_wait3A_413 = arith.constant 0 : i32
      %dma_wait3A_414 = arith.constant 0 : i32
      %dma_wait3A_415 = arith.constant 0 : i32
      %dma_wait3A_416 = tpu.memref_slice %arg8[%rem3A_411, %dma_wait3A_413, %dma_wait3A_414, %dma_wait3A_415] : memref<2x5x80x64xf32, #tpu.memory_space<vmem>> -> memref<1x1x80x64xf32, #tpu.memory_space<vmem>>
      %dma_wait3A_417 = tpu.memref_squeeze %dma_wait3A_416 : memref<1x1x80x64xf32, #tpu.memory_space<vmem>> -> memref<80x64xf32, #tpu.memory_space<vmem>>
      %dma_wait3A_418 = arith.constant 0 : i32
      %dma_wait3A_419 = arith.constant 0 : i32
      %dma_wait3A_420 = tpu.memref_slice %arg2[%dma_wait3A_412, %dma_wait3A_418, %dma_wait3A_419] : memref<4x10000x64xf32, #tpu.memory_space<hbm>> -> memref<1x80x64xf32, #tpu.memory_space<hbm>>
      %dma_wait3A_421 = tpu.memref_squeeze %dma_wait3A_420 : memref<1x80x64xf32, #tpu.memory_space<hbm>> -> memref<80x64xf32, #tpu.memory_space<hbm>>
      %dma_wait3A_422 = arith.constant 0 : i32
      %dma_wait3A_423 = arith.constant 0 : i32
      %dma_wait3A_424 = tpu.memref_slice %arg8[%rem3A_411, %dma_wait3A_413, %dma_wait3A_422, %dma_wait3A_423] : memref<2x5x80x64xf32, #tpu.memory_space<vmem>> -> memref<1x1x80x64xf32, #tpu.memory_space<vmem>>
      %dma_wait3A_425 = tpu.memref_squeeze %dma_wait3A_424 : memref<1x1x80x64xf32, #tpu.memory_space<vmem>> -> memref<80x64xf32, #tpu.memory_space<vmem>>
      %dma_wait3A_426 = arith.constant 0 : i32
      %dma_wait3A_427 = arith.constant 0 : i32
      %dma_wait3A_428 = tpu.memref_slice %arg2[%dma_wait3A_412, %dma_wait3A_426, %dma_wait3A_427] : memref<4x10000x64xf32, #tpu.memory_space<hbm>> -> memref<1x80x64xf32, #tpu.memory_space<hbm>>
      %dma_wait3A_429 = tpu.memref_squeeze %dma_wait3A_428 : memref<1x80x64xf32, #tpu.memory_space<hbm>> -> memref<80x64xf32, #tpu.memory_space<hbm>>
      tpu.wait_dma2 semaphore(%arg11 : memref<!tpu.dma_semaphore, #tpu.memory_space<semaphore_mem>>) src(%dma_wait3A_429 : memref<80x64xf32, #tpu.memory_space<hbm>>) dst(%dma_wait3A_425 : memref<80x64xf32, #tpu.memory_space<vmem>>)
      %dma_wait3A_430 = arith.constant 0 : i32
      %dma_wait3A_431 = arith.constant 1 : i32
      %dma_wait3A_432 = arith.constant 0 : i32
      %dma_wait3A_433 = arith.constant 0 : i32
      %dma_wait3A_434 = tpu.memref_slice %arg8[%rem3A_411, %dma_wait3A_431, %dma_wait3A_432, %dma_wait3A_433] : memref<2x5x80x64xf32, #tpu.memory_space<vmem>> -> memref<1x1x80x64xf32, #tpu.memory_space<vmem>>
      %dma_wait3A_435 = tpu.memref_squeeze %dma_wait3A_434 : memref<1x1x80x64xf32, #tpu.memory_space<vmem>> -> memref<80x64xf32, #tpu.memory_space<vmem>>
      %dma_wait3A_436 = arith.constant 0 : i32
      %dma_wait3A_437 = arith.constant 0 : i32
      %dma_wait3A_438 = tpu.memref_slice %arg2[%dma_wait3A_430, %dma_wait3A_436, %dma_wait3A_437] : memref<4x10000x64xf32, #tpu.memory_space<hbm>> -> memref<1x80x64xf32, #tpu.memory_space<hbm>>
      %dma_wait3A_439 = tpu.memref_squeeze %dma_wait3A_438 : memref<1x80x64xf32, #tpu.memory_space<hbm>> -> memref<80x64xf32, #tpu.memory_space<hbm>>
      %dma_wait3A_440 = arith.constant 0 : i32
      %dma_wait3A_441 = arith.constant 0 : i32
      %dma_wait3A_442 = tpu.memref_slice %arg8[%rem3A_411, %dma_wait3A_431, %dma_wait3A_440, %dma_wait3A_441] : memref<2x5x80x64xf32, #tpu.memory_space<vmem>> -> memref<1x1x80x64xf32, #tpu.memory_space<vmem>>
      %dma_wait3A_443 = tpu.memref_squeeze %dma_wait3A_442 : memref<1x1x80x64xf32, #tpu.memory_space<vmem>> -> memref<80x64xf32, #tpu.memory_space<vmem>>
      %dma_wait3A_444 = arith.constant 0 : i32
      %dma_wait3A_445 = arith.constant 0 : i32
      %dma_wait3A_446 = tpu.memref_slice %arg2[%dma_wait3A_430, %dma_wait3A_444, %dma_wait3A_445] : memref<4x10000x64xf32, #tpu.memory_space<hbm>> -> memref<1x80x64xf32, #tpu.memory_space<hbm>>
      %dma_wait3A_447 = tpu.memref_squeeze %dma_wait3A_446 : memref<1x80x64xf32, #tpu.memory_space<hbm>> -> memref<80x64xf32, #tpu.memory_space<hbm>>
      tpu.wait_dma2 semaphore(%arg11 : memref<!tpu.dma_semaphore, #tpu.memory_space<semaphore_mem>>) src(%dma_wait3A_447 : memref<80x64xf32, #tpu.memory_space<hbm>>) dst(%dma_wait3A_443 : memref<80x64xf32, #tpu.memory_space<vmem>>)
      %dma_wait3A_448 = arith.constant 0 : i32
      %dma_wait3A_449 = arith.constant 2 : i32
      %dma_wait3A_450 = arith.constant 0 : i32
      %dma_wait3A_451 = arith.constant 0 : i32
      %dma_wait3A_452 = tpu.memref_slice %arg8[%rem3A_411, %dma_wait3A_449, %dma_wait3A_450, %dma_wait3A_451] : memref<2x5x80x64xf32, #tpu.memory_space<vmem>> -> memref<1x1x80x64xf32, #tpu.memory_space<vmem>>
      %dma_wait3A_453 = tpu.memref_squeeze %dma_wait3A_452 : memref<1x1x80x64xf32, #tpu.memory_space<vmem>> -> memref<80x64xf32, #tpu.memory_space<vmem>>
      %dma_wait3A_454 = arith.constant 0 : i32
      %dma_wait3A_455 = arith.constant 0 : i32
      %dma_wait3A_456 = tpu.memref_slice %arg2[%dma_wait3A_448, %dma_wait3A_454, %dma_wait3A_455] : memref<4x10000x64xf32, #tpu.memory_space<hbm>> -> memref<1x80x64xf32, #tpu.memory_space<hbm>>
      %dma_wait3A_457 = tpu.memref_squeeze %dma_wait3A_456 : memref<1x80x64xf32, #tpu.memory_space<hbm>> -> memref<80x64xf32, #tpu.memory_space<hbm>>
      %dma_wait3A_458 = arith.constant 0 : i32
      %dma_wait3A_459 = arith.constant 0 : i32
      %dma_wait3A_460 = tpu.memref_slice %arg8[%rem3A_411, %dma_wait3A_449, %dma_wait3A_458, %dma_wait3A_459] : memref<2x5x80x64xf32, #tpu.memory_space<vmem>> -> memref<1x1x80x64xf32, #tpu.memory_space<vmem>>
      %dma_wait3A_461 = tpu.memref_squeeze %dma_wait3A_460 : memref<1x1x80x64xf32, #tpu.memory_space<vmem>> -> memref<80x64xf32, #tpu.memory_space<vmem>>
      %dma_wait3A_462 = arith.constant 0 : i32
      %dma_wait3A_463 = arith.constant 0 : i32
      %dma_wait3A_464 = tpu.memref_slice %arg2[%dma_wait3A_448, %dma_wait3A_462, %dma_wait3A_463] : memref<4x10000x64xf32, #tpu.memory_space<hbm>> -> memref<1x80x64xf32, #tpu.memory_space<hbm>>
      %dma_wait3A_465 = tpu.memref_squeeze %dma_wait3A_464 : memref<1x80x64xf32, #tpu.memory_space<hbm>> -> memref<80x64xf32, #tpu.memory_space<hbm>>
      tpu.wait_dma2 semaphore(%arg11 : memref<!tpu.dma_semaphore, #tpu.memory_space<semaphore_mem>>) src(%dma_wait3A_465 : memref<80x64xf32, #tpu.memory_space<hbm>>) dst(%dma_wait3A_461 : memref<80x64xf32, #tpu.memory_space<vmem>>)
      %dma_wait3A_466 = arith.constant 0 : i32
      %dma_wait3A_467 = arith.constant 3 : i32
      %dma_wait3A_468 = arith.constant 0 : i32
      %dma_wait3A_469 = arith.constant 0 : i32
      %dma_wait3A_470 = tpu.memref_slice %arg8[%rem3A_411, %dma_wait3A_467, %dma_wait3A_468, %dma_wait3A_469] : memref<2x5x80x64xf32, #tpu.memory_space<vmem>> -> memref<1x1x80x64xf32, #tpu.memory_space<vmem>>
      %dma_wait3A_471 = tpu.memref_squeeze %dma_wait3A_470 : memref<1x1x80x64xf32, #tpu.memory_space<vmem>> -> memref<80x64xf32, #tpu.memory_space<vmem>>
      %dma_wait3A_472 = arith.constant 0 : i32
      %dma_wait3A_473 = arith.constant 0 : i32
      %dma_wait3A_474 = tpu.memref_slice %arg2[%dma_wait3A_466, %dma_wait3A_472, %dma_wait3A_473] : memref<4x10000x64xf32, #tpu.memory_space<hbm>> -> memref<1x80x64xf32, #tpu.memory_space<hbm>>
      %dma_wait3A_475 = tpu.memref_squeeze %dma_wait3A_474 : memref<1x80x64xf32, #tpu.memory_space<hbm>> -> memref<80x64xf32, #tpu.memory_space<hbm>>
      %dma_wait3A_476 = arith.constant 0 : i32
      %dma_wait3A_477 = arith.constant 0 : i32
      %dma_wait3A_478 = tpu.memref_slice %arg8[%rem3A_411, %dma_wait3A_467, %dma_wait3A_476, %dma_wait3A_477] : memref<2x5x80x64xf32, #tpu.memory_space<vmem>> -> memref<1x1x80x64xf32, #tpu.memory_space<vmem>>
      %dma_wait3A_479 = tpu.memref_squeeze %dma_wait3A_478 : memref<1x1x80x64xf32, #tpu.memory_space<vmem>> -> memref<80x64xf32, #tpu.memory_space<vmem>>
      %dma_wait3A_480 = arith.constant 0 : i32
      %dma_wait3A_481 = arith.constant 0 : i32
      %dma_wait3A_482 = tpu.memref_slice %arg2[%dma_wait3A_466, %dma_wait3A_480, %dma_wait3A_481] : memref<4x10000x64xf32, #tpu.memory_space<hbm>> -> memref<1x80x64xf32, #tpu.memory_space<hbm>>
      %dma_wait3A_483 = tpu.memref_squeeze %dma_wait3A_482 : memref<1x80x64xf32, #tpu.memory_space<hbm>> -> memref<80x64xf32, #tpu.memory_space<hbm>>
      tpu.wait_dma2 semaphore(%arg11 : memref<!tpu.dma_semaphore, #tpu.memory_space<semaphore_mem>>) src(%dma_wait3A_483 : memref<80x64xf32, #tpu.memory_space<hbm>>) dst(%dma_wait3A_479 : memref<80x64xf32, #tpu.memory_space<vmem>>)
      %dma_wait3A_484 = arith.constant 0 : i32
      %dma_wait3A_485 = arith.constant 4 : i32
      %dma_wait3A_486 = arith.constant 0 : i32
      %dma_wait3A_487 = arith.constant 0 : i32
      %dma_wait3A_488 = tpu.memref_slice %arg8[%rem3A_411, %dma_wait3A_485, %dma_wait3A_486, %dma_wait3A_487] : memref<2x5x80x64xf32, #tpu.memory_space<vmem>> -> memref<1x1x80x64xf32, #tpu.memory_space<vmem>>
      %dma_wait3A_489 = tpu.memref_squeeze %dma_wait3A_488 : memref<1x1x80x64xf32, #tpu.memory_space<vmem>> -> memref<80x64xf32, #tpu.memory_space<vmem>>
      %dma_wait3A_490 = arith.constant 0 : i32
      %dma_wait3A_491 = arith.constant 0 : i32
      %dma_wait3A_492 = tpu.memref_slice %arg2[%dma_wait3A_484, %dma_wait3A_490, %dma_wait3A_491] : memref<4x10000x64xf32, #tpu.memory_space<hbm>> -> memref<1x80x64xf32, #tpu.memory_space<hbm>>
      %dma_wait3A_493 = tpu.memref_squeeze %dma_wait3A_492 : memref<1x80x64xf32, #tpu.memory_space<hbm>> -> memref<80x64xf32, #tpu.memory_space<hbm>>
      %dma_wait3A_494 = arith.constant 0 : i32
      %dma_wait3A_495 = arith.constant 0 : i32
      %dma_wait3A_496 = tpu.memref_slice %arg8[%rem3A_411, %dma_wait3A_485, %dma_wait3A_494, %dma_wait3A_495] : memref<2x5x80x64xf32, #tpu.memory_space<vmem>> -> memref<1x1x80x64xf32, #tpu.memory_space<vmem>>
      %dma_wait3A_497 = tpu.memref_squeeze %dma_wait3A_496 : memref<1x1x80x64xf32, #tpu.memory_space<vmem>> -> memref<80x64xf32, #tpu.memory_space<vmem>>
      %dma_wait3A_498 = arith.constant 0 : i32
      %dma_wait3A_499 = arith.constant 0 : i32
      %dma_wait3A_500 = tpu.memref_slice %arg2[%dma_wait3A_484, %dma_wait3A_498, %dma_wait3A_499] : memref<4x10000x64xf32, #tpu.memory_space<hbm>> -> memref<1x80x64xf32, #tpu.memory_space<hbm>>
      %dma_wait3A_501 = tpu.memref_squeeze %dma_wait3A_500 : memref<1x80x64xf32, #tpu.memory_space<hbm>> -> memref<80x64xf32, #tpu.memory_space<hbm>>
      tpu.wait_dma2 semaphore(%arg11 : memref<!tpu.dma_semaphore, #tpu.memory_space<semaphore_mem>>) src(%dma_wait3A_501 : memref<80x64xf32, #tpu.memory_space<hbm>>) dst(%dma_wait3A_497 : memref<80x64xf32, #tpu.memory_space<vmem>>)
      %ge3A = arith.constant 1 : i32
      %ge3A_502 = arith.cmpi sge, %scan3A_409, %ge3A : i32
      %convert_element_type3A = arith.extui %ge3A_502 : i1 to i32
      %cond3A = arith.constant 0 : i32
      %cond3A_503 = arith.cmpi ne, %convert_element_type3A, %cond3A : i32
      scf.if %cond3A_503 {
        %sub3A = arith.constant 1 : i32
        %sub3A_577 = arith.subi %sub3A, %rem3A_411 : i32
        %dma_wait3A_578 = arith.constant 0 : i32
        %dma_wait3A_579 = arith.constant 0 : i32
        %dma_wait3A_580 = arith.constant 0 : i32
        %dma_wait3A_581 = arith.constant 0 : i32
        %dma_wait3A_582 = tpu.memref_slice %arg8[%sub3A_577, %dma_wait3A_579, %dma_wait3A_580, %dma_wait3A_581] : memref<2x5x80x64xf32, #tpu.memory_space<vmem>> -> memref<1x1x80x64xf32, #tpu.memory_space<vmem>>
        %dma_wait3A_583 = tpu.memref_squeeze %dma_wait3A_582 : memref<1x1x80x64xf32, #tpu.memory_space<vmem>> -> memref<80x64xf32, #tpu.memory_space<vmem>>
        %dma_wait3A_584 = arith.constant 0 : i32
        %dma_wait3A_585 = arith.constant 0 : i32
        %dma_wait3A_586 = tpu.memref_slice %arg2[%dma_wait3A_578, %dma_wait3A_584, %dma_wait3A_585] : memref<4x10000x64xf32, #tpu.memory_space<hbm>> -> memref<1x80x64xf32, #tpu.memory_space<hbm>>
        %dma_wait3A_587 = tpu.memref_squeeze %dma_wait3A_586 : memref<1x80x64xf32, #tpu.memory_space<hbm>> -> memref<80x64xf32, #tpu.memory_space<hbm>>
        %dma_wait3A_588 = arith.constant 0 : i32
        %dma_wait3A_589 = arith.constant 0 : i32
        %dma_wait3A_590 = tpu.memref_slice %arg8[%sub3A_577, %dma_wait3A_579, %dma_wait3A_588, %dma_wait3A_589] : memref<2x5x80x64xf32, #tpu.memory_space<vmem>> -> memref<1x1x80x64xf32, #tpu.memory_space<vmem>>
        %dma_wait3A_591 = tpu.memref_squeeze %dma_wait3A_590 : memref<1x1x80x64xf32, #tpu.memory_space<vmem>> -> memref<80x64xf32, #tpu.memory_space<vmem>>
        %dma_wait3A_592 = arith.constant 0 : i32
        %dma_wait3A_593 = arith.constant 0 : i32
        %dma_wait3A_594 = tpu.memref_slice %arg2[%dma_wait3A_578, %dma_wait3A_592, %dma_wait3A_593] : memref<4x10000x64xf32, #tpu.memory_space<hbm>> -> memref<1x80x64xf32, #tpu.memory_space<hbm>>
        %dma_wait3A_595 = tpu.memref_squeeze %dma_wait3A_594 : memref<1x80x64xf32, #tpu.memory_space<hbm>> -> memref<80x64xf32, #tpu.memory_space<hbm>>
        tpu.wait_dma2 semaphore(%arg12 : memref<!tpu.dma_semaphore, #tpu.memory_space<semaphore_mem>>) src(%dma_wait3A_595 : memref<80x64xf32, #tpu.memory_space<hbm>>) dst(%dma_wait3A_591 : memref<80x64xf32, #tpu.memory_space<vmem>>)
        %dma_wait3A_596 = arith.constant 0 : i32
        %dma_wait3A_597 = arith.constant 1 : i32
        %dma_wait3A_598 = arith.constant 0 : i32
        %dma_wait3A_599 = arith.constant 0 : i32
        %dma_wait3A_600 = tpu.memref_slice %arg8[%sub3A_577, %dma_wait3A_597, %dma_wait3A_598, %dma_wait3A_599] : memref<2x5x80x64xf32, #tpu.memory_space<vmem>> -> memref<1x1x80x64xf32, #tpu.memory_space<vmem>>
        %dma_wait3A_601 = tpu.memref_squeeze %dma_wait3A_600 : memref<1x1x80x64xf32, #tpu.memory_space<vmem>> -> memref<80x64xf32, #tpu.memory_space<vmem>>
        %dma_wait3A_602 = arith.constant 0 : i32
        %dma_wait3A_603 = arith.constant 0 : i32
        %dma_wait3A_604 = tpu.memref_slice %arg2[%dma_wait3A_596, %dma_wait3A_602, %dma_wait3A_603] : memref<4x10000x64xf32, #tpu.memory_space<hbm>> -> memref<1x80x64xf32, #tpu.memory_space<hbm>>
        %dma_wait3A_605 = tpu.memref_squeeze %dma_wait3A_604 : memref<1x80x64xf32, #tpu.memory_space<hbm>> -> memref<80x64xf32, #tpu.memory_space<hbm>>
        %dma_wait3A_606 = arith.constant 0 : i32
        %dma_wait3A_607 = arith.constant 0 : i32
        %dma_wait3A_608 = tpu.memref_slice %arg8[%sub3A_577, %dma_wait3A_597, %dma_wait3A_606, %dma_wait3A_607] : memref<2x5x80x64xf32, #tpu.memory_space<vmem>> -> memref<1x1x80x64xf32, #tpu.memory_space<vmem>>
        %dma_wait3A_609 = tpu.memref_squeeze %dma_wait3A_608 : memref<1x1x80x64xf32, #tpu.memory_space<vmem>> -> memref<80x64xf32, #tpu.memory_space<vmem>>
        %dma_wait3A_610 = arith.constant 0 : i32
        %dma_wait3A_611 = arith.constant 0 : i32
        %dma_wait3A_612 = tpu.memref_slice %arg2[%dma_wait3A_596, %dma_wait3A_610, %dma_wait3A_611] : memref<4x10000x64xf32, #tpu.memory_space<hbm>> -> memref<1x80x64xf32, #tpu.memory_space<hbm>>
        %dma_wait3A_613 = tpu.memref_squeeze %dma_wait3A_612 : memref<1x80x64xf32, #tpu.memory_space<hbm>> -> memref<80x64xf32, #tpu.memory_space<hbm>>
        tpu.wait_dma2 semaphore(%arg12 : memref<!tpu.dma_semaphore, #tpu.memory_space<semaphore_mem>>) src(%dma_wait3A_613 : memref<80x64xf32, #tpu.memory_space<hbm>>) dst(%dma_wait3A_609 : memref<80x64xf32, #tpu.memory_space<vmem>>)
        %dma_wait3A_614 = arith.constant 0 : i32
        %dma_wait3A_615 = arith.constant 2 : i32
        %dma_wait3A_616 = arith.constant 0 : i32
        %dma_wait3A_617 = arith.constant 0 : i32
        %dma_wait3A_618 = tpu.memref_slice %arg8[%sub3A_577, %dma_wait3A_615, %dma_wait3A_616, %dma_wait3A_617] : memref<2x5x80x64xf32, #tpu.memory_space<vmem>> -> memref<1x1x80x64xf32, #tpu.memory_space<vmem>>
        %dma_wait3A_619 = tpu.memref_squeeze %dma_wait3A_618 : memref<1x1x80x64xf32, #tpu.memory_space<vmem>> -> memref<80x64xf32, #tpu.memory_space<vmem>>
        %dma_wait3A_620 = arith.constant 0 : i32
        %dma_wait3A_621 = arith.constant 0 : i32
        %dma_wait3A_622 = tpu.memref_slice %arg2[%dma_wait3A_614, %dma_wait3A_620, %dma_wait3A_621] : memref<4x10000x64xf32, #tpu.memory_space<hbm>> -> memref<1x80x64xf32, #tpu.memory_space<hbm>>
        %dma_wait3A_623 = tpu.memref_squeeze %dma_wait3A_622 : memref<1x80x64xf32, #tpu.memory_space<hbm>> -> memref<80x64xf32, #tpu.memory_space<hbm>>
        %dma_wait3A_624 = arith.constant 0 : i32
        %dma_wait3A_625 = arith.constant 0 : i32
        %dma_wait3A_626 = tpu.memref_slice %arg8[%sub3A_577, %dma_wait3A_615, %dma_wait3A_624, %dma_wait3A_625] : memref<2x5x80x64xf32, #tpu.memory_space<vmem>> -> memref<1x1x80x64xf32, #tpu.memory_space<vmem>>
        %dma_wait3A_627 = tpu.memref_squeeze %dma_wait3A_626 : memref<1x1x80x64xf32, #tpu.memory_space<vmem>> -> memref<80x64xf32, #tpu.memory_space<vmem>>
        %dma_wait3A_628 = arith.constant 0 : i32
        %dma_wait3A_629 = arith.constant 0 : i32
        %dma_wait3A_630 = tpu.memref_slice %arg2[%dma_wait3A_614, %dma_wait3A_628, %dma_wait3A_629] : memref<4x10000x64xf32, #tpu.memory_space<hbm>> -> memref<1x80x64xf32, #tpu.memory_space<hbm>>
        %dma_wait3A_631 = tpu.memref_squeeze %dma_wait3A_630 : memref<1x80x64xf32, #tpu.memory_space<hbm>> -> memref<80x64xf32, #tpu.memory_space<hbm>>
        tpu.wait_dma2 semaphore(%arg12 : memref<!tpu.dma_semaphore, #tpu.memory_space<semaphore_mem>>) src(%dma_wait3A_631 : memref<80x64xf32, #tpu.memory_space<hbm>>) dst(%dma_wait3A_627 : memref<80x64xf32, #tpu.memory_space<vmem>>)
        %dma_wait3A_632 = arith.constant 0 : i32
        %dma_wait3A_633 = arith.constant 3 : i32
        %dma_wait3A_634 = arith.constant 0 : i32
        %dma_wait3A_635 = arith.constant 0 : i32
        %dma_wait3A_636 = tpu.memref_slice %arg8[%sub3A_577, %dma_wait3A_633, %dma_wait3A_634, %dma_wait3A_635] : memref<2x5x80x64xf32, #tpu.memory_space<vmem>> -> memref<1x1x80x64xf32, #tpu.memory_space<vmem>>
        %dma_wait3A_637 = tpu.memref_squeeze %dma_wait3A_636 : memref<1x1x80x64xf32, #tpu.memory_space<vmem>> -> memref<80x64xf32, #tpu.memory_space<vmem>>
        %dma_wait3A_638 = arith.constant 0 : i32
        %dma_wait3A_639 = arith.constant 0 : i32
        %dma_wait3A_640 = tpu.memref_slice %arg2[%dma_wait3A_632, %dma_wait3A_638, %dma_wait3A_639] : memref<4x10000x64xf32, #tpu.memory_space<hbm>> -> memref<1x80x64xf32, #tpu.memory_space<hbm>>
        %dma_wait3A_641 = tpu.memref_squeeze %dma_wait3A_640 : memref<1x80x64xf32, #tpu.memory_space<hbm>> -> memref<80x64xf32, #tpu.memory_space<hbm>>
        %dma_wait3A_642 = arith.constant 0 : i32
        %dma_wait3A_643 = arith.constant 0 : i32
        %dma_wait3A_644 = tpu.memref_slice %arg8[%sub3A_577, %dma_wait3A_633, %dma_wait3A_642, %dma_wait3A_643] : memref<2x5x80x64xf32, #tpu.memory_space<vmem>> -> memref<1x1x80x64xf32, #tpu.memory_space<vmem>>
        %dma_wait3A_645 = tpu.memref_squeeze %dma_wait3A_644 : memref<1x1x80x64xf32, #tpu.memory_space<vmem>> -> memref<80x64xf32, #tpu.memory_space<vmem>>
        %dma_wait3A_646 = arith.constant 0 : i32
        %dma_wait3A_647 = arith.constant 0 : i32
        %dma_wait3A_648 = tpu.memref_slice %arg2[%dma_wait3A_632, %dma_wait3A_646, %dma_wait3A_647] : memref<4x10000x64xf32, #tpu.memory_space<hbm>> -> memref<1x80x64xf32, #tpu.memory_space<hbm>>
        %dma_wait3A_649 = tpu.memref_squeeze %dma_wait3A_648 : memref<1x80x64xf32, #tpu.memory_space<hbm>> -> memref<80x64xf32, #tpu.memory_space<hbm>>
        tpu.wait_dma2 semaphore(%arg12 : memref<!tpu.dma_semaphore, #tpu.memory_space<semaphore_mem>>) src(%dma_wait3A_649 : memref<80x64xf32, #tpu.memory_space<hbm>>) dst(%dma_wait3A_645 : memref<80x64xf32, #tpu.memory_space<vmem>>)
        %dma_wait3A_650 = arith.constant 0 : i32
        %dma_wait3A_651 = arith.constant 4 : i32
        %dma_wait3A_652 = arith.constant 0 : i32
        %dma_wait3A_653 = arith.constant 0 : i32
        %dma_wait3A_654 = tpu.memref_slice %arg8[%sub3A_577, %dma_wait3A_651, %dma_wait3A_652, %dma_wait3A_653] : memref<2x5x80x64xf32, #tpu.memory_space<vmem>> -> memref<1x1x80x64xf32, #tpu.memory_space<vmem>>
        %dma_wait3A_655 = tpu.memref_squeeze %dma_wait3A_654 : memref<1x1x80x64xf32, #tpu.memory_space<vmem>> -> memref<80x64xf32, #tpu.memory_space<vmem>>
        %dma_wait3A_656 = arith.constant 0 : i32
        %dma_wait3A_657 = arith.constant 0 : i32
        %dma_wait3A_658 = tpu.memref_slice %arg2[%dma_wait3A_650, %dma_wait3A_656, %dma_wait3A_657] : memref<4x10000x64xf32, #tpu.memory_space<hbm>> -> memref<1x80x64xf32, #tpu.memory_space<hbm>>
        %dma_wait3A_659 = tpu.memref_squeeze %dma_wait3A_658 : memref<1x80x64xf32, #tpu.memory_space<hbm>> -> memref<80x64xf32, #tpu.memory_space<hbm>>
        %dma_wait3A_660 = arith.constant 0 : i32
        %dma_wait3A_661 = arith.constant 0 : i32
        %dma_wait3A_662 = tpu.memref_slice %arg8[%sub3A_577, %dma_wait3A_651, %dma_wait3A_660, %dma_wait3A_661] : memref<2x5x80x64xf32, #tpu.memory_space<vmem>> -> memref<1x1x80x64xf32, #tpu.memory_space<vmem>>
        %dma_wait3A_663 = tpu.memref_squeeze %dma_wait3A_662 : memref<1x1x80x64xf32, #tpu.memory_space<vmem>> -> memref<80x64xf32, #tpu.memory_space<vmem>>
        %dma_wait3A_664 = arith.constant 0 : i32
        %dma_wait3A_665 = arith.constant 0 : i32
        %dma_wait3A_666 = tpu.memref_slice %arg2[%dma_wait3A_650, %dma_wait3A_664, %dma_wait3A_665] : memref<4x10000x64xf32, #tpu.memory_space<hbm>> -> memref<1x80x64xf32, #tpu.memory_space<hbm>>
        %dma_wait3A_667 = tpu.memref_squeeze %dma_wait3A_666 : memref<1x80x64xf32, #tpu.memory_space<hbm>> -> memref<80x64xf32, #tpu.memory_space<hbm>>
        tpu.wait_dma2 semaphore(%arg12 : memref<!tpu.dma_semaphore, #tpu.memory_space<semaphore_mem>>) src(%dma_wait3A_667 : memref<80x64xf32, #tpu.memory_space<hbm>>) dst(%dma_wait3A_663 : memref<80x64xf32, #tpu.memory_space<vmem>>)
      } else {
      }
      %add3A_504 = arith.constant 1 : i32
      %add3A_505 = arith.addi %scan3A_409, %add3A_504 : i32
      %lt3A = arith.constant 25 : i32
      %lt3A_506 = arith.cmpi slt, %add3A_505, %lt3A : i32
      %convert_element_type3A_507 = arith.extui %lt3A_506 : i1 to i32
      %cond3A_508 = arith.constant 0 : i32
      %cond3A_509 = arith.cmpi ne, %convert_element_type3A_507, %cond3A_508 : i32
      scf.if %cond3A_509 {
        %add3A_577 = arith.constant 1 : i32
        %add3A_578 = arith.addi %scan3A_409, %add3A_577 : i32
        %sub3A = arith.constant 1 : i32
        %sub3A_579 = arith.subi %sub3A, %rem3A_411 : i32
        %mul3A_580 = arith.constant 5 : i32
        %mul3A_581 = arith.muli %add3A_578, %mul3A_580 : i32
        %add3A_582 = arith.constant 0 : i32
        %add3A_583 = arith.addi %mul3A_581, %add3A_582 : i32
        %dma_start3A_584 = arith.constant 0 : i32
        %dma_start3A_585 = arith.constant 0 : i32
        %dma_start3A_586 = arith.constant 0 : i32
        %dma_start3A_587 = tpu.memref_slice %arg8[%sub3A_579, %dma_start3A_584, %dma_start3A_585, %dma_start3A_586] : memref<2x5x80x64xf32, #tpu.memory_space<vmem>> -> memref<1x1x80x64xf32, #tpu.memory_space<vmem>>
        %dma_start3A_588 = tpu.memref_squeeze %dma_start3A_587 : memref<1x1x80x64xf32, #tpu.memory_space<vmem>> -> memref<80x64xf32, #tpu.memory_space<vmem>>
        %dma_start3A_589 = arith.constant 0 : i32
        %dma_start3A_590 = tpu.memref_slice %arg6[%add3A_583, %dma_start3A_589] : memref<125x80xi32, #tpu.memory_space<vmem>> -> memref<1x80xi32, #tpu.memory_space<vmem>>
        %dma_start3A_591 = tpu.memref_squeeze %dma_start3A_590 : memref<1x80xi32, #tpu.memory_space<vmem>> -> memref<80xi32, #tpu.memory_space<vmem>>
        %dma_start3A_592 = arith.constant 0 : i32
        %dma_start3A_593 = arith.constant 0 : i32
        %dma_start3A_594 = tpu.memref_slice %arg2[%add3A_302, %dma_start3A_592, %dma_start3A_593] : memref<4x10000x64xf32, #tpu.memory_space<hbm>> -> memref<1x10000x64xf32, #tpu.memory_space<hbm>>
        %dma_start3A_595 = tpu.memref_squeeze %dma_start3A_594 : memref<1x10000x64xf32, #tpu.memory_space<hbm>> -> memref<10000x64xf32, #tpu.memory_space<hbm>>
        %dma_start3A_596 = arith.constant 0 : i32
        %dma_start3A_597 = arith.constant 0 : i32
        %dma_start3A_598 = tpu.memref_slice %dma_start3A_595[%dma_start3A_596, %dma_start3A_597] : memref<10000x64xf32, #tpu.memory_space<hbm>> -> memref<10000x64xf32, #tpu.memory_space<hbm>>
        tpu.enqueue_indirect_dma source(%dma_start3A_598 : memref<10000x64xf32, #tpu.memory_space<hbm>>) target(%dma_start3A_588 : memref<80x64xf32, #tpu.memory_space<vmem>>) offsets(%dma_start3A_591 : memref<80xi32, #tpu.memory_space<vmem>>) semaphore(%arg11 : memref<!tpu.dma_semaphore, #tpu.memory_space<semaphore_mem>>)
        %add3A_599 = arith.constant 1 : i32
        %add3A_600 = arith.addi %mul3A_581, %add3A_599 : i32
        %dma_start3A_601 = arith.constant 1 : i32
        %dma_start3A_602 = arith.constant 0 : i32
        %dma_start3A_603 = arith.constant 0 : i32
        %dma_start3A_604 = tpu.memref_slice %arg8[%sub3A_579, %dma_start3A_601, %dma_start3A_602, %dma_start3A_603] : memref<2x5x80x64xf32, #tpu.memory_space<vmem>> -> memref<1x1x80x64xf32, #tpu.memory_space<vmem>>
        %dma_start3A_605 = tpu.memref_squeeze %dma_start3A_604 : memref<1x1x80x64xf32, #tpu.memory_space<vmem>> -> memref<80x64xf32, #tpu.memory_space<vmem>>
        %dma_start3A_606 = arith.constant 0 : i32
        %dma_start3A_607 = tpu.memref_slice %arg6[%add3A_600, %dma_start3A_606] : memref<125x80xi32, #tpu.memory_space<vmem>> -> memref<1x80xi32, #tpu.memory_space<vmem>>
        %dma_start3A_608 = tpu.memref_squeeze %dma_start3A_607 : memref<1x80xi32, #tpu.memory_space<vmem>> -> memref<80xi32, #tpu.memory_space<vmem>>
        %dma_start3A_609 = arith.constant 0 : i32
        %dma_start3A_610 = arith.constant 0 : i32
        %dma_start3A_611 = tpu.memref_slice %arg2[%add3A_302, %dma_start3A_609, %dma_start3A_610] : memref<4x10000x64xf32, #tpu.memory_space<hbm>> -> memref<1x10000x64xf32, #tpu.memory_space<hbm>>
        %dma_start3A_612 = tpu.memref_squeeze %dma_start3A_611 : memref<1x10000x64xf32, #tpu.memory_space<hbm>> -> memref<10000x64xf32, #tpu.memory_space<hbm>>
        %dma_start3A_613 = arith.constant 0 : i32
        %dma_start3A_614 = arith.constant 0 : i32
        %dma_start3A_615 = tpu.memref_slice %dma_start3A_612[%dma_start3A_613, %dma_start3A_614] : memref<10000x64xf32, #tpu.memory_space<hbm>> -> memref<10000x64xf32, #tpu.memory_space<hbm>>
        tpu.enqueue_indirect_dma source(%dma_start3A_615 : memref<10000x64xf32, #tpu.memory_space<hbm>>) target(%dma_start3A_605 : memref<80x64xf32, #tpu.memory_space<vmem>>) offsets(%dma_start3A_608 : memref<80xi32, #tpu.memory_space<vmem>>) semaphore(%arg11 : memref<!tpu.dma_semaphore, #tpu.memory_space<semaphore_mem>>)
        %add3A_616 = arith.constant 2 : i32
        %add3A_617 = arith.addi %mul3A_581, %add3A_616 : i32
        %dma_start3A_618 = arith.constant 2 : i32
        %dma_start3A_619 = arith.constant 0 : i32
        %dma_start3A_620 = arith.constant 0 : i32
        %dma_start3A_621 = tpu.memref_slice %arg8[%sub3A_579, %dma_start3A_618, %dma_start3A_619, %dma_start3A_620] : memref<2x5x80x64xf32, #tpu.memory_space<vmem>> -> memref<1x1x80x64xf32, #tpu.memory_space<vmem>>
        %dma_start3A_622 = tpu.memref_squeeze %dma_start3A_621 : memref<1x1x80x64xf32, #tpu.memory_space<vmem>> -> memref<80x64xf32, #tpu.memory_space<vmem>>
        %dma_start3A_623 = arith.constant 0 : i32
        %dma_start3A_624 = tpu.memref_slice %arg6[%add3A_617, %dma_start3A_623] : memref<125x80xi32, #tpu.memory_space<vmem>> -> memref<1x80xi32, #tpu.memory_space<vmem>>
        %dma_start3A_625 = tpu.memref_squeeze %dma_start3A_624 : memref<1x80xi32, #tpu.memory_space<vmem>> -> memref<80xi32, #tpu.memory_space<vmem>>
        %dma_start3A_626 = arith.constant 0 : i32
        %dma_start3A_627 = arith.constant 0 : i32
        %dma_start3A_628 = tpu.memref_slice %arg2[%add3A_302, %dma_start3A_626, %dma_start3A_627] : memref<4x10000x64xf32, #tpu.memory_space<hbm>> -> memref<1x10000x64xf32, #tpu.memory_space<hbm>>
        %dma_start3A_629 = tpu.memref_squeeze %dma_start3A_628 : memref<1x10000x64xf32, #tpu.memory_space<hbm>> -> memref<10000x64xf32, #tpu.memory_space<hbm>>
        %dma_start3A_630 = arith.constant 0 : i32
        %dma_start3A_631 = arith.constant 0 : i32
        %dma_start3A_632 = tpu.memref_slice %dma_start3A_629[%dma_start3A_630, %dma_start3A_631] : memref<10000x64xf32, #tpu.memory_space<hbm>> -> memref<10000x64xf32, #tpu.memory_space<hbm>>
        tpu.enqueue_indirect_dma source(%dma_start3A_632 : memref<10000x64xf32, #tpu.memory_space<hbm>>) target(%dma_start3A_622 : memref<80x64xf32, #tpu.memory_space<vmem>>) offsets(%dma_start3A_625 : memref<80xi32, #tpu.memory_space<vmem>>) semaphore(%arg11 : memref<!tpu.dma_semaphore, #tpu.memory_space<semaphore_mem>>)
        %add3A_633 = arith.constant 3 : i32
        %add3A_634 = arith.addi %mul3A_581, %add3A_633 : i32
        %dma_start3A_635 = arith.constant 3 : i32
        %dma_start3A_636 = arith.constant 0 : i32
        %dma_start3A_637 = arith.constant 0 : i32
        %dma_start3A_638 = tpu.memref_slice %arg8[%sub3A_579, %dma_start3A_635, %dma_start3A_636, %dma_start3A_637] : memref<2x5x80x64xf32, #tpu.memory_space<vmem>> -> memref<1x1x80x64xf32, #tpu.memory_space<vmem>>
        %dma_start3A_639 = tpu.memref_squeeze %dma_start3A_638 : memref<1x1x80x64xf32, #tpu.memory_space<vmem>> -> memref<80x64xf32, #tpu.memory_space<vmem>>
        %dma_start3A_640 = arith.constant 0 : i32
        %dma_start3A_641 = tpu.memref_slice %arg6[%add3A_634, %dma_start3A_640] : memref<125x80xi32, #tpu.memory_space<vmem>> -> memref<1x80xi32, #tpu.memory_space<vmem>>
        %dma_start3A_642 = tpu.memref_squeeze %dma_start3A_641 : memref<1x80xi32, #tpu.memory_space<vmem>> -> memref<80xi32, #tpu.memory_space<vmem>>
        %dma_start3A_643 = arith.constant 0 : i32
        %dma_start3A_644 = arith.constant 0 : i32
        %dma_start3A_645 = tpu.memref_slice %arg2[%add3A_302, %dma_start3A_643, %dma_start3A_644] : memref<4x10000x64xf32, #tpu.memory_space<hbm>> -> memref<1x10000x64xf32, #tpu.memory_space<hbm>>
        %dma_start3A_646 = tpu.memref_squeeze %dma_start3A_645 : memref<1x10000x64xf32, #tpu.memory_space<hbm>> -> memref<10000x64xf32, #tpu.memory_space<hbm>>
        %dma_start3A_647 = arith.constant 0 : i32
        %dma_start3A_648 = arith.constant 0 : i32
        %dma_start3A_649 = tpu.memref_slice %dma_start3A_646[%dma_start3A_647, %dma_start3A_648] : memref<10000x64xf32, #tpu.memory_space<hbm>> -> memref<10000x64xf32, #tpu.memory_space<hbm>>
        tpu.enqueue_indirect_dma source(%dma_start3A_649 : memref<10000x64xf32, #tpu.memory_space<hbm>>) target(%dma_start3A_639 : memref<80x64xf32, #tpu.memory_space<vmem>>) offsets(%dma_start3A_642 : memref<80xi32, #tpu.memory_space<vmem>>) semaphore(%arg11 : memref<!tpu.dma_semaphore, #tpu.memory_space<semaphore_mem>>)
        %add3A_650 = arith.constant 4 : i32
        %add3A_651 = arith.addi %mul3A_581, %add3A_650 : i32
        %dma_start3A_652 = arith.constant 4 : i32
        %dma_start3A_653 = arith.constant 0 : i32
        %dma_start3A_654 = arith.constant 0 : i32
        %dma_start3A_655 = tpu.memref_slice %arg8[%sub3A_579, %dma_start3A_652, %dma_start3A_653, %dma_start3A_654] : memref<2x5x80x64xf32, #tpu.memory_space<vmem>> -> memref<1x1x80x64xf32, #tpu.memory_space<vmem>>
        %dma_start3A_656 = tpu.memref_squeeze %dma_start3A_655 : memref<1x1x80x64xf32, #tpu.memory_space<vmem>> -> memref<80x64xf32, #tpu.memory_space<vmem>>
        %dma_start3A_657 = arith.constant 0 : i32
        %dma_start3A_658 = tpu.memref_slice %arg6[%add3A_651, %dma_start3A_657] : memref<125x80xi32, #tpu.memory_space<vmem>> -> memref<1x80xi32, #tpu.memory_space<vmem>>
        %dma_start3A_659 = tpu.memref_squeeze %dma_start3A_658 : memref<1x80xi32, #tpu.memory_space<vmem>> -> memref<80xi32, #tpu.memory_space<vmem>>
        %dma_start3A_660 = arith.constant 0 : i32
        %dma_start3A_661 = arith.constant 0 : i32
        %dma_start3A_662 = tpu.memref_slice %arg2[%add3A_302, %dma_start3A_660, %dma_start3A_661] : memref<4x10000x64xf32, #tpu.memory_space<hbm>> -> memref<1x10000x64xf32, #tpu.memory_space<hbm>>
        %dma_start3A_663 = tpu.memref_squeeze %dma_start3A_662 : memref<1x10000x64xf32, #tpu.memory_space<hbm>> -> memref<10000x64xf32, #tpu.memory_space<hbm>>
        %dma_start3A_664 = arith.constant 0 : i32
        %dma_start3A_665 = arith.constant 0 : i32
        %dma_start3A_666 = tpu.memref_slice %dma_start3A_663[%dma_start3A_664, %dma_start3A_665] : memref<10000x64xf32, #tpu.memory_space<hbm>> -> memref<10000x64xf32, #tpu.memory_space<hbm>>
        tpu.enqueue_indirect_dma source(%dma_start3A_666 : memref<10000x64xf32, #tpu.memory_space<hbm>>) target(%dma_start3A_656 : memref<80x64xf32, #tpu.memory_space<vmem>>) offsets(%dma_start3A_659 : memref<80xi32, #tpu.memory_space<vmem>>) semaphore(%arg11 : memref<!tpu.dma_semaphore, #tpu.memory_space<semaphore_mem>>)
      } else {
      }
      %mul3A_510 = arith.constant 5 : i32
      %mul3A_511 = arith.muli %scan3A_409, %mul3A_510 : i32
      %add3A_512 = arith.constant 0 : i32
      %add3A_513 = arith.addi %mul3A_511, %add3A_512 : i32
      %dma_start3A_514 = arith.constant 0 : i32
      %dma_start3A_515 = arith.constant 0 : i32
      %dma_start3A_516 = arith.constant 0 : i32
      %dma_start3A_517 = tpu.memref_slice %arg8[%rem3A_411, %dma_start3A_514, %dma_start3A_515, %dma_start3A_516] : memref<2x5x80x64xf32, #tpu.memory_space<vmem>> -> memref<1x1x80x64xf32, #tpu.memory_space<vmem>>
      %dma_start3A_518 = tpu.memref_squeeze %dma_start3A_517 : memref<1x1x80x64xf32, #tpu.memory_space<vmem>> -> memref<80x64xf32, #tpu.memory_space<vmem>>
      %dma_start3A_519 = arith.constant 0 : i32
      %dma_start3A_520 = tpu.memref_slice %arg7[%add3A_513, %dma_start3A_519] : memref<125x80xi32, #tpu.memory_space<vmem>> -> memref<1x80xi32, #tpu.memory_space<vmem>>
      %dma_start3A_521 = tpu.memref_squeeze %dma_start3A_520 : memref<1x80xi32, #tpu.memory_space<vmem>> -> memref<80xi32, #tpu.memory_space<vmem>>
      %dma_start3A_522 = arith.constant 0 : i32
      %dma_start3A_523 = arith.constant 0 : i32
      %dma_start3A_524 = tpu.memref_slice %arg10[%dma_start3A_522, %dma_start3A_523] : memref<10240x64xf32, #tpu.memory_space<vmem_shared>> -> memref<10240x64xf32, #tpu.memory_space<vmem_shared>>
      tpu.enqueue_indirect_dma source(%dma_start3A_518 : memref<80x64xf32, #tpu.memory_space<vmem>>) target(%dma_start3A_524 : memref<10240x64xf32, #tpu.memory_space<vmem_shared>>) offsets(%dma_start3A_521 : memref<80xi32, #tpu.memory_space<vmem>>) semaphore(%arg12 : memref<!tpu.dma_semaphore, #tpu.memory_space<semaphore_mem>>) {add = true}
      %add3A_525 = arith.constant 1 : i32
      %add3A_526 = arith.addi %mul3A_511, %add3A_525 : i32
      %dma_start3A_527 = arith.constant 1 : i32
      %dma_start3A_528 = arith.constant 0 : i32
      %dma_start3A_529 = arith.constant 0 : i32
      %dma_start3A_530 = tpu.memref_slice %arg8[%rem3A_411, %dma_start3A_527, %dma_start3A_528, %dma_start3A_529] : memref<2x5x80x64xf32, #tpu.memory_space<vmem>> -> memref<1x1x80x64xf32, #tpu.memory_space<vmem>>
      %dma_start3A_531 = tpu.memref_squeeze %dma_start3A_530 : memref<1x1x80x64xf32, #tpu.memory_space<vmem>> -> memref<80x64xf32, #tpu.memory_space<vmem>>
      %dma_start3A_532 = arith.constant 0 : i32
      %dma_start3A_533 = tpu.memref_slice %arg7[%add3A_526, %dma_start3A_532] : memref<125x80xi32, #tpu.memory_space<vmem>> -> memref<1x80xi32, #tpu.memory_space<vmem>>
      %dma_start3A_534 = tpu.memref_squeeze %dma_start3A_533 : memref<1x80xi32, #tpu.memory_space<vmem>> -> memref<80xi32, #tpu.memory_space<vmem>>
      %dma_start3A_535 = arith.constant 0 : i32
      %dma_start3A_536 = arith.constant 0 : i32
      %dma_start3A_537 = tpu.memref_slice %arg10[%dma_start3A_535, %dma_start3A_536] : memref<10240x64xf32, #tpu.memory_space<vmem_shared>> -> memref<10240x64xf32, #tpu.memory_space<vmem_shared>>
      tpu.enqueue_indirect_dma source(%dma_start3A_531 : memref<80x64xf32, #tpu.memory_space<vmem>>) target(%dma_start3A_537 : memref<10240x64xf32, #tpu.memory_space<vmem_shared>>) offsets(%dma_start3A_534 : memref<80xi32, #tpu.memory_space<vmem>>) semaphore(%arg12 : memref<!tpu.dma_semaphore, #tpu.memory_space<semaphore_mem>>) {add = true}
      %add3A_538 = arith.constant 2 : i32
      %add3A_539 = arith.addi %mul3A_511, %add3A_538 : i32
      %dma_start3A_540 = arith.constant 2 : i32
      %dma_start3A_541 = arith.constant 0 : i32
      %dma_start3A_542 = arith.constant 0 : i32
      %dma_start3A_543 = tpu.memref_slice %arg8[%rem3A_411, %dma_start3A_540, %dma_start3A_541, %dma_start3A_542] : memref<2x5x80x64xf32, #tpu.memory_space<vmem>> -> memref<1x1x80x64xf32, #tpu.memory_space<vmem>>
      %dma_start3A_544 = tpu.memref_squeeze %dma_start3A_543 : memref<1x1x80x64xf32, #tpu.memory_space<vmem>> -> memref<80x64xf32, #tpu.memory_space<vmem>>
      %dma_start3A_545 = arith.constant 0 : i32
      %dma_start3A_546 = tpu.memref_slice %arg7[%add3A_539, %dma_start3A_545] : memref<125x80xi32, #tpu.memory_space<vmem>> -> memref<1x80xi32, #tpu.memory_space<vmem>>
      %dma_start3A_547 = tpu.memref_squeeze %dma_start3A_546 : memref<1x80xi32, #tpu.memory_space<vmem>> -> memref<80xi32, #tpu.memory_space<vmem>>
      %dma_start3A_548 = arith.constant 0 : i32
      %dma_start3A_549 = arith.constant 0 : i32
      %dma_start3A_550 = tpu.memref_slice %arg10[%dma_start3A_548, %dma_start3A_549] : memref<10240x64xf32, #tpu.memory_space<vmem_shared>> -> memref<10240x64xf32, #tpu.memory_space<vmem_shared>>
      tpu.enqueue_indirect_dma source(%dma_start3A_544 : memref<80x64xf32, #tpu.memory_space<vmem>>) target(%dma_start3A_550 : memref<10240x64xf32, #tpu.memory_space<vmem_shared>>) offsets(%dma_start3A_547 : memref<80xi32, #tpu.memory_space<vmem>>) semaphore(%arg12 : memref<!tpu.dma_semaphore, #tpu.memory_space<semaphore_mem>>) {add = true}
      %add3A_551 = arith.constant 3 : i32
      %add3A_552 = arith.addi %mul3A_511, %add3A_551 : i32
      %dma_start3A_553 = arith.constant 3 : i32
      %dma_start3A_554 = arith.constant 0 : i32
      %dma_start3A_555 = arith.constant 0 : i32
      %dma_start3A_556 = tpu.memref_slice %arg8[%rem3A_411, %dma_start3A_553, %dma_start3A_554, %dma_start3A_555] : memref<2x5x80x64xf32, #tpu.memory_space<vmem>> -> memref<1x1x80x64xf32, #tpu.memory_space<vmem>>
      %dma_start3A_557 = tpu.memref_squeeze %dma_start3A_556 : memref<1x1x80x64xf32, #tpu.memory_space<vmem>> -> memref<80x64xf32, #tpu.memory_space<vmem>>
      %dma_start3A_558 = arith.constant 0 : i32
      %dma_start3A_559 = tpu.memref_slice %arg7[%add3A_552, %dma_start3A_558] : memref<125x80xi32, #tpu.memory_space<vmem>> -> memref<1x80xi32, #tpu.memory_space<vmem>>
      %dma_start3A_560 = tpu.memref_squeeze %dma_start3A_559 : memref<1x80xi32, #tpu.memory_space<vmem>> -> memref<80xi32, #tpu.memory_space<vmem>>
      %dma_start3A_561 = arith.constant 0 : i32
      %dma_start3A_562 = arith.constant 0 : i32
      %dma_start3A_563 = tpu.memref_slice %arg10[%dma_start3A_561, %dma_start3A_562] : memref<10240x64xf32, #tpu.memory_space<vmem_shared>> -> memref<10240x64xf32, #tpu.memory_space<vmem_shared>>
      tpu.enqueue_indirect_dma source(%dma_start3A_557 : memref<80x64xf32, #tpu.memory_space<vmem>>) target(%dma_start3A_563 : memref<10240x64xf32, #tpu.memory_space<vmem_shared>>) offsets(%dma_start3A_560 : memref<80xi32, #tpu.memory_space<vmem>>) semaphore(%arg12 : memref<!tpu.dma_semaphore, #tpu.memory_space<semaphore_mem>>) {add = true}
      %add3A_564 = arith.constant 4 : i32
      %add3A_565 = arith.addi %mul3A_511, %add3A_564 : i32
      %dma_start3A_566 = arith.constant 4 : i32
      %dma_start3A_567 = arith.constant 0 : i32
      %dma_start3A_568 = arith.constant 0 : i32
      %dma_start3A_569 = tpu.memref_slice %arg8[%rem3A_411, %dma_start3A_566, %dma_start3A_567, %dma_start3A_568] : memref<2x5x80x64xf32, #tpu.memory_space<vmem>> -> memref<1x1x80x64xf32, #tpu.memory_space<vmem>>
      %dma_start3A_570 = tpu.memref_squeeze %dma_start3A_569 : memref<1x1x80x64xf32, #tpu.memory_space<vmem>> -> memref<80x64xf32, #tpu.memory_space<vmem>>
      %dma_start3A_571 = arith.constant 0 : i32
      %dma_start3A_572 = tpu.memref_slice %arg7[%add3A_565, %dma_start3A_571] : memref<125x80xi32, #tpu.memory_space<vmem>> -> memref<1x80xi32, #tpu.memory_space<vmem>>
      %dma_start3A_573 = tpu.memref_squeeze %dma_start3A_572 : memref<1x80xi32, #tpu.memory_space<vmem>> -> memref<80xi32, #tpu.memory_space<vmem>>
      %dma_start3A_574 = arith.constant 0 : i32
      %dma_start3A_575 = arith.constant 0 : i32
      %dma_start3A_576 = tpu.memref_slice %arg10[%dma_start3A_574, %dma_start3A_575] : memref<10240x64xf32, #tpu.memory_space<vmem_shared>> -> memref<10240x64xf32, #tpu.memory_space<vmem_shared>>
      tpu.enqueue_indirect_dma source(%dma_start3A_570 : memref<80x64xf32, #tpu.memory_space<vmem>>) target(%dma_start3A_576 : memref<10240x64xf32, #tpu.memory_space<vmem_shared>>) offsets(%dma_start3A_573 : memref<80xi32, #tpu.memory_space<vmem>>) semaphore(%arg12 : memref<!tpu.dma_semaphore, #tpu.memory_space<semaphore_mem>>) {add = true}
    }
    %scan3A_308 = arith.constant 25 : i32
    %rem3A_309 = arith.constant 24 : i32
    %rem3A_310 = arith.constant 2 : i32
    %rem3A_311 = arith.remsi %rem3A_309, %rem3A_310 : i32
    %dma_wait3A_312 = arith.constant 0 : i32
    %dma_wait3A_313 = arith.constant 0 : i32
    %dma_wait3A_314 = arith.constant 0 : i32
    %dma_wait3A_315 = arith.constant 0 : i32
    %dma_wait3A_316 = tpu.memref_slice %arg8[%rem3A_311, %dma_wait3A_313, %dma_wait3A_314, %dma_wait3A_315] : memref<2x5x80x64xf32, #tpu.memory_space<vmem>> -> memref<1x1x80x64xf32, #tpu.memory_space<vmem>>
    %dma_wait3A_317 = tpu.memref_squeeze %dma_wait3A_316 : memref<1x1x80x64xf32, #tpu.memory_space<vmem>> -> memref<80x64xf32, #tpu.memory_space<vmem>>
    %dma_wait3A_318 = arith.constant 0 : i32
    %dma_wait3A_319 = arith.constant 0 : i32
    %dma_wait3A_320 = tpu.memref_slice %arg2[%dma_wait3A_312, %dma_wait3A_318, %dma_wait3A_319] : memref<4x10000x64xf32, #tpu.memory_space<hbm>> -> memref<1x80x64xf32, #tpu.memory_space<hbm>>
    %dma_wait3A_321 = tpu.memref_squeeze %dma_wait3A_320 : memref<1x80x64xf32, #tpu.memory_space<hbm>> -> memref<80x64xf32, #tpu.memory_space<hbm>>
    %dma_wait3A_322 = arith.constant 0 : i32
    %dma_wait3A_323 = arith.constant 0 : i32
    %dma_wait3A_324 = tpu.memref_slice %arg8[%rem3A_311, %dma_wait3A_313, %dma_wait3A_322, %dma_wait3A_323] : memref<2x5x80x64xf32, #tpu.memory_space<vmem>> -> memref<1x1x80x64xf32, #tpu.memory_space<vmem>>
    %dma_wait3A_325 = tpu.memref_squeeze %dma_wait3A_324 : memref<1x1x80x64xf32, #tpu.memory_space<vmem>> -> memref<80x64xf32, #tpu.memory_space<vmem>>
    %dma_wait3A_326 = arith.constant 0 : i32
    %dma_wait3A_327 = arith.constant 0 : i32
    %dma_wait3A_328 = tpu.memref_slice %arg2[%dma_wait3A_312, %dma_wait3A_326, %dma_wait3A_327] : memref<4x10000x64xf32, #tpu.memory_space<hbm>> -> memref<1x80x64xf32, #tpu.memory_space<hbm>>
    %dma_wait3A_329 = tpu.memref_squeeze %dma_wait3A_328 : memref<1x80x64xf32, #tpu.memory_space<hbm>> -> memref<80x64xf32, #tpu.memory_space<hbm>>
    tpu.wait_dma2 semaphore(%arg12 : memref<!tpu.dma_semaphore, #tpu.memory_space<semaphore_mem>>) src(%dma_wait3A_329 : memref<80x64xf32, #tpu.memory_space<hbm>>) dst(%dma_wait3A_325 : memref<80x64xf32, #tpu.memory_space<vmem>>)
    %dma_wait3A_330 = arith.constant 0 : i32
    %dma_wait3A_331 = arith.constant 1 : i32
    %dma_wait3A_332 = arith.constant 0 : i32
    %dma_wait3A_333 = arith.constant 0 : i32
    %dma_wait3A_334 = tpu.memref_slice %arg8[%rem3A_311, %dma_wait3A_331, %dma_wait3A_332, %dma_wait3A_333] : memref<2x5x80x64xf32, #tpu.memory_space<vmem>> -> memref<1x1x80x64xf32, #tpu.memory_space<vmem>>
    %dma_wait3A_335 = tpu.memref_squeeze %dma_wait3A_334 : memref<1x1x80x64xf32, #tpu.memory_space<vmem>> -> memref<80x64xf32, #tpu.memory_space<vmem>>
    %dma_wait3A_336 = arith.constant 0 : i32
    %dma_wait3A_337 = arith.constant 0 : i32
    %dma_wait3A_338 = tpu.memref_slice %arg2[%dma_wait3A_330, %dma_wait3A_336, %dma_wait3A_337] : memref<4x10000x64xf32, #tpu.memory_space<hbm>> -> memref<1x80x64xf32, #tpu.memory_space<hbm>>
    %dma_wait3A_339 = tpu.memref_squeeze %dma_wait3A_338 : memref<1x80x64xf32, #tpu.memory_space<hbm>> -> memref<80x64xf32, #tpu.memory_space<hbm>>
    %dma_wait3A_340 = arith.constant 0 : i32
    %dma_wait3A_341 = arith.constant 0 : i32
    %dma_wait3A_342 = tpu.memref_slice %arg8[%rem3A_311, %dma_wait3A_331, %dma_wait3A_340, %dma_wait3A_341] : memref<2x5x80x64xf32, #tpu.memory_space<vmem>> -> memref<1x1x80x64xf32, #tpu.memory_space<vmem>>
    %dma_wait3A_343 = tpu.memref_squeeze %dma_wait3A_342 : memref<1x1x80x64xf32, #tpu.memory_space<vmem>> -> memref<80x64xf32, #tpu.memory_space<vmem>>
    %dma_wait3A_344 = arith.constant 0 : i32
    %dma_wait3A_345 = arith.constant 0 : i32
    %dma_wait3A_346 = tpu.memref_slice %arg2[%dma_wait3A_330, %dma_wait3A_344, %dma_wait3A_345] : memref<4x10000x64xf32, #tpu.memory_space<hbm>> -> memref<1x80x64xf32, #tpu.memory_space<hbm>>
    %dma_wait3A_347 = tpu.memref_squeeze %dma_wait3A_346 : memref<1x80x64xf32, #tpu.memory_space<hbm>> -> memref<80x64xf32, #tpu.memory_space<hbm>>
    tpu.wait_dma2 semaphore(%arg12 : memref<!tpu.dma_semaphore, #tpu.memory_space<semaphore_mem>>) src(%dma_wait3A_347 : memref<80x64xf32, #tpu.memory_space<hbm>>) dst(%dma_wait3A_343 : memref<80x64xf32, #tpu.memory_space<vmem>>)
    %dma_wait3A_348 = arith.constant 0 : i32
    %dma_wait3A_349 = arith.constant 2 : i32
    %dma_wait3A_350 = arith.constant 0 : i32
    %dma_wait3A_351 = arith.constant 0 : i32
    %dma_wait3A_352 = tpu.memref_slice %arg8[%rem3A_311, %dma_wait3A_349, %dma_wait3A_350, %dma_wait3A_351] : memref<2x5x80x64xf32, #tpu.memory_space<vmem>> -> memref<1x1x80x64xf32, #tpu.memory_space<vmem>>
    %dma_wait3A_353 = tpu.memref_squeeze %dma_wait3A_352 : memref<1x1x80x64xf32, #tpu.memory_space<vmem>> -> memref<80x64xf32, #tpu.memory_space<vmem>>
    %dma_wait3A_354 = arith.constant 0 : i32
    %dma_wait3A_355 = arith.constant 0 : i32
    %dma_wait3A_356 = tpu.memref_slice %arg2[%dma_wait3A_348, %dma_wait3A_354, %dma_wait3A_355] : memref<4x10000x64xf32, #tpu.memory_space<hbm>> -> memref<1x80x64xf32, #tpu.memory_space<hbm>>
    %dma_wait3A_357 = tpu.memref_squeeze %dma_wait3A_356 : memref<1x80x64xf32, #tpu.memory_space<hbm>> -> memref<80x64xf32, #tpu.memory_space<hbm>>
    %dma_wait3A_358 = arith.constant 0 : i32
    %dma_wait3A_359 = arith.constant 0 : i32
    %dma_wait3A_360 = tpu.memref_slice %arg8[%rem3A_311, %dma_wait3A_349, %dma_wait3A_358, %dma_wait3A_359] : memref<2x5x80x64xf32, #tpu.memory_space<vmem>> -> memref<1x1x80x64xf32, #tpu.memory_space<vmem>>
    %dma_wait3A_361 = tpu.memref_squeeze %dma_wait3A_360 : memref<1x1x80x64xf32, #tpu.memory_space<vmem>> -> memref<80x64xf32, #tpu.memory_space<vmem>>
    %dma_wait3A_362 = arith.constant 0 : i32
    %dma_wait3A_363 = arith.constant 0 : i32
    %dma_wait3A_364 = tpu.memref_slice %arg2[%dma_wait3A_348, %dma_wait3A_362, %dma_wait3A_363] : memref<4x10000x64xf32, #tpu.memory_space<hbm>> -> memref<1x80x64xf32, #tpu.memory_space<hbm>>
    %dma_wait3A_365 = tpu.memref_squeeze %dma_wait3A_364 : memref<1x80x64xf32, #tpu.memory_space<hbm>> -> memref<80x64xf32, #tpu.memory_space<hbm>>
    tpu.wait_dma2 semaphore(%arg12 : memref<!tpu.dma_semaphore, #tpu.memory_space<semaphore_mem>>) src(%dma_wait3A_365 : memref<80x64xf32, #tpu.memory_space<hbm>>) dst(%dma_wait3A_361 : memref<80x64xf32, #tpu.memory_space<vmem>>)
    %dma_wait3A_366 = arith.constant 0 : i32
    %dma_wait3A_367 = arith.constant 3 : i32
    %dma_wait3A_368 = arith.constant 0 : i32
    %dma_wait3A_369 = arith.constant 0 : i32
    %dma_wait3A_370 = tpu.memref_slice %arg8[%rem3A_311, %dma_wait3A_367, %dma_wait3A_368, %dma_wait3A_369] : memref<2x5x80x64xf32, #tpu.memory_space<vmem>> -> memref<1x1x80x64xf32, #tpu.memory_space<vmem>>
    %dma_wait3A_371 = tpu.memref_squeeze %dma_wait3A_370 : memref<1x1x80x64xf32, #tpu.memory_space<vmem>> -> memref<80x64xf32, #tpu.memory_space<vmem>>
    %dma_wait3A_372 = arith.constant 0 : i32
    %dma_wait3A_373 = arith.constant 0 : i32
    %dma_wait3A_374 = tpu.memref_slice %arg2[%dma_wait3A_366, %dma_wait3A_372, %dma_wait3A_373] : memref<4x10000x64xf32, #tpu.memory_space<hbm>> -> memref<1x80x64xf32, #tpu.memory_space<hbm>>
    %dma_wait3A_375 = tpu.memref_squeeze %dma_wait3A_374 : memref<1x80x64xf32, #tpu.memory_space<hbm>> -> memref<80x64xf32, #tpu.memory_space<hbm>>
    %dma_wait3A_376 = arith.constant 0 : i32
    %dma_wait3A_377 = arith.constant 0 : i32
    %dma_wait3A_378 = tpu.memref_slice %arg8[%rem3A_311, %dma_wait3A_367, %dma_wait3A_376, %dma_wait3A_377] : memref<2x5x80x64xf32, #tpu.memory_space<vmem>> -> memref<1x1x80x64xf32, #tpu.memory_space<vmem>>
    %dma_wait3A_379 = tpu.memref_squeeze %dma_wait3A_378 : memref<1x1x80x64xf32, #tpu.memory_space<vmem>> -> memref<80x64xf32, #tpu.memory_space<vmem>>
    %dma_wait3A_380 = arith.constant 0 : i32
    %dma_wait3A_381 = arith.constant 0 : i32
    %dma_wait3A_382 = tpu.memref_slice %arg2[%dma_wait3A_366, %dma_wait3A_380, %dma_wait3A_381] : memref<4x10000x64xf32, #tpu.memory_space<hbm>> -> memref<1x80x64xf32, #tpu.memory_space<hbm>>
    %dma_wait3A_383 = tpu.memref_squeeze %dma_wait3A_382 : memref<1x80x64xf32, #tpu.memory_space<hbm>> -> memref<80x64xf32, #tpu.memory_space<hbm>>
    tpu.wait_dma2 semaphore(%arg12 : memref<!tpu.dma_semaphore, #tpu.memory_space<semaphore_mem>>) src(%dma_wait3A_383 : memref<80x64xf32, #tpu.memory_space<hbm>>) dst(%dma_wait3A_379 : memref<80x64xf32, #tpu.memory_space<vmem>>)
    %dma_wait3A_384 = arith.constant 0 : i32
    %dma_wait3A_385 = arith.constant 4 : i32
    %dma_wait3A_386 = arith.constant 0 : i32
    %dma_wait3A_387 = arith.constant 0 : i32
    %dma_wait3A_388 = tpu.memref_slice %arg8[%rem3A_311, %dma_wait3A_385, %dma_wait3A_386, %dma_wait3A_387] : memref<2x5x80x64xf32, #tpu.memory_space<vmem>> -> memref<1x1x80x64xf32, #tpu.memory_space<vmem>>
    %dma_wait3A_389 = tpu.memref_squeeze %dma_wait3A_388 : memref<1x1x80x64xf32, #tpu.memory_space<vmem>> -> memref<80x64xf32, #tpu.memory_space<vmem>>
    %dma_wait3A_390 = arith.constant 0 : i32
    %dma_wait3A_391 = arith.constant 0 : i32
    %dma_wait3A_392 = tpu.memref_slice %arg2[%dma_wait3A_384, %dma_wait3A_390, %dma_wait3A_391] : memref<4x10000x64xf32, #tpu.memory_space<hbm>> -> memref<1x80x64xf32, #tpu.memory_space<hbm>>
    %dma_wait3A_393 = tpu.memref_squeeze %dma_wait3A_392 : memref<1x80x64xf32, #tpu.memory_space<hbm>> -> memref<80x64xf32, #tpu.memory_space<hbm>>
    %dma_wait3A_394 = arith.constant 0 : i32
    %dma_wait3A_395 = arith.constant 0 : i32
    %dma_wait3A_396 = tpu.memref_slice %arg8[%rem3A_311, %dma_wait3A_385, %dma_wait3A_394, %dma_wait3A_395] : memref<2x5x80x64xf32, #tpu.memory_space<vmem>> -> memref<1x1x80x64xf32, #tpu.memory_space<vmem>>
    %dma_wait3A_397 = tpu.memref_squeeze %dma_wait3A_396 : memref<1x1x80x64xf32, #tpu.memory_space<vmem>> -> memref<80x64xf32, #tpu.memory_space<vmem>>
    %dma_wait3A_398 = arith.constant 0 : i32
    %dma_wait3A_399 = arith.constant 0 : i32
    %dma_wait3A_400 = tpu.memref_slice %arg2[%dma_wait3A_384, %dma_wait3A_398, %dma_wait3A_399] : memref<4x10000x64xf32, #tpu.memory_space<hbm>> -> memref<1x80x64xf32, #tpu.memory_space<hbm>>
    %dma_wait3A_401 = tpu.memref_squeeze %dma_wait3A_400 : memref<1x80x64xf32, #tpu.memory_space<hbm>> -> memref<80x64xf32, #tpu.memory_space<hbm>>
    tpu.wait_dma2 semaphore(%arg12 : memref<!tpu.dma_semaphore, #tpu.memory_space<semaphore_mem>>) src(%dma_wait3A_401 : memref<80x64xf32, #tpu.memory_space<hbm>>) dst(%dma_wait3A_397 : memref<80x64xf32, #tpu.memory_space<vmem>>)
    %barrier3A_402 = arith.constant 0 : index
    tpu.barrier barrier_id(%barrier3A_402)
    %scan3A_403 = arith.constant 0 : i32
    %scan3A_404 = arith.constant 0 : i32
    %scan3A_405 = arith.constant 5 : i32
    %scan3A_406 = arith.addi %scan3A_404, %scan3A_405 : i32
    %scan3A_407 = arith.constant 1 : i32
    scf.for %scan3A_409 = %scan3A_404 to %scan3A_406 step %scan3A_407  : i32 {
      %mul3A_410 = arith.constant 640 : i32
      %mul3A_411 = arith.muli %arg1, %mul3A_410 : i32
      %mul3A_412 = arith.constant 128 : i32
      %mul3A_413 = arith.muli %scan3A_409, %mul3A_412 : i32
      %add3A_414 = arith.addi %mul3A_411, %mul3A_413 : i32
      %mul3A_415 = arith.constant 640 : i32
      %mul3A_416 = arith.muli %arg1, %mul3A_415 : i32
      %mul3A_417 = arith.constant 128 : i32
      %mul3A_418 = arith.muli %scan3A_409, %mul3A_417 : i32
      %add3A_419 = arith.addi %mul3A_416, %mul3A_418 : i32
      %mul3A_420 = arith.constant 64 : i32
      %mul3A_421 = arith.muli %add3A_302, %mul3A_420 : i32
      "tpu.region"() ({
        %run_scoped3A = tpu.sem_alloc : memref<!tpu.dma_semaphore, #tpu.memory_space<semaphore_mem>>
        %dma_start3A_422 = tpu.memref_slice %arg5[%add3A_419, %mul3A_421] : memref<10240x256xf32, #tpu.memory_space<hbm>> -> memref<128x64xf32, #tpu.memory_space<hbm>>
        %dma_start3A_423 = arith.constant 0 : i32
        %dma_start3A_424 = tpu.memref_slice %arg10[%add3A_414, %dma_start3A_423] : memref<10240x64xf32, #tpu.memory_space<vmem_shared>> -> memref<128x64xf32, #tpu.memory_space<vmem_shared>>
        tpu.enqueue_dma source(%dma_start3A_424 : memref<128x64xf32, #tpu.memory_space<vmem_shared>>) target(%dma_start3A_422 : memref<128x64xf32, #tpu.memory_space<hbm>>) target_semaphore(%run_scoped3A : memref<!tpu.dma_semaphore, #tpu.memory_space<semaphore_mem>>)
        %dma_wait3A_425 = tpu.memref_slice %arg5[%add3A_419, %mul3A_421] : memref<10240x256xf32, #tpu.memory_space<hbm>> -> memref<128x64xf32, #tpu.memory_space<hbm>>
        %dma_wait3A_426 = arith.constant 0 : i32
        %dma_wait3A_427 = tpu.memref_slice %arg10[%add3A_414, %dma_wait3A_426] : memref<10240x64xf32, #tpu.memory_space<vmem_shared>> -> memref<128x64xf32, #tpu.memory_space<vmem_shared>>
        tpu.wait_dma2 semaphore(%run_scoped3A : memref<!tpu.dma_semaphore, #tpu.memory_space<semaphore_mem>>) src(%dma_wait3A_427 : memref<128x64xf32, #tpu.memory_space<vmem_shared>>) dst(%dma_wait3A_425 : memref<128x64xf32, #tpu.memory_space<hbm>>)
        tpu.yield
      }) : () -> ()
    }
    %scan3A_408 = arith.constant 5 : i32
    return
  }
}

module attributes {stable_mosaic.version = 14 : i64} {
  func.func @_normalize_body(%arg0: i32, %arg1: memref<400x256xf32, #tpu.memory_space<vmem>>, %arg2: memref<400x1xf32, #tpu.memory_space<vmem>>, %arg3: memref<400x1xf32, #tpu.memory_space<vmem>>, %arg4: memref<400x256xf32, #tpu.memory_space<vmem>>, %arg5: memref<400x1xf32, #tpu.memory_space<vmem>>, %arg6: memref<400x1xf32, #tpu.memory_space<vmem>>) attributes {dimension_semantics = [#tpu.dimension_semantics<arbitrary>], iteration_bounds = array<i64: 25>, scalar_prefetch = 0 : i64, scratch_operands = 0 : i64, tpu.core_type = #tpu.core_type<tc>, window_params = [{transform_indices = @transform_0, window_bounds = array<i64: 400, 256>}, {transform_indices = @transform_1, window_bounds = array<i64: 400, 1>}, {transform_indices = @transform_2, window_bounds = array<i64: 400, 1>}, {transform_indices = @transform_3, window_bounds = array<i64: 400, 256>}, {transform_indices = @transform_4, window_bounds = array<i64: 400, 1>}, {transform_indices = @transform_5, window_bounds = array<i64: 400, 1>}]} {
    %get3A = arith.constant 0 : index
    %get3A_0 = arith.constant 0 : index
    %get3A_1 = vector.load %arg2[%get3A, %get3A_0] : memref<400x1xf32, #tpu.memory_space<vmem>>, vector<400x1xf32>
    %max3A = arith.constant 1.000000e+00 : f32
    %max3A_2 = vector.broadcast %max3A : f32 to vector<400x1xf32>
    %max3A_3 = arith.maximumf %get3A_1, %max3A_2 : vector<400x1xf32>
    %rsqrt3A = math.rsqrt %max3A_3 : vector<400x1xf32>
    %get3A_4 = arith.constant 0 : index
    %get3A_5 = arith.constant 0 : index
    %get3A_6 = vector.load %arg3[%get3A_4, %get3A_5] : memref<400x1xf32, #tpu.memory_space<vmem>>, vector<400x1xf32>
    %max3A_7 = arith.constant 1.000000e+00 : f32
    %max3A_8 = vector.broadcast %max3A_7 : f32 to vector<400x1xf32>
    %max3A_9 = arith.maximumf %get3A_6, %max3A_8 : vector<400x1xf32>
    %rsqrt3A_10 = math.rsqrt %max3A_9 : vector<400x1xf32>
    %get3A_11 = arith.constant 0 : index
    %get3A_12 = arith.constant 0 : index
    %get3A_13 = vector.load %arg1[%get3A_11, %get3A_12] : memref<400x256xf32, #tpu.memory_space<vmem>>, vector<400x256xf32>
    %mul3A = vector.broadcast %rsqrt3A : vector<400x1xf32> to vector<400x256xf32>
    %mul3A_14 = arith.mulf %get3A_13, %mul3A : vector<400x256xf32>
    %swap3A = arith.constant 0 : index
    %swap3A_15 = arith.constant 0 : index
    %swap3A_16 = vector.load %arg4[%swap3A, %swap3A_15] : memref<400x256xf32, #tpu.memory_space<vmem>>, vector<400x256xf32>
    tpu.vector_store %arg4[%swap3A, %swap3A_15], %mul3A_14 {strides = array<i32>} : memref<400x256xf32, #tpu.memory_space<vmem>>, vector<400x256xf32>,
    %swap3A_17 = arith.constant 0 : index
    %swap3A_18 = arith.constant 0 : index
    %swap3A_19 = vector.load %arg5[%swap3A_17, %swap3A_18] : memref<400x1xf32, #tpu.memory_space<vmem>>, vector<400x1xf32>
    tpu.vector_store %arg5[%swap3A_17, %swap3A_18], %rsqrt3A {strides = array<i32>} : memref<400x1xf32, #tpu.memory_space<vmem>>, vector<400x1xf32>,
    %swap3A_20 = arith.constant 0 : index
    %swap3A_21 = arith.constant 0 : index
    %swap3A_22 = vector.load %arg6[%swap3A_20, %swap3A_21] : memref<400x1xf32, #tpu.memory_space<vmem>>, vector<400x1xf32>
    tpu.vector_store %arg6[%swap3A_20, %swap3A_21], %rsqrt3A_10 {strides = array<i32>} : memref<400x1xf32, #tpu.memory_space<vmem>>, vector<400x1xf32>,
    return
  }
  func.func @transform_0(%arg0: i32) -> (i32, i32) {
    %c0_i32 = arith.constant 0 : i32
    %c0_i32_0 = arith.constant 0 : i32
    return %arg0, %c0_i32 : i32, i32
  }
  func.func @transform_1(%arg0: i32) -> (i32, i32) {
    %c0_i32 = arith.constant 0 : i32
    %c0_i32_0 = arith.constant 0 : i32
    return %arg0, %c0_i32 : i32, i32
  }
  func.func @transform_2(%arg0: i32) -> (i32, i32) {
    %c0_i32 = arith.constant 0 : i32
    %c0_i32_0 = arith.constant 0 : i32
    return %arg0, %c0_i32 : i32, i32
  }
  func.func @transform_3(%arg0: i32) -> (i32, i32) {
    %c0_i32 = arith.constant 0 : i32
    %c0_i32_0 = arith.constant 0 : i32
    return %arg0, %c0_i32 : i32, i32
  }
  func.func @transform_4(%arg0: i32) -> (i32, i32) {
    %c0_i32 = arith.constant 0 : i32
    %c0_i32_0 = arith.constant 0 : i32
    return %arg0, %c0_i32 : i32, i32
  }
  func.func @transform_5(%arg0: i32) -> (i32, i32) {
    %c0_i32 = arith.constant 0 : i32
    %c0_i32_0 = arith.constant 0 : i32
    return %arg0, %c0_i32 : i32, i32
  }
}

module attributes {stable_mosaic.version = 14 : i64} {
  func.func @_dense_body(%arg0: i32, %arg1: memref<2000x256xf32, #tpu.memory_space<vmem>>, %arg2: memref<2000x1xf32, #tpu.memory_space<vmem>>, %arg3: memref<2000x1xf32, #tpu.memory_space<vmem>>, %arg4: memref<256x512xf32, #tpu.memory_space<vmem>>, %arg5: memref<1x512xf32, #tpu.memory_space<vmem>>, %arg6: memref<512x1xf32, #tpu.memory_space<vmem>>, %arg7: memref<2000x1xf32, #tpu.memory_space<vmem>>) attributes {dimension_semantics = [#tpu.dimension_semantics<arbitrary>], iteration_bounds = array<i64: 5>, scalar_prefetch = 0 : i64, scratch_operands = 0 : i64, tpu.core_type = #tpu.core_type<tc>, window_params = [{transform_indices = @transform_0, window_bounds = array<i64: 2000, 256>}, {transform_indices = @transform_1, window_bounds = array<i64: 2000, 1>}, {transform_indices = @transform_2, window_bounds = array<i64: 2000, 1>}, {pipeline_mode = #tpu.pipeline_mode<synchronous>, transform_indices = @transform_3, window_bounds = array<i64: 256, 512>}, {pipeline_mode = #tpu.pipeline_mode<synchronous>, transform_indices = @transform_4, window_bounds = array<i64: 1, 512>}, {pipeline_mode = #tpu.pipeline_mode<synchronous>, transform_indices = @transform_5, window_bounds = array<i64: 512, 1>}, {transform_indices = @transform_6, window_bounds = array<i64: 2000, 1>}]} {
    %get3A = arith.constant 0 : index
    %get3A_0 = arith.constant 0 : index
    %get3A_1 = vector.load %arg1[%get3A, %get3A_0] : memref<2000x256xf32, #tpu.memory_space<vmem>>, vector<2000x256xf32>
    %get3A_2 = arith.constant 0 : index
    %get3A_3 = arith.constant 0 : index
    %get3A_4 = vector.load %arg4[%get3A_2, %get3A_3] : memref<256x512xf32, #tpu.memory_space<vmem>>, vector<256x512xf32>
    %dot_general3A = arith.constant dense<0.000000e+00> : vector<2000x512xf32>
    %dot_general3A_5 = tpu.matmul %get3A_1, %get3A_4, %dot_general3A {dimension_numbers = #tpu.dot_dimension_numbers<[1], [0], [0], [1], [0, 0, 1, 1], [], []>, transpose_lhs_hint = false} : vector<2000x256xf32>, vector<256x512xf32>, vector<2000x512xf32> -> vector<2000x512xf32>
    %get3A_6 = arith.constant 0 : index
    %get3A_7 = arith.constant 0 : index
    %get3A_8 = vector.load %arg2[%get3A_6, %get3A_7] : memref<2000x1xf32, #tpu.memory_space<vmem>>, vector<2000x1xf32>
    %mul3A = vector.broadcast %get3A_8 : vector<2000x1xf32> to vector<2000x512xf32>
    %mul3A_9 = arith.mulf %dot_general3A_5, %mul3A : vector<2000x512xf32>
    %get3A_10 = arith.constant 0 : index
    %get3A_11 = arith.constant 0 : index
    %get3A_12 = vector.load %arg5[%get3A_10, %get3A_11] : memref<1x512xf32, #tpu.memory_space<vmem>>, vector<1x512xf32>
    %add3A = vector.broadcast %get3A_12 : vector<1x512xf32> to vector<2000x512xf32>
    %add3A_13 = arith.addf %mul3A_9, %add3A : vector<2000x512xf32>
    %max3A = arith.constant 0.000000e+00 : f32
    %max3A_14 = vector.broadcast %max3A : f32 to vector<2000x512xf32>
    %max3A_15 = arith.maximumf %add3A_13, %max3A_14 : vector<2000x512xf32>
    %get3A_16 = arith.constant 0 : index
    %get3A_17 = arith.constant 0 : index
    %get3A_18 = vector.load %arg3[%get3A_16, %get3A_17] : memref<2000x1xf32, #tpu.memory_space<vmem>>, vector<2000x1xf32>
    %mul3A_19 = vector.broadcast %get3A_18 : vector<2000x1xf32> to vector<2000x512xf32>
    %mul3A_20 = arith.mulf %max3A_15, %mul3A_19 : vector<2000x512xf32>
    %get3A_21 = arith.constant 0 : index
    %get3A_22 = arith.constant 0 : index
    %get3A_23 = vector.load %arg6[%get3A_21, %get3A_22] : memref<512x1xf32, #tpu.memory_space<vmem>>, vector<512x1xf32>
    %reshape3A = vector.shape_cast %get3A_23 : vector<512x1xf32> to vector<1x512xf32>
    %mul3A_24 = vector.broadcast %reshape3A : vector<1x512xf32> to vector<2000x512xf32>
    %mul3A_25 = arith.mulf %mul3A_20, %mul3A_24 : vector<2000x512xf32>
    %reduce_sum3A = arith.constant dense<0.000000e+00> : vector<2000xf32>
    %reduce_sum3A_26 = vector.multi_reduction <add>, %mul3A_25, %reduce_sum3A [1] : vector<2000x512xf32> to vector<2000xf32>
    %broadcast_in_dim3A = vector.shape_cast %reduce_sum3A_26 : vector<2000xf32> to vector<2000x1xf32>
    %swap3A = arith.constant 0 : index
    %swap3A_27 = arith.constant 0 : index
    %swap3A_28 = vector.load %arg7[%swap3A, %swap3A_27] : memref<2000x1xf32, #tpu.memory_space<vmem>>, vector<2000x1xf32>
    tpu.vector_store %arg7[%swap3A, %swap3A_27], %broadcast_in_dim3A {strides = array<i32>} : memref<2000x1xf32, #tpu.memory_space<vmem>>, vector<2000x1xf32>,
    return
  }
  func.func @transform_0(%arg0: i32) -> (i32, i32) {
    %c0_i32 = arith.constant 0 : i32
    %c0_i32_0 = arith.constant 0 : i32
    return %arg0, %c0_i32 : i32, i32
  }
  func.func @transform_1(%arg0: i32) -> (i32, i32) {
    %c0_i32 = arith.constant 0 : i32
    %c0_i32_0 = arith.constant 0 : i32
    return %arg0, %c0_i32 : i32, i32
  }
  func.func @transform_2(%arg0: i32) -> (i32, i32) {
    %c0_i32 = arith.constant 0 : i32
    %c0_i32_0 = arith.constant 0 : i32
    return %arg0, %c0_i32 : i32, i32
  }
  func.func @transform_3(%arg0: i32) -> (i32, i32) {
    %c0_i32 = arith.constant 0 : i32
    %c0_i32_0 = arith.constant 0 : i32
    %c0_i32_1 = arith.constant 0 : i32
    return %c0_i32, %c0_i32_0 : i32, i32
  }
  func.func @transform_4(%arg0: i32) -> (i32, i32) {
    %c0_i32 = arith.constant 0 : i32
    %c0_i32_0 = arith.constant 0 : i32
    %c0_i32_1 = arith.constant 0 : i32
    return %c0_i32, %c0_i32_0 : i32, i32
  }
  func.func @transform_5(%arg0: i32) -> (i32, i32) {
    %c0_i32 = arith.constant 0 : i32
    %c0_i32_0 = arith.constant 0 : i32
    %c0_i32_1 = arith.constant 0 : i32
    return %c0_i32, %c0_i32_0 : i32, i32
  }
  func.func @transform_6(%arg0: i32) -> (i32, i32) {
    %c0_i32 = arith.constant 0 : i32
    %c0_i32_0 = arith.constant 0 : i32
    return %arg0, %c0_i32 : i32, i32
  }
}

</mosaic_0001>

<sc_bundles>
// kernel: kernel.10.cloned.1.call-start
scs
__scs_entry_jumppad:
0x0: {  	(pc) =	sbr.rel $0x88, $3  }
0x1: {  	(tag) =	ssettag $0x0;
	lr =	simm.s32 $0x1  }
0x2: {  	[smem:$0x3F9B] =	sst lr;
	_ =	strace $0xD0000000  }
0x3: {  	_ = 	snop  }
0x4: {  	_ = 	snop  }
0x5: {  	_ = 	snop  }
0x6: {  	_ = 	snop  }
0x7: {  	_ = 	snop  }
__scs_overlays_trampoline_lowered:
0x8: {  	[smem:$0x3FAA] =	sst s0  }
0x9: {  	[smem:$0x3FAB] =	sst s1  }
0xa: {  	[smem:$0x3FAC] =	sst s2  }
0xb: {  	[smem:$0x3FAD] =	sst s3  }
0xc: {  	[smem:$0x3FAE] =	sst s4  }
0xd: {  	[smem:$0x3FAF] =	sst s5  }
0xe: {  	[smem:$0x3FB0] =	sst s6  }
0xf: {  	[smem:$0x3FB1] =	sst s7  }
0x10: {  	[smem:$0x3FB2] =	sst s8  }
0x11: {  	[smem:$0x3FB3] =	sst s9;
	s0 =	simm.s32 @!p0 $0x0  }
0x12: {  	s1 =	sld [smem:$0x3F99];
	s0 =	simm.s32 @p0 $0x1  }
0x13: {  	[smem:$0x3FB4] =	sst s0;
	s0 =	simm.s32 @!p1 $0x0  }
0x14: {  	s2 =	sld [smem:$0x3F98];
	s0 =	simm.s32 @p1 $0x1  }
0x15: {  	[smem:$0x3FB5] =	sst s0;
	s0 =	simm.s32 @!p2 $0x0  }
0x16: {  	s3 =	sld [smem:$0x3FDB];
	s0 =	simm.s32 @p2 $0x1  }
0x17: {  	s4 =	simm.s32 $0x1BF5;
	[smem:$0x3FB7] =	sst s0  }
0x18: {  	s0 =	sld [smem:$0x3F9A];
	_ =	swait.ge [sflag:s4], $0x0  }
0x19: {  	s7 =	sld [smem:$0x3F9B]  }
0x1a: {  	s8 =	sadd.s32 $0xFFFFE003, lr  }
0x1b: {  	s9 =	sadd.s32 $0xFFFFFEF7, lr;
	s5 =	simm.s32 $0xFFFFFFFF;
	p2 =	slt.u32 s8, $0xFFFFF086  }
0x1c: {  	p1 =	slt.u32 s9, $0xF7A;
	s5 =	simm.s32 @!p2 $0x0  }
0x1d: {  	s5 =	simm.s32 @p1 $0x1;
	p0 =	seq.s32 s7, s2  }
0x1e: {  	s7 =	smul.u32 @!p0 $0xF7A, s2;
	p2 =	seq.s32 @!p0 s5, $0x0  }
0x1f: {  	s9 =	smul.u32 $0xF7A, s1;
	s8 =	simm.s32 @!p0 $0x1BF5;
	p2 =	por !p2, p0  }
0x20: {  	[sflag:s8] =	ssyncset.s32 @!p0 $0xFFFFF086;
	s6 =	sadd.s32 @!p0 s3, s7;
	s7 =	simm.s32 @!p0 $0x108  }
0x21: {  	s3 =	sadd.s32 s3, s9;
	s6 =	sadd.s32 @!p0 $0x88, s6;
	s7 =	simm.s32 @p2 $0x1082  }
0x22: {  	[simem:s7], [sflag:s8] =	dma.local @!p0 [hbm:s6], $0xF7A  }
0x23: {  	s9 =	sor.u32 $0xD0000000, s2;
	s6 =	simm.s32 $0x108;
	_ =	swait.ge @!p0 [sflag:s8], $0x0  }
0x24: {  	s3 =	sadd.s32 $0x88, s3;
	s6 =	simm.s32 @!p1 $0x1082;
	[sflag:s4] =	ssyncset.s32 $0xFFFFF086  }
0x25: {  	[simem:s6], [sflag:s4] =	dma.local [hbm:s3], $0xF7A  }
0x26: {  	[smem:$0x3F9B] =	sst s1;
	(tag) =	ssettag s2;
	_ =	strace s9  }
0x27: {  	s1 =	sld [smem:$0x3FAB]  }
0x28: {  	s2 =	sld [smem:$0x3FAC]  }
0x29: {  	s4 =	sld [smem:$0x3FAE]  }
0x2a: {  	p0 =	seq.s32 s5, $0x0;
	s5 =	sld [smem:$0x3FAF]  }
0x2b: {  	s6 =	sld [smem:$0x3FB0]  }
0x2c: {  	s7 =	sld [smem:$0x3FB1]  }
0x2d: {  	s3 =	simm.s32 $0x108;
	s8 =	sld [smem:$0x3FB2]  }
0x2e: {  	s3 =	simm.s32 @!p0 $0x1082;
	s9 =	sld [smem:$0x3FB3]  }
0x2f: {  	lr =	sadd.s32 s0, s3;
	s0 =	sld [smem:$0x3FAA]  }
0x30: {  	s3 =	sld [smem:$0x3FAD]  }
0x31: {  	[smem:$0x3FB6] =	sst s10  }
0x32: {  	s10 =	sld [smem:$0x3FB4];
	_ =	sdelay $0x3  }
0x33: {  	p0 =	seq.s32 s10, $0x1;
	s10 =	sld [smem:$0x3FB6];
	_ =	sdelay $0x3  }
0x34: {  	[smem:$0x3FB6] =	sst s10  }
0x35: {  	s10 =	sld [smem:$0x3FB5];
	_ =	sdelay $0x3  }
0x36: {  	p1 =	seq.s32 s10, $0x1;
	s10 =	sld [smem:$0x3FB6];
	_ =	sdelay $0x3  }
0x37: {  	[smem:$0x3FB6] =	sst s10  }
0x38: {  	s10 =	sld [smem:$0x3FB7]  }
0x39: {  	_ = 	snop;
	(pc) =	sbr.ind lr, $3  }
0x3a: {  	_ = 	snop  }
0x3b: {  	_ = 	snop  }
0x3c: {  	p2 =	seq.s32 s10, $0x1;
	s10 =	sld [smem:$0x3FB6]  }
0x3d: {  	_ =	shalt  }
0x3e: {  	_ =	shalt  }
0x3f: {  	_ =	shalt  }
0x40: {  	_ =	shalt  }
0x41: {  	_ =	shalt  }
0x42: {  	_ =	shalt  }
0x43: {  	_ =	shalt  }
0x44: {  	_ =	shalt  }
0x45: {  	_ =	shalt  }
0x46: {  	_ =	shalt  }
0x47: {  	_ =	shalt  }
0x48: {  	_ =	shalt  }
0x49: {  	_ =	shalt  }
0x4a: {  	_ =	shalt  }
0x4b: {  	_ =	shalt  }
0x4c: {  	_ =	shalt  }
0x4d: {  	_ =	shalt  }
0x4e: {  	_ =	shalt  }
0x4f: {  	_ =	shalt  }
0x50: {  	_ =	shalt  }
0x51: {  	_ =	shalt  }
0x52: {  	_ =	shalt  }
0x53: {  	_ =	shalt  }
0x54: {  	_ =	shalt  }
0x55: {  	_ =	shalt  }
0x56: {  	_ =	shalt  }
0x57: {  	_ =	shalt  }
0x58: {  	_ =	shalt  }
0x59: {  	_ =	shalt  }
0x5a: {  	_ =	shalt  }
0x5b: {  	_ =	shalt  }
0x5c: {  	_ =	shalt  }
0x5d: {  	_ =	shalt  }
0x5e: {  	_ =	shalt  }
0x5f: {  	_ =	shalt  }
0x60: {  	_ =	shalt  }
0x61: {  	_ =	shalt  }
0x62: {  	_ =	shalt  }
0x63: {  	_ =	shalt  }
0x64: {  	_ =	shalt  }
0x65: {  	_ =	shalt  }
0x66: {  	_ =	shalt  }
0x67: {  	_ =	shalt  }
0x68: {  	_ =	shalt  }
0x69: {  	_ =	shalt  }
0x6a: {  	_ =	shalt  }
0x6b: {  	_ =	shalt  }
0x6c: {  	_ =	shalt  }
0x6d: {  	_ =	shalt  }
0x6e: {  	_ =	shalt  }
0x6f: {  	_ =	shalt  }
0x70: {  	_ =	shalt  }
0x71: {  	_ =	shalt  }
0x72: {  	_ =	shalt  }
0x73: {  	_ =	shalt  }
0x74: {  	_ =	shalt  }
0x75: {  	_ =	shalt  }
0x76: {  	_ =	shalt  }
0x77: {  	_ =	shalt  }
0x78: {  	_ =	shalt  }
0x79: {  	_ =	shalt  }
0x7a: {  	_ =	shalt  }
0x7b: {  	_ =	shalt  }
0x7c: {  	_ =	shalt  }
0x7d: {  	_ =	shalt  }
0x7e: {  	_ =	shalt  }
0x7f: {  	_ =	shalt  }
0x80: {  	_ =	shalt  }
0x81: {  	_ =	shalt  }
0x82: {  	_ =	shalt  }
0x83: {  	_ =	shalt  }
0x84: {  	_ =	shalt  }
0x85: {  	_ =	shalt  }
0x86: {  	_ =	shalt  }
0x87: {  	_ =	shalt  }
.Lfunc_end0:
.L_simem_size_0:
called_computation.1_lowered:
.L_overlay_start_0:
0x88: {  	s2 =	sld [smem:$0x3FD9]  }
0x89: {  	s3 =	sld [smem:$0x3FFE];
	_ =	sdelay $0x1  }
0x8a: {  	s1 =	srdreg.scid  }
0x8b: {  	s0 =	sand.u32 $0x1, s1  }
0x8c: {  	s16 =	sshll.u32 s0, $0xA;
	s2 =	sadd.s32 s3, s2  }
0x8d: {  	s2 =	sadd.s32 s2, s16  }
0x8e: {  	[smem:$0x3FC2] =	sst s2  }
0x8f: {  	_ = 	snop  }
0x90: {  	(tm) =	ssettm $0x1  }
0x91: {  	s17 =	sld [smem:$0x3FFB];
	_ =	sdelay $0x3  }
0x92: {  	_ =	strace s17  }
0x93: {  	s2 =	sld [smem:$0x3FFC];
	_ =	sdelay $0x3  }
0x94: {  	_ =	strace s2  }
0x95: {  	s2 =	sld [smem:$0x3FFD];
	_ =	sdelay $0x3  }
0x96: {  	_ =	strace s2  }
0x97: {  	_ =	strace $0x8FFFFFFF  }
0x98: {  	s18 =	sld [smem:$0x3FDB];
	_ =	sdelay $0x1  }
0x99: {  	s19 =	simm.s32 $_scs_section_size  }
0x9a: {  	s4 =	simm.s32 $_size__tile_overlayer_lowered;
	s5 =	simm.s32 $_tile_overlayer_lowered  }
0x9b: {  	s22 =	simm.s32 $0x1BFF;
	s21 =	sshll.u32 s5, $0x1;
	s2 =	sadd.s32 s19, s18  }
0x9c: {  	s6 =	simm.s32 $0x0;
	s20 =	sshll.u32 s4, $0x1;
	s4 =	sadd.s32 s21, s2  }
0x9d: {  	[timem:s6], [sflag:s22] =	dma.local [hbm:s4], s20  }
0x9e: {  	_ =	swait.ge [sflag:s22], s20  }
0x9f: {  	s3 =	ssub.s32 $0x0, s20;
	[sflag:s22] =	ssyncset.done $0x0  }
0xa0: {  	[sflag:s22] =	ssyncadd.s32 s3;
	_ =	sdelay $0x1  }
0xa1: {  	s23 =	simm.s32 $0x1B8B  }
0xa2: {  	_ =	swait.ge [sflag:s23], $0x1  }
0xa3: {  	[sflag:s23] =	ssyncset.done $0x0  }
0xa4: {  	s25 =	simm.s32 $0x1B8E;
	s24 =	sld [smem:$0x3FFE];
	[sflag:s23] =	ssyncadd.s32 $0xFFFFFFFF  }
0xa5: {  	s26 =	simm.s32 $execute0_lowered;
	[smem:$0x3FD2] =	sst s25  }
0xa6: {  	s4 =	sshll.u32 s26, $0x1;
	_ =	strace $0x80000049;
	[dreg:$0x1] =	wrdreg $0xFFFFFFFF  }
0xa7: {  	s28 =	simm.s32 $_size_execute0_lowered;
	s2 =	sadd.s32 s2, s4;
	[dreg:$0x0] =	wrdreg $0x0  }
0xa8: {  	s4 =	sshll.u32 s28, $0x1;
	[dreg:$0x2] =	wrdreg s2  }
0xa9: {  	[dreg:$0x3] =	wrdreg s4  }
0xaa: {  	[dreg:$0x4] =	wrdreg $0xC0  }
0xab: {  	_ =	task [dreg:s6], $0x5FFFF  }
0xac: {  	[dreg:$0x1] =	wrdreg $0xFFFFFFFF  }
0xad: {  	[dreg:$0x0] =	wrdreg $0x60  }
0xae: {  	[dreg:$0x2] =	wrdreg s24  }
0xaf: {  	[dreg:$0x3] =	wrdreg $0x136200  }
0xb0: {  	[dreg:$0x4] =	wrdreg $0x9  }
0xb1: {  	_ =	task.clear_ibuf [dreg:s6], $0x5FFFF;
	_ =	strace $0x90000049  }
0xb2: {  	s29 =	simm.s32 $0x9;
	_ =	strace $0x8000004B  }
0xb3: {  	_ =	swait.ge [sflag:s29], $0x1  }
0xb4: {  	[sflag:s29] =	ssyncadd.s32 $0xFFFFFFFF  }
0xb5: {  	_ =	strace $0x9000004B  }
0xb6: {  	_ =	sfence  }
0xb7: {  	s30 =	sld [smem:$0x0];
	_ =	sdelay $0x2  }
0xb8: {  	s31 =	sshll.u32 s1, $0xD;
	s1 =	sshrl.u32 s1, $0x2  }
0xb9: {  	s3 =	sand.u32 $0x4000, s31;
	s1 =	sadd.s32 s1, s30  }
0xba: {  	s0 =	sor.u32 s3, s0;
	s1 =	sshll.u32 s1, $0x11  }
0xbb: {  	s0 =	sor.u32 s1, s0  }
0xbc: {  	s0 =	sadd.s32 $0x8F2B, s0  }
0xbd: {  	[sflag:s0] =	ssyncadd.remote.s32 $0x1  }
0xbe: {  	_ =	sfence.sel $0xFFFF  }
0xbf: {  	[dreg:$0x0] =	wrdreg $0xFFFFFFFF;
	(pc) =	sbr.abs _section_cstart, $3  }
0xc0: {  	[dreg:$0x1] =	wrdreg $0xFFFFFFFF  }
0xc1: {  	_ =	task.clear_ibuf [dreg:s6], $0x2FFFF;
	_ =	strace $0x9FFFFFFF  }
0xc2: {  	(tm) =	ssettm $0x7FFFFFFF  }
0xc3: {  	_ =	shalt  }
tec
execute0_lowered:
.L_overlay_start_1:
0x0: {  	(tag) =	ssettag $0x1  }
0x1: {  	s0 =	rddreg [dreg:$0x0]  }
0x2: {  	s2 =	rddreg [dreg:$0x1];
	s3 =	simm.s32 $0x0;
	s11 =	stileid.u32  }
0x3: {  	s1 =	srdreg.scid;
	s30 =	simm.s32 $0x3;
	s18 =	smul.u32 $0x4E2, s11  }
0x4: {  	s31 =	simm.s32 $0x11620;
	s29 =	simm.s32 $0x7620;
	s19 =	smul.u32 $0x28000, s11  }
0x5: {  	[smem:$0x7FF] =	sst s3;
	s1 =	sand.u32 $0x1, s1;
	s22 =	smul.u32 $0x280, s11  }
0x6: {  	s5 =	sadd.s32 $0xA600, s0;
	s12 =	smul.u32 $0x5000, s11;
	_ =	strace $0x8000004A  }
0x7: {  	s4 =	ssub.s32 $0x2, s1;
	s20 =	smul.u32 $0x27100, s1;
	s8 =	sshllo.u32 s1, $0x1  }
0x8: {  	s1 =	sshll.u32 s1, $0x4;
	s3 =	sadd.s32 s18, s0;
	s6 =	sshrl.u32 s4, $0x1  }
0x9: {  	s0 =	sadd.s32 $0x58800, s0;
	s21 =	sshrl.u32 s19, $0x2;
	s9 =	smul.u32 $0x13880, s8  }
0xa: {  	s10 =	sshll.u32 s8, $0x3;
	s24 =	sadd.s32 $0x80, s22;
	s17 =	sadd.s32 $0x180, s22  }
0xb: {  	s4 =	ssub.s32 s4, s6;
	s7 =	sadd.s32 $0x600, s3;
	s3 =	sadd.s32 $0x5600, s3  }
0xc: {  	s6 =	sadd.s32 s21, s2;
	s1 =	sadd.s32 s0, s1;
	s0 =	sadd.s32 s0, s10  }
0xd: {  	s26 =	sshll.u32 s24, $0x5;
	s18 =	sshll.u32 s17, $0x5;
	[dreg:$0x3] =	wrdreg s7  }
0xe: {  	[dreg:$0x4] =	wrdreg s3;
	s7 =	sadd.s32 s5, s20;
	s8 =	sadd.s32 s5, s9  }
0xf: {  	s23 =	sadd.s32 s12, s0;
	s4 =	smax.u32 s4, $0x1;
	s11 =	sadd.s32 $0x2000, s6  }
0x10: {  	s25 =	sadd.s32 s12, s1;
	s10 =	sadd.s32 s26, s1;
	[dreg:$0x5] =	wrdreg s23  }
0x11: {  	s12 =	sadd.s32 $0x100, s22;
	s3 =	sadd.s32 $0x200, s22;
	[dreg:$0x6] =	wrdreg s4  }
0x12: {  	s15 =	sadd.s32 s18, s1;
	s19 =	sadd.s32 s26, s0;
	[dreg:$0x7] =	wrdreg s25  }
0x13: {  	s21 =	sadd.s32 s18, s0;
	s28 =	sadd.s32 $0x8000, s6;
	[dreg:$0x8] =	wrdreg s10  }
0x14: {  	s5 =	simm.s32 $0x4E20;
	s9 =	simm.s32 $0x6220;
	[dreg:$0xa] =	wrdreg s15  }
0x15: {  	s4 =	sshll.u32 s24, $0x6;
	s16 =	sshll.u32 s12, $0x5;
	[dreg:$0xc] =	wrdreg s19  }
0x16: {  	s14 =	sshll.u32 s3, $0x5;
	[dreg:$0xe] =	wrdreg s21;
	s21 =	sadd.s32 $0x4000, s6  }
0x17: {  	s23 =	sshll.u32 s12, $0x6;
	s24 =	sshll.u32 s17, $0x6;
	s25 =	sshll.u32 s3, $0x6  }
0x18: {  	s10 =	simm.s32 $0x140;
	s12 =	simm.s32 $0x9E20;
	s13 =	sadd.s32 s16, s1  }
0x19: {  	s15 =	simm.s32 $0x20;
	s1 =	sadd.s32 s14, s1;
	[dreg:$0x9] =	wrdreg s13  }
0x1a: {  	s17 =	simm.s32 $0x0;
	s20 =	sadd.s32 s16, s0;
	[dreg:$0xb] =	wrdreg s1  }
0x1b: {  	s0 =	sadd.s32 s14, s0;
	s22 =	sadd.s32 s4, s2;
	[dreg:$0xd] =	wrdreg s20  }
.Ltmp0:
0x1c: {  	s26 =	sadd.s32 s25, s2;
	[dreg:$0xf] =	wrdreg s0;
	(pc) =	sbr.rel .LBB2_1-.Ltmp0, $4  }
0x1d: {  	s25 =	simm.s32 $0xA0;
	s14 =	simm.s32 $0x2;
	[dreg:$0x10] =	wrdreg s22  }
0x1e: {  	s16 =	simm.s32 $0x8;
	s0 =	sadd.s32 s23, s2;
	[dreg:$0x13] =	wrdreg s26  }
0x1f: {  	s26 =	sadd.s32 $0x6000, s6;
	[dreg:$0x11] =	wrdreg s0;
	s0 =	sadd.s32 s24, s2  }
0x20: {  	v0 =	vimm.f32 $0.0e+00;
	s13 =	simm.s32 $0x1;
	[dreg:$0x12] =	wrdreg s0;
	s0 =	simm.s32 $0x50  }
.LBB2_11:
0x21: {  	_ =	swait.ge [sflag:s14], $0x1400  }
0x22: {  	[sflag:s14] =	ssyncset.done $0x0  }
0x23: {  	[sflag:s14] =	ssyncadd.s32 $0xFFFFEC00  }
0x24: {  	_ =	swait.ge [sflag:s14], $0x1400  }
0x25: {  	[sflag:s14] =	ssyncset.done $0x0  }
0x26: {  	[sflag:s14] =	ssyncadd.s32 $0xFFFFEC00  }
0x27: {  	_ =	swait.ge [sflag:s14], $0x1400  }
0x28: {  	[sflag:s14] =	ssyncset.done $0x0  }
0x29: {  	[sflag:s14] =	ssyncadd.s32 $0xFFFFEC00  }
0x2a: {  	_ =	swait.ge [sflag:s14], $0x1400  }
0x2b: {  	[sflag:s14] =	ssyncset.done $0x0  }
0x2c: {  	[sflag:s14] =	ssyncadd.s32 $0xFFFFEC00  }
0x2d: {  	_ =	swait.ge [sflag:s14], $0x1400  }
0x2e: {  	[sflag:s14] =	ssyncset.done $0x0  }
0x2f: {  	[sflag:s14] =	ssyncadd.s32 $0xFFFFEC00  }
0x30: {  	[bflag:$0x0] =	sbarrier.arrive $0xFFFF  }
0x31: {  	s1 =	rddreg [dreg:$0x5]  }
0x32: {  	[hbm:s1@s15], [sflag:s18] =	dma.strided [spmem:s19@s16], $0x400, s13, $0x8   }
0x33: {  	_ =	swait.ge [sflag:s30], $0x400  }
0x34: {  	[sflag:s30] =	ssyncset.done $0x0  }
0x35: {  	s19 =	rddreg [dreg:$0xc];
	[sflag:s30] =	ssyncadd.s32 $0xFFFFFC00  }
0x36: {  	[hbm:s19@s15], [sflag:s18] =	dma.strided [spmem:s20@s16], $0x400, s13, $0x8   }
0x37: {  	_ =	swait.ge [sflag:s30], $0x400  }
0x38: {  	[sflag:s30] =	ssyncset.done $0x0  }
0x39: {  	s20 =	rddreg [dreg:$0xd];
	[sflag:s30] =	ssyncadd.s32 $0xFFFFFC00  }
0x3a: {  	[hbm:s20@s15], [sflag:s18] =	dma.strided [spmem:s22@s16], $0x400, s13, $0x8   }
0x3b: {  	_ =	swait.ge [sflag:s30], $0x400  }
0x3c: {  	[sflag:s30] =	ssyncset.done $0x0  }
0x3d: {  	s22 =	rddreg [dreg:$0xe];
	[sflag:s30] =	ssyncadd.s32 $0xFFFFFC00  }
0x3e: {  	[hbm:s22@s15], [sflag:s18] =	dma.strided [spmem:s23@s16], $0x400, s13, $0x8   }
0x3f: {  	_ =	swait.ge [sflag:s30], $0x400  }
0x40: {  	[sflag:s30] =	ssyncset.done $0x0  }
0x41: {  	s23 =	rddreg [dreg:$0xf];
	[sflag:s30] =	ssyncadd.s32 $0xFFFFFC00  }
0x42: {  	[hbm:s23@s15], [sflag:s18] =	dma.strided [spmem:s24@s16], $0x400, s13, $0x8   }
0x43: {  	_ =	swait.ge [sflag:s30], $0x400  }
0x44: {  	s17 =	sadd.s32 $0x1, s17;
	s25 =	rddreg [dreg:$0x6]  }
0x45: {  	p0 =	sne.s32 s17, s25  }
.Ltmp1:
0x46: {  	_ = 	snop;
	(pc) =	sbr.rel @!p0 .LBB2_12-.Ltmp1, $3  }
0x47: {  	_ =	sdelay $0x1  }
0x48: {  	s5 =	simm.s32 $0x4E20;
	s9 =	simm.s32 $0x6220;
	[sflag:s30] =	ssyncset.done $0x0  }
0x49: {  	s29 =	simm.s32 $0x7620;
	[sflag:s30] =	ssyncadd.s32 $0xFFFFFC00;
	s25 =	simm.s32 $0xA0  }
.LBB2_1:
0x4a: {  	s1 =	simm.s32 $0x0;
	s3 =	rddreg [dreg:$0x3];
	s4 =	simm.s32 $0x2710  }
0x4b: {  	[tilespmem:s4], [sflag:$0x3] =	stream.linear.gather [hbm4b:s3+s1], $0x2710, $0x38;
	[tilespmem:$0x1D620] =	vst v63  }
0x4c: {  	_ =	swait.ge [sflag:s30], $0x2710  }
0x4d: {  	[sflag:s30] =	ssyncset.done $0x0  }
0x4e: {  	s24 =	rddreg [dreg:$0x4];
	[sflag:s30] =	ssyncadd.s32 $0xFFFFD8F0  }
0x4f: {  	[tilespmem:s1], [sflag:$0x3] =	stream.linear.gather [hbm4b:s24+s1], $0x2710, $0x38;
	[tilespmem:$0x1D620] =	vst v63  }
0x50: {  	_ =	swait.ge [sflag:s30], $0x2710  }
0x51: {  	[sflag:s30] =	ssyncset.done $0x0  }
0x52: {  	s18 =	simm.s32 $0x100;
	s1 =	simm.s32 $0x0;
	[sflag:s30] =	ssyncadd.s32 $0xFFFFD8F0  }
.LBB2_2:
0x53: {  	p0 =	sne.s32 s18, $0x7F00;
	[tilespmem:s1+$0x11650] =	vst v0;
	s19 =	smov.u32 s18;
	s18 =	sadd.s32 $0x100, s18  }
.Ltmp2:
0x54: {  	[tilespmem:s1+$0x11640] =	vst v0;
	(pc) =	sbr.rel @p0 .LBB2_2-.Ltmp2, $3  }
0x55: {  	[tilespmem:s1+$0x11620] =	vst v0  }
0x56: {  	[tilespmem:s1+$0x11630] =	vst v0;
	_ =	sdelay $0x1  }
0x57: {  	s1 =	sshra.s32 s19, $0x2  }
0x58: {  	[tilespmem:s1+$0x11650] =	vst v0  }
0x59: {  	[tilespmem:s1+$0x11640] =	vst v0  }
0x5a: {  	[tilespmem:s1+$0x11620] =	vst v0  }
0x5b: {  	[tilespmem:s1+$0x11630] =	vst v0  }
0x5c: {  	[spmem:s6] =	stream.linear.scatter [tilespmem:s31], [sflag:$0x3], $0x2000, $0x38;
	[tilespmem:$0x1D620] =	vst v63  }
0x5d: {  	_ =	swait.ge [sflag:s30], $0x2000  }
0x5e: {  	[sflag:s30] =	ssyncset.done $0x0  }
0x5f: {  	[sflag:s30] =	ssyncadd.s32 $0xFFFFE000  }
0x60: {  	[spmem:s11] =	stream.linear.scatter [tilespmem:s31], [sflag:$0x3], $0x2000, $0x38;
	[tilespmem:$0x1D620] =	vst v63  }
0x61: {  	_ =	swait.ge [sflag:s30], $0x2000  }
0x62: {  	[sflag:s30] =	ssyncset.done $0x0  }
0x63: {  	[sflag:s30] =	ssyncadd.s32 $0xFFFFE000  }
0x64: {  	[spmem:s21] =	stream.linear.scatter [tilespmem:s31], [sflag:$0x3], $0x2000, $0x38;
	[tilespmem:$0x1D620] =	vst v63  }
0x65: {  	_ =	swait.ge [sflag:s30], $0x2000  }
0x66: {  	[sflag:s30] =	ssyncset.done $0x0  }
0x67: {  	[sflag:s30] =	ssyncadd.s32 $0xFFFFE000  }
0x68: {  	[spmem:s26] =	stream.linear.scatter [tilespmem:s31], [sflag:$0x3], $0x2000, $0x38;
	[tilespmem:$0x1D620] =	vst v63  }
0x69: {  	_ =	swait.ge [sflag:s30], $0x2000  }
0x6a: {  	[sflag:s30] =	ssyncset.done $0x0  }
0x6b: {  	[sflag:s30] =	ssyncadd.s32 $0xFFFFE000  }
0x6c: {  	[spmem:s28] =	stream.linear.scatter [tilespmem:s31], [sflag:$0x3], $0x2000, $0x38;
	[tilespmem:$0x1D620] =	vst v63  }
0x6d: {  	_ =	swait.ge [sflag:s30], $0x2000  }
0x6e: {  	[sflag:s30] =	ssyncset.done $0x0  }
0x6f: {  	s18 =	simm.s32 $0x0;
	[sflag:s30] =	ssyncadd.s32 $0xFFFFE000  }
0x70: {  	[tilespmem:s5], [sflag:$0x1] =	stream.indirect.gather [hbm4b:s7+s0], $0x40, s18, s0, $0xb8;
	[tilespmem:$0x1D620] =	vst v63  }
0x71: {  	_ = 	snop  }
0x72: {  	[tilespmem:s9], [sflag:$0x1] =	stream.indirect.gather [hbm4b:s7+s0], $0x40, s0, s0, $0xb8;
	[tilespmem:$0x1D620] =	vst v63  }
0x73: {  	_ = 	snop  }
0x74: {  	[tilespmem:s29], [sflag:$0x1] =	stream.indirect.gather [hbm4b:s7+s0], $0x40, s25, s0, $0xb8;
	[tilespmem:$0x1D620] =	vst v63  }
0x75: {  	s24 =	simm.s32 $0xF0;
	s3 =	simm.s32 $0x8A20  }
0x76: {  	[tilespmem:s3], [sflag:$0x1] =	stream.indirect.gather [hbm4b:s7+s0], $0x40, s24, s0, $0xb8;
	[tilespmem:$0x1D620] =	vst v63  }
.Ltmp3:
0x77: {  	_ = 	snop;
	(pc) =	sbr.rel .LBB2_4-.Ltmp3, $3  }
0x78: {  	_ = 	snop  }
0x79: {  	[tilespmem:s12], [sflag:$0x1] =	stream.indirect.gather [hbm4b:s7+s0], $0x40, s10, s0, $0xb8;
	[tilespmem:$0x1D620] =	vst v63  }
0x7a: {  	[bflag:$0x0] =	sbarrier.arrive $0xFFFF;
	_ =	sdelay $0x1  }
.LBB2_6:
0x7b: {  	s1 =	smul.u32 $0x19000, s1  }
0x7c: {  	s18 =	smul.u32 $0x640, s18;
	_ =	sdelay $0x1  }
0x7d: {  	s1 =	sshrl.u32 s1, $0x2;
	s18 =	sshra.s32 s18, $0x2  }
0x7e: {  	s20 =	sadd.s32 $0x4E20, s1;
	s22 =	sadd.s32 $0x2710, s18  }
0x7f: {  	[spmem:s2] =	stream.indirect.scatter.add.f32 [tilespmem:s20], [sflag:$0x2], $0x40, s22, s0, $0xb8;
	[tilespmem:$0x1D620] =	vst v63  }
0x80: {  	s23 =	sadd.s32 $0x6220, s1;
	s24 =	sadd.s32 $0x2760, s18  }
0x81: {  	[spmem:s2] =	stream.indirect.scatter.add.f32 [tilespmem:s23], [sflag:$0x2], $0x40, s24, s0, $0xb8;
	[tilespmem:$0x1D620] =	vst v63  }
0x82: {  	p0 =	slt.u32 s19, $0x19;
	s3 =	sadd.s32 $0x7620, s1;
	s4 =	sadd.s32 $0x27B0, s18  }
0x83: {  	[spmem:s2] =	stream.indirect.scatter.add.f32 [tilespmem:s3], [sflag:$0x2], $0x40, s4, s0, $0xb8;
	[tilespmem:$0x1D620] =	vst v63  }
.Ltmp4:
0x84: {  	s23 =	sadd.s32 $0x8A20, s1;
	s24 =	sadd.s32 $0x2800, s18;
	(pc) =	sbr.rel @!p0 .LBB2_7-.Ltmp4, $4  }
0x85: {  	[spmem:s2] =	stream.indirect.scatter.add.f32 [tilespmem:s23], [sflag:$0x2], $0x40, s24, s0, $0xb8;
	[tilespmem:$0x1D620] =	vst v63  }
0x86: {  	s1 =	sadd.s32 $0x9E20, s1;
	s18 =	sadd.s32 $0x2850, s18  }
0x87: {  	[spmem:s2] =	stream.indirect.scatter.add.f32 [tilespmem:s1], [sflag:$0x2], $0x40, s18, s0, $0xb8;
	[tilespmem:$0x1D620] =	vst v63  }
0x88: {  	s18 =	smov.u32 s19  }
.LBB2_4:
0x89: {  	_ =	swait.ge [sflag:s13], $0x1400  }
0x8a: {  	[sflag:s13] =	ssyncset.done $0x0  }
0x8b: {  	[sflag:s13] =	ssyncadd.s32 $0xFFFFEC00  }
0x8c: {  	_ =	swait.ge [sflag:s13], $0x1400  }
0x8d: {  	[sflag:s13] =	ssyncset.done $0x0  }
0x8e: {  	[sflag:s13] =	ssyncadd.s32 $0xFFFFEC00  }
0x8f: {  	_ =	swait.ge [sflag:s13], $0x1400  }
0x90: {  	[sflag:s13] =	ssyncset.done $0x0  }
0x91: {  	[sflag:s13] =	ssyncadd.s32 $0xFFFFEC00  }
0x92: {  	_ =	swait.ge [sflag:s13], $0x1400  }
0x93: {  	[sflag:s13] =	ssyncset.done $0x0  }
0x94: {  	[sflag:s13] =	ssyncadd.s32 $0xFFFFEC00  }
0x95: {  	_ =	swait.ge [sflag:s13], $0x1400  }
0x96: {  	p0 =	seq.s32 s18, $0x0;
	[sflag:s13] =	ssyncset.done $0x0  }
0x97: {  	s19 =	simm.s32 @!p0 $0x2;
	[sflag:s13] =	ssyncadd.s32 $0xFFFFEC00  }
0x98: {  	_ =	swait.ge @!p0 [sflag:s19], $0x1400  }
0x99: {  	[sflag:s19] =	ssyncset.done @!p0 $0x0  }
0x9a: {  	[sflag:s19] =	ssyncadd.s32 @!p0 $0xFFFFEC00  }
0x9b: {  	_ =	swait.ge @!p0 [sflag:s19], $0x1400  }
0x9c: {  	[sflag:s19] =	ssyncset.done @!p0 $0x0  }
0x9d: {  	[sflag:s19] =	ssyncadd.s32 @!p0 $0xFFFFEC00  }
0x9e: {  	_ =	swait.ge @!p0 [sflag:s19], $0x1400  }
0x9f: {  	[sflag:s19] =	ssyncset.done @!p0 $0x0  }
0xa0: {  	p1 =	seq.s32 @!p0 s18, $0x18;
	[sflag:s19] =	ssyncadd.s32 @!p0 $0xFFFFEC00  }
0xa1: {  	p1 =	por p0, !p1;
	_ =	swait.ge @!p0 [sflag:s19], $0x1400  }
.Ltmp5:
0xa2: {  	[sflag:s19] =	ssyncset.done @!p0 $0x0;
	(pc) =	sbr.rel @!p1 .LBB2_6-.Ltmp5, $4  }
0xa3: {  	[sflag:s19] =	ssyncadd.s32 @!p0 $0xFFFFEC00  }
0xa4: {  	_ =	swait.ge @!p0 [sflag:s19], $0x1400  }
0xa5: {  	[sflag:s19] =	ssyncset.done @!p0 $0x0  }
0xa6: {  	s1 =	sand.u32 $0x1, s18;
	[sflag:s19] =	ssyncadd.s32 @!p0 $0xFFFFEC00;
	s19 =	simm.s32 @!p0 $0x19  }
0xa7: {  	s19 =	sadd.s32 @!p0 $0x1, s18;
	s20 =	sxor.u32 $0x1, s1  }
0xa8: {  	s19 =	simm.s32 @p0 $0x1;
	s20 =	smul.u32 $0x19000, s20  }
0xa9: {  	s22 =	smul.u32 $0x640, s19  }
0xaa: {  	s20 =	sshrl.u32 s20, $0x2  }
0xab: {  	s23 =	sadd.s32 $0x4E20, s20;
	s22 =	sshra.s32 s22, $0x2  }
0xac: {  	[tilespmem:s23], [sflag:$0x1] =	stream.indirect.gather [hbm4b:s7+s0], $0x40, s22, s0, $0xb8;
	[tilespmem:$0x1D620] =	vst v63  }
0xad: {  	s4 =	sadd.s32 $0x6220, s20;
	s24 =	sadd.s32 $0x50, s22  }
0xae: {  	[tilespmem:s4], [sflag:$0x1] =	stream.indirect.gather [hbm4b:s7+s0], $0x40, s24, s0, $0xb8;
	[tilespmem:$0x1D620] =	vst v63  }
0xaf: {  	s3 =	sadd.s32 $0x7620, s20;
	s4 =	sadd.s32 $0xA0, s22  }
0xb0: {  	[tilespmem:s3], [sflag:$0x1] =	stream.indirect.gather [hbm4b:s7+s0], $0x40, s4, s0, $0xb8;
	[tilespmem:$0x1D620] =	vst v63  }
.Ltmp6:
0xb1: {  	_ = 	snop;
	(pc) =	sbr.rel .LBB2_6-.Ltmp6, $4  }
0xb2: {  	s3 =	sadd.s32 $0x8A20, s20;
	s4 =	sadd.s32 $0xF0, s22  }
0xb3: {  	[tilespmem:s3], [sflag:$0x1] =	stream.indirect.gather [hbm4b:s7+s0], $0x40, s4, s0, $0xb8;
	[tilespmem:$0x1D620] =	vst v63  }
0xb4: {  	s20 =	sadd.s32 $0x9E20, s20;
	s22 =	sadd.s32 $0x140, s22  }
0xb5: {  	[tilespmem:s20], [sflag:$0x1] =	stream.indirect.gather [hbm4b:s7+s0], $0x40, s22, s0, $0xb8;
	[tilespmem:$0x1D620] =	vst v63  }
.LBB2_7:
0xb6: {  	_ =	swait.ge [sflag:s14], $0x1400  }
0xb7: {  	[sflag:s14] =	ssyncset.done $0x0  }
0xb8: {  	[sflag:s14] =	ssyncadd.s32 $0xFFFFEC00  }
0xb9: {  	_ =	swait.ge [sflag:s14], $0x1400  }
0xba: {  	[sflag:s14] =	ssyncset.done $0x0  }
0xbb: {  	[sflag:s14] =	ssyncadd.s32 $0xFFFFEC00  }
0xbc: {  	_ =	swait.ge [sflag:s14], $0x1400  }
0xbd: {  	[sflag:s14] =	ssyncset.done $0x0  }
0xbe: {  	[sflag:s14] =	ssyncadd.s32 $0xFFFFEC00  }
0xbf: {  	_ =	swait.ge [sflag:s14], $0x1400  }
0xc0: {  	[sflag:s14] =	ssyncset.done $0x0  }
0xc1: {  	[sflag:s14] =	ssyncadd.s32 $0xFFFFEC00  }
0xc2: {  	_ =	swait.ge [sflag:s14], $0x1400  }
0xc3: {  	[sflag:s14] =	ssyncset.done $0x0  }
0xc4: {  	s1 =	simm.s32 $0x0;
	[sflag:s14] =	ssyncadd.s32 $0xFFFFEC00  }
0xc5: {  	[tilespmem:s5], [sflag:$0x1] =	stream.indirect.gather [hbm4b:s8+s0], $0x40, s1, s0, $0xb8;
	[tilespmem:$0x1D620] =	vst v63  }
0xc6: {  	_ = 	snop  }
0xc7: {  	[tilespmem:s9], [sflag:$0x1] =	stream.indirect.gather [hbm4b:s8+s0], $0x40, s0, s0, $0xb8;
	[tilespmem:$0x1D620] =	vst v63  }
0xc8: {  	_ = 	snop  }
0xc9: {  	[tilespmem:s29], [sflag:$0x1] =	stream.indirect.gather [hbm4b:s8+s0], $0x40, s25, s0, $0xb8;
	[tilespmem:$0x1D620] =	vst v63  }
0xca: {  	s3 =	simm.s32 $0xF0;
	s4 =	simm.s32 $0x8A20  }
0xcb: {  	[tilespmem:s4], [sflag:$0x1] =	stream.indirect.gather [hbm4b:s8+s0], $0x40, s3, s0, $0xb8;
	[tilespmem:$0x1D620] =	vst v63  }
0xcc: {  	s24 =	stileid.u32  }
0xcd: {  	[tilespmem:s12], [sflag:$0x1] =	stream.indirect.gather [hbm4b:s8+s0], $0x40, s10, s0, $0xb8;
	[tilespmem:$0x1D620] =	vst v63  }
0xce: {  	s18 =	sshll.u32 s24, $0x6;
	[bflag:$0x0] =	sbarrier.arrive $0xFFFF  }
0xcf: {  	s19 =	sshrl.u32 s6, $0x3;
	s18 =	sor.u32 $0x1C03, s18;
	s25 =	rddreg [dreg:$0x7]  }
0xd0: {  	[hbm:s25@s15], [sflag:s18] =	dma.strided [spmem:s19@s16], $0x400, s13, $0x8   }
0xd1: {  	_ =	swait.ge [sflag:s30], $0x400  }
0xd2: {  	[sflag:s30] =	ssyncset.done $0x0;
	s29 =	rddreg [dreg:$0x10]  }
0xd3: {  	s4 =	rddreg [dreg:$0x8];
	[sflag:s30] =	ssyncadd.s32 $0xFFFFFC00;
	s20 =	sshrl.u32 s29, $0x3  }
0xd4: {  	[hbm:s4@s15], [sflag:s18] =	dma.strided [spmem:s20@s16], $0x400, s13, $0x8   }
0xd5: {  	_ =	swait.ge [sflag:s30], $0x400  }
0xd6: {  	[sflag:s30] =	ssyncset.done $0x0;
	s5 =	rddreg [dreg:$0x11]  }
0xd7: {  	s9 =	rddreg [dreg:$0x9];
	[sflag:s30] =	ssyncadd.s32 $0xFFFFFC00;
	s22 =	sshrl.u32 s5, $0x3  }
0xd8: {  	[hbm:s9@s15], [sflag:s18] =	dma.strided [spmem:s22@s16], $0x400, s13, $0x8   }
0xd9: {  	_ =	swait.ge [sflag:s30], $0x400  }
0xda: {  	[sflag:s30] =	ssyncset.done $0x0;
	s23 =	rddreg [dreg:$0x12]  }
0xdb: {  	s24 =	rddreg [dreg:$0xa];
	[sflag:s30] =	ssyncadd.s32 $0xFFFFFC00;
	s23 =	sshrl.u32 s23, $0x3  }
0xdc: {  	[hbm:s24@s15], [sflag:s18] =	dma.strided [spmem:s23@s16], $0x400, s13, $0x8   }
0xdd: {  	_ =	swait.ge [sflag:s30], $0x400  }
0xde: {  	[sflag:s30] =	ssyncset.done $0x0;
	s25 =	rddreg [dreg:$0x13]  }
0xdf: {  	s29 =	rddreg [dreg:$0xb];
	[sflag:s30] =	ssyncadd.s32 $0xFFFFFC00;
	s24 =	sshrl.u32 s25, $0x3  }
0xe0: {  	[hbm:s29@s15], [sflag:s18] =	dma.strided [spmem:s24@s16], $0x400, s13, $0x8   }
0xe1: {  	_ =	swait.ge [sflag:s30], $0x400  }
0xe2: {  	[sflag:s30] =	ssyncset.done $0x0  }
0xe3: {  	[sflag:s30] =	ssyncadd.s32 $0xFFFFFC00  }
0xe4: {  	[spmem:s6] =	stream.linear.scatter [tilespmem:s31], [sflag:$0x3], $0x2000, $0x38;
	[tilespmem:$0x1D620] =	vst v63  }
0xe5: {  	_ =	swait.ge [sflag:s30], $0x2000  }
0xe6: {  	[sflag:s30] =	ssyncset.done $0x0  }
0xe7: {  	[sflag:s30] =	ssyncadd.s32 $0xFFFFE000  }
0xe8: {  	[spmem:s11] =	stream.linear.scatter [tilespmem:s31], [sflag:$0x3], $0x2000, $0x38;
	[tilespmem:$0x1D620] =	vst v63  }
0xe9: {  	_ =	swait.ge [sflag:s30], $0x2000  }
0xea: {  	[sflag:s30] =	ssyncset.done $0x0  }
0xeb: {  	[sflag:s30] =	ssyncadd.s32 $0xFFFFE000  }
0xec: {  	[spmem:s21] =	stream.linear.scatter [tilespmem:s31], [sflag:$0x3], $0x2000, $0x38;
	[tilespmem:$0x1D620] =	vst v63  }
0xed: {  	_ =	swait.ge [sflag:s30], $0x2000  }
0xee: {  	[sflag:s30] =	ssyncset.done $0x0  }
0xef: {  	[sflag:s30] =	ssyncadd.s32 $0xFFFFE000  }
0xf0: {  	[spmem:s26] =	stream.linear.scatter [tilespmem:s31], [sflag:$0x3], $0x2000, $0x38;
	[tilespmem:$0x1D620] =	vst v63  }
0xf1: {  	_ =	swait.ge [sflag:s30], $0x2000  }
0xf2: {  	[sflag:s30] =	ssyncset.done $0x0  }
0xf3: {  	[sflag:s30] =	ssyncadd.s32 $0xFFFFE000  }
0xf4: {  	[spmem:s28] =	stream.linear.scatter [tilespmem:s31], [sflag:$0x3], $0x2000, $0x38;
	[tilespmem:$0x1D620] =	vst v63  }
.Ltmp7:
0xf5: {  	_ =	swait.ge [sflag:s30], $0x2000;
	(pc) =	sbr.rel .LBB2_8-.Ltmp7, $3  }
0xf6: {  	[sflag:s30] =	ssyncset.done $0x0  }
0xf7: {  	[sflag:s30] =	ssyncadd.s32 $0xFFFFE000  }
0xf8: {  	[bflag:$0x0] =	sbarrier.arrive $0xFFFF;
	_ =	sdelay $0x1  }
.LBB2_10:
0xf9: {  	s3 =	smul.u32 $0x19000, s29  }
0xfa: {  	s1 =	smul.u32 $0x640, s1;
	_ =	sdelay $0x1  }
0xfb: {  	s3 =	sshrl.u32 s3, $0x2;
	s1 =	sshra.s32 s1, $0x2  }
0xfc: {  	s4 =	sadd.s32 $0x4E20, s3;
	s5 =	sadd.s32 $0x2710, s1  }
0xfd: {  	[spmem:s2] =	stream.indirect.scatter.add.f32 [tilespmem:s4], [sflag:$0x2], $0x40, s5, s0, $0xb8;
	[tilespmem:$0x1D620] =	vst v63  }
0xfe: {  	s9 =	sadd.s32 $0x6220, s3;
	s29 =	sadd.s32 $0x2760, s1  }
0xff: {  	[spmem:s2] =	stream.indirect.scatter.add.f32 [tilespmem:s9], [sflag:$0x2], $0x40, s29, s0, $0xb8;
	[tilespmem:$0x1D620] =	vst v63  }
0x100: {  	p0 =	slt.u32 s25, $0x19;
	s9 =	sadd.s32 $0x7620, s3;
	s29 =	sadd.s32 $0x27B0, s1  }
0x101: {  	[spmem:s2] =	stream.indirect.scatter.add.f32 [tilespmem:s9], [sflag:$0x2], $0x40, s29, s0, $0xb8;
	[tilespmem:$0x1D620] =	vst v63  }
.Ltmp8:
0x102: {  	s9 =	sadd.s32 $0x8A20, s3;
	s29 =	sadd.s32 $0x2800, s1;
	(pc) =	sbr.rel @!p0 .LBB2_11-.Ltmp8, $4  }
0x103: {  	[spmem:s2] =	stream.indirect.scatter.add.f32 [tilespmem:s9], [sflag:$0x2], $0x40, s29, s0, $0xb8;
	[tilespmem:$0x1D620] =	vst v63  }
0x104: {  	s3 =	sadd.s32 $0x9E20, s3;
	s1 =	sadd.s32 $0x2850, s1  }
0x105: {  	[spmem:s2] =	stream.indirect.scatter.add.f32 [tilespmem:s3], [sflag:$0x2], $0x40, s1, s0, $0xb8;
	[tilespmem:$0x1D620] =	vst v63  }
0x106: {  	s1 =	smov.u32 s25  }
.LBB2_8:
0x107: {  	_ =	swait.ge [sflag:s13], $0x1400  }
0x108: {  	[sflag:s13] =	ssyncset.done $0x0  }
0x109: {  	[sflag:s13] =	ssyncadd.s32 $0xFFFFEC00  }
0x10a: {  	_ =	swait.ge [sflag:s13], $0x1400  }
0x10b: {  	[sflag:s13] =	ssyncset.done $0x0  }
0x10c: {  	[sflag:s13] =	ssyncadd.s32 $0xFFFFEC00  }
0x10d: {  	_ =	swait.ge [sflag:s13], $0x1400  }
0x10e: {  	[sflag:s13] =	ssyncset.done $0x0  }
0x10f: {  	[sflag:s13] =	ssyncadd.s32 $0xFFFFEC00  }
0x110: {  	_ =	swait.ge [sflag:s13], $0x1400  }
0x111: {  	[sflag:s13] =	ssyncset.done $0x0  }
0x112: {  	[sflag:s13] =	ssyncadd.s32 $0xFFFFEC00  }
0x113: {  	_ =	swait.ge [sflag:s13], $0x1400  }
0x114: {  	p0 =	seq.s32 s1, $0x0;
	[sflag:s13] =	ssyncset.done $0x0  }
0x115: {  	s25 =	simm.s32 @!p0 $0x2;
	[sflag:s13] =	ssyncadd.s32 $0xFFFFEC00  }
0x116: {  	_ =	swait.ge @!p0 [sflag:s25], $0x1400  }
0x117: {  	[sflag:s25] =	ssyncset.done @!p0 $0x0  }
0x118: {  	[sflag:s25] =	ssyncadd.s32 @!p0 $0xFFFFEC00  }
0x119: {  	_ =	swait.ge @!p0 [sflag:s25], $0x1400  }
0x11a: {  	[sflag:s25] =	ssyncset.done @!p0 $0x0  }
0x11b: {  	[sflag:s25] =	ssyncadd.s32 @!p0 $0xFFFFEC00  }
0x11c: {  	_ =	swait.ge @!p0 [sflag:s25], $0x1400  }
0x11d: {  	[sflag:s25] =	ssyncset.done @!p0 $0x0  }
0x11e: {  	p1 =	seq.s32 @!p0 s1, $0x18;
	[sflag:s25] =	ssyncadd.s32 @!p0 $0xFFFFEC00  }
0x11f: {  	p1 =	por p0, !p1;
	_ =	swait.ge @!p0 [sflag:s25], $0x1400  }
.Ltmp9:
0x120: {  	[sflag:s25] =	ssyncset.done @!p0 $0x0;
	(pc) =	sbr.rel @!p1 .LBB2_10-.Ltmp9, $4  }
0x121: {  	[sflag:s25] =	ssyncadd.s32 @!p0 $0xFFFFEC00  }
0x122: {  	_ =	swait.ge @!p0 [sflag:s25], $0x1400  }
0x123: {  	[sflag:s25] =	ssyncset.done @!p0 $0x0  }
0x124: {  	s29 =	sand.u32 $0x1, s1;
	[sflag:s25] =	ssyncadd.s32 @!p0 $0xFFFFEC00;
	s25 =	simm.s32 @!p0 $0x19  }
0x125: {  	s25 =	sadd.s32 @!p0 $0x1, s1;
	s3 =	sxor.u32 $0x1, s29  }
0x126: {  	s25 =	simm.s32 @p0 $0x1;
	s3 =	smul.u32 $0x19000, s3  }
0x127: {  	s4 =	smul.u32 $0x640, s25  }
0x128: {  	s3 =	sshrl.u32 s3, $0x2  }
0x129: {  	s5 =	sadd.s32 $0x4E20, s3;
	s4 =	sshra.s32 s4, $0x2  }
0x12a: {  	[tilespmem:s5], [sflag:$0x1] =	stream.indirect.gather [hbm4b:s8+s0], $0x40, s4, s0, $0xb8;
	[tilespmem:$0x1D620] =	vst v63  }
0x12b: {  	s5 =	sadd.s32 $0x6220, s3;
	s9 =	sadd.s32 $0x50, s4  }
0x12c: {  	[tilespmem:s5], [sflag:$0x1] =	stream.indirect.gather [hbm4b:s8+s0], $0x40, s9, s0, $0xb8;
	[tilespmem:$0x1D620] =	vst v63  }
0x12d: {  	s5 =	sadd.s32 $0x7620, s3;
	s9 =	sadd.s32 $0xA0, s4  }
0x12e: {  	[tilespmem:s5], [sflag:$0x1] =	stream.indirect.gather [hbm4b:s8+s0], $0x40, s9, s0, $0xb8;
	[tilespmem:$0x1D620] =	vst v63  }
.Ltmp10:
0x12f: {  	_ = 	snop;
	(pc) =	sbr.rel .LBB2_10-.Ltmp10, $4  }
0x130: {  	s5 =	sadd.s32 $0x8A20, s3;
	s9 =	sadd.s32 $0xF0, s4  }
0x131: {  	[tilespmem:s5], [sflag:$0x1] =	stream.indirect.gather [hbm4b:s8+s0], $0x40, s9, s0, $0xb8;
	[tilespmem:$0x1D620] =	vst v63  }
0x132: {  	s3 =	sadd.s32 $0x9E20, s3;
	s4 =	sadd.s32 $0x140, s4  }
0x133: {  	[tilespmem:s3], [sflag:$0x1] =	stream.indirect.gather [hbm4b:s8+s0], $0x40, s4, s0, $0xb8;
	[tilespmem:$0x1D620] =	vst v63  }
.LBB2_12:
0x134: {  	_ =	sfence.sel $0x180000  }
0x135: {  	[bflag:$0x0] =	sbarrier.arrive $0xFFFF  }
0x136: {  	_ =	strace $0x9000004A  }
0x137: {  	s0 =	stileid.u32;
	[bflag:$0x2] =	sbarrier.arrive $0xFFFF  }
0x138: {  	p0 =	sne.s32 s0, $0x0;
	s0 =	rddreg [dreg:$0x2]  }
0x139: {  	s0 =	sadd.s32 @!p0 $0x100000, s0  }
0x13a: {  	[sflag:s0] =	ssyncadd.tile.s32 @!p0 $0x1;
	_ =	shalt  }
.Lfunc_end2:
_tile_overlayer_lowered:
.L_overlay_start_2:
0x13b: {  	(tag) =	ssettag $0x2  }
0x13c: {  	s0 =	rddreg [dreg:$0x0];
	s2 =	stileid.u32  }
0x13d: {  	s1 =	rddreg [dreg:$0x1];
	p0 =	sne.s32 s2, $0x0  }
0x13e: {  	s3 =	rddreg [dreg:$0x2];
	[bflag:$0x3] =	sbarrier.arrive $0xFFFF;
	s2 =	simm.s32 @!p0 $0x1C03  }
0x13f: {  	[timem:s3], [sflag:s2] =	dma.local @!p0 [hbm:s0], s1  }
0x140: {  	s0 =	simm.s32 @!p0 $0x3  }
0x141: {  	_ =	swait.ge @!p0 [sflag:s0], s1  }
0x142: {  	s1 =	ssub.s32 @!p0 $0x0, s1;
	[sflag:s0] =	ssyncset.done @!p0 $0x0  }
0x143: {  	[sflag:s0] =	ssyncadd.s32 @!p0 s1  }
0x144: {  	[bflag:$0x3] =	sbarrier.arrive $0xFFFF  }
0x145: {  	_ =	shalt  }

// kernel: kernel.13.cloned.1.call-start
scs
__scs_entry_jumppad:
0x0: {  	(pc) =	sbr.rel $0x88, $3  }
0x1: {  	(tag) =	ssettag $0x0;
	lr =	simm.s32 $0x1  }
0x2: {  	[smem:$0x3F9B] =	sst lr;
	_ =	strace $0xD0000000  }
0x3: {  	_ = 	snop  }
0x4: {  	_ = 	snop  }
0x5: {  	_ = 	snop  }
0x6: {  	_ = 	snop  }
0x7: {  	_ = 	snop  }
__scs_overlays_trampoline_lowered:
0x8: {  	[smem:$0x3FAA] =	sst s0  }
0x9: {  	[smem:$0x3FAB] =	sst s1  }
0xa: {  	[smem:$0x3FAC] =	sst s2  }
0xb: {  	[smem:$0x3FAD] =	sst s3  }
0xc: {  	[smem:$0x3FAE] =	sst s4  }
0xd: {  	[smem:$0x3FAF] =	sst s5  }
0xe: {  	[smem:$0x3FB0] =	sst s6  }
0xf: {  	[smem:$0x3FB1] =	sst s7  }
0x10: {  	[smem:$0x3FB2] =	sst s8  }
0x11: {  	[smem:$0x3FB3] =	sst s9;
	s0 =	simm.s32 @!p0 $0x0  }
0x12: {  	s1 =	sld [smem:$0x3F99];
	s0 =	simm.s32 @p0 $0x1  }
0x13: {  	[smem:$0x3FB4] =	sst s0;
	s0 =	simm.s32 @!p1 $0x0  }
0x14: {  	s2 =	sld [smem:$0x3F98];
	s0 =	simm.s32 @p1 $0x1  }
0x15: {  	[smem:$0x3FB5] =	sst s0;
	s0 =	simm.s32 @!p2 $0x0  }
0x16: {  	s3 =	sld [smem:$0x3FDB];
	s0 =	simm.s32 @p2 $0x1  }
0x17: {  	s4 =	simm.s32 $0x1BF5;
	[smem:$0x3FB7] =	sst s0  }
0x18: {  	s0 =	sld [smem:$0x3F9A];
	_ =	swait.ge [sflag:s4], $0x0  }
0x19: {  	s7 =	sld [smem:$0x3F9B]  }
0x1a: {  	s8 =	sadd.s32 $0xFFFFE003, lr  }
0x1b: {  	s9 =	sadd.s32 $0xFFFFFEF7, lr;
	s5 =	simm.s32 $0xFFFFFFFF;
	p2 =	slt.u32 s8, $0xFFFFF086  }
0x1c: {  	p1 =	slt.u32 s9, $0xF7A;
	s5 =	simm.s32 @!p2 $0x0  }
0x1d: {  	s5 =	simm.s32 @p1 $0x1;
	p0 =	seq.s32 s7, s2  }
0x1e: {  	s7 =	smul.u32 @!p0 $0xF7A, s2;
	p2 =	seq.s32 @!p0 s5, $0x0  }
0x1f: {  	s9 =	smul.u32 $0xF7A, s1;
	s8 =	simm.s32 @!p0 $0x1BF5;
	p2 =	por !p2, p0  }
0x20: {  	[sflag:s8] =	ssyncset.s32 @!p0 $0xFFFFF086;
	s6 =	sadd.s32 @!p0 s3, s7;
	s7 =	simm.s32 @!p0 $0x108  }
0x21: {  	s3 =	sadd.s32 s3, s9;
	s6 =	sadd.s32 @!p0 $0x88, s6;
	s7 =	simm.s32 @p2 $0x1082  }
0x22: {  	[simem:s7], [sflag:s8] =	dma.local @!p0 [hbm:s6], $0xF7A  }
0x23: {  	s9 =	sor.u32 $0xD0000000, s2;
	s6 =	simm.s32 $0x108;
	_ =	swait.ge @!p0 [sflag:s8], $0x0  }
0x24: {  	s3 =	sadd.s32 $0x88, s3;
	s6 =	simm.s32 @!p1 $0x1082;
	[sflag:s4] =	ssyncset.s32 $0xFFFFF086  }
0x25: {  	[simem:s6], [sflag:s4] =	dma.local [hbm:s3], $0xF7A  }
0x26: {  	[smem:$0x3F9B] =	sst s1;
	(tag) =	ssettag s2;
	_ =	strace s9  }
0x27: {  	s1 =	sld [smem:$0x3FAB]  }
0x28: {  	s2 =	sld [smem:$0x3FAC]  }
0x29: {  	s4 =	sld [smem:$0x3FAE]  }
0x2a: {  	p0 =	seq.s32 s5, $0x0;
	s5 =	sld [smem:$0x3FAF]  }
0x2b: {  	s6 =	sld [smem:$0x3FB0]  }
0x2c: {  	s7 =	sld [smem:$0x3FB1]  }
0x2d: {  	s3 =	simm.s32 $0x108;
	s8 =	sld [smem:$0x3FB2]  }
0x2e: {  	s3 =	simm.s32 @!p0 $0x1082;
	s9 =	sld [smem:$0x3FB3]  }
0x2f: {  	lr =	sadd.s32 s0, s3;
	s0 =	sld [smem:$0x3FAA]  }
0x30: {  	s3 =	sld [smem:$0x3FAD]  }
0x31: {  	[smem:$0x3FB6] =	sst s10  }
0x32: {  	s10 =	sld [smem:$0x3FB4];
	_ =	sdelay $0x3  }
0x33: {  	p0 =	seq.s32 s10, $0x1;
	s10 =	sld [smem:$0x3FB6];
	_ =	sdelay $0x3  }
0x34: {  	[smem:$0x3FB6] =	sst s10  }
0x35: {  	s10 =	sld [smem:$0x3FB5];
	_ =	sdelay $0x3  }
0x36: {  	p1 =	seq.s32 s10, $0x1;
	s10 =	sld [smem:$0x3FB6];
	_ =	sdelay $0x3  }
0x37: {  	[smem:$0x3FB6] =	sst s10  }
0x38: {  	s10 =	sld [smem:$0x3FB7]  }
0x39: {  	_ = 	snop;
	(pc) =	sbr.ind lr, $3  }
0x3a: {  	_ = 	snop  }
0x3b: {  	_ = 	snop  }
0x3c: {  	p2 =	seq.s32 s10, $0x1;
	s10 =	sld [smem:$0x3FB6]  }
0x3d: {  	_ =	shalt  }
0x3e: {  	_ =	shalt  }
0x3f: {  	_ =	shalt  }
0x40: {  	_ =	shalt  }
0x41: {  	_ =	shalt  }
0x42: {  	_ =	shalt  }
0x43: {  	_ =	shalt  }
0x44: {  	_ =	shalt  }
0x45: {  	_ =	shalt  }
0x46: {  	_ =	shalt  }
0x47: {  	_ =	shalt  }
0x48: {  	_ =	shalt  }
0x49: {  	_ =	shalt  }
0x4a: {  	_ =	shalt  }
0x4b: {  	_ =	shalt  }
0x4c: {  	_ =	shalt  }
0x4d: {  	_ =	shalt  }
0x4e: {  	_ =	shalt  }
0x4f: {  	_ =	shalt  }
0x50: {  	_ =	shalt  }
0x51: {  	_ =	shalt  }
0x52: {  	_ =	shalt  }
0x53: {  	_ =	shalt  }
0x54: {  	_ =	shalt  }
0x55: {  	_ =	shalt  }
0x56: {  	_ =	shalt  }
0x57: {  	_ =	shalt  }
0x58: {  	_ =	shalt  }
0x59: {  	_ =	shalt  }
0x5a: {  	_ =	shalt  }
0x5b: {  	_ =	shalt  }
0x5c: {  	_ =	shalt  }
0x5d: {  	_ =	shalt  }
0x5e: {  	_ =	shalt  }
0x5f: {  	_ =	shalt  }
0x60: {  	_ =	shalt  }
0x61: {  	_ =	shalt  }
0x62: {  	_ =	shalt  }
0x63: {  	_ =	shalt  }
0x64: {  	_ =	shalt  }
0x65: {  	_ =	shalt  }
0x66: {  	_ =	shalt  }
0x67: {  	_ =	shalt  }
0x68: {  	_ =	shalt  }
0x69: {  	_ =	shalt  }
0x6a: {  	_ =	shalt  }
0x6b: {  	_ =	shalt  }
0x6c: {  	_ =	shalt  }
0x6d: {  	_ =	shalt  }
0x6e: {  	_ =	shalt  }
0x6f: {  	_ =	shalt  }
0x70: {  	_ =	shalt  }
0x71: {  	_ =	shalt  }
0x72: {  	_ =	shalt  }
0x73: {  	_ =	shalt  }
0x74: {  	_ =	shalt  }
0x75: {  	_ =	shalt  }
0x76: {  	_ =	shalt  }
0x77: {  	_ =	shalt  }
0x78: {  	_ =	shalt  }
0x79: {  	_ =	shalt  }
0x7a: {  	_ =	shalt  }
0x7b: {  	_ =	shalt  }
0x7c: {  	_ =	shalt  }
0x7d: {  	_ =	shalt  }
0x7e: {  	_ =	shalt  }
0x7f: {  	_ =	shalt  }
0x80: {  	_ =	shalt  }
0x81: {  	_ =	shalt  }
0x82: {  	_ =	shalt  }
0x83: {  	_ =	shalt  }
0x84: {  	_ =	shalt  }
0x85: {  	_ =	shalt  }
0x86: {  	_ =	shalt  }
0x87: {  	_ =	shalt  }
.Lfunc_end0:
.L_simem_size_0:
called_computation.2_lowered:
.L_overlay_start_0:
0x88: {  	s2 =	sld [smem:$0x3FD9]  }
0x89: {  	s3 =	sld [smem:$0x3FFE];
	_ =	sdelay $0x1  }
0x8a: {  	s1 =	srdreg.scid  }
0x8b: {  	s0 =	sand.u32 $0x1, s1  }
0x8c: {  	s16 =	sshll.u32 s0, $0xA;
	s2 =	sadd.s32 s3, s2  }
0x8d: {  	s2 =	sadd.s32 s2, s16  }
0x8e: {  	[smem:$0x3FC2] =	sst s2  }
0x8f: {  	_ = 	snop  }
0x90: {  	(tm) =	ssettm $0x1  }
0x91: {  	s17 =	sld [smem:$0x3FFB];
	_ =	sdelay $0x3  }
0x92: {  	_ =	strace s17  }
0x93: {  	s2 =	sld [smem:$0x3FFC];
	_ =	sdelay $0x3  }
0x94: {  	_ =	strace s2  }
0x95: {  	s2 =	sld [smem:$0x3FFD];
	_ =	sdelay $0x3  }
0x96: {  	_ =	strace s2  }
0x97: {  	_ =	strace $0x8FFFFFFF  }
0x98: {  	s18 =	sld [smem:$0x3FDB];
	_ =	sdelay $0x1  }
0x99: {  	s19 =	simm.s32 $_scs_section_size  }
0x9a: {  	s4 =	simm.s32 $_size__tile_overlayer_lowered;
	s5 =	simm.s32 $_tile_overlayer_lowered  }
0x9b: {  	s22 =	simm.s32 $0x1BFF;
	s21 =	sshll.u32 s5, $0x1;
	s2 =	sadd.s32 s19, s18  }
0x9c: {  	s6 =	simm.s32 $0x0;
	s20 =	sshll.u32 s4, $0x1;
	s4 =	sadd.s32 s21, s2  }
0x9d: {  	[timem:s6], [sflag:s22] =	dma.local [hbm:s4], s20  }
0x9e: {  	_ =	swait.ge [sflag:s22], s20  }
0x9f: {  	s3 =	ssub.s32 $0x0, s20;
	[sflag:s22] =	ssyncset.done $0x0  }
0xa0: {  	[sflag:s22] =	ssyncadd.s32 s3;
	_ =	sdelay $0x1  }
0xa1: {  	s23 =	simm.s32 $0x1B8B  }
0xa2: {  	_ =	swait.ge [sflag:s23], $0x1  }
0xa3: {  	[sflag:s23] =	ssyncset.done $0x0  }
0xa4: {  	s25 =	simm.s32 $0x1B8E;
	s24 =	sld [smem:$0x3FFE];
	[sflag:s23] =	ssyncadd.s32 $0xFFFFFFFF  }
0xa5: {  	s26 =	simm.s32 $execute0_lowered;
	[smem:$0x3FD2] =	sst s25  }
0xa6: {  	s4 =	sshll.u32 s26, $0x1;
	_ =	strace $0x8000004C;
	[dreg:$0x1] =	wrdreg $0xFFFFFFFF  }
0xa7: {  	s28 =	simm.s32 $_size_execute0_lowered;
	s2 =	sadd.s32 s2, s4;
	[dreg:$0x0] =	wrdreg $0x0  }
0xa8: {  	s4 =	sshll.u32 s28, $0x1;
	[dreg:$0x2] =	wrdreg s2  }
0xa9: {  	[dreg:$0x3] =	wrdreg s4  }
0xaa: {  	[dreg:$0x4] =	wrdreg $0xC0  }
0xab: {  	_ =	task [dreg:s6], $0x5FFFF  }
0xac: {  	[dreg:$0x1] =	wrdreg $0xFFFFFFFF  }
0xad: {  	[dreg:$0x0] =	wrdreg $0x60  }
0xae: {  	[dreg:$0x2] =	wrdreg s24  }
0xaf: {  	[dreg:$0x3] =	wrdreg $0xA1F00  }
0xb0: {  	[dreg:$0x4] =	wrdreg $0x9  }
0xb1: {  	_ =	task.clear_ibuf [dreg:s6], $0x5FFFF;
	_ =	strace $0x9000004C  }
0xb2: {  	s29 =	simm.s32 $0x9;
	_ =	strace $0x8000004E  }
0xb3: {  	_ =	swait.ge [sflag:s29], $0x1  }
0xb4: {  	[sflag:s29] =	ssyncadd.s32 $0xFFFFFFFF  }
0xb5: {  	_ =	strace $0x9000004E  }
0xb6: {  	_ =	sfence  }
0xb7: {  	s30 =	sld [smem:$0x0];
	_ =	sdelay $0x2  }
0xb8: {  	s31 =	sshll.u32 s1, $0xD;
	s1 =	sshrl.u32 s1, $0x2  }
0xb9: {  	s3 =	sand.u32 $0x4000, s31;
	s1 =	sadd.s32 s1, s30  }
0xba: {  	s0 =	sor.u32 s3, s0;
	s1 =	sshll.u32 s1, $0x11  }
0xbb: {  	s0 =	sor.u32 s1, s0  }
0xbc: {  	s0 =	sadd.s32 $0x8F2B, s0  }
0xbd: {  	[sflag:s0] =	ssyncadd.remote.s32 $0x1  }
0xbe: {  	_ =	sfence.sel $0xFFFF  }
0xbf: {  	[dreg:$0x0] =	wrdreg $0xFFFFFFFF;
	(pc) =	sbr.abs _section_cstart, $3  }
0xc0: {  	[dreg:$0x1] =	wrdreg $0xFFFFFFFF  }
0xc1: {  	_ =	task.clear_ibuf [dreg:s6], $0x2FFFF;
	_ =	strace $0x9FFFFFFF  }
0xc2: {  	(tm) =	ssettm $0x7FFFFFFF  }
0xc3: {  	_ =	shalt  }
tec
execute0_lowered:
.L_overlay_start_1:
0x0: {  	(tag) =	ssettag $0x1  }
0x1: {  	s0 =	rddreg [dreg:$0x0]  }
0x2: {  	s1 =	rddreg [dreg:$0x1];
	s2 =	simm.s32 $0x0  }
0x3: {  	s9 =	stileid.u32;
	s4 =	srdreg.scid;
	s30 =	simm.s32 $0x1  }
0x4: {  	s31 =	simm.s32 $0x7620;
	[smem:$0x7FF] =	sst s2;
	s3 =	smul.u32 $0x4E2, s9  }
0x5: {  	s5 =	sadd.s32 $0xA600, s0;
	s4 =	sand.u32 $0x1, s4;
	s7 =	smul.u32 $0x5000, s9  }
0x6: {  	s26 =	sadd.s32 $0xA8800, s0;
	s8 =	sadd.s32 $0xAC00, s0;
	s19 =	smul.u32 $0x140, s9  }
0x7: {  	_ =	strace $0x8000004D;
	[dreg:$0x3] =	wrdreg s5;
	s6 =	ssub.s32 $0x2, s4  }
0x8: {  	[dreg:$0x4] =	wrdreg s8;
	s24 =	smul.u32 $0x2800, s4;
	s5 =	simm.s32 $0x0  }
0x9: {  	s3 =	sadd.s32 s3, s0;
	s20 =	sshrl.u32 s6, $0x1;
	s0 =	sadd.s32 $0xAE00, s0  }
0xa: {  	s22 =	sshrl.u32 s7, $0x2;
	s7 =	sadd.s32 s19, s1;
	s23 =	sshrl.u32 s19, $0x3  }
0xb: {  	s25 =	sadd.s32 $0x1400, s19;
	s6 =	ssub.s32 s6, s20;
	s21 =	sadd.s32 $0x5600, s3  }
0xc: {  	s3 =	sadd.s32 $0x600, s3;
	s8 =	sadd.s32 s22, s1;
	s9 =	sadd.s32 $0x1400, s7  }
0xd: {  	s10 =	sadd.s32 $0x2800, s7;
	s11 =	sadd.s32 $0x3C00, s7;
	s12 =	sadd.s32 $0x5000, s7  }
0xe: {  	s13 =	sadd.s32 $0x6400, s7;
	s14 =	sadd.s32 $0x7800, s7;
	s15 =	sadd.s32 $0x8C00, s7  }
0xf: {  	s16 =	sadd.s32 $0xA000, s7;
	s17 =	sadd.s32 $0xB400, s7;
	s18 =	sadd.s32 $0xC800, s7  }
0x10: {  	s1 =	sadd.s32 s26, s23;
	s4 =	sadd.s32 s19, s24;
	[dreg:$0x5] =	wrdreg s21  }
0x11: {  	s28 =	sadd.s32 $0x11800, s7;
	s29 =	sadd.s32 $0x12C00, s7;
	[dreg:$0x6] =	wrdreg s3  }
0x12: {  	[dreg:$0x7] =	wrdreg s1;
	s3 =	sadd.s32 s24, s25;
	s1 =	sshrl.u32 s25, $0x3  }
0x13: {  	s4 =	sshrl.u32 s4, $0x3;
	s21 =	sadd.s32 $0xDC00, s7;
	s24 =	sadd.s32 $0xF000, s7  }
0x14: {  	s25 =	smax.u32 s6, $0x1;
	s20 =	sadd.s32 s26, s1;
	s26 =	sshrl.u32 s3, $0x3  }
0x15: {  	s22 =	sadd.s32 s0, s4;
	s3 =	simm.s32 $0x9F60;
	s4 =	simm.s32 $0xA0A0  }
0x16: {  	v0 =	vimm.f32 $0.0e+00;
	s23 =	sadd.s32 s0, s26;
	s26 =	sadd.s32 $0x10400, s7;
	s0 =	simm.s32 $0x4E20  }
.LBB2_1:
0x17: {  	s1 =	rddreg [dreg:$0x5]  }
0x18: {  	[tilespmem:s2], [sflag:$0x1] =	stream.linear.gather [hbm4b:s1+s2], $0x2710, $0x38;
	[tilespmem:$0xB5F0] =	vst v63  }
0x19: {  	_ =	swait.ge [sflag:s30], $0x2710  }
0x1a: {  	[sflag:s30] =	ssyncset.done $0x0  }
0x1b: {  	s6 =	simm.s32 $0x2710;
	s19 =	rddreg [dreg:$0x6];
	[sflag:s30] =	ssyncadd.s32 $0xFFFFD8F0  }
0x1c: {  	[tilespmem:s6], [sflag:$0x1] =	stream.linear.gather [hbm4b:s19+s2], $0x2710, $0x38;
	[tilespmem:$0xB5F0] =	vst v63  }
0x1d: {  	_ =	swait.ge [sflag:s30], $0x2710  }
0x1e: {  	[sflag:s30] =	ssyncset.done $0x0  }
0x1f: {  	s19 =	rddreg [dreg:$0x3];
	[sflag:s30] =	ssyncadd.s32 $0xFFFFD8F0  }
0x20: {  	[tilespmem:s0], [sflag:$0x1] =	stream.linear.gather [hbm4b:s19+s2], $0x2710, $0x38;
	[tilespmem:$0xB5F0] =	vst v63  }
0x21: {  	_ =	swait.ge [sflag:s30], $0x2710  }
0x22: {  	[sflag:s30] =	ssyncset.done $0x0  }
0x23: {  	s19 =	simm.s32 $0xA1E0;
	s6 =	rddreg [dreg:$0x4];
	[sflag:s30] =	ssyncadd.s32 $0xFFFFD8F0  }
0x24: {  	[tilespmem:s19], [sflag:$0x1] =	stream.linear.gather [hbm4b:s6+s2], $0x10, $0x38;
	[tilespmem:$0xB5F0] =	vst v63  }
0x25: {  	_ =	swait.ge [sflag:s30], $0x10  }
0x26: {  	[sflag:s30] =	ssyncset.done $0x0  }
0x27: {  	s6 =	simm.s32 $0x0;
	[sflag:s30] =	ssyncadd.s32 $0xFFFFFFF0  }
.LBB2_2:
0x28: {  	p0 =	sne.s32 s6, $0x9FC0  }
.Ltmp0:
0x29: {  	_ = 	snop;
	(pc) =	sbr.rel @p0 .LBB2_2-.Ltmp0, $3  }
0x2a: {  	_ =	sdelay $0x1  }
0x2b: {  	s19 =	sshra.s32 s6, $0x2  }
0x2c: {  	s6 =	sadd.s32 $0x40, s6;
	[tilespmem:s19+$0x7620] =	vst v0  }
0x2d: {  	s6 =	simm.s32 $0x0  }
.LBB2_4:
0x2e: {  	s19 =	sshra.s32 s6, $0x2  }
0x2f: {  	v1 =	vld [tilespmem:s19+$0x0];
	_ =	sdelay $0x4  }
0x30: {  	v2 =	vld [tilespmem:s19+$0x2710];
	_ =	sdelay $0x2  }
0x31: {  	v1 =	vld.idx.msk [tilespmem:v1+s0+$0x0], $0xffff;
	_ =	sdelay $0x4  }
0x32: {  	[tilespmem:v2+s31+$0x0] =	vst.idx.add.f32.msk $0xffff, v1  }
0x33: {  	v1 =	vld [tilespmem:s19+$0x10];
	_ =	sdelay $0x4  }
0x34: {  	v2 =	vld [tilespmem:s19+$0x2720];
	_ =	sdelay $0x2  }
0x35: {  	v1 =	vld.idx.msk [tilespmem:v1+s0+$0x0], $0xffff;
	_ =	sdelay $0x4  }
0x36: {  	[tilespmem:v2+s31+$0x0] =	vst.idx.add.f32.msk $0xffff, v1  }
0x37: {  	v1 =	vld [tilespmem:s19+$0x20];
	_ =	sdelay $0x4  }
0x38: {  	v2 =	vld [tilespmem:s19+$0x2730];
	_ =	sdelay $0x2  }
0x39: {  	v1 =	vld.idx.msk [tilespmem:v1+s0+$0x0], $0xffff;
	_ =	sdelay $0x4  }
0x3a: {  	[tilespmem:v2+s31+$0x0] =	vst.idx.add.f32.msk $0xffff, v1  }
0x3b: {  	v1 =	vld [tilespmem:s19+$0x30];
	_ =	sdelay $0x4  }
0x3c: {  	v2 =	vld [tilespmem:s19+$0x2740];
	_ =	sdelay $0x2  }
0x3d: {  	v1 =	vld.idx.msk [tilespmem:v1+s0+$0x0], $0xffff;
	_ =	sdelay $0x4  }
0x3e: {  	[tilespmem:v2+s31+$0x0] =	vst.idx.add.f32.msk $0xffff, v1  }
0x3f: {  	v1 =	vld [tilespmem:s19+$0x40];
	_ =	sdelay $0x4  }
0x40: {  	v2 =	vld [tilespmem:s19+$0x2750];
	_ =	sdelay $0x2  }
0x41: {  	p0 =	sne.s32 s6, $0x9B00;
	v1 =	vld.idx.msk [tilespmem:v1+s0+$0x0], $0xffff  }
.Ltmp1:
0x42: {  	_ = 	snop;
	(pc) =	sbr.rel @p0 .LBB2_4-.Ltmp1, $2  }
0x43: {  	_ =	sdelay $0x2  }
0x44: {  	s6 =	sadd.s32 $0x140, s6;
	[tilespmem:v2+s31+$0x0] =	vst.idx.add.f32.msk $0xffff, v1  }
0x45: {  	v1 =	vld [tilespmem:$0xA1E0];
	[spmem:s8] =	stream.linear.scatter [tilespmem:s31], [sflag:$0x1], $0x1400, $0x38  }
0x46: {  	_ =	swait.ge [sflag:s30], $0x1400  }
0x47: {  	[sflag:s30] =	ssyncset.done $0x0  }
0x48: {  	[sflag:s30] =	ssyncadd.s32 $0xFFFFEC00  }
0x49: {  	s1 =	simm.s32 $0x9E20;
	[bflag:$0x0] =	sbarrier.arrive $0xFFFF  }
0x4a: {  	[tilespmem:s1], [sflag:$0x1] =	stream.linear.gather [spmem:s7], $0x140, $0x38;
	[tilespmem:$0xB5F0] =	vst v63  }
0x4b: {  	_ =	swait.ge [sflag:s30], $0x140  }
0x4c: {  	[sflag:s30] =	ssyncset.done $0x0  }
0x4d: {  	[sflag:s30] =	ssyncadd.s32 $0xFFFFFEC0  }
0x4e: {  	[tilespmem:s3], [sflag:$0x1] =	stream.linear.gather [spmem:s9], $0x140, $0x38;
	[tilespmem:$0xB5F0] =	vst v63  }
0x4f: {  	_ =	swait.ge [sflag:s30], $0x140  }
0x50: {  	[sflag:s30] =	ssyncset.done $0x0  }
0x51: {  	s6 =	simm.s32 $0x0;
	[sflag:s30] =	ssyncadd.s32 $0xFFFFFEC0  }
0x52: {  	s19 =	simm.s32 $0x40;
	v2 =	vld [tilespmem:s6+$0x9F60]  }
.LBB2_6:
0x53: {  	p0 =	sne.s32 s19, $0x4C0;
	v3 =	vld [tilespmem:s6+$0x9E20];
	_ =	sdelay $0x2  }
.Ltmp2:
0x54: {  	(pc) =	sbr.rel @p0 .LBB2_6-.Ltmp2, $4  }
0x55: {  	_ = 	snop  }
0x56: {  	v3 =	vadd.f32 v2, v3  }
0x57: {  	s1 =	sshra.s32 s19, $0x2  }
0x58: {  	s19 =	sadd.s32 $0x40, s19;
	v2 =	vld [tilespmem:s1+$0x9F60];
	[tilespmem:s6+$0x9E20] =	vst v3;
	s6 =	smov.u32 s1  }
0x59: {  	v3 =	vld [tilespmem:s6+$0x9E20];
	_ =	sdelay $0x4  }
0x5a: {  	v2 =	vadd.f32 v2, v3;
	_ =	sdelay $0x1  }
0x5b: {  	[tilespmem:s6+$0x9E20] =	vst v2  }
0x5c: {  	[tilespmem:s3], [sflag:$0x1] =	stream.linear.gather [spmem:s10], $0x140, $0x38;
	[tilespmem:$0xB5F0] =	vst v63  }
0x5d: {  	_ =	swait.ge [sflag:s30], $0x140  }
0x5e: {  	[sflag:s30] =	ssyncset.done $0x0  }
0x5f: {  	s6 =	simm.s32 $0x0;
	[sflag:s30] =	ssyncadd.s32 $0xFFFFFEC0  }
0x60: {  	s19 =	simm.s32 $0x40;
	v2 =	vld [tilespmem:s6+$0x9F60]  }
.LBB2_8:
0x61: {  	p0 =	sne.s32 s19, $0x4C0;
	v3 =	vld [tilespmem:s6+$0x9E20];
	_ =	sdelay $0x2  }
.Ltmp3:
0x62: {  	(pc) =	sbr.rel @p0 .LBB2_8-.Ltmp3, $4  }
0x63: {  	_ = 	snop  }
0x64: {  	v3 =	vadd.f32 v2, v3  }
0x65: {  	s1 =	sshra.s32 s19, $0x2  }
0x66: {  	s19 =	sadd.s32 $0x40, s19;
	v2 =	vld [tilespmem:s1+$0x9F60];
	[tilespmem:s6+$0x9E20] =	vst v3;
	s6 =	smov.u32 s1  }
0x67: {  	v3 =	vld [tilespmem:s6+$0x9E20];
	_ =	sdelay $0x4  }
0x68: {  	v2 =	vadd.f32 v2, v3;
	_ =	sdelay $0x1  }
0x69: {  	[tilespmem:s6+$0x9E20] =	vst v2  }
0x6a: {  	[tilespmem:s3], [sflag:$0x1] =	stream.linear.gather [spmem:s11], $0x140, $0x38;
	[tilespmem:$0xB5F0] =	vst v63  }
0x6b: {  	_ =	swait.ge [sflag:s30], $0x140  }
0x6c: {  	[sflag:s30] =	ssyncset.done $0x0  }
0x6d: {  	s6 =	simm.s32 $0x0;
	[sflag:s30] =	ssyncadd.s32 $0xFFFFFEC0  }
0x6e: {  	s19 =	simm.s32 $0x40;
	v2 =	vld [tilespmem:s6+$0x9F60]  }
.LBB2_10:
0x6f: {  	p0 =	sne.s32 s19, $0x4C0;
	v3 =	vld [tilespmem:s6+$0x9E20];
	_ =	sdelay $0x2  }
.Ltmp4:
0x70: {  	(pc) =	sbr.rel @p0 .LBB2_10-.Ltmp4, $4  }
0x71: {  	_ = 	snop  }
0x72: {  	v3 =	vadd.f32 v2, v3  }
0x73: {  	s1 =	sshra.s32 s19, $0x2  }
0x74: {  	s19 =	sadd.s32 $0x40, s19;
	v2 =	vld [tilespmem:s1+$0x9F60];
	[tilespmem:s6+$0x9E20] =	vst v3;
	s6 =	smov.u32 s1  }
0x75: {  	v3 =	vld [tilespmem:s6+$0x9E20];
	_ =	sdelay $0x4  }
0x76: {  	v2 =	vadd.f32 v2, v3;
	_ =	sdelay $0x1  }
0x77: {  	[tilespmem:s6+$0x9E20] =	vst v2  }
0x78: {  	[tilespmem:s3], [sflag:$0x1] =	stream.linear.gather [spmem:s12], $0x140, $0x38;
	[tilespmem:$0xB5F0] =	vst v63  }
0x79: {  	_ =	swait.ge [sflag:s30], $0x140  }
0x7a: {  	[sflag:s30] =	ssyncset.done $0x0  }
0x7b: {  	s6 =	simm.s32 $0x0;
	[sflag:s30] =	ssyncadd.s32 $0xFFFFFEC0  }
0x7c: {  	s19 =	simm.s32 $0x40;
	v2 =	vld [tilespmem:s6+$0x9F60]  }
.LBB2_12:
0x7d: {  	p0 =	sne.s32 s19, $0x4C0;
	v3 =	vld [tilespmem:s6+$0x9E20];
	_ =	sdelay $0x2  }
.Ltmp5:
0x7e: {  	(pc) =	sbr.rel @p0 .LBB2_12-.Ltmp5, $4  }
0x7f: {  	_ = 	snop  }
0x80: {  	v3 =	vadd.f32 v2, v3  }
0x81: {  	s1 =	sshra.s32 s19, $0x2  }
0x82: {  	s19 =	sadd.s32 $0x40, s19;
	v2 =	vld [tilespmem:s1+$0x9F60];
	[tilespmem:s6+$0x9E20] =	vst v3;
	s6 =	smov.u32 s1  }
0x83: {  	v3 =	vld [tilespmem:s6+$0x9E20];
	_ =	sdelay $0x4  }
0x84: {  	v2 =	vadd.f32 v2, v3;
	_ =	sdelay $0x1  }
0x85: {  	[tilespmem:s6+$0x9E20] =	vst v2  }
0x86: {  	[tilespmem:s3], [sflag:$0x1] =	stream.linear.gather [spmem:s13], $0x140, $0x38;
	[tilespmem:$0xB5F0] =	vst v63  }
0x87: {  	_ =	swait.ge [sflag:s30], $0x140  }
0x88: {  	[sflag:s30] =	ssyncset.done $0x0  }
0x89: {  	s6 =	simm.s32 $0x0;
	[sflag:s30] =	ssyncadd.s32 $0xFFFFFEC0  }
0x8a: {  	s19 =	simm.s32 $0x40;
	v2 =	vld [tilespmem:s6+$0x9F60]  }
.LBB2_14:
0x8b: {  	p0 =	sne.s32 s19, $0x4C0;
	v3 =	vld [tilespmem:s6+$0x9E20];
	_ =	sdelay $0x2  }
.Ltmp6:
0x8c: {  	(pc) =	sbr.rel @p0 .LBB2_14-.Ltmp6, $4  }
0x8d: {  	_ = 	snop  }
0x8e: {  	v3 =	vadd.f32 v2, v3  }
0x8f: {  	s1 =	sshra.s32 s19, $0x2  }
0x90: {  	s19 =	sadd.s32 $0x40, s19;
	v2 =	vld [tilespmem:s1+$0x9F60];
	[tilespmem:s6+$0x9E20] =	vst v3;
	s6 =	smov.u32 s1  }
0x91: {  	v3 =	vld [tilespmem:s6+$0x9E20];
	_ =	sdelay $0x4  }
0x92: {  	v2 =	vadd.f32 v2, v3;
	_ =	sdelay $0x1  }
0x93: {  	[tilespmem:s6+$0x9E20] =	vst v2  }
0x94: {  	[tilespmem:s3], [sflag:$0x1] =	stream.linear.gather [spmem:s14], $0x140, $0x38;
	[tilespmem:$0xB5F0] =	vst v63  }
0x95: {  	_ =	swait.ge [sflag:s30], $0x140  }
0x96: {  	[sflag:s30] =	ssyncset.done $0x0  }
0x97: {  	s6 =	simm.s32 $0x0;
	[sflag:s30] =	ssyncadd.s32 $0xFFFFFEC0  }
0x98: {  	s19 =	simm.s32 $0x40;
	v2 =	vld [tilespmem:s6+$0x9F60]  }
.LBB2_16:
0x99: {  	p0 =	sne.s32 s19, $0x4C0;
	v3 =	vld [tilespmem:s6+$0x9E20];
	_ =	sdelay $0x2  }
.Ltmp7:
0x9a: {  	(pc) =	sbr.rel @p0 .LBB2_16-.Ltmp7, $4  }
0x9b: {  	_ = 	snop  }
0x9c: {  	v3 =	vadd.f32 v2, v3  }
0x9d: {  	s1 =	sshra.s32 s19, $0x2  }
0x9e: {  	s19 =	sadd.s32 $0x40, s19;
	v2 =	vld [tilespmem:s1+$0x9F60];
	[tilespmem:s6+$0x9E20] =	vst v3;
	s6 =	smov.u32 s1  }
0x9f: {  	v3 =	vld [tilespmem:s6+$0x9E20];
	_ =	sdelay $0x4  }
0xa0: {  	v2 =	vadd.f32 v2, v3;
	_ =	sdelay $0x1  }
0xa1: {  	[tilespmem:s6+$0x9E20] =	vst v2  }
0xa2: {  	[tilespmem:s3], [sflag:$0x1] =	stream.linear.gather [spmem:s15], $0x140, $0x38;
	[tilespmem:$0xB5F0] =	vst v63  }
0xa3: {  	_ =	swait.ge [sflag:s30], $0x140  }
0xa4: {  	[sflag:s30] =	ssyncset.done $0x0  }
0xa5: {  	s6 =	simm.s32 $0x0;
	[sflag:s30] =	ssyncadd.s32 $0xFFFFFEC0  }
0xa6: {  	s19 =	simm.s32 $0x40;
	v2 =	vld [tilespmem:s6+$0x9F60]  }
.LBB2_18:
0xa7: {  	p0 =	sne.s32 s19, $0x4C0;
	v3 =	vld [tilespmem:s6+$0x9E20];
	_ =	sdelay $0x2  }
.Ltmp8:
0xa8: {  	(pc) =	sbr.rel @p0 .LBB2_18-.Ltmp8, $4  }
0xa9: {  	_ = 	snop  }
0xaa: {  	v3 =	vadd.f32 v2, v3  }
0xab: {  	s1 =	sshra.s32 s19, $0x2  }
0xac: {  	s19 =	sadd.s32 $0x40, s19;
	v2 =	vld [tilespmem:s1+$0x9F60];
	[tilespmem:s6+$0x9E20] =	vst v3;
	s6 =	smov.u32 s1  }
0xad: {  	v3 =	vld [tilespmem:s6+$0x9E20];
	_ =	sdelay $0x4  }
0xae: {  	v2 =	vadd.f32 v2, v3;
	_ =	sdelay $0x1  }
0xaf: {  	[tilespmem:s6+$0x9E20] =	vst v2  }
0xb0: {  	[tilespmem:s3], [sflag:$0x1] =	stream.linear.gather [spmem:s16], $0x140, $0x38;
	[tilespmem:$0xB5F0] =	vst v63  }
0xb1: {  	_ =	swait.ge [sflag:s30], $0x140  }
0xb2: {  	[sflag:s30] =	ssyncset.done $0x0  }
0xb3: {  	s6 =	simm.s32 $0x0;
	[sflag:s30] =	ssyncadd.s32 $0xFFFFFEC0  }
0xb4: {  	s19 =	simm.s32 $0x40;
	v2 =	vld [tilespmem:s6+$0x9F60]  }
.LBB2_20:
0xb5: {  	p0 =	sne.s32 s19, $0x4C0;
	v3 =	vld [tilespmem:s6+$0x9E20];
	_ =	sdelay $0x2  }
.Ltmp9:
0xb6: {  	(pc) =	sbr.rel @p0 .LBB2_20-.Ltmp9, $4  }
0xb7: {  	_ = 	snop  }
0xb8: {  	v3 =	vadd.f32 v2, v3  }
0xb9: {  	s1 =	sshra.s32 s19, $0x2  }
0xba: {  	s19 =	sadd.s32 $0x40, s19;
	v2 =	vld [tilespmem:s1+$0x9F60];
	[tilespmem:s6+$0x9E20] =	vst v3;
	s6 =	smov.u32 s1  }
0xbb: {  	v3 =	vld [tilespmem:s6+$0x9E20];
	_ =	sdelay $0x4  }
0xbc: {  	v2 =	vadd.f32 v2, v3;
	_ =	sdelay $0x1  }
0xbd: {  	[tilespmem:s6+$0x9E20] =	vst v2  }
0xbe: {  	[tilespmem:s3], [sflag:$0x1] =	stream.linear.gather [spmem:s17], $0x140, $0x38;
	[tilespmem:$0xB5F0] =	vst v63  }
0xbf: {  	_ =	swait.ge [sflag:s30], $0x140  }
0xc0: {  	[sflag:s30] =	ssyncset.done $0x0  }
0xc1: {  	s6 =	simm.s32 $0x0;
	[sflag:s30] =	ssyncadd.s32 $0xFFFFFEC0  }
0xc2: {  	s19 =	simm.s32 $0x40;
	v2 =	vld [tilespmem:s6+$0x9F60]  }
.LBB2_22:
0xc3: {  	p0 =	sne.s32 s19, $0x4C0;
	v3 =	vld [tilespmem:s6+$0x9E20];
	_ =	sdelay $0x2  }
.Ltmp10:
0xc4: {  	(pc) =	sbr.rel @p0 .LBB2_22-.Ltmp10, $4  }
0xc5: {  	_ = 	snop  }
0xc6: {  	v3 =	vadd.f32 v2, v3  }
0xc7: {  	s1 =	sshra.s32 s19, $0x2  }
0xc8: {  	s19 =	sadd.s32 $0x40, s19;
	v2 =	vld [tilespmem:s1+$0x9F60];
	[tilespmem:s6+$0x9E20] =	vst v3;
	s6 =	smov.u32 s1  }
0xc9: {  	v3 =	vld [tilespmem:s6+$0x9E20];
	_ =	sdelay $0x4  }
0xca: {  	v2 =	vadd.f32 v2, v3;
	_ =	sdelay $0x1  }
0xcb: {  	[tilespmem:s6+$0x9E20] =	vst v2  }
0xcc: {  	[tilespmem:s3], [sflag:$0x1] =	stream.linear.gather [spmem:s18], $0x140, $0x38;
	[tilespmem:$0xB5F0] =	vst v63  }
0xcd: {  	_ =	swait.ge [sflag:s30], $0x140  }
0xce: {  	[sflag:s30] =	ssyncset.done $0x0  }
0xcf: {  	s6 =	simm.s32 $0x0;
	[sflag:s30] =	ssyncadd.s32 $0xFFFFFEC0  }
0xd0: {  	s19 =	simm.s32 $0x40;
	v2 =	vld [tilespmem:s6+$0x9F60]  }
.LBB2_24:
0xd1: {  	p0 =	sne.s32 s19, $0x4C0;
	v3 =	vld [tilespmem:s6+$0x9E20];
	_ =	sdelay $0x2  }
.Ltmp11:
0xd2: {  	(pc) =	sbr.rel @p0 .LBB2_24-.Ltmp11, $4  }
0xd3: {  	_ = 	snop  }
0xd4: {  	v3 =	vadd.f32 v2, v3  }
0xd5: {  	s1 =	sshra.s32 s19, $0x2  }
0xd6: {  	s19 =	sadd.s32 $0x40, s19;
	v2 =	vld [tilespmem:s1+$0x9F60];
	[tilespmem:s6+$0x9E20] =	vst v3;
	s6 =	smov.u32 s1  }
0xd7: {  	v3 =	vld [tilespmem:s6+$0x9E20];
	_ =	sdelay $0x4  }
0xd8: {  	v2 =	vadd.f32 v2, v3;
	_ =	sdelay $0x1  }
0xd9: {  	[tilespmem:s6+$0x9E20] =	vst v2  }
0xda: {  	[tilespmem:s3], [sflag:$0x1] =	stream.linear.gather [spmem:s21], $0x140, $0x38;
	[tilespmem:$0xB5F0] =	vst v63  }
0xdb: {  	_ =	swait.ge [sflag:s30], $0x140  }
0xdc: {  	[sflag:s30] =	ssyncset.done $0x0  }
0xdd: {  	s6 =	simm.s32 $0x0;
	[sflag:s30] =	ssyncadd.s32 $0xFFFFFEC0  }
0xde: {  	s19 =	simm.s32 $0x40;
	v2 =	vld [tilespmem:s6+$0x9F60]  }
.LBB2_26:
0xdf: {  	p0 =	sne.s32 s19, $0x4C0;
	v3 =	vld [tilespmem:s6+$0x9E20];
	_ =	sdelay $0x2  }
.Ltmp12:
0xe0: {  	(pc) =	sbr.rel @p0 .LBB2_26-.Ltmp12, $4  }
0xe1: {  	_ = 	snop  }
0xe2: {  	v3 =	vadd.f32 v2, v3  }
0xe3: {  	s1 =	sshra.s32 s19, $0x2  }
0xe4: {  	s19 =	sadd.s32 $0x40, s19;
	v2 =	vld [tilespmem:s1+$0x9F60];
	[tilespmem:s6+$0x9E20] =	vst v3;
	s6 =	smov.u32 s1  }
0xe5: {  	v3 =	vld [tilespmem:s6+$0x9E20];
	_ =	sdelay $0x4  }
0xe6: {  	v2 =	vadd.f32 v2, v3;
	_ =	sdelay $0x1  }
0xe7: {  	[tilespmem:s6+$0x9E20] =	vst v2  }
0xe8: {  	[tilespmem:s3], [sflag:$0x1] =	stream.linear.gather [spmem:s24], $0x140, $0x38;
	[tilespmem:$0xB5F0] =	vst v63  }
0xe9: {  	_ =	swait.ge [sflag:s30], $0x140  }
0xea: {  	[sflag:s30] =	ssyncset.done $0x0  }
0xeb: {  	s6 =	simm.s32 $0x0;
	[sflag:s30] =	ssyncadd.s32 $0xFFFFFEC0  }
0xec: {  	s19 =	simm.s32 $0x40;
	v2 =	vld [tilespmem:s6+$0x9F60]  }
.LBB2_28:
0xed: {  	p0 =	sne.s32 s19, $0x4C0;
	v3 =	vld [tilespmem:s6+$0x9E20];
	_ =	sdelay $0x2  }
.Ltmp13:
0xee: {  	(pc) =	sbr.rel @p0 .LBB2_28-.Ltmp13, $4  }
0xef: {  	_ = 	snop  }
0xf0: {  	v3 =	vadd.f32 v2, v3  }
0xf1: {  	s1 =	sshra.s32 s19, $0x2  }
0xf2: {  	s19 =	sadd.s32 $0x40, s19;
	v2 =	vld [tilespmem:s1+$0x9F60];
	[tilespmem:s6+$0x9E20] =	vst v3;
	s6 =	smov.u32 s1  }
0xf3: {  	v3 =	vld [tilespmem:s6+$0x9E20];
	_ =	sdelay $0x4  }
0xf4: {  	v2 =	vadd.f32 v2, v3;
	_ =	sdelay $0x1  }
0xf5: {  	[tilespmem:s6+$0x9E20] =	vst v2  }
0xf6: {  	[tilespmem:s3], [sflag:$0x1] =	stream.linear.gather [spmem:s26], $0x140, $0x38;
	[tilespmem:$0xB5F0] =	vst v63  }
0xf7: {  	_ =	swait.ge [sflag:s30], $0x140  }
0xf8: {  	[sflag:s30] =	ssyncset.done $0x0  }
0xf9: {  	s6 =	simm.s32 $0x0;
	[sflag:s30] =	ssyncadd.s32 $0xFFFFFEC0  }
0xfa: {  	s19 =	simm.s32 $0x40;
	v2 =	vld [tilespmem:s6+$0x9F60]  }
.LBB2_30:
0xfb: {  	p0 =	sne.s32 s19, $0x4C0;
	v3 =	vld [tilespmem:s6+$0x9E20];
	_ =	sdelay $0x2  }
.Ltmp14:
0xfc: {  	(pc) =	sbr.rel @p0 .LBB2_30-.Ltmp14, $4  }
0xfd: {  	_ = 	snop  }
0xfe: {  	v3 =	vadd.f32 v2, v3  }
0xff: {  	s1 =	sshra.s32 s19, $0x2  }
0x100: {  	s19 =	sadd.s32 $0x40, s19;
	v2 =	vld [tilespmem:s1+$0x9F60];
	[tilespmem:s6+$0x9E20] =	vst v3;
	s6 =	smov.u32 s1  }
0x101: {  	v3 =	vld [tilespmem:s6+$0x9E20];
	_ =	sdelay $0x4  }
0x102: {  	v2 =	vadd.f32 v2, v3;
	_ =	sdelay $0x1  }
0x103: {  	[tilespmem:s6+$0x9E20] =	vst v2  }
0x104: {  	[tilespmem:s3], [sflag:$0x1] =	stream.linear.gather [spmem:s28], $0x140, $0x38;
	[tilespmem:$0xB5F0] =	vst v63  }
0x105: {  	_ =	swait.ge [sflag:s30], $0x140  }
0x106: {  	[sflag:s30] =	ssyncset.done $0x0  }
0x107: {  	s6 =	simm.s32 $0x0;
	[sflag:s30] =	ssyncadd.s32 $0xFFFFFEC0  }
0x108: {  	s19 =	simm.s32 $0x40;
	v2 =	vld [tilespmem:s6+$0x9F60]  }
.LBB2_32:
0x109: {  	p0 =	sne.s32 s19, $0x4C0;
	v3 =	vld [tilespmem:s6+$0x9E20];
	_ =	sdelay $0x2  }
.Ltmp15:
0x10a: {  	(pc) =	sbr.rel @p0 .LBB2_32-.Ltmp15, $4  }
0x10b: {  	_ = 	snop  }
0x10c: {  	v3 =	vadd.f32 v2, v3  }
0x10d: {  	s1 =	sshra.s32 s19, $0x2  }
0x10e: {  	s19 =	sadd.s32 $0x40, s19;
	v2 =	vld [tilespmem:s1+$0x9F60];
	[tilespmem:s6+$0x9E20] =	vst v3;
	s6 =	smov.u32 s1  }
0x10f: {  	v3 =	vld [tilespmem:s6+$0x9E20];
	_ =	sdelay $0x4  }
0x110: {  	v2 =	vadd.f32 v2, v3;
	_ =	sdelay $0x1  }
0x111: {  	[tilespmem:s6+$0x9E20] =	vst v2  }
0x112: {  	[tilespmem:s3], [sflag:$0x1] =	stream.linear.gather [spmem:s29], $0x140, $0x38;
	[tilespmem:$0xB5F0] =	vst v63  }
0x113: {  	_ =	swait.ge [sflag:s30], $0x140  }
0x114: {  	[sflag:s30] =	ssyncset.done $0x0  }
0x115: {  	s6 =	simm.s32 $0x0;
	[sflag:s30] =	ssyncadd.s32 $0xFFFFFEC0  }
0x116: {  	s19 =	simm.s32 $0x40;
	v2 =	vld [tilespmem:s6+$0x9F60]  }
.LBB2_34:
0x117: {  	p0 =	sne.s32 s19, $0x4C0;
	v3 =	vld [tilespmem:s6+$0x9E20];
	_ =	sdelay $0x2  }
.Ltmp16:
0x118: {  	(pc) =	sbr.rel @p0 .LBB2_34-.Ltmp16, $4  }
0x119: {  	_ = 	snop  }
0x11a: {  	v3 =	vadd.f32 v2, v3  }
0x11b: {  	s1 =	sshra.s32 s19, $0x2  }
0x11c: {  	s19 =	sadd.s32 $0x40, s19;
	v2 =	vld [tilespmem:s1+$0x9F60];
	[tilespmem:s6+$0x9E20] =	vst v3;
	s6 =	smov.u32 s1  }
0x11d: {  	v3 =	vld [tilespmem:s6+$0x9E20];
	_ =	sdelay $0x4  }
0x11e: {  	v2 =	vadd.f32 v2, v3;
	_ =	sdelay $0x1  }
0x11f: {  	s1 =	simm.s32 $0x0;
	s19 =	rddreg [dreg:$0x7];
	[tilespmem:s6+$0x9E20] =	vst v2  }
0x120: {  	[tilespmem:s3], [sflag:$0x1] =	stream.linear.gather [hbm4b:s19+s1], $0x140, $0x38;
	[tilespmem:$0xB5F0] =	vst v63  }
0x121: {  	_ =	swait.ge [sflag:s30], $0x140  }
0x122: {  	[sflag:s30] =	ssyncset.done $0x0  }
0x123: {  	s6 =	simm.s32 $0x0;
	[sflag:s30] =	ssyncadd.s32 $0xFFFFFEC0  }
0x124: {  	v2 =	vld [tilespmem:s6+$0x9E20]  }
0x125: {  	v3 =	vld [tilespmem:s6+$0x9F60];
	_ =	sdelay $0x2  }
0x126: {  	s19 =	simm.s32 $0x40  }
.LBB2_36:
0x127: {  	s1 =	sshra.s32 s19, $0x2;
	p0 =	sne.s32 s19, $0x4C0  }
.Ltmp17:
0x128: {  	s19 =	sadd.s32 $0x40, s19;
	v4 =	vmul.f32 v3, v2;
	v2 =	vld [tilespmem:s1+$0x9E20];
	(pc) =	sbr.rel @p0 .LBB2_36-.Ltmp17, $3  }
0x129: {  	v3 =	vld [tilespmem:s1+$0x9F60]  }
0x12a: {  	v4 =	vadd.f32 v4, v1;
	_ =	sdelay $0x1  }
0x12b: {  	[tilespmem:s6+$0xA0A0] =	vst v4;
	s6 =	smov.u32 s1  }
0x12c: {  	_ = 	snop  }
0x12d: {  	v2 =	vmul.f32 v3, v2;
	_ =	sdelay $0x1  }
0x12e: {  	v2 =	vadd.f32 v2, v1;
	_ =	sdelay $0x1  }
0x12f: {  	s1 =	simm.s32 $0x0;
	[tilespmem:s6+$0xA0A0] =	vst v2  }
0x130: {  	[hbm4b:s22+s1] =	stream.linear.scatter [tilespmem:s4], [sflag:$0x1], $0x140, $0x38;
	[tilespmem:$0xB5F0] =	vst v63  }
0x131: {  	_ =	swait.ge [sflag:s30], $0x140  }
0x132: {  	[sflag:s30] =	ssyncset.done $0x0  }
0x133: {  	[sflag:s30] =	ssyncadd.s32 $0xFFFFFEC0  }
0x134: {  	s6 =	simm.s32 $0x8A20;
	[bflag:$0x0] =	sbarrier.arrive $0xFFFF  }
0x135: {  	[spmem:s8] =	stream.linear.scatter [tilespmem:s6], [sflag:$0x1], $0x1400, $0x38;
	[tilespmem:$0xB5F0] =	vst v63  }
0x136: {  	_ =	swait.ge [sflag:s30], $0x1400  }
0x137: {  	[sflag:s30] =	ssyncset.done $0x0  }
0x138: {  	[sflag:s30] =	ssyncadd.s32 $0xFFFFEC00  }
0x139: {  	s19 =	simm.s32 $0x9E20;
	[bflag:$0x0] =	sbarrier.arrive $0xFFFF  }
0x13a: {  	[tilespmem:s19], [sflag:$0x1] =	stream.linear.gather [spmem:s7], $0x140, $0x38;
	[tilespmem:$0xB5F0] =	vst v63  }
0x13b: {  	_ =	swait.ge [sflag:s30], $0x140  }
0x13c: {  	[sflag:s30] =	ssyncset.done $0x0  }
0x13d: {  	[sflag:s30] =	ssyncadd.s32 $0xFFFFFEC0  }
0x13e: {  	[tilespmem:s3], [sflag:$0x1] =	stream.linear.gather [spmem:s9], $0x140, $0x38;
	[tilespmem:$0xB5F0] =	vst v63  }
0x13f: {  	_ =	swait.ge [sflag:s30], $0x140  }
0x140: {  	[sflag:s30] =	ssyncset.done $0x0  }
0x141: {  	s6 =	simm.s32 $0x0;
	[sflag:s30] =	ssyncadd.s32 $0xFFFFFEC0  }
0x142: {  	s19 =	simm.s32 $0x40;
	v2 =	vld [tilespmem:s6+$0x9F60]  }
.LBB2_38:
0x143: {  	p0 =	sne.s32 s19, $0x4C0;
	v3 =	vld [tilespmem:s6+$0x9E20];
	_ =	sdelay $0x2  }
.Ltmp18:
0x144: {  	(pc) =	sbr.rel @p0 .LBB2_38-.Ltmp18, $4  }
0x145: {  	_ = 	snop  }
0x146: {  	v3 =	vadd.f32 v2, v3  }
0x147: {  	s1 =	sshra.s32 s19, $0x2  }
0x148: {  	s19 =	sadd.s32 $0x40, s19;
	v2 =	vld [tilespmem:s1+$0x9F60];
	[tilespmem:s6+$0x9E20] =	vst v3;
	s6 =	smov.u32 s1  }
0x149: {  	v3 =	vld [tilespmem:s6+$0x9E20];
	_ =	sdelay $0x4  }
0x14a: {  	v2 =	vadd.f32 v2, v3;
	_ =	sdelay $0x1  }
0x14b: {  	[tilespmem:s6+$0x9E20] =	vst v2  }
0x14c: {  	[tilespmem:s3], [sflag:$0x1] =	stream.linear.gather [spmem:s10], $0x140, $0x38;
	[tilespmem:$0xB5F0] =	vst v63  }
0x14d: {  	_ =	swait.ge [sflag:s30], $0x140  }
0x14e: {  	[sflag:s30] =	ssyncset.done $0x0  }
0x14f: {  	s6 =	simm.s32 $0x0;
	[sflag:s30] =	ssyncadd.s32 $0xFFFFFEC0  }
0x150: {  	s19 =	simm.s32 $0x40;
	v2 =	vld [tilespmem:s6+$0x9F60]  }
.LBB2_40:
0x151: {  	p0 =	sne.s32 s19, $0x4C0;
	v3 =	vld [tilespmem:s6+$0x9E20];
	_ =	sdelay $0x2  }
.Ltmp19:
0x152: {  	(pc) =	sbr.rel @p0 .LBB2_40-.Ltmp19, $4  }
0x153: {  	_ = 	snop  }
0x154: {  	v3 =	vadd.f32 v2, v3  }
0x155: {  	s1 =	sshra.s32 s19, $0x2  }
0x156: {  	s19 =	sadd.s32 $0x40, s19;
	v2 =	vld [tilespmem:s1+$0x9F60];
	[tilespmem:s6+$0x9E20] =	vst v3;
	s6 =	smov.u32 s1  }
0x157: {  	v3 =	vld [tilespmem:s6+$0x9E20];
	_ =	sdelay $0x4  }
0x158: {  	v2 =	vadd.f32 v2, v3;
	_ =	sdelay $0x1  }
0x159: {  	[tilespmem:s6+$0x9E20] =	vst v2  }
0x15a: {  	[tilespmem:s3], [sflag:$0x1] =	stream.linear.gather [spmem:s11], $0x140, $0x38;
	[tilespmem:$0xB5F0] =	vst v63  }
0x15b: {  	_ =	swait.ge [sflag:s30], $0x140  }
0x15c: {  	[sflag:s30] =	ssyncset.done $0x0  }
0x15d: {  	s6 =	simm.s32 $0x0;
	[sflag:s30] =	ssyncadd.s32 $0xFFFFFEC0  }
0x15e: {  	s19 =	simm.s32 $0x40;
	v2 =	vld [tilespmem:s6+$0x9F60]  }
.LBB2_42:
0x15f: {  	p0 =	sne.s32 s19, $0x4C0;
	v3 =	vld [tilespmem:s6+$0x9E20];
	_ =	sdelay $0x2  }
.Ltmp20:
0x160: {  	(pc) =	sbr.rel @p0 .LBB2_42-.Ltmp20, $4  }
0x161: {  	_ = 	snop  }
0x162: {  	v3 =	vadd.f32 v2, v3  }
0x163: {  	s1 =	sshra.s32 s19, $0x2  }
0x164: {  	s19 =	sadd.s32 $0x40, s19;
	v2 =	vld [tilespmem:s1+$0x9F60];
	[tilespmem:s6+$0x9E20] =	vst v3;
	s6 =	smov.u32 s1  }
0x165: {  	v3 =	vld [tilespmem:s6+$0x9E20];
	_ =	sdelay $0x4  }
0x166: {  	v2 =	vadd.f32 v2, v3;
	_ =	sdelay $0x1  }
0x167: {  	[tilespmem:s6+$0x9E20] =	vst v2  }
0x168: {  	[tilespmem:s3], [sflag:$0x1] =	stream.linear.gather [spmem:s12], $0x140, $0x38;
	[tilespmem:$0xB5F0] =	vst v63  }
0x169: {  	_ =	swait.ge [sflag:s30], $0x140  }
0x16a: {  	[sflag:s30] =	ssyncset.done $0x0  }
0x16b: {  	s6 =	simm.s32 $0x0;
	[sflag:s30] =	ssyncadd.s32 $0xFFFFFEC0  }
0x16c: {  	s19 =	simm.s32 $0x40;
	v2 =	vld [tilespmem:s6+$0x9F60]  }
.LBB2_44:
0x16d: {  	p0 =	sne.s32 s19, $0x4C0;
	v3 =	vld [tilespmem:s6+$0x9E20];
	_ =	sdelay $0x2  }
.Ltmp21:
0x16e: {  	(pc) =	sbr.rel @p0 .LBB2_44-.Ltmp21, $4  }
0x16f: {  	_ = 	snop  }
0x170: {  	v3 =	vadd.f32 v2, v3  }
0x171: {  	s1 =	sshra.s32 s19, $0x2  }
0x172: {  	s19 =	sadd.s32 $0x40, s19;
	v2 =	vld [tilespmem:s1+$0x9F60];
	[tilespmem:s6+$0x9E20] =	vst v3;
	s6 =	smov.u32 s1  }
0x173: {  	v3 =	vld [tilespmem:s6+$0x9E20];
	_ =	sdelay $0x4  }
0x174: {  	v2 =	vadd.f32 v2, v3;
	_ =	sdelay $0x1  }
0x175: {  	[tilespmem:s6+$0x9E20] =	vst v2  }
0x176: {  	[tilespmem:s3], [sflag:$0x1] =	stream.linear.gather [spmem:s13], $0x140, $0x38;
	[tilespmem:$0xB5F0] =	vst v63  }
0x177: {  	_ =	swait.ge [sflag:s30], $0x140  }
0x178: {  	[sflag:s30] =	ssyncset.done $0x0  }
0x179: {  	s6 =	simm.s32 $0x0;
	[sflag:s30] =	ssyncadd.s32 $0xFFFFFEC0  }
0x17a: {  	s19 =	simm.s32 $0x40;
	v2 =	vld [tilespmem:s6+$0x9F60]  }
.LBB2_46:
0x17b: {  	p0 =	sne.s32 s19, $0x4C0;
	v3 =	vld [tilespmem:s6+$0x9E20];
	_ =	sdelay $0x2  }
.Ltmp22:
0x17c: {  	(pc) =	sbr.rel @p0 .LBB2_46-.Ltmp22, $4  }
0x17d: {  	_ = 	snop  }
0x17e: {  	v3 =	vadd.f32 v2, v3  }
0x17f: {  	s1 =	sshra.s32 s19, $0x2  }
0x180: {  	s19 =	sadd.s32 $0x40, s19;
	v2 =	vld [tilespmem:s1+$0x9F60];
	[tilespmem:s6+$0x9E20] =	vst v3;
	s6 =	smov.u32 s1  }
0x181: {  	v3 =	vld [tilespmem:s6+$0x9E20];
	_ =	sdelay $0x4  }
0x182: {  	v2 =	vadd.f32 v2, v3;
	_ =	sdelay $0x1  }
0x183: {  	[tilespmem:s6+$0x9E20] =	vst v2  }
0x184: {  	[tilespmem:s3], [sflag:$0x1] =	stream.linear.gather [spmem:s14], $0x140, $0x38;
	[tilespmem:$0xB5F0] =	vst v63  }
0x185: {  	_ =	swait.ge [sflag:s30], $0x140  }
0x186: {  	[sflag:s30] =	ssyncset.done $0x0  }
0x187: {  	s6 =	simm.s32 $0x0;
	[sflag:s30] =	ssyncadd.s32 $0xFFFFFEC0  }
0x188: {  	s19 =	simm.s32 $0x40;
	v2 =	vld [tilespmem:s6+$0x9F60]  }
.LBB2_48:
0x189: {  	p0 =	sne.s32 s19, $0x4C0;
	v3 =	vld [tilespmem:s6+$0x9E20];
	_ =	sdelay $0x2  }
.Ltmp23:
0x18a: {  	(pc) =	sbr.rel @p0 .LBB2_48-.Ltmp23, $4  }
0x18b: {  	_ = 	snop  }
0x18c: {  	v3 =	vadd.f32 v2, v3  }
0x18d: {  	s1 =	sshra.s32 s19, $0x2  }
0x18e: {  	s19 =	sadd.s32 $0x40, s19;
	v2 =	vld [tilespmem:s1+$0x9F60];
	[tilespmem:s6+$0x9E20] =	vst v3;
	s6 =	smov.u32 s1  }
0x18f: {  	v3 =	vld [tilespmem:s6+$0x9E20];
	_ =	sdelay $0x4  }
0x190: {  	v2 =	vadd.f32 v2, v3;
	_ =	sdelay $0x1  }
0x191: {  	[tilespmem:s6+$0x9E20] =	vst v2  }
0x192: {  	[tilespmem:s3], [sflag:$0x1] =	stream.linear.gather [spmem:s15], $0x140, $0x38;
	[tilespmem:$0xB5F0] =	vst v63  }
0x193: {  	_ =	swait.ge [sflag:s30], $0x140  }
0x194: {  	[sflag:s30] =	ssyncset.done $0x0  }
0x195: {  	s6 =	simm.s32 $0x0;
	[sflag:s30] =	ssyncadd.s32 $0xFFFFFEC0  }
0x196: {  	s19 =	simm.s32 $0x40;
	v2 =	vld [tilespmem:s6+$0x9F60]  }
.LBB2_50:
0x197: {  	p0 =	sne.s32 s19, $0x4C0;
	v3 =	vld [tilespmem:s6+$0x9E20];
	_ =	sdelay $0x2  }
.Ltmp24:
0x198: {  	(pc) =	sbr.rel @p0 .LBB2_50-.Ltmp24, $4  }
0x199: {  	_ = 	snop  }
0x19a: {  	v3 =	vadd.f32 v2, v3  }
0x19b: {  	s1 =	sshra.s32 s19, $0x2  }
0x19c: {  	s19 =	sadd.s32 $0x40, s19;
	v2 =	vld [tilespmem:s1+$0x9F60];
	[tilespmem:s6+$0x9E20] =	vst v3;
	s6 =	smov.u32 s1  }
0x19d: {  	v3 =	vld [tilespmem:s6+$0x9E20];
	_ =	sdelay $0x4  }
0x19e: {  	v2 =	vadd.f32 v2, v3;
	_ =	sdelay $0x1  }
0x19f: {  	[tilespmem:s6+$0x9E20] =	vst v2  }
0x1a0: {  	[tilespmem:s3], [sflag:$0x1] =	stream.linear.gather [spmem:s16], $0x140, $0x38;
	[tilespmem:$0xB5F0] =	vst v63  }
0x1a1: {  	_ =	swait.ge [sflag:s30], $0x140  }
0x1a2: {  	[sflag:s30] =	ssyncset.done $0x0  }
0x1a3: {  	s6 =	simm.s32 $0x0;
	[sflag:s30] =	ssyncadd.s32 $0xFFFFFEC0  }
0x1a4: {  	s19 =	simm.s32 $0x40;
	v2 =	vld [tilespmem:s6+$0x9F60]  }
.LBB2_52:
0x1a5: {  	p0 =	sne.s32 s19, $0x4C0;
	v3 =	vld [tilespmem:s6+$0x9E20];
	_ =	sdelay $0x2  }
.Ltmp25:
0x1a6: {  	(pc) =	sbr.rel @p0 .LBB2_52-.Ltmp25, $4  }
0x1a7: {  	_ = 	snop  }
0x1a8: {  	v3 =	vadd.f32 v2, v3  }
0x1a9: {  	s1 =	sshra.s32 s19, $0x2  }
0x1aa: {  	s19 =	sadd.s32 $0x40, s19;
	v2 =	vld [tilespmem:s1+$0x9F60];
	[tilespmem:s6+$0x9E20] =	vst v3;
	s6 =	smov.u32 s1  }
0x1ab: {  	v3 =	vld [tilespmem:s6+$0x9E20];
	_ =	sdelay $0x4  }
0x1ac: {  	v2 =	vadd.f32 v2, v3;
	_ =	sdelay $0x1  }
0x1ad: {  	[tilespmem:s6+$0x9E20] =	vst v2  }
0x1ae: {  	[tilespmem:s3], [sflag:$0x1] =	stream.linear.gather [spmem:s17], $0x140, $0x38;
	[tilespmem:$0xB5F0] =	vst v63  }
0x1af: {  	_ =	swait.ge [sflag:s30], $0x140  }
0x1b0: {  	[sflag:s30] =	ssyncset.done $0x0  }
0x1b1: {  	s6 =	simm.s32 $0x0;
	[sflag:s30] =	ssyncadd.s32 $0xFFFFFEC0  }
0x1b2: {  	s19 =	simm.s32 $0x40;
	v2 =	vld [tilespmem:s6+$0x9F60]  }
.LBB2_54:
0x1b3: {  	p0 =	sne.s32 s19, $0x4C0;
	v3 =	vld [tilespmem:s6+$0x9E20];
	_ =	sdelay $0x2  }
.Ltmp26:
0x1b4: {  	(pc) =	sbr.rel @p0 .LBB2_54-.Ltmp26, $4  }
0x1b5: {  	_ = 	snop  }
0x1b6: {  	v3 =	vadd.f32 v2, v3  }
0x1b7: {  	s1 =	sshra.s32 s19, $0x2  }
0x1b8: {  	s19 =	sadd.s32 $0x40, s19;
	v2 =	vld [tilespmem:s1+$0x9F60];
	[tilespmem:s6+$0x9E20] =	vst v3;
	s6 =	smov.u32 s1  }
0x1b9: {  	v3 =	vld [tilespmem:s6+$0x9E20];
	_ =	sdelay $0x4  }
0x1ba: {  	v2 =	vadd.f32 v2, v3;
	_ =	sdelay $0x1  }
0x1bb: {  	[tilespmem:s6+$0x9E20] =	vst v2  }
0x1bc: {  	[tilespmem:s3], [sflag:$0x1] =	stream.linear.gather [spmem:s18], $0x140, $0x38;
	[tilespmem:$0xB5F0] =	vst v63  }
0x1bd: {  	_ =	swait.ge [sflag:s30], $0x140  }
0x1be: {  	[sflag:s30] =	ssyncset.done $0x0  }
0x1bf: {  	s6 =	simm.s32 $0x0;
	[sflag:s30] =	ssyncadd.s32 $0xFFFFFEC0  }
0x1c0: {  	s19 =	simm.s32 $0x40;
	v2 =	vld [tilespmem:s6+$0x9F60]  }
.LBB2_56:
0x1c1: {  	p0 =	sne.s32 s19, $0x4C0;
	v3 =	vld [tilespmem:s6+$0x9E20];
	_ =	sdelay $0x2  }
.Ltmp27:
0x1c2: {  	(pc) =	sbr.rel @p0 .LBB2_56-.Ltmp27, $4  }
0x1c3: {  	_ = 	snop  }
0x1c4: {  	v3 =	vadd.f32 v2, v3  }
0x1c5: {  	s1 =	sshra.s32 s19, $0x2  }
0x1c6: {  	s19 =	sadd.s32 $0x40, s19;
	v2 =	vld [tilespmem:s1+$0x9F60];
	[tilespmem:s6+$0x9E20] =	vst v3;
	s6 =	smov.u32 s1  }
0x1c7: {  	v3 =	vld [tilespmem:s6+$0x9E20];
	_ =	sdelay $0x4  }
0x1c8: {  	v2 =	vadd.f32 v2, v3;
	_ =	sdelay $0x1  }
0x1c9: {  	[tilespmem:s6+$0x9E20] =	vst v2  }
0x1ca: {  	[tilespmem:s3], [sflag:$0x1] =	stream.linear.gather [spmem:s21], $0x140, $0x38;
	[tilespmem:$0xB5F0] =	vst v63  }
0x1cb: {  	_ =	swait.ge [sflag:s30], $0x140  }
0x1cc: {  	[sflag:s30] =	ssyncset.done $0x0  }
0x1cd: {  	s6 =	simm.s32 $0x0;
	[sflag:s30] =	ssyncadd.s32 $0xFFFFFEC0  }
0x1ce: {  	s19 =	simm.s32 $0x40;
	v2 =	vld [tilespmem:s6+$0x9F60]  }
.LBB2_58:
0x1cf: {  	p0 =	sne.s32 s19, $0x4C0;
	v3 =	vld [tilespmem:s6+$0x9E20];
	_ =	sdelay $0x2  }
.Ltmp28:
0x1d0: {  	(pc) =	sbr.rel @p0 .LBB2_58-.Ltmp28, $4  }
0x1d1: {  	_ = 	snop  }
0x1d2: {  	v3 =	vadd.f32 v2, v3  }
0x1d3: {  	s1 =	sshra.s32 s19, $0x2  }
0x1d4: {  	s19 =	sadd.s32 $0x40, s19;
	v2 =	vld [tilespmem:s1+$0x9F60];
	[tilespmem:s6+$0x9E20] =	vst v3;
	s6 =	smov.u32 s1  }
0x1d5: {  	v3 =	vld [tilespmem:s6+$0x9E20];
	_ =	sdelay $0x4  }
0x1d6: {  	v2 =	vadd.f32 v2, v3;
	_ =	sdelay $0x1  }
0x1d7: {  	[tilespmem:s6+$0x9E20] =	vst v2  }
0x1d8: {  	[tilespmem:s3], [sflag:$0x1] =	stream.linear.gather [spmem:s24], $0x140, $0x38;
	[tilespmem:$0xB5F0] =	vst v63  }
0x1d9: {  	_ =	swait.ge [sflag:s30], $0x140  }
0x1da: {  	[sflag:s30] =	ssyncset.done $0x0  }
0x1db: {  	s6 =	simm.s32 $0x0;
	[sflag:s30] =	ssyncadd.s32 $0xFFFFFEC0  }
0x1dc: {  	s19 =	simm.s32 $0x40;
	v2 =	vld [tilespmem:s6+$0x9F60]  }
.LBB2_60:
0x1dd: {  	p0 =	sne.s32 s19, $0x4C0;
	v3 =	vld [tilespmem:s6+$0x9E20];
	_ =	sdelay $0x2  }
.Ltmp29:
0x1de: {  	(pc) =	sbr.rel @p0 .LBB2_60-.Ltmp29, $4  }
0x1df: {  	_ = 	snop  }
0x1e0: {  	v3 =	vadd.f32 v2, v3  }
0x1e1: {  	s1 =	sshra.s32 s19, $0x2  }
0x1e2: {  	s19 =	sadd.s32 $0x40, s19;
	v2 =	vld [tilespmem:s1+$0x9F60];
	[tilespmem:s6+$0x9E20] =	vst v3;
	s6 =	smov.u32 s1  }
0x1e3: {  	v3 =	vld [tilespmem:s6+$0x9E20];
	_ =	sdelay $0x4  }
0x1e4: {  	v2 =	vadd.f32 v2, v3;
	_ =	sdelay $0x1  }
0x1e5: {  	[tilespmem:s6+$0x9E20] =	vst v2  }
0x1e6: {  	[tilespmem:s3], [sflag:$0x1] =	stream.linear.gather [spmem:s26], $0x140, $0x38;
	[tilespmem:$0xB5F0] =	vst v63  }
0x1e7: {  	_ =	swait.ge [sflag:s30], $0x140  }
0x1e8: {  	[sflag:s30] =	ssyncset.done $0x0  }
0x1e9: {  	s6 =	simm.s32 $0x0;
	[sflag:s30] =	ssyncadd.s32 $0xFFFFFEC0  }
0x1ea: {  	s19 =	simm.s32 $0x40;
	v2 =	vld [tilespmem:s6+$0x9F60]  }
.LBB2_62:
0x1eb: {  	p0 =	sne.s32 s19, $0x4C0;
	v3 =	vld [tilespmem:s6+$0x9E20];
	_ =	sdelay $0x2  }
.Ltmp30:
0x1ec: {  	(pc) =	sbr.rel @p0 .LBB2_62-.Ltmp30, $4  }
0x1ed: {  	_ = 	snop  }
0x1ee: {  	v3 =	vadd.f32 v2, v3  }
0x1ef: {  	s1 =	sshra.s32 s19, $0x2  }
0x1f0: {  	s19 =	sadd.s32 $0x40, s19;
	v2 =	vld [tilespmem:s1+$0x9F60];
	[tilespmem:s6+$0x9E20] =	vst v3;
	s6 =	smov.u32 s1  }
0x1f1: {  	v3 =	vld [tilespmem:s6+$0x9E20];
	_ =	sdelay $0x4  }
0x1f2: {  	v2 =	vadd.f32 v2, v3;
	_ =	sdelay $0x1  }
0x1f3: {  	[tilespmem:s6+$0x9E20] =	vst v2  }
0x1f4: {  	[tilespmem:s3], [sflag:$0x1] =	stream.linear.gather [spmem:s28], $0x140, $0x38;
	[tilespmem:$0xB5F0] =	vst v63  }
0x1f5: {  	_ =	swait.ge [sflag:s30], $0x140  }
0x1f6: {  	[sflag:s30] =	ssyncset.done $0x0  }
0x1f7: {  	s6 =	simm.s32 $0x0;
	[sflag:s30] =	ssyncadd.s32 $0xFFFFFEC0  }
0x1f8: {  	s19 =	simm.s32 $0x40;
	v2 =	vld [tilespmem:s6+$0x9F60]  }
.LBB2_64:
0x1f9: {  	p0 =	sne.s32 s19, $0x4C0;
	v3 =	vld [tilespmem:s6+$0x9E20];
	_ =	sdelay $0x2  }
.Ltmp31:
0x1fa: {  	(pc) =	sbr.rel @p0 .LBB2_64-.Ltmp31, $4  }
0x1fb: {  	_ = 	snop  }
0x1fc: {  	v3 =	vadd.f32 v2, v3  }
0x1fd: {  	s1 =	sshra.s32 s19, $0x2  }
0x1fe: {  	s19 =	sadd.s32 $0x40, s19;
	v2 =	vld [tilespmem:s1+$0x9F60];
	[tilespmem:s6+$0x9E20] =	vst v3;
	s6 =	smov.u32 s1  }
0x1ff: {  	v3 =	vld [tilespmem:s6+$0x9E20];
	_ =	sdelay $0x4  }
0x200: {  	v2 =	vadd.f32 v2, v3;
	_ =	sdelay $0x1  }
0x201: {  	[tilespmem:s6+$0x9E20] =	vst v2  }
0x202: {  	[tilespmem:s3], [sflag:$0x1] =	stream.linear.gather [spmem:s29], $0x140, $0x38;
	[tilespmem:$0xB5F0] =	vst v63  }
0x203: {  	_ =	swait.ge [sflag:s30], $0x140  }
0x204: {  	[sflag:s30] =	ssyncset.done $0x0  }
0x205: {  	s6 =	simm.s32 $0x0;
	[sflag:s30] =	ssyncadd.s32 $0xFFFFFEC0  }
0x206: {  	s19 =	simm.s32 $0x40;
	v2 =	vld [tilespmem:s6+$0x9F60]  }
.LBB2_66:
0x207: {  	p0 =	sne.s32 s19, $0x4C0;
	v3 =	vld [tilespmem:s6+$0x9E20];
	_ =	sdelay $0x2  }
.Ltmp32:
0x208: {  	(pc) =	sbr.rel @p0 .LBB2_66-.Ltmp32, $4  }
0x209: {  	_ = 	snop  }
0x20a: {  	v3 =	vadd.f32 v2, v3  }
0x20b: {  	s1 =	sshra.s32 s19, $0x2  }
0x20c: {  	s19 =	sadd.s32 $0x40, s19;
	v2 =	vld [tilespmem:s1+$0x9F60];
	[tilespmem:s6+$0x9E20] =	vst v3;
	s6 =	smov.u32 s1  }
0x20d: {  	v3 =	vld [tilespmem:s6+$0x9E20];
	_ =	sdelay $0x4  }
0x20e: {  	v2 =	vadd.f32 v2, v3;
	_ =	sdelay $0x1  }
0x20f: {  	s1 =	simm.s32 $0x0;
	[tilespmem:s6+$0x9E20] =	vst v2  }
0x210: {  	[tilespmem:s3], [sflag:$0x1] =	stream.linear.gather [hbm4b:s20+s1], $0x140, $0x38;
	[tilespmem:$0xB5F0] =	vst v63  }
0x211: {  	_ =	swait.ge [sflag:s30], $0x140  }
0x212: {  	[sflag:s30] =	ssyncset.done $0x0  }
0x213: {  	s6 =	simm.s32 $0x0;
	[sflag:s30] =	ssyncadd.s32 $0xFFFFFEC0  }
0x214: {  	v2 =	vld [tilespmem:s6+$0x9E20]  }
0x215: {  	v3 =	vld [tilespmem:s6+$0x9F60];
	_ =	sdelay $0x2  }
0x216: {  	s19 =	simm.s32 $0x40  }
.LBB2_68:
0x217: {  	s1 =	sshra.s32 s19, $0x2;
	p0 =	sne.s32 s19, $0x4C0  }
.Ltmp33:
0x218: {  	s19 =	sadd.s32 $0x40, s19;
	v4 =	vmul.f32 v3, v2;
	v2 =	vld [tilespmem:s1+$0x9E20];
	(pc) =	sbr.rel @p0 .LBB2_68-.Ltmp33, $3  }
0x219: {  	v3 =	vld [tilespmem:s1+$0x9F60]  }
0x21a: {  	v4 =	vadd.f32 v4, v1;
	_ =	sdelay $0x1  }
0x21b: {  	[tilespmem:s6+$0xA0A0] =	vst v4;
	s6 =	smov.u32 s1  }
0x21c: {  	_ = 	snop  }
0x21d: {  	v2 =	vmul.f32 v3, v2;
	_ =	sdelay $0x1  }
0x21e: {  	v1 =	vadd.f32 v2, v1  }
0x21f: {  	s5 =	sadd.s32 $0x1, s5  }
0x220: {  	p0 =	sne.s32 s5, s25;
	[tilespmem:s6+$0xA0A0] =	vst v1  }
0x221: {  	[hbm4b:s23+s2] =	stream.linear.scatter [tilespmem:s4], [sflag:$0x1], $0x140, $0x38;
	[tilespmem:$0xB5F0] =	vst v63  }
.Ltmp34:
0x222: {  	_ =	swait.ge [sflag:s30], $0x140;
	(pc) =	sbr.rel @p0 .LBB2_1-.Ltmp34, $3  }
0x223: {  	[sflag:s30] =	ssyncset.done $0x0  }
0x224: {  	[sflag:s30] =	ssyncadd.s32 $0xFFFFFEC0  }
0x225: {  	[bflag:$0x0] =	sbarrier.arrive $0xFFFF;
	_ =	sdelay $0x1  }
0x226: {  	_ =	sfence.sel $0x180000  }
0x227: {  	[bflag:$0x0] =	sbarrier.arrive $0xFFFF  }
0x228: {  	_ =	strace $0x9000004D  }
0x229: {  	s0 =	stileid.u32;
	[bflag:$0x2] =	sbarrier.arrive $0xFFFF  }
0x22a: {  	p0 =	sne.s32 s0, $0x0;
	s0 =	rddreg [dreg:$0x2]  }
0x22b: {  	s0 =	sadd.s32 @!p0 $0x100000, s0  }
0x22c: {  	[sflag:s0] =	ssyncadd.tile.s32 @!p0 $0x1;
	_ =	shalt  }
.Lfunc_end2:
_tile_overlayer_lowered:
.L_overlay_start_2:
0x22d: {  	(tag) =	ssettag $0x2  }
0x22e: {  	s0 =	rddreg [dreg:$0x0];
	s2 =	stileid.u32  }
0x22f: {  	s1 =	rddreg [dreg:$0x1];
	p0 =	sne.s32 s2, $0x0  }
0x230: {  	s3 =	rddreg [dreg:$0x2];
	[bflag:$0x3] =	sbarrier.arrive $0xFFFF;
	s2 =	simm.s32 @!p0 $0x1C01  }
0x231: {  	[timem:s3], [sflag:s2] =	dma.local @!p0 [hbm:s0], s1  }
0x232: {  	s0 =	simm.s32 @!p0 $0x1  }
0x233: {  	_ =	swait.ge @!p0 [sflag:s0], s1  }
0x234: {  	s1 =	ssub.s32 @!p0 $0x0, s1;
	[sflag:s0] =	ssyncset.done @!p0 $0x0  }
0x235: {  	[sflag:s0] =	ssyncadd.s32 @!p0 s1  }
0x236: {  	[bflag:$0x3] =	sbarrier.arrive $0xFFFF  }
0x237: {  	_ =	shalt  }

// kernel: kernel.7.cloned.1.call-start
scs
__scs_entry_jumppad:
0x0: {  	(pc) =	sbr.rel $0x88, $3  }
0x1: {  	(tag) =	ssettag $0x0;
	lr =	simm.s32 $0x1  }
0x2: {  	[smem:$0x3F9B] =	sst lr;
	_ =	strace $0xD0000000  }
0x3: {  	_ = 	snop  }
0x4: {  	_ = 	snop  }
0x5: {  	_ = 	snop  }
0x6: {  	_ = 	snop  }
0x7: {  	_ = 	snop  }
__scs_overlays_trampoline_lowered:
0x8: {  	[smem:$0x3FAA] =	sst s0  }
0x9: {  	[smem:$0x3FAB] =	sst s1  }
0xa: {  	[smem:$0x3FAC] =	sst s2  }
0xb: {  	[smem:$0x3FAD] =	sst s3  }
0xc: {  	[smem:$0x3FAE] =	sst s4  }
0xd: {  	[smem:$0x3FAF] =	sst s5  }
0xe: {  	[smem:$0x3FB0] =	sst s6  }
0xf: {  	[smem:$0x3FB1] =	sst s7  }
0x10: {  	[smem:$0x3FB2] =	sst s8  }
0x11: {  	[smem:$0x3FB3] =	sst s9;
	s0 =	simm.s32 @!p0 $0x0  }
0x12: {  	s1 =	sld [smem:$0x3F99];
	s0 =	simm.s32 @p0 $0x1  }
0x13: {  	[smem:$0x3FB4] =	sst s0;
	s0 =	simm.s32 @!p1 $0x0  }
0x14: {  	s2 =	sld [smem:$0x3F98];
	s0 =	simm.s32 @p1 $0x1  }
0x15: {  	[smem:$0x3FB5] =	sst s0;
	s0 =	simm.s32 @!p2 $0x0  }
0x16: {  	s3 =	sld [smem:$0x3FDB];
	s0 =	simm.s32 @p2 $0x1  }
0x17: {  	s4 =	simm.s32 $0x1BF5;
	[smem:$0x3FB7] =	sst s0  }
0x18: {  	s0 =	sld [smem:$0x3F9A];
	_ =	swait.ge [sflag:s4], $0x0  }
0x19: {  	s7 =	sld [smem:$0x3F9B]  }
0x1a: {  	s8 =	sadd.s32 $0xFFFFE003, lr  }
0x1b: {  	s9 =	sadd.s32 $0xFFFFFEF7, lr;
	s5 =	simm.s32 $0xFFFFFFFF;
	p2 =	slt.u32 s8, $0xFFFFF086  }
0x1c: {  	p1 =	slt.u32 s9, $0xF7A;
	s5 =	simm.s32 @!p2 $0x0  }
0x1d: {  	s5 =	simm.s32 @p1 $0x1;
	p0 =	seq.s32 s7, s2  }
0x1e: {  	s7 =	smul.u32 @!p0 $0xF7A, s2;
	p2 =	seq.s32 @!p0 s5, $0x0  }
0x1f: {  	s9 =	smul.u32 $0xF7A, s1;
	s8 =	simm.s32 @!p0 $0x1BF5;
	p2 =	por !p2, p0  }
0x20: {  	[sflag:s8] =	ssyncset.s32 @!p0 $0xFFFFF086;
	s6 =	sadd.s32 @!p0 s3, s7;
	s7 =	simm.s32 @!p0 $0x108  }
0x21: {  	s3 =	sadd.s32 s3, s9;
	s6 =	sadd.s32 @!p0 $0x88, s6;
	s7 =	simm.s32 @p2 $0x1082  }
0x22: {  	[simem:s7], [sflag:s8] =	dma.local @!p0 [hbm:s6], $0xF7A  }
0x23: {  	s9 =	sor.u32 $0xD0000000, s2;
	s6 =	simm.s32 $0x108;
	_ =	swait.ge @!p0 [sflag:s8], $0x0  }
0x24: {  	s3 =	sadd.s32 $0x88, s3;
	s6 =	simm.s32 @!p1 $0x1082;
	[sflag:s4] =	ssyncset.s32 $0xFFFFF086  }
0x25: {  	[simem:s6], [sflag:s4] =	dma.local [hbm:s3], $0xF7A  }
0x26: {  	[smem:$0x3F9B] =	sst s1;
	(tag) =	ssettag s2;
	_ =	strace s9  }
0x27: {  	s1 =	sld [smem:$0x3FAB]  }
0x28: {  	s2 =	sld [smem:$0x3FAC]  }
0x29: {  	s4 =	sld [smem:$0x3FAE]  }
0x2a: {  	p0 =	seq.s32 s5, $0x0;
	s5 =	sld [smem:$0x3FAF]  }
0x2b: {  	s6 =	sld [smem:$0x3FB0]  }
0x2c: {  	s7 =	sld [smem:$0x3FB1]  }
0x2d: {  	s3 =	simm.s32 $0x108;
	s8 =	sld [smem:$0x3FB2]  }
0x2e: {  	s3 =	simm.s32 @!p0 $0x1082;
	s9 =	sld [smem:$0x3FB3]  }
0x2f: {  	lr =	sadd.s32 s0, s3;
	s0 =	sld [smem:$0x3FAA]  }
0x30: {  	s3 =	sld [smem:$0x3FAD]  }
0x31: {  	[smem:$0x3FB6] =	sst s10  }
0x32: {  	s10 =	sld [smem:$0x3FB4];
	_ =	sdelay $0x3  }
0x33: {  	p0 =	seq.s32 s10, $0x1;
	s10 =	sld [smem:$0x3FB6];
	_ =	sdelay $0x3  }
0x34: {  	[smem:$0x3FB6] =	sst s10  }
0x35: {  	s10 =	sld [smem:$0x3FB5];
	_ =	sdelay $0x3  }
0x36: {  	p1 =	seq.s32 s10, $0x1;
	s10 =	sld [smem:$0x3FB6];
	_ =	sdelay $0x3  }
0x37: {  	[smem:$0x3FB6] =	sst s10  }
0x38: {  	s10 =	sld [smem:$0x3FB7]  }
0x39: {  	_ = 	snop;
	(pc) =	sbr.ind lr, $3  }
0x3a: {  	_ = 	snop  }
0x3b: {  	_ = 	snop  }
0x3c: {  	p2 =	seq.s32 s10, $0x1;
	s10 =	sld [smem:$0x3FB6]  }
0x3d: {  	_ =	shalt  }
0x3e: {  	_ =	shalt  }
0x3f: {  	_ =	shalt  }
0x40: {  	_ =	shalt  }
0x41: {  	_ =	shalt  }
0x42: {  	_ =	shalt  }
0x43: {  	_ =	shalt  }
0x44: {  	_ =	shalt  }
0x45: {  	_ =	shalt  }
0x46: {  	_ =	shalt  }
0x47: {  	_ =	shalt  }
0x48: {  	_ =	shalt  }
0x49: {  	_ =	shalt  }
0x4a: {  	_ =	shalt  }
0x4b: {  	_ =	shalt  }
0x4c: {  	_ =	shalt  }
0x4d: {  	_ =	shalt  }
0x4e: {  	_ =	shalt  }
0x4f: {  	_ =	shalt  }
0x50: {  	_ =	shalt  }
0x51: {  	_ =	shalt  }
0x52: {  	_ =	shalt  }
0x53: {  	_ =	shalt  }
0x54: {  	_ =	shalt  }
0x55: {  	_ =	shalt  }
0x56: {  	_ =	shalt  }
0x57: {  	_ =	shalt  }
0x58: {  	_ =	shalt  }
0x59: {  	_ =	shalt  }
0x5a: {  	_ =	shalt  }
0x5b: {  	_ =	shalt  }
0x5c: {  	_ =	shalt  }
0x5d: {  	_ =	shalt  }
0x5e: {  	_ =	shalt  }
0x5f: {  	_ =	shalt  }
0x60: {  	_ =	shalt  }
0x61: {  	_ =	shalt  }
0x62: {  	_ =	shalt  }
0x63: {  	_ =	shalt  }
0x64: {  	_ =	shalt  }
0x65: {  	_ =	shalt  }
0x66: {  	_ =	shalt  }
0x67: {  	_ =	shalt  }
0x68: {  	_ =	shalt  }
0x69: {  	_ =	shalt  }
0x6a: {  	_ =	shalt  }
0x6b: {  	_ =	shalt  }
0x6c: {  	_ =	shalt  }
0x6d: {  	_ =	shalt  }
0x6e: {  	_ =	shalt  }
0x6f: {  	_ =	shalt  }
0x70: {  	_ =	shalt  }
0x71: {  	_ =	shalt  }
0x72: {  	_ =	shalt  }
0x73: {  	_ =	shalt  }
0x74: {  	_ =	shalt  }
0x75: {  	_ =	shalt  }
0x76: {  	_ =	shalt  }
0x77: {  	_ =	shalt  }
0x78: {  	_ =	shalt  }
0x79: {  	_ =	shalt  }
0x7a: {  	_ =	shalt  }
0x7b: {  	_ =	shalt  }
0x7c: {  	_ =	shalt  }
0x7d: {  	_ =	shalt  }
0x7e: {  	_ =	shalt  }
0x7f: {  	_ =	shalt  }
0x80: {  	_ =	shalt  }
0x81: {  	_ =	shalt  }
0x82: {  	_ =	shalt  }
0x83: {  	_ =	shalt  }
0x84: {  	_ =	shalt  }
0x85: {  	_ =	shalt  }
0x86: {  	_ =	shalt  }
0x87: {  	_ =	shalt  }
.Lfunc_end0:
.L_simem_size_0:
called_computation_lowered:
.L_overlay_start_0:
0x88: {  	s2 =	sld [smem:$0x3FD9]  }
0x89: {  	s3 =	sld [smem:$0x3FFE];
	_ =	sdelay $0x1  }
0x8a: {  	s1 =	srdreg.scid  }
0x8b: {  	s0 =	sand.u32 $0x1, s1  }
0x8c: {  	s16 =	sshll.u32 s0, $0xA;
	s2 =	sadd.s32 s3, s2  }
0x8d: {  	s2 =	sadd.s32 s2, s16  }
0x8e: {  	[smem:$0x3FC2] =	sst s2  }
0x8f: {  	_ = 	snop  }
0x90: {  	(tm) =	ssettm $0x1  }
0x91: {  	s17 =	sld [smem:$0x3FFB];
	_ =	sdelay $0x3  }
0x92: {  	_ =	strace s17  }
0x93: {  	s2 =	sld [smem:$0x3FFC];
	_ =	sdelay $0x3  }
0x94: {  	_ =	strace s2  }
0x95: {  	s2 =	sld [smem:$0x3FFD];
	_ =	sdelay $0x3  }
0x96: {  	_ =	strace s2  }
0x97: {  	_ =	strace $0x8FFFFFFF  }
0x98: {  	s18 =	sld [smem:$0x3FDB];
	_ =	sdelay $0x1  }
0x99: {  	s19 =	simm.s32 $_scs_section_size  }
0x9a: {  	s4 =	simm.s32 $_size__tile_overlayer_lowered;
	s5 =	simm.s32 $_tile_overlayer_lowered  }
0x9b: {  	s22 =	simm.s32 $0x1BFF;
	s21 =	sshll.u32 s5, $0x1;
	s2 =	sadd.s32 s19, s18  }
0x9c: {  	s6 =	simm.s32 $0x0;
	s20 =	sshll.u32 s4, $0x1;
	s4 =	sadd.s32 s21, s2  }
0x9d: {  	[timem:s6], [sflag:s22] =	dma.local [hbm:s4], s20  }
0x9e: {  	_ =	swait.ge [sflag:s22], s20  }
0x9f: {  	s3 =	ssub.s32 $0x0, s20;
	[sflag:s22] =	ssyncset.done $0x0  }
0xa0: {  	[sflag:s22] =	ssyncadd.s32 s3;
	_ =	sdelay $0x1  }
0xa1: {  	s23 =	simm.s32 $0x1B8B  }
0xa2: {  	_ =	swait.ge [sflag:s23], $0x1  }
0xa3: {  	[sflag:s23] =	ssyncset.done $0x0  }
0xa4: {  	s25 =	simm.s32 $0x1B8E;
	s24 =	sld [smem:$0x3FFE];
	[sflag:s23] =	ssyncadd.s32 $0xFFFFFFFF  }
0xa5: {  	s26 =	simm.s32 $execute0_lowered;
	[smem:$0x3FD2] =	sst s25  }
0xa6: {  	s4 =	sshll.u32 s26, $0x1;
	_ =	strace $0x80000046;
	[dreg:$0x1] =	wrdreg $0xFFFFFFFF  }
0xa7: {  	s28 =	simm.s32 $_size_execute0_lowered;
	s2 =	sadd.s32 s2, s4;
	[dreg:$0x0] =	wrdreg $0x0  }
0xa8: {  	s4 =	sshll.u32 s28, $0x1;
	[dreg:$0x2] =	wrdreg s2  }
0xa9: {  	[dreg:$0x3] =	wrdreg s4  }
0xaa: {  	[dreg:$0x4] =	wrdreg $0xC0  }
0xab: {  	_ =	task [dreg:s6], $0x5FFFF  }
0xac: {  	[dreg:$0x1] =	wrdreg $0xFFFFFFFF  }
0xad: {  	[dreg:$0x0] =	wrdreg $0x60  }
0xae: {  	[dreg:$0x2] =	wrdreg s24  }
0xaf: {  	[dreg:$0x3] =	wrdreg $0x43000  }
0xb0: {  	[dreg:$0x4] =	wrdreg $0x9  }
0xb1: {  	_ =	task.clear_ibuf [dreg:s6], $0x5FFFF;
	_ =	strace $0x90000046  }
0xb2: {  	s29 =	simm.s32 $0x9;
	_ =	strace $0x80000048  }
0xb3: {  	_ =	swait.ge [sflag:s29], $0x1  }
0xb4: {  	[sflag:s29] =	ssyncadd.s32 $0xFFFFFFFF  }
0xb5: {  	_ =	strace $0x90000048  }
0xb6: {  	_ =	sfence  }
0xb7: {  	s30 =	sld [smem:$0x0];
	_ =	sdelay $0x2  }
0xb8: {  	s31 =	sshll.u32 s1, $0xD;
	s1 =	sshrl.u32 s1, $0x2  }
0xb9: {  	s3 =	sand.u32 $0x4000, s31;
	s1 =	sadd.s32 s1, s30  }
0xba: {  	s0 =	sor.u32 s3, s0;
	s1 =	sshll.u32 s1, $0x11  }
0xbb: {  	s0 =	sor.u32 s1, s0  }
0xbc: {  	s0 =	sadd.s32 $0x8F2B, s0  }
0xbd: {  	[sflag:s0] =	ssyncadd.remote.s32 $0x1  }
0xbe: {  	_ =	sfence.sel $0xFFFF  }
0xbf: {  	[dreg:$0x0] =	wrdreg $0xFFFFFFFF;
	(pc) =	sbr.abs _section_cstart, $3  }
0xc0: {  	[dreg:$0x1] =	wrdreg $0xFFFFFFFF  }
0xc1: {  	_ =	task.clear_ibuf [dreg:s6], $0x2FFFF;
	_ =	strace $0x9FFFFFFF  }
0xc2: {  	(tm) =	ssettm $0x7FFFFFFF  }
0xc3: {  	_ =	shalt  }
tec
execute0_lowered:
.L_overlay_start_1:
0x0: {  	(tag) =	ssettag $0x1  }
0x1: {  	s7 =	rddreg [dreg:$0x0]  }
0x2: {  	s1 =	srdreg.scid;
	s0 =	stileid.u32  }
0x3: {  	s2 =	rddreg [dreg:$0x1];
	s3 =	simm.s32 $0x0;
	s10 =	simm.s32 $0x50  }
0x4: {  	s11 =	simm.s32 $0x4000;
	s12 =	simm.s32 $0x1;
	s13 =	simm.s32 $0x80  }
0x5: {  	s14 =	simm.s32 $0x100;
	s4 =	sand.u32 $0x1, s1;
	s1 =	rddreg [dreg:$0x2]  }
0x6: {  	s15 =	simm.s32 $0x0;
	s5 =	smul.u32 $0x500, s0;
	[smem:$0x7FF] =	sst s3  }
0x7: {  	s9 =	smul.u32 $0xA00, s0;
	s31 =	sshll.u32 s0, $0xB;
	s6 =	sshll.u32 s4, $0x7  }
0x8: {  	s29 =	ssub.s32 $0x2, s4;
	_ =	strace $0x80000047;
	p0 =	seq.s32 s4, $0x1  }
0x9: {  	s5 =	sor.u32 s6, s5;
	s8 =	sshrl.u32 s29, $0x1;
	s30 =	sshrl.u32 s9, $0x2  }
0xa: {  	s9 =	simm.s32 $0x4080;
	s6 =	ssub.s32 s29, s8;
	s8 =	simm.s32 $0x12600  }
0xb: {  	s5 =	sshrl.u32 s5, $0x3;
	s4 =	sadd.s32 s30, s2;
	s8 =	simm.s32 @!p0 $0xA600  }
0xc: {  	s5 =	sadd.s32 s5, s7;
	s6 =	smax.u32 s6, $0x1;
	s7 =	sadd.s32 s8, s7  }
0xd: {  	v0 =	vimm.f32 $1.000000000e+00;
	v1 =	vimm.f32 $0.0e+00;
	s5 =	sadd.s32 $0x1A600, s5;
	s8 =	simm.s32 $0x2;
	s7 =	sadd.s32 s7, s31  }
.LBB2_1:
0xe: {  	[tilespmem:s3], [sflag:$0x2] =	stream.linear.gather [hbm4b:s7+s3], $0x3E80, $0x38;
	[tilespmem:$0x4580] =	vst v63  }
0xf: {  	_ =	swait.ge [sflag:s8], $0x3E80  }
0x10: {  	[sflag:s8] =	ssyncset.done $0x0  }
0x11: {  	[sflag:s8] =	ssyncadd.s32 $0xFFFFC180  }
0x12: {  	[tilespmem:$0x4000] =	vst v0  }
0x13: {  	[tilespmem:$0x4010] =	vst v0  }
0x14: {  	[tilespmem:$0x4020] =	vst v0  }
0x15: {  	[tilespmem:$0x4030] =	vst v0  }
0x16: {  	[tilespmem:$0x4040] =	vst v0  }
0x17: {  	[tilespmem:$0x4080] =	vst v1  }
0x18: {  	[tilespmem:$0x4090] =	vst v1  }
0x19: {  	[tilespmem:$0x40A0] =	vst v1  }
0x1a: {  	[tilespmem:$0x40B0] =	vst v1  }
0x1b: {  	[tilespmem:$0x40C0] =	vst v1  }
0x1c: {  	[tilespmem:$0x40D0] =	vst v1  }
0x1d: {  	[tilespmem:$0x40E0] =	vst v1  }
0x1e: {  	[tilespmem:$0x40F0] =	vst v1  }
0x1f: {  	[tilespmem:$0x4100] =	vst v1  }
0x20: {  	[tilespmem:$0x4110] =	vst v1  }
0x21: {  	[tilespmem:$0x4120] =	vst v1  }
0x22: {  	[tilespmem:$0x4130] =	vst v1  }
0x23: {  	[tilespmem:$0x4140] =	vst v1  }
0x24: {  	[tilespmem:$0x4150] =	vst v1  }
0x25: {  	[tilespmem:$0x4160] =	vst v1  }
0x26: {  	[tilespmem:$0x4170] =	vst v1  }
0x27: {  	[tilespmem:$0x4180] =	vst v1  }
0x28: {  	[tilespmem:$0x4190] =	vst v1  }
0x29: {  	[tilespmem:$0x41A0] =	vst v1  }
0x2a: {  	[tilespmem:$0x41B0] =	vst v1  }
0x2b: {  	[tilespmem:$0x41C0] =	vst v1  }
0x2c: {  	[tilespmem:$0x41D0] =	vst v1  }
0x2d: {  	[tilespmem:$0x41E0] =	vst v1  }
0x2e: {  	[tilespmem:$0x41F0] =	vst v1  }
0x2f: {  	[tilespmem:$0x4200] =	vst v1  }
0x30: {  	[tilespmem:$0x4210] =	vst v1  }
0x31: {  	[tilespmem:$0x4220] =	vst v1  }
0x32: {  	[tilespmem:$0x4230] =	vst v1  }
0x33: {  	[tilespmem:$0x4240] =	vst v1  }
0x34: {  	[tilespmem:$0x4250] =	vst v1  }
0x35: {  	[tilespmem:$0x4260] =	vst v1  }
0x36: {  	[tilespmem:$0x4270] =	vst v1  }
0x37: {  	[tilespmem:$0x4280] =	vst v1  }
0x38: {  	[tilespmem:$0x4290] =	vst v1  }
0x39: {  	[tilespmem:$0x42A0] =	vst v1  }
0x3a: {  	[tilespmem:$0x42B0] =	vst v1  }
0x3b: {  	[tilespmem:$0x42C0] =	vst v1  }
0x3c: {  	[tilespmem:$0x42D0] =	vst v1  }
0x3d: {  	[tilespmem:$0x42E0] =	vst v1  }
0x3e: {  	[tilespmem:$0x42F0] =	vst v1  }
0x3f: {  	[spmem:s4] =	stream.linear.scatter [tilespmem:s9], [sflag:$0x2], $0x280, $0x38;
	[tilespmem:$0x4580] =	vst v63  }
0x40: {  	_ =	swait.ge [sflag:s8], $0x280  }
0x41: {  	[sflag:s8] =	ssyncset.done $0x0  }
0x42: {  	[sflag:s8] =	ssyncadd.s32 $0xFFFFFD80  }
0x43: {  	s16 =	simm.s32 $0x0;
	[bflag:$0x0] =	sbarrier.arrive $0xFFFF  }
0x44: {  	[spmem:s2] =	stream.indirect.scatter.add.f32 [tilespmem:s11], [sflag:$0x1], $0x1, s16, s10, $0xb8;
	[tilespmem:$0x4580] =	vst v63  }
0x45: {  	s28 =	simm.s32 $0x80  }
0x46: {  	[spmem:s2] =	stream.indirect.scatter.add.f32 [tilespmem:s11], [sflag:$0x1], $0x1, s28, s10, $0xb8;
	[tilespmem:$0x4580] =	vst v63  }
0x47: {  	s29 =	simm.s32 $0x100  }
0x48: {  	[spmem:s2] =	stream.indirect.scatter.add.f32 [tilespmem:s11], [sflag:$0x1], $0x1, s29, s10, $0xb8;
	[tilespmem:$0x4580] =	vst v63  }
0x49: {  	s30 =	simm.s32 $0x180  }
0x4a: {  	[spmem:s2] =	stream.indirect.scatter.add.f32 [tilespmem:s11], [sflag:$0x1], $0x1, s30, s10, $0xb8;
	[tilespmem:$0x4580] =	vst v63  }
0x4b: {  	s31 =	simm.s32 $0x200  }
0x4c: {  	[spmem:s2] =	stream.indirect.scatter.add.f32 [tilespmem:s11], [sflag:$0x1], $0x1, s31, s10, $0xb8;
	[tilespmem:$0x4580] =	vst v63  }
0x4d: {  	_ =	swait.ge [sflag:s12], $0x50  }
0x4e: {  	[sflag:s12] =	ssyncset.done $0x0  }
0x4f: {  	[sflag:s12] =	ssyncadd.s32 $0xFFFFFFB0  }
0x50: {  	_ =	swait.ge [sflag:s12], $0x50  }
0x51: {  	[sflag:s12] =	ssyncset.done $0x0  }
0x52: {  	[sflag:s12] =	ssyncadd.s32 $0xFFFFFFB0  }
0x53: {  	_ =	swait.ge [sflag:s12], $0x50  }
0x54: {  	[sflag:s12] =	ssyncset.done $0x0  }
0x55: {  	[sflag:s12] =	ssyncadd.s32 $0xFFFFFFB0  }
0x56: {  	_ =	swait.ge [sflag:s12], $0x50  }
0x57: {  	[sflag:s12] =	ssyncset.done $0x0  }
0x58: {  	[sflag:s12] =	ssyncadd.s32 $0xFFFFFFB0  }
0x59: {  	_ =	swait.ge [sflag:s12], $0x50  }
0x5a: {  	s17 =	simm.s32 $0x1400;
	s16 =	simm.s32 $0xA00;
	[sflag:s12] =	ssyncset.done $0x0  }
.LBB2_2:
0x5b: {  	s18 =	sshra.s32 s16, $0x2  }
0x5c: {  	[sflag:s12] =	ssyncadd.s32 $0xFFFFFFB0;
	s16 =	smov.u32 s17;
	s19 =	sadd.s32 $0xA00, s17  }
0x5d: {  	[spmem:s2] =	stream.indirect.scatter.add.f32 [tilespmem:s11], [sflag:$0x1], $0x1, s18, s10, $0xb8;
	[tilespmem:$0x4580] =	vst v63  }
0x5e: {  	p0 =	sne.s32 s17, $0xF000;
	s17 =	sadd.s32 $0x80, s18  }
0x5f: {  	[spmem:s2] =	stream.indirect.scatter.add.f32 [tilespmem:s11], [sflag:$0x1], $0x1, s17, s10, $0xb8;
	[tilespmem:$0x4580] =	vst v63  }
0x60: {  	s17 =	sadd.s32 $0x100, s18  }
0x61: {  	[spmem:s2] =	stream.indirect.scatter.add.f32 [tilespmem:s11], [sflag:$0x1], $0x1, s17, s10, $0xb8;
	[tilespmem:$0x4580] =	vst v63  }
0x62: {  	s17 =	sadd.s32 $0x180, s18  }
0x63: {  	[spmem:s2] =	stream.indirect.scatter.add.f32 [tilespmem:s11], [sflag:$0x1], $0x1, s17, s10, $0xb8;
	[tilespmem:$0x4580] =	vst v63  }
0x64: {  	s17 =	sadd.s32 $0x200, s18  }
0x65: {  	[spmem:s2] =	stream.indirect.scatter.add.f32 [tilespmem:s11], [sflag:$0x1], $0x1, s17, s10, $0xb8;
	[tilespmem:$0x4580] =	vst v63  }
0x66: {  	_ =	swait.ge [sflag:s12], $0x50  }
0x67: {  	[sflag:s12] =	ssyncset.done $0x0  }
0x68: {  	[sflag:s12] =	ssyncadd.s32 $0xFFFFFFB0  }
0x69: {  	_ =	swait.ge [sflag:s12], $0x50  }
0x6a: {  	[sflag:s12] =	ssyncset.done $0x0  }
0x6b: {  	[sflag:s12] =	ssyncadd.s32 $0xFFFFFFB0  }
0x6c: {  	_ =	swait.ge [sflag:s12], $0x50  }
0x6d: {  	[sflag:s12] =	ssyncset.done $0x0  }
0x6e: {  	[sflag:s12] =	ssyncadd.s32 $0xFFFFFFB0  }
.Ltmp0:
0x6f: {  	_ =	swait.ge [sflag:s12], $0x50;
	(pc) =	sbr.rel @p0 .LBB2_2-.Ltmp0, $4  }
0x70: {  	[sflag:s12] =	ssyncset.done $0x0  }
0x71: {  	[sflag:s12] =	ssyncadd.s32 $0xFFFFFFB0  }
0x72: {  	_ =	swait.ge [sflag:s12], $0x50  }
0x73: {  	s17 =	smov.u32 s19;
	[sflag:s12] =	ssyncset.done $0x0  }
0x74: {  	s16 =	sshra.s32 s16, $0x2;
	[sflag:s12] =	ssyncadd.s32 $0xFFFFFFB0  }
0x75: {  	[spmem:s2] =	stream.indirect.scatter.add.f32 [tilespmem:s11], [sflag:$0x1], $0x1, s16, s10, $0xb8;
	[tilespmem:$0x4580] =	vst v63  }
0x76: {  	s17 =	sadd.s32 $0x80, s16  }
0x77: {  	[spmem:s2] =	stream.indirect.scatter.add.f32 [tilespmem:s11], [sflag:$0x1], $0x1, s17, s10, $0xb8;
	[tilespmem:$0x4580] =	vst v63  }
0x78: {  	s30 =	sadd.s32 $0x100, s16  }
0x79: {  	[spmem:s2] =	stream.indirect.scatter.add.f32 [tilespmem:s11], [sflag:$0x1], $0x1, s30, s10, $0xb8;
	[tilespmem:$0x4580] =	vst v63  }
0x7a: {  	s31 =	sadd.s32 $0x180, s16  }
0x7b: {  	[spmem:s2] =	stream.indirect.scatter.add.f32 [tilespmem:s11], [sflag:$0x1], $0x1, s31, s10, $0xb8;
	[tilespmem:$0x4580] =	vst v63  }
0x7c: {  	s16 =	sadd.s32 $0x200, s16  }
0x7d: {  	[spmem:s2] =	stream.indirect.scatter.add.f32 [tilespmem:s11], [sflag:$0x1], $0x1, s16, s10, $0xb8;
	[tilespmem:$0x4580] =	vst v63  }
0x7e: {  	_ =	swait.ge [sflag:s12], $0x50  }
0x7f: {  	[sflag:s12] =	ssyncset.done $0x0  }
0x80: {  	[sflag:s12] =	ssyncadd.s32 $0xFFFFFFB0  }
0x81: {  	_ =	swait.ge [sflag:s12], $0x50  }
0x82: {  	[sflag:s12] =	ssyncset.done $0x0  }
0x83: {  	[sflag:s12] =	ssyncadd.s32 $0xFFFFFFB0  }
0x84: {  	_ =	swait.ge [sflag:s12], $0x50  }
0x85: {  	[sflag:s12] =	ssyncset.done $0x0  }
0x86: {  	[sflag:s12] =	ssyncadd.s32 $0xFFFFFFB0  }
0x87: {  	_ =	swait.ge [sflag:s12], $0x50  }
0x88: {  	[sflag:s12] =	ssyncset.done $0x0  }
0x89: {  	[sflag:s12] =	ssyncadd.s32 $0xFFFFFFB0  }
0x8a: {  	_ =	swait.ge [sflag:s12], $0x50  }
0x8b: {  	[sflag:s12] =	ssyncset.done $0x0  }
0x8c: {  	[sflag:s12] =	ssyncadd.s32 $0xFFFFFFB0  }
0x8d: {  	[bflag:$0x0] =	sbarrier.arrive $0xFFFF  }
0x8e: {  	[tilespmem:s9], [sflag:$0x2] =	stream.linear.gather [spmem:s4], $0x280, $0x38;
	[tilespmem:$0x4580] =	vst v63  }
0x8f: {  	s15 =	sadd.s32 $0x1, s15;
	_ =	swait.ge [sflag:s8], $0x280  }
0x90: {  	p0 =	sne.s32 s15, s6;
	[sflag:s8] =	ssyncset.done $0x0  }
.Ltmp1:
0x91: {  	[sflag:s8] =	ssyncadd.s32 $0xFFFFFD80;
	(pc) =	sbr.rel @p0 .LBB2_1-.Ltmp1, $4  }
0x92: {  	[hbm4b:s5+s13] =	stream.strided.scatter [tilespmem:s9], [sflag:$0x2], $0x280, s14, s13, $0x38;
	[tilespmem:$0x4580] =	vst v63  }
0x93: {  	_ =	swait.ge [sflag:s8], $0x280  }
0x94: {  	[sflag:s8] =	ssyncset.done $0x0  }
0x95: {  	[sflag:s8] =	ssyncadd.s32 $0xFFFFFD80  }
0x96: {  	_ =	sfence.sel $0x180000  }
0x97: {  	[bflag:$0x0] =	sbarrier.arrive $0xFFFF  }
0x98: {  	p0 =	sne.s32 s0, $0x0;
	_ =	strace $0x90000047  }
0x99: {  	s0 =	sadd.s32 @!p0 $0x100000, s1;
	[bflag:$0x2] =	sbarrier.arrive $0xFFFF  }
0x9a: {  	[sflag:s0] =	ssyncadd.tile.s32 @!p0 $0x1;
	_ =	shalt  }
.Lfunc_end2:
_tile_overlayer_lowered:
.L_overlay_start_2:
0x9b: {  	(tag) =	ssettag $0x2  }
0x9c: {  	s0 =	rddreg [dreg:$0x0];
	s2 =	stileid.u32  }
0x9d: {  	s1 =	rddreg [dreg:$0x1];
	p0 =	sne.s32 s2, $0x0  }
0x9e: {  	s3 =	rddreg [dreg:$0x2];
	[bflag:$0x3] =	sbarrier.arrive $0xFFFF;
	s2 =	simm.s32 @!p0 $0x1C02  }
0x9f: {  	[timem:s3], [sflag:s2] =	dma.local @!p0 [hbm:s0], s1  }
0xa0: {  	s0 =	simm.s32 @!p0 $0x2  }
0xa1: {  	_ =	swait.ge @!p0 [sflag:s0], s1  }
0xa2: {  	s1 =	ssub.s32 @!p0 $0x0, s1;
	[sflag:s0] =	ssyncset.done @!p0 $0x0  }
0xa3: {  	[sflag:s0] =	ssyncadd.s32 @!p0 s1  }
0xa4: {  	[bflag:$0x3] =	sbarrier.arrive $0xFFFF  }
0xa5: {  	_ =	shalt  }

</sc_bundles>
